<compile_context>
chip_gen: v7x
topology: tpu7x:2x2x1
jax: 0.10.2.dev20260603
libtpu: 0.0.44.dev20260713+nightly
codegen_flags: <defaults>
</compile_context>

<pallas_src>
import functools

import jax
import jax.numpy as jnp
from jax import lax
from jax.experimental import pallas as pl
from jax.experimental.pallas import tpu as pltpu
from jax.experimental.pallas import tpu_sc as plsc

_N = 10000
_E = 320000
_G = 8
_D = 16

_CH = 125
_ROWS = _E // _CH
_RPT = _ROWS // 32
_NSL = _N // 16

_mesh = plsc.VectorSubcoreMesh(core_axis_name="c", subcore_axis_name="s")
_sc_params = pltpu.CompilerParams(use_tc_tiling_on_sc=False,
                                  needs_layout_passes=False)


def _fill_rows(buf, val):
    @pl.loop(0, _CH, step=5)
    def _(r0_):
        for dd in range(5):
            buf[r0_ + dd, pl.ds(0, _D)] = jnp.full((_D,), val, jnp.float32)


def _zero_acc(zbuf, acc, s):
    @pl.loop(0, _NSL // _CH)
    def _(kk):
        pltpu.sync_copy(zbuf, acc.at[pl.ds(s * _NSL + kk * _CH, _CH)])


def _copy_out(acc, out_h, c, s):
    off = pl.multiple_of(jnp.minimum(s * 632, _N - 632), 8)
    pltpu.sync_copy(acc.at[pl.ds(off, 632)], out_h.at[c, pl.ds(off, 632)])


def _rsqrt16(d):
    i = plsc.bitcast(d, jnp.int32)
    i = jnp.int32(0x5F3759DF) - lax.shift_right_logical(i, 1)
    y = plsc.bitcast(i, jnp.float32)
    for _ in range(3):
        y = y * (1.5 - 0.5 * d * y * y)
    return y


def _agg_pipeline(table_sp, acc, sidx, didx, rows, gsem, ssem):
    def g_start(j, b):
        pltpu.async_copy(table_sp.at[sidx.at[j]], rows[b], gsem[b])

    def g_wait(j, b):
        pltpu.make_async_copy(table_sp.at[sidx.at[j]], rows[b],
                              gsem[b]).wait()

    def s_start(j, b):
        pltpu.async_copy(rows[b], acc.at[didx.at[j]], ssem[b], add=True)

    def s_wait(j, b):
        pltpu.make_async_copy(rows[b], acc.at[didx.at[j]], ssem[b]).wait()

    for b in range(4):
        g_start(b, b)

    @pl.loop(0, _RPT - 4, step=4)
    def _(j):
        for b in range(4):
            g_wait(j + b, b)
            s_start(j + b, b)
        for b in range(4):
            s_wait(j + b, b)
            g_start(j + 4 + b, b)

    for b in range(4):
        g_wait(_RPT - 4 + b, b)
        s_start(_RPT - 4 + b, b)
    for b in range(4):
        s_wait(_RPT - 4 + b, b)


def _sc_deg(e3):
    @functools.partial(
        pl.kernel,
        out_type=[
            jax.ShapeDtypeStruct((2, _N, _D), jnp.float32),
            jax.ShapeDtypeStruct((_ROWS, _CH), jnp.int32),
            jax.ShapeDtypeStruct((_ROWS, _CH), jnp.int32),
        ],
        mesh=_mesh,
        compiler_params=_sc_params,
        scratch_types=[
            pltpu.VMEM((_RPT, _CH), jnp.int32),
            pltpu.VMEM((_RPT, _CH), jnp.int32),
            pltpu.VMEM((_CH, _D), jnp.float32),
            pltpu.VMEM_SHARED((_N, _D), jnp.float32),
            pltpu.SemaphoreType.DMA,
        ],
    )
    def k(e_h, hist_h, srco_h, dsto_h, sidx, didx, ones, acc, sem):
        c = lax.axis_index("c")
        s = lax.axis_index("s")
        w = c * 16 + s
        _fill_rows(ones, 0.0)
        _zero_acc(ones, acc, s)
        _fill_rows(ones, 1.0)
        pltpu.sync_copy(e_h.at[0, pl.ds(w * _RPT, _RPT)], sidx)
        pltpu.sync_copy(e_h.at[1, pl.ds(w * _RPT, _RPT)], didx)
        pltpu.sync_copy(sidx, srco_h.at[pl.ds(w * _RPT, _RPT)])
        pltpu.sync_copy(didx, dsto_h.at[pl.ds(w * _RPT, _RPT)])
        plsc.subcore_barrier()

        @pl.loop(0, 8)
        def _(j):
            pltpu.async_copy(ones, acc.at[didx.at[j]], sem, add=True)

        @pl.loop(8, _RPT, step=8)
        def _(j):
            @pl.loop(0, 8)
            def _(b):
                pltpu.async_copy(ones, acc.at[didx.at[j + b]], sem, add=True)
            @pl.loop(0, 8)
            def _(b):
                pltpu.make_async_copy(ones, acc.at[didx.at[j - 8 + b]],
                                      sem).wait()

        @pl.loop(_RPT - 8, _RPT)
        def _(j):
            pltpu.make_async_copy(ones, acc.at[didx.at[j]], sem).wait()

        plsc.subcore_barrier()
        _copy_out(acc, hist_h, c, s)

    return k(e3)


def _agg_scratch(n_prologue_bufs):
    return (
        [
            pltpu.VMEM((_RPT, _CH), jnp.int32),
            pltpu.VMEM((_RPT, _CH), jnp.int32),
            pltpu.VMEM((_CH, _D), jnp.float32),
            pltpu.VMEM((_CH, _D), jnp.float32),
            pltpu.VMEM((_CH, _D), jnp.float32),
            pltpu.VMEM((_CH, _D), jnp.float32),
            pltpu.VMEM((_CH, _D), jnp.float32),
        ]
        + [pltpu.VMEM((_NSL, _D), jnp.float32)
           for _ in range(n_prologue_bufs)]
        + [
            pltpu.VMEM_SHARED((_N, _D), jnp.float32),
            pltpu.VMEM_SHARED((_N, _D), jnp.float32),
        ]
        + [pltpu.SemaphoreType.DMA for _ in range(8)]
    )


def _sc_agg1(src_sc, dst_sc, hist, xw):
    @functools.partial(
        pl.kernel,
        out_type=jax.ShapeDtypeStruct((2, _N, _D), jnp.float32),
        mesh=_mesh,
        compiler_params=_sc_params,
        scratch_types=_agg_scratch(3),
    )
    def k(src_h, dst_h, hist_h, xw_h, out_h, sidx, didx, zbuf,
          r0, r1, r2, r3, h0b, h1b, xwb, table, acc,
          g0, g1, g2, g3, s0, s1, s2, s3):
        c = lax.axis_index("c")
        s = lax.axis_index("s")
        w = c * 16 + s
        base = s * _NSL
        pltpu.sync_copy(hist_h.at[0, pl.ds(base, _NSL)], h0b)
        pltpu.sync_copy(hist_h.at[1, pl.ds(base, _NSL)], h1b)
        pltpu.sync_copy(xw_h.at[pl.ds(base, _NSL)], xwb)
        pltpu.sync_copy(src_h.at[pl.ds(w * _RPT, _RPT)], sidx)
        pltpu.sync_copy(dst_h.at[pl.ds(w * _RPT, _RPT)], didx)

        @pl.loop(0, _NSL, step=5)
        def _(r0_):
            for dd in range(5):
                r = r0_ + dd
                d16 = h0b[r, pl.ds(0, _D)] + h1b[r, pl.ds(0, _D)] + 1.0
                y = _rsqrt16(d16)
                xwb[r, pl.ds(0, _D)] = y * xwb[r, pl.ds(0, _D)]

        pltpu.sync_copy(xwb, table.at[pl.ds(base, _NSL)])
        _fill_rows(zbuf, 0.0)
        _zero_acc(zbuf, acc, s)
        plsc.subcore_barrier()
        _agg_pipeline(table, acc, sidx, didx, (r0, r1, r2, r3),
                      (g0, g1, g2, g3), (s0, s1, s2, s3))
        plsc.subcore_barrier()
        _copy_out(acc, out_h, c, s)

    return k(src_sc, dst_sc, hist, xw)


def _sc_agg2(src_sc, dst_sc, hist, xw, part1, b1row):
    @functools.partial(
        pl.kernel,
        out_type=jax.ShapeDtypeStruct((2, _N, _D), jnp.float32),
        mesh=_mesh,
        compiler_params=_sc_params,
        scratch_types=_agg_scratch(5) + [pltpu.VMEM((1, _D), jnp.float32)],
    )
    def k(src_h, dst_h, hist_h, xw_h, p1_h, b1_h, out_h, sidx, didx,
          zbuf, r0, r1, r2, r3, h0b, h1b, xwb, p0b, p1b, table, acc,
          g0, g1, g2, g3, s0, s1, s2, s3, b1b):
        c = lax.axis_index("c")
        s = lax.axis_index("s")
        w = c * 16 + s
        base = s * _NSL
        pltpu.sync_copy(hist_h.at[0, pl.ds(base, _NSL)], h0b)
        pltpu.sync_copy(hist_h.at[1, pl.ds(base, _NSL)], h1b)
        pltpu.sync_copy(xw_h.at[pl.ds(base, _NSL)], xwb)
        pltpu.sync_copy(p1_h.at[0, pl.ds(base, _NSL)], p0b)
        pltpu.sync_copy(p1_h.at[1, pl.ds(base, _NSL)], p1b)
        pltpu.sync_copy(b1_h, b1b)
        pltpu.sync_copy(src_h.at[pl.ds(w * _RPT, _RPT)], sidx)
        pltpu.sync_copy(dst_h.at[pl.ds(w * _RPT, _RPT)], didx)
        b1v = b1b[0, pl.ds(0, _D)]

        @pl.loop(0, _NSL, step=5)
        def _(r0_):
            for dd in range(5):
                r = r0_ + dd
                d16 = h0b[r, pl.ds(0, _D)] + h1b[r, pl.ds(0, _D)] + 1.0
                y = _rsqrt16(d16)
                u1 = y * xwb[r, pl.ds(0, _D)]
                h1 = (y * (p0b[r, pl.ds(0, _D)] + p1b[r, pl.ds(0, _D)] + u1)
                      + b1v)
                v = y * jnp.maximum(h1, 0.0)
                xwb[r, pl.ds(0, _D)] = v
                p1b[r, pl.ds(0, _D)] = 0.5 * v

        pltpu.sync_copy(xwb, table.at[pl.ds(base, _NSL)])
        pltpu.sync_copy(p1b, acc.at[pl.ds(base, _NSL)])
        plsc.subcore_barrier()
        _agg_pipeline(table, acc, sidx, didx, (r0, r1, r2, r3),
                      (g0, g1, g2, g3), (s0, s1, s2, s3))
        plsc.subcore_barrier()
        pltpu.sync_copy(acc.at[pl.ds(base, _NSL)], p0b)

        @pl.loop(0, _NSL, step=5)
        def _(r0_):
            for dd in range(5):
                r = r0_ + dd
                d16 = h0b[r, pl.ds(0, _D)] + h1b[r, pl.ds(0, _D)] + 1.0
                y = _rsqrt16(d16)
                p0b[r, pl.ds(0, _D)] = y * p0b[r, pl.ds(0, _D)]

        pltpu.sync_copy(p0b, acc.at[pl.ds(base, _NSL)])
        plsc.subcore_barrier()
        _copy_out(acc, out_h, c, s)

    return k(src_sc, dst_sc, hist, xw, part1, b1row)


def _tc_xw_body(x_ref, w_ref, o_ref):
    o_ref[...] = jnp.dot(x_ref[...], w_ref[...],
                         preferred_element_type=jnp.float32)


def _tc_xw(x, W1):
    f_in, h1 = W1.shape
    return pl.pallas_call(
        _tc_xw_body,
        out_shape=jax.ShapeDtypeStruct((_N, h1), jnp.float32),
    )(x, W1)


def _tc_c_body(p2_ref, w2_ref, b2_ref,
               bat_ref, l1w_ref, l1b_ref, l2w_ref, l2b_ref, out_ref):
    t = p2_ref[0] + p2_ref[1]
    h = jnp.dot(t, w2_ref[...],
                preferred_element_type=jnp.float32) + b2_ref[...]
    h = jnp.maximum(h, 0.0)
    hc = jnp.concatenate([h, jnp.ones((_N, 1), jnp.float32)], axis=1)
    onehot = (bat_ref[...] == lax.broadcasted_iota(jnp.int32, (_G, 1), 0))
    m = onehot.astype(jnp.float32)
    sums = lax.dot_general(m, hc, (((1,), (0,)), ((), ())),
                           preferred_element_type=jnp.float32)
    h2 = sums.shape[1] - 1
    cnt = sums[:, h2:h2 + 1]
    pooled = sums[:, 0:h2] / jnp.maximum(cnt, 1.0)
    z = jnp.dot(pooled, l1w_ref[...],
                preferred_element_type=jnp.float32) + l1b_ref[...]
    z = jnp.maximum(z, 0.0)
    z = jnp.dot(z, l2w_ref[...],
                preferred_element_type=jnp.float32) + l2b_ref[...]
    mx = jnp.max(z, axis=1, keepdims=True)
    lse = mx + jnp.log(jnp.sum(jnp.exp(z - mx), axis=1, keepdims=True))
    out_ref[...] = z - lse


def _tc_c(part2, W2, b2row, batch2, L1W, L1b, L2W, L2b):
    c = L2W.shape[1]
    return pl.pallas_call(
        _tc_c_body,
        out_shape=jax.ShapeDtypeStruct((_G, c), jnp.float32),
    )(part2, W2, b2row, batch2, L1W, L1b, L2W, L2b)


def kernel(x, edge_index, batch, W1, b1, W2, b2, L1W, L1b, L2W, L2b):
    e3 = edge_index.reshape(2, _ROWS, _CH)
    batch2 = batch.reshape(1, _N)
    b1row = b1.reshape(1, -1)

    hist, src_sc, dst_sc = _sc_deg(e3)
    xw = _tc_xw(x, W1)
    part1 = _sc_agg1(src_sc, dst_sc, hist, xw)
    part2 = _sc_agg2(src_sc, dst_sc, hist, xw, part1, b1row)
    return _tc_c(part2, W2, b2.reshape(1, -1), batch2,
                 L1W, L1b.reshape(1, -1), L2W, L2b.reshape(1, -1))

# --- scband reference (transcript-rebuilt; emitter-appended) ---
"""Pipeline reference for scband-gcn-65060164600241 (READ-ONLY COPY).

The authoritative reference and input builder live on the scoring server;
editing this copy changes nothing except your own understanding.
"""

import jax, jax.numpy as jnp
import numpy as np

N = 10000
E = 320000
F_IN = 128
H1 = 16
H2 = 64
C = 40
G = 8


def setup_inputs(seed: int = 0) -> dict:
    key = jax.random.key(seed)
    ks = jax.random.split(key, 12)
    x = jax.random.normal(ks[0], (N, F_IN), dtype=jnp.float32)
    edge_index = jax.random.randint(ks[1], (2, E), 0, N, dtype=jnp.int32)
    batch = jnp.sort(jax.random.randint(ks[2], (N,), 0, G, dtype=jnp.int32))
    W1 = jax.random.normal(ks[3], (F_IN, H1), dtype=jnp.float32) * (1.0 / np.sqrt(F_IN))
    b1 = jnp.zeros((H1,), dtype=jnp.float32)
    W2 = jax.random.normal(ks[4], (H1, H2), dtype=jnp.float32) * (1.0 / np.sqrt(H1))
    b2 = jnp.zeros((H2,), dtype=jnp.float32)
    L1W = jax.random.normal(ks[5], (H2, H2), dtype=jnp.float32) * (1.0 / np.sqrt(H2))
    L1b = jnp.zeros((H2,), dtype=jnp.float32)
    L2W = jax.random.normal(ks[6], (H2, C), dtype=jnp.float32) * (1.0 / np.sqrt(H2))
    L2b = jnp.zeros((C,), dtype=jnp.float32)
    return {"x": x, "edge_index": edge_index, "batch": batch, "W1": W1, "b1": b1, "W2": W2, "b2": b2, "L1W": L1W, "L1b": L1b, "L2W": L2W, "L2b": L2b}


def gcn_conv(x, edge_index, W, b):
    n = x.shape[0]
    loop = jnp.arange(n, dtype=edge_index.dtype)
    src = jnp.concatenate([edge_index[0], loop])
    dst = jnp.concatenate([edge_index[1], loop])
    h = x @ W
    deg = jax.ops.segment_sum(jnp.ones_like(dst, dtype=h.dtype), dst, num_segments=n)
    dinv = jnp.where(deg > 0, 1.0 / jnp.sqrt(deg), 0.0)
    norm = dinv[src] * dinv[dst]
    msgs = h[src] * norm[:, None]
    out = jax.ops.segment_sum(msgs, dst, num_segments=n)
    return out + b


def reference(x, edge_index, batch, W1, b1, W2, b2, L1W, L1b, L2W, L2b):
    h = jax.nn.relu(gcn_conv(x, edge_index, W1, b1))
    h = jax.nn.relu(gcn_conv(h, edge_index, W2, b2))
    sums = jax.ops.segment_sum(h, batch, num_segments=G)
    cnt = jax.ops.segment_sum(jnp.ones((h.shape[0],), dtype=h.dtype), batch, num_segments=G)
    pooled = sums / jnp.clip(cnt, 1.0)[:, None]
    z = pooled[None, :, :]
    z = jax.nn.relu(z @ L1W + L1b)
    z = z @ L2W + L2b
    z = jax.nn.log_softmax(z, axis=2)
    return z.reshape(z.shape[1:])

if __name__ == "__main__":
    import jax
    _d = setup_inputs()
    print(jax.jit(kernel)(*tuple(_d.values())))

</pallas_src>

<mosaic_0001>
#map = affine_map<(d0, d1) -> (0, 0, 0)>
#map1 = affine_map<(d0, d1) -> (0, 0)>
module attributes {stable_mosaic.version = 14 : i64} {
  func.func @k(%arg0: i32, %arg1: i32, %arg2: memref<2x2560x125xi32, #tpu.memory_space<hbm>>, %arg3: memref<2x10000x16xf32, #tpu.memory_space<hbm>>, %arg4: memref<2560x125xi32, #tpu.memory_space<hbm>>, %arg5: memref<2560x125xi32, #tpu.memory_space<hbm>>, %arg6: memref<80x125xi32, #tpu.memory_space<vmem>>, %arg7: memref<80x125xi32, #tpu.memory_space<vmem>>, %arg8: memref<125x16xf32, #tpu.memory_space<vmem>>, %arg9: memref<10000x16xf32, #tpu.memory_space<vmem_shared>>, %arg10: memref<!tpu.dma_semaphore, #tpu.memory_space<semaphore_mem>>) attributes {dimension_semantics = [#tpu.dimension_semantics<core_parallel>, #tpu.dimension_semantics<subcore_parallel>], iteration_bounds = array<i64: 2, 16>, scalar_prefetch = 0 : i64, scratch_operands = 5 : i64, tpu.core_type = #tpu.core_type<sc_vector_subcore>, window_params = [{transform_indices = #map}, {transform_indices = #map}, {transform_indices = #map1}, {transform_indices = #map1}]} {
    %mul3A = arith.constant 16 : i32
    %mul3A_0 = arith.muli %arg0, %mul3A : i32
    %add3A = arith.addi %mul3A_0, %arg1 : i32
    %scan3A = arith.constant 0 : i32
    %scan3A_1 = arith.constant 25 : i32
    %scan3A_2 = arith.addi %scan3A, %scan3A_1 : i32
    %scan3A_3 = arith.constant 1 : i32
    scf.for %scan3A_43 = %scan3A to %scan3A_2 step %scan3A_3  : i32 {
      %mul3A_44 = arith.constant 5 : i32
      %mul3A_45 = arith.muli %scan3A_43, %mul3A_44 : i32
      %add3A_46 = arith.constant 0 : i32
      %add3A_47 = arith.addi %add3A_46, %mul3A_45 : i32
      %broadcast_in_dim3A = arith.constant 0.000000e+00 : f32
      %broadcast_in_dim3A_48 = vector.broadcast %broadcast_in_dim3A : f32 to vector<16xf32>
      %add3A_49 = arith.constant 0 : i32
      %add3A_50 = arith.addi %add3A_47, %add3A_49 : i32
      %swap3A = arith.index_cast %add3A_50 : i32 to index
      %swap3A_51 = arith.constant 0 : index
      %swap3A_52 = tpu.vector_load %arg8[%swap3A, %swap3A_51] {strides = array<i32>} : memref<125x16xf32, #tpu.memory_space<vmem>>, vector<16xf32>,
      tpu.vector_store %arg8[%swap3A, %swap3A_51], %broadcast_in_dim3A_48 {strides = array<i32>} : memref<125x16xf32, #tpu.memory_space<vmem>>, vector<16xf32>,
      %broadcast_in_dim3A_53 = arith.constant 0.000000e+00 : f32
      %broadcast_in_dim3A_54 = vector.broadcast %broadcast_in_dim3A_53 : f32 to vector<16xf32>
      %add3A_55 = arith.constant 1 : i32
      %add3A_56 = arith.addi %add3A_47, %add3A_55 : i32
      %swap3A_57 = arith.index_cast %add3A_56 : i32 to index
      %swap3A_58 = arith.constant 0 : index
      %swap3A_59 = tpu.vector_load %arg8[%swap3A_57, %swap3A_58] {strides = array<i32>} : memref<125x16xf32, #tpu.memory_space<vmem>>, vector<16xf32>,
      tpu.vector_store %arg8[%swap3A_57, %swap3A_58], %broadcast_in_dim3A_54 {strides = array<i32>} : memref<125x16xf32, #tpu.memory_space<vmem>>, vector<16xf32>,
      %broadcast_in_dim3A_60 = arith.constant 0.000000e+00 : f32
      %broadcast_in_dim3A_61 = vector.broadcast %broadcast_in_dim3A_60 : f32 to vector<16xf32>
      %add3A_62 = arith.constant 2 : i32
      %add3A_63 = arith.addi %add3A_47, %add3A_62 : i32
      %swap3A_64 = arith.index_cast %add3A_63 : i32 to index
      %swap3A_65 = arith.constant 0 : index
      %swap3A_66 = tpu.vector_load %arg8[%swap3A_64, %swap3A_65] {strides = array<i32>} : memref<125x16xf32, #tpu.memory_space<vmem>>, vector<16xf32>,
      tpu.vector_store %arg8[%swap3A_64, %swap3A_65], %broadcast_in_dim3A_61 {strides = array<i32>} : memref<125x16xf32, #tpu.memory_space<vmem>>, vector<16xf32>,
      %broadcast_in_dim3A_67 = arith.constant 0.000000e+00 : f32
      %broadcast_in_dim3A_68 = vector.broadcast %broadcast_in_dim3A_67 : f32 to vector<16xf32>
      %add3A_69 = arith.constant 3 : i32
      %add3A_70 = arith.addi %add3A_47, %add3A_69 : i32
      %swap3A_71 = arith.index_cast %add3A_70 : i32 to index
      %swap3A_72 = arith.constant 0 : index
      %swap3A_73 = tpu.vector_load %arg8[%swap3A_71, %swap3A_72] {strides = array<i32>} : memref<125x16xf32, #tpu.memory_space<vmem>>, vector<16xf32>,
      tpu.vector_store %arg8[%swap3A_71, %swap3A_72], %broadcast_in_dim3A_68 {strides = array<i32>} : memref<125x16xf32, #tpu.memory_space<vmem>>, vector<16xf32>,
      %broadcast_in_dim3A_74 = arith.constant 0.000000e+00 : f32
      %broadcast_in_dim3A_75 = vector.broadcast %broadcast_in_dim3A_74 : f32 to vector<16xf32>
      %add3A_76 = arith.constant 4 : i32
      %add3A_77 = arith.addi %add3A_47, %add3A_76 : i32
      %swap3A_78 = arith.index_cast %add3A_77 : i32 to index
      %swap3A_79 = arith.constant 0 : index
      %swap3A_80 = tpu.vector_load %arg8[%swap3A_78, %swap3A_79] {strides = array<i32>} : memref<125x16xf32, #tpu.memory_space<vmem>>, vector<16xf32>,
      tpu.vector_store %arg8[%swap3A_78, %swap3A_79], %broadcast_in_dim3A_75 {strides = array<i32>} : memref<125x16xf32, #tpu.memory_space<vmem>>, vector<16xf32>,
    }
    %scan3A_4 = arith.constant 25 : i32
    %scan3A_5 = arith.constant 0 : i32
    %scan3A_6 = arith.constant 5 : i32
    %scan3A_7 = arith.addi %scan3A_5, %scan3A_6 : i32
    %scan3A_8 = arith.constant 1 : i32
    scf.for %scan3A_43 = %scan3A_5 to %scan3A_7 step %scan3A_8  : i32 {
      %mul3A_44 = arith.constant 1 : i32
      %mul3A_45 = arith.muli %scan3A_43, %mul3A_44 : i32
      %add3A_46 = arith.constant 0 : i32
      %add3A_47 = arith.addi %add3A_46, %mul3A_45 : i32
      %mul3A_48 = arith.constant 625 : i32
      %mul3A_49 = arith.muli %arg1, %mul3A_48 : i32
      %mul3A_50 = arith.constant 125 : i32
      %mul3A_51 = arith.muli %add3A_47, %mul3A_50 : i32
      %add3A_52 = arith.addi %mul3A_49, %mul3A_51 : i32
      "tpu.region"() ({
        %run_scoped3A_53 = tpu.sem_alloc : memref<!tpu.dma_semaphore, #tpu.memory_space<semaphore_mem>>
        %dma_start3A = arith.constant 0 : i32
        %dma_start3A_54 = tpu.memref_slice %arg9[%add3A_52, %dma_start3A] : memref<10000x16xf32, #tpu.memory_space<vmem_shared>> -> memref<125x16xf32, #tpu.memory_space<vmem_shared>>
        %dma_start3A_55 = arith.constant 0 : i32
        %dma_start3A_56 = tpu.memref_slice %arg9[%add3A_52, %dma_start3A_55] : memref<10000x16xf32, #tpu.memory_space<vmem_shared>> -> memref<125x16xf32, #tpu.memory_space<vmem_shared>>
        tpu.enqueue_dma source(%arg8 : memref<125x16xf32, #tpu.memory_space<vmem>>) target(%dma_start3A_56 : memref<125x16xf32, #tpu.memory_space<vmem_shared>>) target_semaphore(%run_scoped3A_53 : memref<!tpu.dma_semaphore, #tpu.memory_space<semaphore_mem>>)
        %dma_wait3A = arith.constant 0 : i32
        %dma_wait3A_57 = tpu.memref_slice %arg9[%add3A_52, %dma_wait3A] : memref<10000x16xf32, #tpu.memory_space<vmem_shared>> -> memref<125x16xf32, #tpu.memory_space<vmem_shared>>
        %dma_wait3A_58 = arith.constant 0 : i32
        %dma_wait3A_59 = tpu.memref_slice %arg9[%add3A_52, %dma_wait3A_58] : memref<10000x16xf32, #tpu.memory_space<vmem_shared>> -> memref<125x16xf32, #tpu.memory_space<vmem_shared>>
        tpu.wait_dma2 semaphore(%run_scoped3A_53 : memref<!tpu.dma_semaphore, #tpu.memory_space<semaphore_mem>>) src(%arg8 : memref<125x16xf32, #tpu.memory_space<vmem>>) dst(%dma_wait3A_59 : memref<125x16xf32, #tpu.memory_space<vmem_shared>>)
        tpu.yield
      }) : () -> ()
    }
    %scan3A_9 = arith.constant 5 : i32
    %scan3A_10 = arith.constant 0 : i32
    %scan3A_11 = arith.constant 25 : i32
    %scan3A_12 = arith.addi %scan3A_10, %scan3A_11 : i32
    %scan3A_13 = arith.constant 1 : i32
    scf.for %scan3A_43 = %scan3A_10 to %scan3A_12 step %scan3A_13  : i32 {
      %mul3A_44 = arith.constant 5 : i32
      %mul3A_45 = arith.muli %scan3A_43, %mul3A_44 : i32
      %add3A_46 = arith.constant 0 : i32
      %add3A_47 = arith.addi %add3A_46, %mul3A_45 : i32
      %broadcast_in_dim3A = arith.constant 1.000000e+00 : f32
      %broadcast_in_dim3A_48 = vector.broadcast %broadcast_in_dim3A : f32 to vector<16xf32>
      %add3A_49 = arith.constant 0 : i32
      %add3A_50 = arith.addi %add3A_47, %add3A_49 : i32
      %swap3A = arith.index_cast %add3A_50 : i32 to index
      %swap3A_51 = arith.constant 0 : index
      %swap3A_52 = tpu.vector_load %arg8[%swap3A, %swap3A_51] {strides = array<i32>} : memref<125x16xf32, #tpu.memory_space<vmem>>, vector<16xf32>,
      tpu.vector_store %arg8[%swap3A, %swap3A_51], %broadcast_in_dim3A_48 {strides = array<i32>} : memref<125x16xf32, #tpu.memory_space<vmem>>, vector<16xf32>,
      %broadcast_in_dim3A_53 = arith.constant 1.000000e+00 : f32
      %broadcast_in_dim3A_54 = vector.broadcast %broadcast_in_dim3A_53 : f32 to vector<16xf32>
      %add3A_55 = arith.constant 1 : i32
      %add3A_56 = arith.addi %add3A_47, %add3A_55 : i32
      %swap3A_57 = arith.index_cast %add3A_56 : i32 to index
      %swap3A_58 = arith.constant 0 : index
      %swap3A_59 = tpu.vector_load %arg8[%swap3A_57, %swap3A_58] {strides = array<i32>} : memref<125x16xf32, #tpu.memory_space<vmem>>, vector<16xf32>,
      tpu.vector_store %arg8[%swap3A_57, %swap3A_58], %broadcast_in_dim3A_54 {strides = array<i32>} : memref<125x16xf32, #tpu.memory_space<vmem>>, vector<16xf32>,
      %broadcast_in_dim3A_60 = arith.constant 1.000000e+00 : f32
      %broadcast_in_dim3A_61 = vector.broadcast %broadcast_in_dim3A_60 : f32 to vector<16xf32>
      %add3A_62 = arith.constant 2 : i32
      %add3A_63 = arith.addi %add3A_47, %add3A_62 : i32
      %swap3A_64 = arith.index_cast %add3A_63 : i32 to index
      %swap3A_65 = arith.constant 0 : index
      %swap3A_66 = tpu.vector_load %arg8[%swap3A_64, %swap3A_65] {strides = array<i32>} : memref<125x16xf32, #tpu.memory_space<vmem>>, vector<16xf32>,
      tpu.vector_store %arg8[%swap3A_64, %swap3A_65], %broadcast_in_dim3A_61 {strides = array<i32>} : memref<125x16xf32, #tpu.memory_space<vmem>>, vector<16xf32>,
      %broadcast_in_dim3A_67 = arith.constant 1.000000e+00 : f32
      %broadcast_in_dim3A_68 = vector.broadcast %broadcast_in_dim3A_67 : f32 to vector<16xf32>
      %add3A_69 = arith.constant 3 : i32
      %add3A_70 = arith.addi %add3A_47, %add3A_69 : i32
      %swap3A_71 = arith.index_cast %add3A_70 : i32 to index
      %swap3A_72 = arith.constant 0 : index
      %swap3A_73 = tpu.vector_load %arg8[%swap3A_71, %swap3A_72] {strides = array<i32>} : memref<125x16xf32, #tpu.memory_space<vmem>>, vector<16xf32>,
      tpu.vector_store %arg8[%swap3A_71, %swap3A_72], %broadcast_in_dim3A_68 {strides = array<i32>} : memref<125x16xf32, #tpu.memory_space<vmem>>, vector<16xf32>,
      %broadcast_in_dim3A_74 = arith.constant 1.000000e+00 : f32
      %broadcast_in_dim3A_75 = vector.broadcast %broadcast_in_dim3A_74 : f32 to vector<16xf32>
      %add3A_76 = arith.constant 4 : i32
      %add3A_77 = arith.addi %add3A_47, %add3A_76 : i32
      %swap3A_78 = arith.index_cast %add3A_77 : i32 to index
      %swap3A_79 = arith.constant 0 : index
      %swap3A_80 = tpu.vector_load %arg8[%swap3A_78, %swap3A_79] {strides = array<i32>} : memref<125x16xf32, #tpu.memory_space<vmem>>, vector<16xf32>,
      tpu.vector_store %arg8[%swap3A_78, %swap3A_79], %broadcast_in_dim3A_75 {strides = array<i32>} : memref<125x16xf32, #tpu.memory_space<vmem>>, vector<16xf32>,
    }
    %scan3A_14 = arith.constant 25 : i32
    %mul3A_15 = arith.constant 80 : i32
    %mul3A_16 = arith.muli %add3A, %mul3A_15 : i32
    %run_scoped3A = arith.constant 0 : i32
    "tpu.region"() ({
      %run_scoped3A_43 = tpu.sem_alloc : memref<!tpu.dma_semaphore, #tpu.memory_space<semaphore_mem>>
      %dma_start3A = arith.constant 0 : i32
      %dma_start3A_44 = tpu.memref_slice %arg2[%run_scoped3A, %mul3A_16, %dma_start3A] : memref<2x2560x125xi32, #tpu.memory_space<hbm>> -> memref<1x80x125xi32, #tpu.memory_space<hbm>>
      %dma_start3A_45 = tpu.memref_squeeze %dma_start3A_44 : memref<1x80x125xi32, #tpu.memory_space<hbm>> -> memref<80x125xi32, #tpu.memory_space<hbm>>
      %dma_start3A_46 = arith.constant 0 : i32
      %dma_start3A_47 = tpu.memref_slice %arg2[%run_scoped3A, %mul3A_16, %dma_start3A_46] : memref<2x2560x125xi32, #tpu.memory_space<hbm>> -> memref<1x80x125xi32, #tpu.memory_space<hbm>>
      %dma_start3A_48 = tpu.memref_squeeze %dma_start3A_47 : memref<1x80x125xi32, #tpu.memory_space<hbm>> -> memref<80x125xi32, #tpu.memory_space<hbm>>
      tpu.enqueue_dma source(%dma_start3A_48 : memref<80x125xi32, #tpu.memory_space<hbm>>) target(%arg6 : memref<80x125xi32, #tpu.memory_space<vmem>>) target_semaphore(%run_scoped3A_43 : memref<!tpu.dma_semaphore, #tpu.memory_space<semaphore_mem>>)
      %dma_wait3A = arith.constant 0 : i32
      %dma_wait3A_49 = tpu.memref_slice %arg2[%run_scoped3A, %mul3A_16, %dma_wait3A] : memref<2x2560x125xi32, #tpu.memory_space<hbm>> -> memref<1x80x125xi32, #tpu.memory_space<hbm>>
      %dma_wait3A_50 = tpu.memref_squeeze %dma_wait3A_49 : memref<1x80x125xi32, #tpu.memory_space<hbm>> -> memref<80x125xi32, #tpu.memory_space<hbm>>
      %dma_wait3A_51 = arith.constant 0 : i32
      %dma_wait3A_52 = tpu.memref_slice %arg2[%run_scoped3A, %mul3A_16, %dma_wait3A_51] : memref<2x2560x125xi32, #tpu.memory_space<hbm>> -> memref<1x80x125xi32, #tpu.memory_space<hbm>>
      %dma_wait3A_53 = tpu.memref_squeeze %dma_wait3A_52 : memref<1x80x125xi32, #tpu.memory_space<hbm>> -> memref<80x125xi32, #tpu.memory_space<hbm>>
      tpu.wait_dma2 semaphore(%run_scoped3A_43 : memref<!tpu.dma_semaphore, #tpu.memory_space<semaphore_mem>>) src(%dma_wait3A_53 : memref<80x125xi32, #tpu.memory_space<hbm>>) dst(%arg6 : memref<80x125xi32, #tpu.memory_space<vmem>>)
      tpu.yield
    }) : () -> ()
    %mul3A_17 = arith.constant 80 : i32
    %mul3A_18 = arith.muli %add3A, %mul3A_17 : i32
    %run_scoped3A_19 = arith.constant 1 : i32
    "tpu.region"() ({
      %run_scoped3A_43 = tpu.sem_alloc : memref<!tpu.dma_semaphore, #tpu.memory_space<semaphore_mem>>
      %dma_start3A = arith.constant 0 : i32
      %dma_start3A_44 = tpu.memref_slice %arg2[%run_scoped3A_19, %mul3A_18, %dma_start3A] : memref<2x2560x125xi32, #tpu.memory_space<hbm>> -> memref<1x80x125xi32, #tpu.memory_space<hbm>>
      %dma_start3A_45 = tpu.memref_squeeze %dma_start3A_44 : memref<1x80x125xi32, #tpu.memory_space<hbm>> -> memref<80x125xi32, #tpu.memory_space<hbm>>
      %dma_start3A_46 = arith.constant 0 : i32
      %dma_start3A_47 = tpu.memref_slice %arg2[%run_scoped3A_19, %mul3A_18, %dma_start3A_46] : memref<2x2560x125xi32, #tpu.memory_space<hbm>> -> memref<1x80x125xi32, #tpu.memory_space<hbm>>
      %dma_start3A_48 = tpu.memref_squeeze %dma_start3A_47 : memref<1x80x125xi32, #tpu.memory_space<hbm>> -> memref<80x125xi32, #tpu.memory_space<hbm>>
      tpu.enqueue_dma source(%dma_start3A_48 : memref<80x125xi32, #tpu.memory_space<hbm>>) target(%arg7 : memref<80x125xi32, #tpu.memory_space<vmem>>) target_semaphore(%run_scoped3A_43 : memref<!tpu.dma_semaphore, #tpu.memory_space<semaphore_mem>>)
      %dma_wait3A = arith.constant 0 : i32
      %dma_wait3A_49 = tpu.memref_slice %arg2[%run_scoped3A_19, %mul3A_18, %dma_wait3A] : memref<2x2560x125xi32, #tpu.memory_space<hbm>> -> memref<1x80x125xi32, #tpu.memory_space<hbm>>
      %dma_wait3A_50 = tpu.memref_squeeze %dma_wait3A_49 : memref<1x80x125xi32, #tpu.memory_space<hbm>> -> memref<80x125xi32, #tpu.memory_space<hbm>>
      %dma_wait3A_51 = arith.constant 0 : i32
      %dma_wait3A_52 = tpu.memref_slice %arg2[%run_scoped3A_19, %mul3A_18, %dma_wait3A_51] : memref<2x2560x125xi32, #tpu.memory_space<hbm>> -> memref<1x80x125xi32, #tpu.memory_space<hbm>>
      %dma_wait3A_53 = tpu.memref_squeeze %dma_wait3A_52 : memref<1x80x125xi32, #tpu.memory_space<hbm>> -> memref<80x125xi32, #tpu.memory_space<hbm>>
      tpu.wait_dma2 semaphore(%run_scoped3A_43 : memref<!tpu.dma_semaphore, #tpu.memory_space<semaphore_mem>>) src(%dma_wait3A_53 : memref<80x125xi32, #tpu.memory_space<hbm>>) dst(%arg7 : memref<80x125xi32, #tpu.memory_space<vmem>>)
      tpu.yield
    }) : () -> ()
    %mul3A_20 = arith.constant 80 : i32
    %mul3A_21 = arith.muli %add3A, %mul3A_20 : i32
    "tpu.region"() ({
      %run_scoped3A_43 = tpu.sem_alloc : memref<!tpu.dma_semaphore, #tpu.memory_space<semaphore_mem>>
      %dma_start3A = arith.constant 0 : i32
      %dma_start3A_44 = tpu.memref_slice %arg4[%mul3A_21, %dma_start3A] : memref<2560x125xi32, #tpu.memory_space<hbm>> -> memref<80x125xi32, #tpu.memory_space<hbm>>
      %dma_start3A_45 = arith.constant 0 : i32
      %dma_start3A_46 = tpu.memref_slice %arg4[%mul3A_21, %dma_start3A_45] : memref<2560x125xi32, #tpu.memory_space<hbm>> -> memref<80x125xi32, #tpu.memory_space<hbm>>
      tpu.enqueue_dma source(%arg6 : memref<80x125xi32, #tpu.memory_space<vmem>>) target(%dma_start3A_46 : memref<80x125xi32, #tpu.memory_space<hbm>>) target_semaphore(%run_scoped3A_43 : memref<!tpu.dma_semaphore, #tpu.memory_space<semaphore_mem>>)
      %dma_wait3A = arith.constant 0 : i32
      %dma_wait3A_47 = tpu.memref_slice %arg4[%mul3A_21, %dma_wait3A] : memref<2560x125xi32, #tpu.memory_space<hbm>> -> memref<80x125xi32, #tpu.memory_space<hbm>>
      %dma_wait3A_48 = arith.constant 0 : i32
      %dma_wait3A_49 = tpu.memref_slice %arg4[%mul3A_21, %dma_wait3A_48] : memref<2560x125xi32, #tpu.memory_space<hbm>> -> memref<80x125xi32, #tpu.memory_space<hbm>>
      tpu.wait_dma2 semaphore(%run_scoped3A_43 : memref<!tpu.dma_semaphore, #tpu.memory_space<semaphore_mem>>) src(%arg6 : memref<80x125xi32, #tpu.memory_space<vmem>>) dst(%dma_wait3A_49 : memref<80x125xi32, #tpu.memory_space<hbm>>)
      tpu.yield
    }) : () -> ()
    %mul3A_22 = arith.constant 80 : i32
    %mul3A_23 = arith.muli %add3A, %mul3A_22 : i32
    "tpu.region"() ({
      %run_scoped3A_43 = tpu.sem_alloc : memref<!tpu.dma_semaphore, #tpu.memory_space<semaphore_mem>>
      %dma_start3A = arith.constant 0 : i32
      %dma_start3A_44 = tpu.memref_slice %arg5[%mul3A_23, %dma_start3A] : memref<2560x125xi32, #tpu.memory_space<hbm>> -> memref<80x125xi32, #tpu.memory_space<hbm>>
      %dma_start3A_45 = arith.constant 0 : i32
      %dma_start3A_46 = tpu.memref_slice %arg5[%mul3A_23, %dma_start3A_45] : memref<2560x125xi32, #tpu.memory_space<hbm>> -> memref<80x125xi32, #tpu.memory_space<hbm>>
      tpu.enqueue_dma source(%arg7 : memref<80x125xi32, #tpu.memory_space<vmem>>) target(%dma_start3A_46 : memref<80x125xi32, #tpu.memory_space<hbm>>) target_semaphore(%run_scoped3A_43 : memref<!tpu.dma_semaphore, #tpu.memory_space<semaphore_mem>>)
      %dma_wait3A = arith.constant 0 : i32
      %dma_wait3A_47 = tpu.memref_slice %arg5[%mul3A_23, %dma_wait3A] : memref<2560x125xi32, #tpu.memory_space<hbm>> -> memref<80x125xi32, #tpu.memory_space<hbm>>
      %dma_wait3A_48 = arith.constant 0 : i32
      %dma_wait3A_49 = tpu.memref_slice %arg5[%mul3A_23, %dma_wait3A_48] : memref<2560x125xi32, #tpu.memory_space<hbm>> -> memref<80x125xi32, #tpu.memory_space<hbm>>
      tpu.wait_dma2 semaphore(%run_scoped3A_43 : memref<!tpu.dma_semaphore, #tpu.memory_space<semaphore_mem>>) src(%arg7 : memref<80x125xi32, #tpu.memory_space<vmem>>) dst(%dma_wait3A_49 : memref<80x125xi32, #tpu.memory_space<hbm>>)
      tpu.yield
    }) : () -> ()
    %barrier3A = arith.constant 0 : index
    tpu.barrier barrier_id(%barrier3A)
    %scan3A_24 = arith.constant 0 : i32
    %scan3A_25 = arith.constant 8 : i32
    %scan3A_26 = arith.addi %scan3A_24, %scan3A_25 : i32
    %scan3A_27 = arith.constant 1 : i32
    scf.for %scan3A_43 = %scan3A_24 to %scan3A_26 step %scan3A_27  : i32 {
      %mul3A_44 = arith.constant 1 : i32
      %mul3A_45 = arith.muli %scan3A_43, %mul3A_44 : i32
      %add3A_46 = arith.constant 0 : i32
      %add3A_47 = arith.addi %add3A_46, %mul3A_45 : i32
      %dma_start3A = arith.constant 0 : i32
      %dma_start3A_48 = tpu.memref_slice %arg7[%add3A_47, %dma_start3A] : memref<80x125xi32, #tpu.memory_space<vmem>> -> memref<1x125xi32, #tpu.memory_space<vmem>>
      %dma_start3A_49 = tpu.memref_squeeze %dma_start3A_48 : memref<1x125xi32, #tpu.memory_space<vmem>> -> memref<125xi32, #tpu.memory_space<vmem>>
      %dma_start3A_50 = arith.constant 0 : i32
      %dma_start3A_51 = arith.constant 0 : i32
      %dma_start3A_52 = tpu.memref_slice %arg9[%dma_start3A_50, %dma_start3A_51] : memref<10000x16xf32, #tpu.memory_space<vmem_shared>> -> memref<10000x16xf32, #tpu.memory_space<vmem_shared>>
      tpu.enqueue_indirect_dma source(%arg8 : memref<125x16xf32, #tpu.memory_space<vmem>>) target(%dma_start3A_52 : memref<10000x16xf32, #tpu.memory_space<vmem_shared>>) offsets(%dma_start3A_49 : memref<125xi32, #tpu.memory_space<vmem>>) semaphore(%arg10 : memref<!tpu.dma_semaphore, #tpu.memory_space<semaphore_mem>>) {add = true}
    }
    %scan3A_28 = arith.constant 8 : i32
    %scan3A_29 = arith.constant 0 : i32
    %scan3A_30 = arith.constant 9 : i32
    %scan3A_31 = arith.addi %scan3A_29, %scan3A_30 : i32
    %scan3A_32 = arith.constant 1 : i32
    scf.for %scan3A_43 = %scan3A_29 to %scan3A_31 step %scan3A_32  : i32 {
      %mul3A_44 = arith.constant 8 : i32
      %mul3A_45 = arith.muli %scan3A_43, %mul3A_44 : i32
      %add3A_46 = arith.constant 8 : i32
      %add3A_47 = arith.addi %add3A_46, %mul3A_45 : i32
      %scan3A_48 = arith.constant 0 : i32
      %scan3A_49 = arith.constant 8 : i32
      %scan3A_50 = arith.addi %scan3A_48, %scan3A_49 : i32
      %scan3A_51 = arith.constant 1 : i32
      scf.for %scan3A_58 = %scan3A_48 to %scan3A_50 step %scan3A_51  : i32 {
        %mul3A_59 = arith.constant 1 : i32
        %mul3A_60 = arith.muli %scan3A_58, %mul3A_59 : i32
        %add3A_61 = arith.constant 0 : i32
        %add3A_62 = arith.addi %add3A_61, %mul3A_60 : i32
        %add3A_63 = arith.addi %add3A_47, %add3A_62 : i32
        %dma_start3A = arith.constant 0 : i32
        %dma_start3A_64 = tpu.memref_slice %arg7[%add3A_63, %dma_start3A] : memref<80x125xi32, #tpu.memory_space<vmem>> -> memref<1x125xi32, #tpu.memory_space<vmem>>
        %dma_start3A_65 = tpu.memref_squeeze %dma_start3A_64 : memref<1x125xi32, #tpu.memory_space<vmem>> -> memref<125xi32, #tpu.memory_space<vmem>>
        %dma_start3A_66 = arith.constant 0 : i32
        %dma_start3A_67 = arith.constant 0 : i32
        %dma_start3A_68 = tpu.memref_slice %arg9[%dma_start3A_66, %dma_start3A_67] : memref<10000x16xf32, #tpu.memory_space<vmem_shared>> -> memref<10000x16xf32, #tpu.memory_space<vmem_shared>>
        tpu.enqueue_indirect_dma source(%arg8 : memref<125x16xf32, #tpu.memory_space<vmem>>) target(%dma_start3A_68 : memref<10000x16xf32, #tpu.memory_space<vmem_shared>>) offsets(%dma_start3A_65 : memref<125xi32, #tpu.memory_space<vmem>>) semaphore(%arg10 : memref<!tpu.dma_semaphore, #tpu.memory_space<semaphore_mem>>) {add = true}
      }
      %scan3A_52 = arith.constant 8 : i32
      %scan3A_53 = arith.constant 0 : i32
      %scan3A_54 = arith.constant 8 : i32
      %scan3A_55 = arith.addi %scan3A_53, %scan3A_54 : i32
      %scan3A_56 = arith.constant 1 : i32
      scf.for %scan3A_58 = %scan3A_53 to %scan3A_55 step %scan3A_56  : i32 {
        %mul3A_59 = arith.constant 1 : i32
        %mul3A_60 = arith.muli %scan3A_58, %mul3A_59 : i32
        %add3A_61 = arith.constant 0 : i32
        %add3A_62 = arith.addi %add3A_61, %mul3A_60 : i32
        %sub3A = arith.constant 8 : i32
        %sub3A_63 = arith.subi %add3A_47, %sub3A : i32
        %add3A_64 = arith.addi %sub3A_63, %add3A_62 : i32
        %dma_wait3A = arith.constant 0 : i32
        %dma_wait3A_65 = tpu.memref_slice %arg7[%add3A_64, %dma_wait3A] : memref<80x125xi32, #tpu.memory_space<vmem>> -> memref<1x125xi32, #tpu.memory_space<vmem>>
        %dma_wait3A_66 = tpu.memref_squeeze %dma_wait3A_65 : memref<1x125xi32, #tpu.memory_space<vmem>> -> memref<125xi32, #tpu.memory_space<vmem>>
        %dma_wait3A_67 = arith.constant 0 : i32
        %dma_wait3A_68 = arith.constant 0 : i32
        %dma_wait3A_69 = tpu.memref_slice %arg9[%dma_wait3A_67, %dma_wait3A_68] : memref<10000x16xf32, #tpu.memory_space<vmem_shared>> -> memref<10000x16xf32, #tpu.memory_space<vmem_shared>>
        tpu.wait_indirect_dma semaphore(%arg10 : memref<!tpu.dma_semaphore, #tpu.memory_space<semaphore_mem>>) src(%arg8 : memref<125x16xf32, #tpu.memory_space<vmem>>) dst(%dma_wait3A_69 : memref<10000x16xf32, #tpu.memory_space<vmem_shared>>)
      }
      %scan3A_57 = arith.constant 8 : i32
    }
    %scan3A_33 = arith.constant 9 : i32
    %scan3A_34 = arith.constant 0 : i32
    %scan3A_35 = arith.constant 8 : i32
    %scan3A_36 = arith.addi %scan3A_34, %scan3A_35 : i32
    %scan3A_37 = arith.constant 1 : i32
    scf.for %scan3A_43 = %scan3A_34 to %scan3A_36 step %scan3A_37  : i32 {
      %mul3A_44 = arith.constant 1 : i32
      %mul3A_45 = arith.muli %scan3A_43, %mul3A_44 : i32
      %add3A_46 = arith.constant 72 : i32
      %add3A_47 = arith.addi %add3A_46, %mul3A_45 : i32
      %dma_wait3A = arith.constant 0 : i32
      %dma_wait3A_48 = tpu.memref_slice %arg7[%add3A_47, %dma_wait3A] : memref<80x125xi32, #tpu.memory_space<vmem>> -> memref<1x125xi32, #tpu.memory_space<vmem>>
      %dma_wait3A_49 = tpu.memref_squeeze %dma_wait3A_48 : memref<1x125xi32, #tpu.memory_space<vmem>> -> memref<125xi32, #tpu.memory_space<vmem>>
      %dma_wait3A_50 = arith.constant 0 : i32
      %dma_wait3A_51 = arith.constant 0 : i32
      %dma_wait3A_52 = tpu.memref_slice %arg9[%dma_wait3A_50, %dma_wait3A_51] : memref<10000x16xf32, #tpu.memory_space<vmem_shared>> -> memref<10000x16xf32, #tpu.memory_space<vmem_shared>>
      tpu.wait_indirect_dma semaphore(%arg10 : memref<!tpu.dma_semaphore, #tpu.memory_space<semaphore_mem>>) src(%arg8 : memref<125x16xf32, #tpu.memory_space<vmem>>) dst(%dma_wait3A_52 : memref<10000x16xf32, #tpu.memory_space<vmem_shared>>)
    }
    %scan3A_38 = arith.constant 8 : i32
    %barrier3A_39 = arith.constant 0 : index
    tpu.barrier barrier_id(%barrier3A_39)
    %mul3A_40 = arith.constant 632 : i32
    %mul3A_41 = arith.muli %arg1, %mul3A_40 : i32
    %min3A = arith.constant 9368 : i32
    %min3A_42 = arith.minsi %mul3A_41, %min3A : i32
    %multiple_of3A = tpu.assume_multiple %min3A_42, 8 : i32
    "tpu.region"() ({
      %run_scoped3A_43 = tpu.sem_alloc : memref<!tpu.dma_semaphore, #tpu.memory_space<semaphore_mem>>
      %dma_start3A = arith.constant 0 : i32
      %dma_start3A_44 = tpu.memref_slice %arg3[%arg0, %multiple_of3A, %dma_start3A] : memref<2x10000x16xf32, #tpu.memory_space<hbm>> -> memref<1x632x16xf32, #tpu.memory_space<hbm>>
      %dma_start3A_45 = tpu.memref_squeeze %dma_start3A_44 : memref<1x632x16xf32, #tpu.memory_space<hbm>> -> memref<632x16xf32, #tpu.memory_space<hbm>>
      %dma_start3A_46 = arith.constant 0 : i32
      %dma_start3A_47 = tpu.memref_slice %arg9[%multiple_of3A, %dma_start3A_46] : memref<10000x16xf32, #tpu.memory_space<vmem_shared>> -> memref<632x16xf32, #tpu.memory_space<vmem_shared>>
      tpu.enqueue_dma source(%dma_start3A_47 : memref<632x16xf32, #tpu.memory_space<vmem_shared>>) target(%dma_start3A_45 : memref<632x16xf32, #tpu.memory_space<hbm>>) target_semaphore(%run_scoped3A_43 : memref<!tpu.dma_semaphore, #tpu.memory_space<semaphore_mem>>)
      %dma_wait3A = arith.constant 0 : i32
      %dma_wait3A_48 = tpu.memref_slice %arg3[%arg0, %multiple_of3A, %dma_wait3A] : memref<2x10000x16xf32, #tpu.memory_space<hbm>> -> memref<1x632x16xf32, #tpu.memory_space<hbm>>
      %dma_wait3A_49 = tpu.memref_squeeze %dma_wait3A_48 : memref<1x632x16xf32, #tpu.memory_space<hbm>> -> memref<632x16xf32, #tpu.memory_space<hbm>>
      %dma_wait3A_50 = arith.constant 0 : i32
      %dma_wait3A_51 = tpu.memref_slice %arg9[%multiple_of3A, %dma_wait3A_50] : memref<10000x16xf32, #tpu.memory_space<vmem_shared>> -> memref<632x16xf32, #tpu.memory_space<vmem_shared>>
      tpu.wait_dma2 semaphore(%run_scoped3A_43 : memref<!tpu.dma_semaphore, #tpu.memory_space<semaphore_mem>>) src(%dma_wait3A_51 : memref<632x16xf32, #tpu.memory_space<vmem_shared>>) dst(%dma_wait3A_49 : memref<632x16xf32, #tpu.memory_space<hbm>>)
      tpu.yield
    }) : () -> ()
    return
  }
}

#map = affine_map<(d0, d1) -> (0, 0)>
#map1 = affine_map<(d0, d1) -> (0, 0, 0)>
module attributes {stable_mosaic.version = 14 : i64} {
  func.func @k(%arg0: i32, %arg1: i32, %arg2: memref<2560x125xi32, #tpu.memory_space<hbm>>, %arg3: memref<2560x125xi32, #tpu.memory_space<hbm>>, %arg4: memref<2x10000x16xf32, #tpu.memory_space<hbm>>, %arg5: memref<10000x16xf32, #tpu.memory_space<hbm>>, %arg6: memref<2x10000x16xf32, #tpu.memory_space<hbm>>, %arg7: memref<1x16xf32, #tpu.memory_space<hbm>>, %arg8: memref<2x10000x16xf32, #tpu.memory_space<hbm>>, %arg9: memref<80x125xi32, #tpu.memory_space<vmem>>, %arg10: memref<80x125xi32, #tpu.memory_space<vmem>>, %arg11: memref<125x16xf32, #tpu.memory_space<vmem>>, %arg12: memref<125x16xf32, #tpu.memory_space<vmem>>, %arg13: memref<125x16xf32, #tpu.memory_space<vmem>>, %arg14: memref<125x16xf32, #tpu.memory_space<vmem>>, %arg15: memref<125x16xf32, #tpu.memory_space<vmem>>, %arg16: memref<625x16xf32, #tpu.memory_space<vmem>>, %arg17: memref<625x16xf32, #tpu.memory_space<vmem>>, %arg18: memref<625x16xf32, #tpu.memory_space<vmem>>, %arg19: memref<625x16xf32, #tpu.memory_space<vmem>>, %arg20: memref<625x16xf32, #tpu.memory_space<vmem>>, %arg21: memref<10000x16xf32, #tpu.memory_space<vmem_shared>>, %arg22: memref<10000x16xf32, #tpu.memory_space<vmem_shared>>, %arg23: memref<!tpu.dma_semaphore, #tpu.memory_space<semaphore_mem>>, %arg24: memref<!tpu.dma_semaphore, #tpu.memory_space<semaphore_mem>>, %arg25: memref<!tpu.dma_semaphore, #tpu.memory_space<semaphore_mem>>, %arg26: memref<!tpu.dma_semaphore, #tpu.memory_space<semaphore_mem>>, %arg27: memref<!tpu.dma_semaphore, #tpu.memory_space<semaphore_mem>>, %arg28: memref<!tpu.dma_semaphore, #tpu.memory_space<semaphore_mem>>, %arg29: memref<!tpu.dma_semaphore, #tpu.memory_space<semaphore_mem>>, %arg30: memref<!tpu.dma_semaphore, #tpu.memory_space<semaphore_mem>>, %arg31: memref<1x16xf32, #tpu.memory_space<vmem>>) attributes {dimension_semantics = [#tpu.dimension_semantics<core_parallel>, #tpu.dimension_semantics<subcore_parallel>], iteration_bounds = array<i64: 2, 16>, scalar_prefetch = 0 : i64, scratch_operands = 23 : i64, tpu.core_type = #tpu.core_type<sc_vector_subcore>, window_params = [{transform_indices = #map}, {transform_indices = #map}, {transform_indices = #map1}, {transform_indices = #map}, {transform_indices = #map1}, {transform_indices = #map}, {transform_indices = #map1}]} {
    %mul3A = arith.constant 16 : i32
    %mul3A_0 = arith.muli %arg0, %mul3A : i32
    %add3A = arith.addi %mul3A_0, %arg1 : i32
    %mul3A_1 = arith.constant 625 : i32
    %mul3A_2 = arith.muli %arg1, %mul3A_1 : i32
    %run_scoped3A = arith.constant 0 : i32
    "tpu.region"() ({
      %run_scoped3A_142 = tpu.sem_alloc : memref<!tpu.dma_semaphore, #tpu.memory_space<semaphore_mem>>
      %dma_start3A_143 = arith.constant 0 : i32
      %dma_start3A_144 = tpu.memref_slice %arg4[%run_scoped3A, %mul3A_2, %dma_start3A_143] : memref<2x10000x16xf32, #tpu.memory_space<hbm>> -> memref<1x625x16xf32, #tpu.memory_space<hbm>>
      %dma_start3A_145 = tpu.memref_squeeze %dma_start3A_144 : memref<1x625x16xf32, #tpu.memory_space<hbm>> -> memref<625x16xf32, #tpu.memory_space<hbm>>
      %dma_start3A_146 = arith.constant 0 : i32
      %dma_start3A_147 = tpu.memref_slice %arg4[%run_scoped3A, %mul3A_2, %dma_start3A_146] : memref<2x10000x16xf32, #tpu.memory_space<hbm>> -> memref<1x625x16xf32, #tpu.memory_space<hbm>>
      %dma_start3A_148 = tpu.memref_squeeze %dma_start3A_147 : memref<1x625x16xf32, #tpu.memory_space<hbm>> -> memref<625x16xf32, #tpu.memory_space<hbm>>
      tpu.enqueue_dma source(%dma_start3A_148 : memref<625x16xf32, #tpu.memory_space<hbm>>) target(%arg16 : memref<625x16xf32, #tpu.memory_space<vmem>>) target_semaphore(%run_scoped3A_142 : memref<!tpu.dma_semaphore, #tpu.memory_space<semaphore_mem>>)
      %dma_wait3A_149 = arith.constant 0 : i32
      %dma_wait3A_150 = tpu.memref_slice %arg4[%run_scoped3A, %mul3A_2, %dma_wait3A_149] : memref<2x10000x16xf32, #tpu.memory_space<hbm>> -> memref<1x625x16xf32, #tpu.memory_space<hbm>>
      %dma_wait3A_151 = tpu.memref_squeeze %dma_wait3A_150 : memref<1x625x16xf32, #tpu.memory_space<hbm>> -> memref<625x16xf32, #tpu.memory_space<hbm>>
      %dma_wait3A_152 = arith.constant 0 : i32
      %dma_wait3A_153 = tpu.memref_slice %arg4[%run_scoped3A, %mul3A_2, %dma_wait3A_152] : memref<2x10000x16xf32, #tpu.memory_space<hbm>> -> memref<1x625x16xf32, #tpu.memory_space<hbm>>
      %dma_wait3A_154 = tpu.memref_squeeze %dma_wait3A_153 : memref<1x625x16xf32, #tpu.memory_space<hbm>> -> memref<625x16xf32, #tpu.memory_space<hbm>>
      tpu.wait_dma2 semaphore(%run_scoped3A_142 : memref<!tpu.dma_semaphore, #tpu.memory_space<semaphore_mem>>) src(%dma_wait3A_154 : memref<625x16xf32, #tpu.memory_space<hbm>>) dst(%arg16 : memref<625x16xf32, #tpu.memory_space<vmem>>)
      tpu.yield
    }) : () -> ()
    %run_scoped3A_3 = arith.constant 1 : i32
    "tpu.region"() ({
      %run_scoped3A_142 = tpu.sem_alloc : memref<!tpu.dma_semaphore, #tpu.memory_space<semaphore_mem>>
      %dma_start3A_143 = arith.constant 0 : i32
      %dma_start3A_144 = tpu.memref_slice %arg4[%run_scoped3A_3, %mul3A_2, %dma_start3A_143] : memref<2x10000x16xf32, #tpu.memory_space<hbm>> -> memref<1x625x16xf32, #tpu.memory_space<hbm>>
      %dma_start3A_145 = tpu.memref_squeeze %dma_start3A_144 : memref<1x625x16xf32, #tpu.memory_space<hbm>> -> memref<625x16xf32, #tpu.memory_space<hbm>>
      %dma_start3A_146 = arith.constant 0 : i32
      %dma_start3A_147 = tpu.memref_slice %arg4[%run_scoped3A_3, %mul3A_2, %dma_start3A_146] : memref<2x10000x16xf32, #tpu.memory_space<hbm>> -> memref<1x625x16xf32, #tpu.memory_space<hbm>>
      %dma_start3A_148 = tpu.memref_squeeze %dma_start3A_147 : memref<1x625x16xf32, #tpu.memory_space<hbm>> -> memref<625x16xf32, #tpu.memory_space<hbm>>
      tpu.enqueue_dma source(%dma_start3A_148 : memref<625x16xf32, #tpu.memory_space<hbm>>) target(%arg17 : memref<625x16xf32, #tpu.memory_space<vmem>>) target_semaphore(%run_scoped3A_142 : memref<!tpu.dma_semaphore, #tpu.memory_space<semaphore_mem>>)
      %dma_wait3A_149 = arith.constant 0 : i32
      %dma_wait3A_150 = tpu.memref_slice %arg4[%run_scoped3A_3, %mul3A_2, %dma_wait3A_149] : memref<2x10000x16xf32, #tpu.memory_space<hbm>> -> memref<1x625x16xf32, #tpu.memory_space<hbm>>
      %dma_wait3A_151 = tpu.memref_squeeze %dma_wait3A_150 : memref<1x625x16xf32, #tpu.memory_space<hbm>> -> memref<625x16xf32, #tpu.memory_space<hbm>>
      %dma_wait3A_152 = arith.constant 0 : i32
      %dma_wait3A_153 = tpu.memref_slice %arg4[%run_scoped3A_3, %mul3A_2, %dma_wait3A_152] : memref<2x10000x16xf32, #tpu.memory_space<hbm>> -> memref<1x625x16xf32, #tpu.memory_space<hbm>>
      %dma_wait3A_154 = tpu.memref_squeeze %dma_wait3A_153 : memref<1x625x16xf32, #tpu.memory_space<hbm>> -> memref<625x16xf32, #tpu.memory_space<hbm>>
      tpu.wait_dma2 semaphore(%run_scoped3A_142 : memref<!tpu.dma_semaphore, #tpu.memory_space<semaphore_mem>>) src(%dma_wait3A_154 : memref<625x16xf32, #tpu.memory_space<hbm>>) dst(%arg17 : memref<625x16xf32, #tpu.memory_space<vmem>>)
      tpu.yield
    }) : () -> ()
    "tpu.region"() ({
      %run_scoped3A_142 = tpu.sem_alloc : memref<!tpu.dma_semaphore, #tpu.memory_space<semaphore_mem>>
      %dma_start3A_143 = arith.constant 0 : i32
      %dma_start3A_144 = tpu.memref_slice %arg5[%mul3A_2, %dma_start3A_143] : memref<10000x16xf32, #tpu.memory_space<hbm>> -> memref<625x16xf32, #tpu.memory_space<hbm>>
      %dma_start3A_145 = arith.constant 0 : i32
      %dma_start3A_146 = tpu.memref_slice %arg5[%mul3A_2, %dma_start3A_145] : memref<10000x16xf32, #tpu.memory_space<hbm>> -> memref<625x16xf32, #tpu.memory_space<hbm>>
      tpu.enqueue_dma source(%dma_start3A_146 : memref<625x16xf32, #tpu.memory_space<hbm>>) target(%arg18 : memref<625x16xf32, #tpu.memory_space<vmem>>) target_semaphore(%run_scoped3A_142 : memref<!tpu.dma_semaphore, #tpu.memory_space<semaphore_mem>>)
      %dma_wait3A_147 = arith.constant 0 : i32
      %dma_wait3A_148 = tpu.memref_slice %arg5[%mul3A_2, %dma_wait3A_147] : memref<10000x16xf32, #tpu.memory_space<hbm>> -> memref<625x16xf32, #tpu.memory_space<hbm>>
      %dma_wait3A_149 = arith.constant 0 : i32
      %dma_wait3A_150 = tpu.memref_slice %arg5[%mul3A_2, %dma_wait3A_149] : memref<10000x16xf32, #tpu.memory_space<hbm>> -> memref<625x16xf32, #tpu.memory_space<hbm>>
      tpu.wait_dma2 semaphore(%run_scoped3A_142 : memref<!tpu.dma_semaphore, #tpu.memory_space<semaphore_mem>>) src(%dma_wait3A_150 : memref<625x16xf32, #tpu.memory_space<hbm>>) dst(%arg18 : memref<625x16xf32, #tpu.memory_space<vmem>>)
      tpu.yield
    }) : () -> ()
    %run_scoped3A_4 = arith.constant 0 : i32
    "tpu.region"() ({
      %run_scoped3A_142 = tpu.sem_alloc : memref<!tpu.dma_semaphore, #tpu.memory_space<semaphore_mem>>
      %dma_start3A_143 = arith.constant 0 : i32
      %dma_start3A_144 = tpu.memref_slice %arg6[%run_scoped3A_4, %mul3A_2, %dma_start3A_143] : memref<2x10000x16xf32, #tpu.memory_space<hbm>> -> memref<1x625x16xf32, #tpu.memory_space<hbm>>
      %dma_start3A_145 = tpu.memref_squeeze %dma_start3A_144 : memref<1x625x16xf32, #tpu.memory_space<hbm>> -> memref<625x16xf32, #tpu.memory_space<hbm>>
      %dma_start3A_146 = arith.constant 0 : i32
      %dma_start3A_147 = tpu.memref_slice %arg6[%run_scoped3A_4, %mul3A_2, %dma_start3A_146] : memref<2x10000x16xf32, #tpu.memory_space<hbm>> -> memref<1x625x16xf32, #tpu.memory_space<hbm>>
      %dma_start3A_148 = tpu.memref_squeeze %dma_start3A_147 : memref<1x625x16xf32, #tpu.memory_space<hbm>> -> memref<625x16xf32, #tpu.memory_space<hbm>>
      tpu.enqueue_dma source(%dma_start3A_148 : memref<625x16xf32, #tpu.memory_space<hbm>>) target(%arg19 : memref<625x16xf32, #tpu.memory_space<vmem>>) target_semaphore(%run_scoped3A_142 : memref<!tpu.dma_semaphore, #tpu.memory_space<semaphore_mem>>)
      %dma_wait3A_149 = arith.constant 0 : i32
      %dma_wait3A_150 = tpu.memref_slice %arg6[%run_scoped3A_4, %mul3A_2, %dma_wait3A_149] : memref<2x10000x16xf32, #tpu.memory_space<hbm>> -> memref<1x625x16xf32, #tpu.memory_space<hbm>>
      %dma_wait3A_151 = tpu.memref_squeeze %dma_wait3A_150 : memref<1x625x16xf32, #tpu.memory_space<hbm>> -> memref<625x16xf32, #tpu.memory_space<hbm>>
      %dma_wait3A_152 = arith.constant 0 : i32
      %dma_wait3A_153 = tpu.memref_slice %arg6[%run_scoped3A_4, %mul3A_2, %dma_wait3A_152] : memref<2x10000x16xf32, #tpu.memory_space<hbm>> -> memref<1x625x16xf32, #tpu.memory_space<hbm>>
      %dma_wait3A_154 = tpu.memref_squeeze %dma_wait3A_153 : memref<1x625x16xf32, #tpu.memory_space<hbm>> -> memref<625x16xf32, #tpu.memory_space<hbm>>
      tpu.wait_dma2 semaphore(%run_scoped3A_142 : memref<!tpu.dma_semaphore, #tpu.memory_space<semaphore_mem>>) src(%dma_wait3A_154 : memref<625x16xf32, #tpu.memory_space<hbm>>) dst(%arg19 : memref<625x16xf32, #tpu.memory_space<vmem>>)
      tpu.yield
    }) : () -> ()
    %run_scoped3A_5 = arith.constant 1 : i32
    "tpu.region"() ({
      %run_scoped3A_142 = tpu.sem_alloc : memref<!tpu.dma_semaphore, #tpu.memory_space<semaphore_mem>>
      %dma_start3A_143 = arith.constant 0 : i32
      %dma_start3A_144 = tpu.memref_slice %arg6[%run_scoped3A_5, %mul3A_2, %dma_start3A_143] : memref<2x10000x16xf32, #tpu.memory_space<hbm>> -> memref<1x625x16xf32, #tpu.memory_space<hbm>>
      %dma_start3A_145 = tpu.memref_squeeze %dma_start3A_144 : memref<1x625x16xf32, #tpu.memory_space<hbm>> -> memref<625x16xf32, #tpu.memory_space<hbm>>
      %dma_start3A_146 = arith.constant 0 : i32
      %dma_start3A_147 = tpu.memref_slice %arg6[%run_scoped3A_5, %mul3A_2, %dma_start3A_146] : memref<2x10000x16xf32, #tpu.memory_space<hbm>> -> memref<1x625x16xf32, #tpu.memory_space<hbm>>
      %dma_start3A_148 = tpu.memref_squeeze %dma_start3A_147 : memref<1x625x16xf32, #tpu.memory_space<hbm>> -> memref<625x16xf32, #tpu.memory_space<hbm>>
      tpu.enqueue_dma source(%dma_start3A_148 : memref<625x16xf32, #tpu.memory_space<hbm>>) target(%arg20 : memref<625x16xf32, #tpu.memory_space<vmem>>) target_semaphore(%run_scoped3A_142 : memref<!tpu.dma_semaphore, #tpu.memory_space<semaphore_mem>>)
      %dma_wait3A_149 = arith.constant 0 : i32
      %dma_wait3A_150 = tpu.memref_slice %arg6[%run_scoped3A_5, %mul3A_2, %dma_wait3A_149] : memref<2x10000x16xf32, #tpu.memory_space<hbm>> -> memref<1x625x16xf32, #tpu.memory_space<hbm>>
      %dma_wait3A_151 = tpu.memref_squeeze %dma_wait3A_150 : memref<1x625x16xf32, #tpu.memory_space<hbm>> -> memref<625x16xf32, #tpu.memory_space<hbm>>
      %dma_wait3A_152 = arith.constant 0 : i32
      %dma_wait3A_153 = tpu.memref_slice %arg6[%run_scoped3A_5, %mul3A_2, %dma_wait3A_152] : memref<2x10000x16xf32, #tpu.memory_space<hbm>> -> memref<1x625x16xf32, #tpu.memory_space<hbm>>
      %dma_wait3A_154 = tpu.memref_squeeze %dma_wait3A_153 : memref<1x625x16xf32, #tpu.memory_space<hbm>> -> memref<625x16xf32, #tpu.memory_space<hbm>>
      tpu.wait_dma2 semaphore(%run_scoped3A_142 : memref<!tpu.dma_semaphore, #tpu.memory_space<semaphore_mem>>) src(%dma_wait3A_154 : memref<625x16xf32, #tpu.memory_space<hbm>>) dst(%arg20 : memref<625x16xf32, #tpu.memory_space<vmem>>)
      tpu.yield
    }) : () -> ()
    "tpu.region"() ({
      %run_scoped3A_142 = tpu.sem_alloc : memref<!tpu.dma_semaphore, #tpu.memory_space<semaphore_mem>>
      tpu.enqueue_dma source(%arg7 : memref<1x16xf32, #tpu.memory_space<hbm>>) target(%arg31 : memref<1x16xf32, #tpu.memory_space<vmem>>) target_semaphore(%run_scoped3A_142 : memref<!tpu.dma_semaphore, #tpu.memory_space<semaphore_mem>>)
      tpu.wait_dma2 semaphore(%run_scoped3A_142 : memref<!tpu.dma_semaphore, #tpu.memory_space<semaphore_mem>>) src(%arg7 : memref<1x16xf32, #tpu.memory_space<hbm>>) dst(%arg31 : memref<1x16xf32, #tpu.memory_space<vmem>>)
      tpu.yield
    }) : () -> ()
    %mul3A_6 = arith.constant 80 : i32
    %mul3A_7 = arith.muli %add3A, %mul3A_6 : i32
    "tpu.region"() ({
      %run_scoped3A_142 = tpu.sem_alloc : memref<!tpu.dma_semaphore, #tpu.memory_space<semaphore_mem>>
      %dma_start3A_143 = arith.constant 0 : i32
      %dma_start3A_144 = tpu.memref_slice %arg2[%mul3A_7, %dma_start3A_143] : memref<2560x125xi32, #tpu.memory_space<hbm>> -> memref<80x125xi32, #tpu.memory_space<hbm>>
      %dma_start3A_145 = arith.constant 0 : i32
      %dma_start3A_146 = tpu.memref_slice %arg2[%mul3A_7, %dma_start3A_145] : memref<2560x125xi32, #tpu.memory_space<hbm>> -> memref<80x125xi32, #tpu.memory_space<hbm>>
      tpu.enqueue_dma source(%dma_start3A_146 : memref<80x125xi32, #tpu.memory_space<hbm>>) target(%arg9 : memref<80x125xi32, #tpu.memory_space<vmem>>) target_semaphore(%run_scoped3A_142 : memref<!tpu.dma_semaphore, #tpu.memory_space<semaphore_mem>>)
      %dma_wait3A_147 = arith.constant 0 : i32
      %dma_wait3A_148 = tpu.memref_slice %arg2[%mul3A_7, %dma_wait3A_147] : memref<2560x125xi32, #tpu.memory_space<hbm>> -> memref<80x125xi32, #tpu.memory_space<hbm>>
      %dma_wait3A_149 = arith.constant 0 : i32
      %dma_wait3A_150 = tpu.memref_slice %arg2[%mul3A_7, %dma_wait3A_149] : memref<2560x125xi32, #tpu.memory_space<hbm>> -> memref<80x125xi32, #tpu.memory_space<hbm>>
      tpu.wait_dma2 semaphore(%run_scoped3A_142 : memref<!tpu.dma_semaphore, #tpu.memory_space<semaphore_mem>>) src(%dma_wait3A_150 : memref<80x125xi32, #tpu.memory_space<hbm>>) dst(%arg9 : memref<80x125xi32, #tpu.memory_space<vmem>>)
      tpu.yield
    }) : () -> ()
    %mul3A_8 = arith.constant 80 : i32
    %mul3A_9 = arith.muli %add3A, %mul3A_8 : i32
    "tpu.region"() ({
      %run_scoped3A_142 = tpu.sem_alloc : memref<!tpu.dma_semaphore, #tpu.memory_space<semaphore_mem>>
      %dma_start3A_143 = arith.constant 0 : i32
      %dma_start3A_144 = tpu.memref_slice %arg3[%mul3A_9, %dma_start3A_143] : memref<2560x125xi32, #tpu.memory_space<hbm>> -> memref<80x125xi32, #tpu.memory_space<hbm>>
      %dma_start3A_145 = arith.constant 0 : i32
      %dma_start3A_146 = tpu.memref_slice %arg3[%mul3A_9, %dma_start3A_145] : memref<2560x125xi32, #tpu.memory_space<hbm>> -> memref<80x125xi32, #tpu.memory_space<hbm>>
      tpu.enqueue_dma source(%dma_start3A_146 : memref<80x125xi32, #tpu.memory_space<hbm>>) target(%arg10 : memref<80x125xi32, #tpu.memory_space<vmem>>) target_semaphore(%run_scoped3A_142 : memref<!tpu.dma_semaphore, #tpu.memory_space<semaphore_mem>>)
      %dma_wait3A_147 = arith.constant 0 : i32
      %dma_wait3A_148 = tpu.memref_slice %arg3[%mul3A_9, %dma_wait3A_147] : memref<2560x125xi32, #tpu.memory_space<hbm>> -> memref<80x125xi32, #tpu.memory_space<hbm>>
      %dma_wait3A_149 = arith.constant 0 : i32
      %dma_wait3A_150 = tpu.memref_slice %arg3[%mul3A_9, %dma_wait3A_149] : memref<2560x125xi32, #tpu.memory_space<hbm>> -> memref<80x125xi32, #tpu.memory_space<hbm>>
      tpu.wait_dma2 semaphore(%run_scoped3A_142 : memref<!tpu.dma_semaphore, #tpu.memory_space<semaphore_mem>>) src(%dma_wait3A_150 : memref<80x125xi32, #tpu.memory_space<hbm>>) dst(%arg10 : memref<80x125xi32, #tpu.memory_space<vmem>>)
      tpu.yield
    }) : () -> ()
    %get3A = arith.constant 0 : i32
    %get3A_10 = arith.index_cast %get3A : i32 to index
    %get3A_11 = arith.constant 0 : index
    %get3A_12 = tpu.vector_load %arg31[%get3A_10, %get3A_11] {strides = array<i32>} : memref<1x16xf32, #tpu.memory_space<vmem>>, vector<16xf32>,
    %scan3A = arith.constant 0 : i32
    %scan3A_13 = arith.constant 125 : i32
    %scan3A_14 = arith.addi %scan3A, %scan3A_13 : i32
    %scan3A_15 = arith.constant 1 : i32
    scf.for %scan3A_142 = %scan3A to %scan3A_14 step %scan3A_15  : i32 {
      %mul3A_143 = arith.constant 5 : i32
      %mul3A_144 = arith.muli %scan3A_142, %mul3A_143 : i32
      %add3A_145 = arith.constant 0 : i32
      %add3A_146 = arith.addi %add3A_145, %mul3A_144 : i32
      %add3A_147 = arith.constant 0 : i32
      %add3A_148 = arith.addi %add3A_146, %add3A_147 : i32
      %get3A_149 = arith.index_cast %add3A_148 : i32 to index
      %get3A_150 = arith.constant 0 : index
      %get3A_151 = tpu.vector_load %arg16[%get3A_149, %get3A_150] {strides = array<i32>} : memref<625x16xf32, #tpu.memory_space<vmem>>, vector<16xf32>,
      %get3A_152 = arith.index_cast %add3A_148 : i32 to index
      %get3A_153 = arith.constant 0 : index
      %get3A_154 = tpu.vector_load %arg17[%get3A_152, %get3A_153] {strides = array<i32>} : memref<625x16xf32, #tpu.memory_space<vmem>>, vector<16xf32>,
      %add3A_155 = arith.addf %get3A_151, %get3A_154 : vector<16xf32>
      %add3A_156 = arith.constant 1.000000e+00 : f32
      %add3A_157 = vector.broadcast %add3A_156 : f32 to vector<16xf32>
      %add3A_158 = arith.addf %add3A_155, %add3A_157 : vector<16xf32>
      %bitcast3A = vector.bitcast %add3A_158 : vector<16xf32> to vector<16xi32>
      %shift_right_logical3A = arith.constant 1 : i32
      %shift_right_logical3A_159 = vector.broadcast %shift_right_logical3A : i32 to vector<16xi32>
      %shift_right_logical3A_160 = arith.shrui %bitcast3A, %shift_right_logical3A_159 : vector<16xi32>
      %sub3A = arith.constant 1597463007 : i32
      %sub3A_161 = vector.broadcast %sub3A : i32 to vector<16xi32>
      %sub3A_162 = arith.subi %sub3A_161, %shift_right_logical3A_160 : vector<16xi32>
      %bitcast3A_163 = vector.bitcast %sub3A_162 : vector<16xi32> to vector<16xf32>
      %mul3A_164 = arith.constant 5.000000e-01 : f32
      %mul3A_165 = vector.broadcast %mul3A_164 : f32 to vector<16xf32>
      %mul3A_166 = arith.mulf %mul3A_165, %add3A_158 : vector<16xf32>
      %mul3A_167 = arith.mulf %mul3A_166, %bitcast3A_163 : vector<16xf32>
      %mul3A_168 = arith.mulf %mul3A_167, %bitcast3A_163 : vector<16xf32>
      %sub3A_169 = arith.constant 1.500000e+00 : f32
      %sub3A_170 = vector.broadcast %sub3A_169 : f32 to vector<16xf32>
      %sub3A_171 = arith.subf %sub3A_170, %mul3A_168 : vector<16xf32>
      %mul3A_172 = arith.mulf %bitcast3A_163, %sub3A_171 : vector<16xf32>
      %mul3A_173 = arith.constant 5.000000e-01 : f32
      %mul3A_174 = vector.broadcast %mul3A_173 : f32 to vector<16xf32>
      %mul3A_175 = arith.mulf %mul3A_174, %add3A_158 : vector<16xf32>
      %mul3A_176 = arith.mulf %mul3A_175, %mul3A_172 : vector<16xf32>
      %mul3A_177 = arith.mulf %mul3A_176, %mul3A_172 : vector<16xf32>
      %sub3A_178 = arith.constant 1.500000e+00 : f32
      %sub3A_179 = vector.broadcast %sub3A_178 : f32 to vector<16xf32>
      %sub3A_180 = arith.subf %sub3A_179, %mul3A_177 : vector<16xf32>
      %mul3A_181 = arith.mulf %mul3A_172, %sub3A_180 : vector<16xf32>
      %mul3A_182 = arith.constant 5.000000e-01 : f32
      %mul3A_183 = vector.broadcast %mul3A_182 : f32 to vector<16xf32>
      %mul3A_184 = arith.mulf %mul3A_183, %add3A_158 : vector<16xf32>
      %mul3A_185 = arith.mulf %mul3A_184, %mul3A_181 : vector<16xf32>
      %mul3A_186 = arith.mulf %mul3A_185, %mul3A_181 : vector<16xf32>
      %sub3A_187 = arith.constant 1.500000e+00 : f32
      %sub3A_188 = vector.broadcast %sub3A_187 : f32 to vector<16xf32>
      %sub3A_189 = arith.subf %sub3A_188, %mul3A_186 : vector<16xf32>
      %mul3A_190 = arith.mulf %mul3A_181, %sub3A_189 : vector<16xf32>
      %get3A_191 = arith.index_cast %add3A_148 : i32 to index
      %get3A_192 = arith.constant 0 : index
      %get3A_193 = tpu.vector_load %arg18[%get3A_191, %get3A_192] {strides = array<i32>} : memref<625x16xf32, #tpu.memory_space<vmem>>, vector<16xf32>,
      %mul3A_194 = arith.mulf %mul3A_190, %get3A_193 : vector<16xf32>
      %get3A_195 = arith.index_cast %add3A_148 : i32 to index
      %get3A_196 = arith.constant 0 : index
      %get3A_197 = tpu.vector_load %arg19[%get3A_195, %get3A_196] {strides = array<i32>} : memref<625x16xf32, #tpu.memory_space<vmem>>, vector<16xf32>,
      %get3A_198 = arith.index_cast %add3A_148 : i32 to index
      %get3A_199 = arith.constant 0 : index
      %get3A_200 = tpu.vector_load %arg20[%get3A_198, %get3A_199] {strides = array<i32>} : memref<625x16xf32, #tpu.memory_space<vmem>>, vector<16xf32>,
      %add3A_201 = arith.addf %get3A_197, %get3A_200 : vector<16xf32>
      %add3A_202 = arith.addf %add3A_201, %mul3A_194 : vector<16xf32>
      %mul3A_203 = arith.mulf %mul3A_190, %add3A_202 : vector<16xf32>
      %add3A_204 = arith.addf %mul3A_203, %get3A_12 : vector<16xf32>
      %max3A = arith.constant 0.000000e+00 : f32
      %max3A_205 = vector.broadcast %max3A : f32 to vector<16xf32>
      %max3A_206 = arith.maximumf %add3A_204, %max3A_205 : vector<16xf32>
      %mul3A_207 = arith.mulf %mul3A_190, %max3A_206 : vector<16xf32>
      %swap3A = arith.index_cast %add3A_148 : i32 to index
      %swap3A_208 = arith.constant 0 : index
      %swap3A_209 = tpu.vector_load %arg18[%swap3A, %swap3A_208] {strides = array<i32>} : memref<625x16xf32, #tpu.memory_space<vmem>>, vector<16xf32>,
      tpu.vector_store %arg18[%swap3A, %swap3A_208], %mul3A_207 {strides = array<i32>} : memref<625x16xf32, #tpu.memory_space<vmem>>, vector<16xf32>,
      %mul3A_210 = arith.constant 5.000000e-01 : f32
      %mul3A_211 = vector.broadcast %mul3A_210 : f32 to vector<16xf32>
      %mul3A_212 = arith.mulf %mul3A_211, %mul3A_207 : vector<16xf32>
      %swap3A_213 = arith.index_cast %add3A_148 : i32 to index
      %swap3A_214 = arith.constant 0 : index
      %swap3A_215 = tpu.vector_load %arg20[%swap3A_213, %swap3A_214] {strides = array<i32>} : memref<625x16xf32, #tpu.memory_space<vmem>>, vector<16xf32>,
      tpu.vector_store %arg20[%swap3A_213, %swap3A_214], %mul3A_212 {strides = array<i32>} : memref<625x16xf32, #tpu.memory_space<vmem>>, vector<16xf32>,
      %add3A_216 = arith.constant 1 : i32
      %add3A_217 = arith.addi %add3A_146, %add3A_216 : i32
      %get3A_218 = arith.index_cast %add3A_217 : i32 to index
      %get3A_219 = arith.constant 0 : index
      %get3A_220 = tpu.vector_load %arg16[%get3A_218, %get3A_219] {strides = array<i32>} : memref<625x16xf32, #tpu.memory_space<vmem>>, vector<16xf32>,
      %get3A_221 = arith.index_cast %add3A_217 : i32 to index
      %get3A_222 = arith.constant 0 : index
      %get3A_223 = tpu.vector_load %arg17[%get3A_221, %get3A_222] {strides = array<i32>} : memref<625x16xf32, #tpu.memory_space<vmem>>, vector<16xf32>,
      %add3A_224 = arith.addf %get3A_220, %get3A_223 : vector<16xf32>
      %add3A_225 = arith.constant 1.000000e+00 : f32
      %add3A_226 = vector.broadcast %add3A_225 : f32 to vector<16xf32>
      %add3A_227 = arith.addf %add3A_224, %add3A_226 : vector<16xf32>
      %bitcast3A_228 = vector.bitcast %add3A_227 : vector<16xf32> to vector<16xi32>
      %shift_right_logical3A_229 = arith.constant 1 : i32
      %shift_right_logical3A_230 = vector.broadcast %shift_right_logical3A_229 : i32 to vector<16xi32>
      %shift_right_logical3A_231 = arith.shrui %bitcast3A_228, %shift_right_logical3A_230 : vector<16xi32>
      %sub3A_232 = arith.constant 1597463007 : i32
      %sub3A_233 = vector.broadcast %sub3A_232 : i32 to vector<16xi32>
      %sub3A_234 = arith.subi %sub3A_233, %shift_right_logical3A_231 : vector<16xi32>
      %bitcast3A_235 = vector.bitcast %sub3A_234 : vector<16xi32> to vector<16xf32>
      %mul3A_236 = arith.constant 5.000000e-01 : f32
      %mul3A_237 = vector.broadcast %mul3A_236 : f32 to vector<16xf32>
      %mul3A_238 = arith.mulf %mul3A_237, %add3A_227 : vector<16xf32>
      %mul3A_239 = arith.mulf %mul3A_238, %bitcast3A_235 : vector<16xf32>
      %mul3A_240 = arith.mulf %mul3A_239, %bitcast3A_235 : vector<16xf32>
      %sub3A_241 = arith.constant 1.500000e+00 : f32
      %sub3A_242 = vector.broadcast %sub3A_241 : f32 to vector<16xf32>
      %sub3A_243 = arith.subf %sub3A_242, %mul3A_240 : vector<16xf32>
      %mul3A_244 = arith.mulf %bitcast3A_235, %sub3A_243 : vector<16xf32>
      %mul3A_245 = arith.constant 5.000000e-01 : f32
      %mul3A_246 = vector.broadcast %mul3A_245 : f32 to vector<16xf32>
      %mul3A_247 = arith.mulf %mul3A_246, %add3A_227 : vector<16xf32>
      %mul3A_248 = arith.mulf %mul3A_247, %mul3A_244 : vector<16xf32>
      %mul3A_249 = arith.mulf %mul3A_248, %mul3A_244 : vector<16xf32>
      %sub3A_250 = arith.constant 1.500000e+00 : f32
      %sub3A_251 = vector.broadcast %sub3A_250 : f32 to vector<16xf32>
      %sub3A_252 = arith.subf %sub3A_251, %mul3A_249 : vector<16xf32>
      %mul3A_253 = arith.mulf %mul3A_244, %sub3A_252 : vector<16xf32>
      %mul3A_254 = arith.constant 5.000000e-01 : f32
      %mul3A_255 = vector.broadcast %mul3A_254 : f32 to vector<16xf32>
      %mul3A_256 = arith.mulf %mul3A_255, %add3A_227 : vector<16xf32>
      %mul3A_257 = arith.mulf %mul3A_256, %mul3A_253 : vector<16xf32>
      %mul3A_258 = arith.mulf %mul3A_257, %mul3A_253 : vector<16xf32>
      %sub3A_259 = arith.constant 1.500000e+00 : f32
      %sub3A_260 = vector.broadcast %sub3A_259 : f32 to vector<16xf32>
      %sub3A_261 = arith.subf %sub3A_260, %mul3A_258 : vector<16xf32>
      %mul3A_262 = arith.mulf %mul3A_253, %sub3A_261 : vector<16xf32>
      %get3A_263 = arith.index_cast %add3A_217 : i32 to index
      %get3A_264 = arith.constant 0 : index
      %get3A_265 = tpu.vector_load %arg18[%get3A_263, %get3A_264] {strides = array<i32>} : memref<625x16xf32, #tpu.memory_space<vmem>>, vector<16xf32>,
      %mul3A_266 = arith.mulf %mul3A_262, %get3A_265 : vector<16xf32>
      %get3A_267 = arith.index_cast %add3A_217 : i32 to index
      %get3A_268 = arith.constant 0 : index
      %get3A_269 = tpu.vector_load %arg19[%get3A_267, %get3A_268] {strides = array<i32>} : memref<625x16xf32, #tpu.memory_space<vmem>>, vector<16xf32>,
      %get3A_270 = arith.index_cast %add3A_217 : i32 to index
      %get3A_271 = arith.constant 0 : index
      %get3A_272 = tpu.vector_load %arg20[%get3A_270, %get3A_271] {strides = array<i32>} : memref<625x16xf32, #tpu.memory_space<vmem>>, vector<16xf32>,
      %add3A_273 = arith.addf %get3A_269, %get3A_272 : vector<16xf32>
      %add3A_274 = arith.addf %add3A_273, %mul3A_266 : vector<16xf32>
      %mul3A_275 = arith.mulf %mul3A_262, %add3A_274 : vector<16xf32>
      %add3A_276 = arith.addf %mul3A_275, %get3A_12 : vector<16xf32>
      %max3A_277 = arith.constant 0.000000e+00 : f32
      %max3A_278 = vector.broadcast %max3A_277 : f32 to vector<16xf32>
      %max3A_279 = arith.maximumf %add3A_276, %max3A_278 : vector<16xf32>
      %mul3A_280 = arith.mulf %mul3A_262, %max3A_279 : vector<16xf32>
      %swap3A_281 = arith.index_cast %add3A_217 : i32 to index
      %swap3A_282 = arith.constant 0 : index
      %swap3A_283 = tpu.vector_load %arg18[%swap3A_281, %swap3A_282] {strides = array<i32>} : memref<625x16xf32, #tpu.memory_space<vmem>>, vector<16xf32>,
      tpu.vector_store %arg18[%swap3A_281, %swap3A_282], %mul3A_280 {strides = array<i32>} : memref<625x16xf32, #tpu.memory_space<vmem>>, vector<16xf32>,
      %mul3A_284 = arith.constant 5.000000e-01 : f32
      %mul3A_285 = vector.broadcast %mul3A_284 : f32 to vector<16xf32>
      %mul3A_286 = arith.mulf %mul3A_285, %mul3A_280 : vector<16xf32>
      %swap3A_287 = arith.index_cast %add3A_217 : i32 to index
      %swap3A_288 = arith.constant 0 : index
      %swap3A_289 = tpu.vector_load %arg20[%swap3A_287, %swap3A_288] {strides = array<i32>} : memref<625x16xf32, #tpu.memory_space<vmem>>, vector<16xf32>,
      tpu.vector_store %arg20[%swap3A_287, %swap3A_288], %mul3A_286 {strides = array<i32>} : memref<625x16xf32, #tpu.memory_space<vmem>>, vector<16xf32>,
      %add3A_290 = arith.constant 2 : i32
      %add3A_291 = arith.addi %add3A_146, %add3A_290 : i32
      %get3A_292 = arith.index_cast %add3A_291 : i32 to index
      %get3A_293 = arith.constant 0 : index
      %get3A_294 = tpu.vector_load %arg16[%get3A_292, %get3A_293] {strides = array<i32>} : memref<625x16xf32, #tpu.memory_space<vmem>>, vector<16xf32>,
      %get3A_295 = arith.index_cast %add3A_291 : i32 to index
      %get3A_296 = arith.constant 0 : index
      %get3A_297 = tpu.vector_load %arg17[%get3A_295, %get3A_296] {strides = array<i32>} : memref<625x16xf32, #tpu.memory_space<vmem>>, vector<16xf32>,
      %add3A_298 = arith.addf %get3A_294, %get3A_297 : vector<16xf32>
      %add3A_299 = arith.constant 1.000000e+00 : f32
      %add3A_300 = vector.broadcast %add3A_299 : f32 to vector<16xf32>
      %add3A_301 = arith.addf %add3A_298, %add3A_300 : vector<16xf32>
      %bitcast3A_302 = vector.bitcast %add3A_301 : vector<16xf32> to vector<16xi32>
      %shift_right_logical3A_303 = arith.constant 1 : i32
      %shift_right_logical3A_304 = vector.broadcast %shift_right_logical3A_303 : i32 to vector<16xi32>
      %shift_right_logical3A_305 = arith.shrui %bitcast3A_302, %shift_right_logical3A_304 : vector<16xi32>
      %sub3A_306 = arith.constant 1597463007 : i32
      %sub3A_307 = vector.broadcast %sub3A_306 : i32 to vector<16xi32>
      %sub3A_308 = arith.subi %sub3A_307, %shift_right_logical3A_305 : vector<16xi32>
      %bitcast3A_309 = vector.bitcast %sub3A_308 : vector<16xi32> to vector<16xf32>
      %mul3A_310 = arith.constant 5.000000e-01 : f32
      %mul3A_311 = vector.broadcast %mul3A_310 : f32 to vector<16xf32>
      %mul3A_312 = arith.mulf %mul3A_311, %add3A_301 : vector<16xf32>
      %mul3A_313 = arith.mulf %mul3A_312, %bitcast3A_309 : vector<16xf32>
      %mul3A_314 = arith.mulf %mul3A_313, %bitcast3A_309 : vector<16xf32>
      %sub3A_315 = arith.constant 1.500000e+00 : f32
      %sub3A_316 = vector.broadcast %sub3A_315 : f32 to vector<16xf32>
      %sub3A_317 = arith.subf %sub3A_316, %mul3A_314 : vector<16xf32>
      %mul3A_318 = arith.mulf %bitcast3A_309, %sub3A_317 : vector<16xf32>
      %mul3A_319 = arith.constant 5.000000e-01 : f32
      %mul3A_320 = vector.broadcast %mul3A_319 : f32 to vector<16xf32>
      %mul3A_321 = arith.mulf %mul3A_320, %add3A_301 : vector<16xf32>
      %mul3A_322 = arith.mulf %mul3A_321, %mul3A_318 : vector<16xf32>
      %mul3A_323 = arith.mulf %mul3A_322, %mul3A_318 : vector<16xf32>
      %sub3A_324 = arith.constant 1.500000e+00 : f32
      %sub3A_325 = vector.broadcast %sub3A_324 : f32 to vector<16xf32>
      %sub3A_326 = arith.subf %sub3A_325, %mul3A_323 : vector<16xf32>
      %mul3A_327 = arith.mulf %mul3A_318, %sub3A_326 : vector<16xf32>
      %mul3A_328 = arith.constant 5.000000e-01 : f32
      %mul3A_329 = vector.broadcast %mul3A_328 : f32 to vector<16xf32>
      %mul3A_330 = arith.mulf %mul3A_329, %add3A_301 : vector<16xf32>
      %mul3A_331 = arith.mulf %mul3A_330, %mul3A_327 : vector<16xf32>
      %mul3A_332 = arith.mulf %mul3A_331, %mul3A_327 : vector<16xf32>
      %sub3A_333 = arith.constant 1.500000e+00 : f32
      %sub3A_334 = vector.broadcast %sub3A_333 : f32 to vector<16xf32>
      %sub3A_335 = arith.subf %sub3A_334, %mul3A_332 : vector<16xf32>
      %mul3A_336 = arith.mulf %mul3A_327, %sub3A_335 : vector<16xf32>
      %get3A_337 = arith.index_cast %add3A_291 : i32 to index
      %get3A_338 = arith.constant 0 : index
      %get3A_339 = tpu.vector_load %arg18[%get3A_337, %get3A_338] {strides = array<i32>} : memref<625x16xf32, #tpu.memory_space<vmem>>, vector<16xf32>,
      %mul3A_340 = arith.mulf %mul3A_336, %get3A_339 : vector<16xf32>
      %get3A_341 = arith.index_cast %add3A_291 : i32 to index
      %get3A_342 = arith.constant 0 : index
      %get3A_343 = tpu.vector_load %arg19[%get3A_341, %get3A_342] {strides = array<i32>} : memref<625x16xf32, #tpu.memory_space<vmem>>, vector<16xf32>,
      %get3A_344 = arith.index_cast %add3A_291 : i32 to index
      %get3A_345 = arith.constant 0 : index
      %get3A_346 = tpu.vector_load %arg20[%get3A_344, %get3A_345] {strides = array<i32>} : memref<625x16xf32, #tpu.memory_space<vmem>>, vector<16xf32>,
      %add3A_347 = arith.addf %get3A_343, %get3A_346 : vector<16xf32>
      %add3A_348 = arith.addf %add3A_347, %mul3A_340 : vector<16xf32>
      %mul3A_349 = arith.mulf %mul3A_336, %add3A_348 : vector<16xf32>
      %add3A_350 = arith.addf %mul3A_349, %get3A_12 : vector<16xf32>
      %max3A_351 = arith.constant 0.000000e+00 : f32
      %max3A_352 = vector.broadcast %max3A_351 : f32 to vector<16xf32>
      %max3A_353 = arith.maximumf %add3A_350, %max3A_352 : vector<16xf32>
      %mul3A_354 = arith.mulf %mul3A_336, %max3A_353 : vector<16xf32>
      %swap3A_355 = arith.index_cast %add3A_291 : i32 to index
      %swap3A_356 = arith.constant 0 : index
      %swap3A_357 = tpu.vector_load %arg18[%swap3A_355, %swap3A_356] {strides = array<i32>} : memref<625x16xf32, #tpu.memory_space<vmem>>, vector<16xf32>,
      tpu.vector_store %arg18[%swap3A_355, %swap3A_356], %mul3A_354 {strides = array<i32>} : memref<625x16xf32, #tpu.memory_space<vmem>>, vector<16xf32>,
      %mul3A_358 = arith.constant 5.000000e-01 : f32
      %mul3A_359 = vector.broadcast %mul3A_358 : f32 to vector<16xf32>
      %mul3A_360 = arith.mulf %mul3A_359, %mul3A_354 : vector<16xf32>
      %swap3A_361 = arith.index_cast %add3A_291 : i32 to index
      %swap3A_362 = arith.constant 0 : index
      %swap3A_363 = tpu.vector_load %arg20[%swap3A_361, %swap3A_362] {strides = array<i32>} : memref<625x16xf32, #tpu.memory_space<vmem>>, vector<16xf32>,
      tpu.vector_store %arg20[%swap3A_361, %swap3A_362], %mul3A_360 {strides = array<i32>} : memref<625x16xf32, #tpu.memory_space<vmem>>, vector<16xf32>,
      %add3A_364 = arith.constant 3 : i32
      %add3A_365 = arith.addi %add3A_146, %add3A_364 : i32
      %get3A_366 = arith.index_cast %add3A_365 : i32 to index
      %get3A_367 = arith.constant 0 : index
      %get3A_368 = tpu.vector_load %arg16[%get3A_366, %get3A_367] {strides = array<i32>} : memref<625x16xf32, #tpu.memory_space<vmem>>, vector<16xf32>,
      %get3A_369 = arith.index_cast %add3A_365 : i32 to index
      %get3A_370 = arith.constant 0 : index
      %get3A_371 = tpu.vector_load %arg17[%get3A_369, %get3A_370] {strides = array<i32>} : memref<625x16xf32, #tpu.memory_space<vmem>>, vector<16xf32>,
      %add3A_372 = arith.addf %get3A_368, %get3A_371 : vector<16xf32>
      %add3A_373 = arith.constant 1.000000e+00 : f32
      %add3A_374 = vector.broadcast %add3A_373 : f32 to vector<16xf32>
      %add3A_375 = arith.addf %add3A_372, %add3A_374 : vector<16xf32>
      %bitcast3A_376 = vector.bitcast %add3A_375 : vector<16xf32> to vector<16xi32>
      %shift_right_logical3A_377 = arith.constant 1 : i32
      %shift_right_logical3A_378 = vector.broadcast %shift_right_logical3A_377 : i32 to vector<16xi32>
      %shift_right_logical3A_379 = arith.shrui %bitcast3A_376, %shift_right_logical3A_378 : vector<16xi32>
      %sub3A_380 = arith.constant 1597463007 : i32
      %sub3A_381 = vector.broadcast %sub3A_380 : i32 to vector<16xi32>
      %sub3A_382 = arith.subi %sub3A_381, %shift_right_logical3A_379 : vector<16xi32>
      %bitcast3A_383 = vector.bitcast %sub3A_382 : vector<16xi32> to vector<16xf32>
      %mul3A_384 = arith.constant 5.000000e-01 : f32
      %mul3A_385 = vector.broadcast %mul3A_384 : f32 to vector<16xf32>
      %mul3A_386 = arith.mulf %mul3A_385, %add3A_375 : vector<16xf32>
      %mul3A_387 = arith.mulf %mul3A_386, %bitcast3A_383 : vector<16xf32>
      %mul3A_388 = arith.mulf %mul3A_387, %bitcast3A_383 : vector<16xf32>
      %sub3A_389 = arith.constant 1.500000e+00 : f32
      %sub3A_390 = vector.broadcast %sub3A_389 : f32 to vector<16xf32>
      %sub3A_391 = arith.subf %sub3A_390, %mul3A_388 : vector<16xf32>
      %mul3A_392 = arith.mulf %bitcast3A_383, %sub3A_391 : vector<16xf32>
      %mul3A_393 = arith.constant 5.000000e-01 : f32
      %mul3A_394 = vector.broadcast %mul3A_393 : f32 to vector<16xf32>
      %mul3A_395 = arith.mulf %mul3A_394, %add3A_375 : vector<16xf32>
      %mul3A_396 = arith.mulf %mul3A_395, %mul3A_392 : vector<16xf32>
      %mul3A_397 = arith.mulf %mul3A_396, %mul3A_392 : vector<16xf32>
      %sub3A_398 = arith.constant 1.500000e+00 : f32
      %sub3A_399 = vector.broadcast %sub3A_398 : f32 to vector<16xf32>
      %sub3A_400 = arith.subf %sub3A_399, %mul3A_397 : vector<16xf32>
      %mul3A_401 = arith.mulf %mul3A_392, %sub3A_400 : vector<16xf32>
      %mul3A_402 = arith.constant 5.000000e-01 : f32
      %mul3A_403 = vector.broadcast %mul3A_402 : f32 to vector<16xf32>
      %mul3A_404 = arith.mulf %mul3A_403, %add3A_375 : vector<16xf32>
      %mul3A_405 = arith.mulf %mul3A_404, %mul3A_401 : vector<16xf32>
      %mul3A_406 = arith.mulf %mul3A_405, %mul3A_401 : vector<16xf32>
      %sub3A_407 = arith.constant 1.500000e+00 : f32
      %sub3A_408 = vector.broadcast %sub3A_407 : f32 to vector<16xf32>
      %sub3A_409 = arith.subf %sub3A_408, %mul3A_406 : vector<16xf32>
      %mul3A_410 = arith.mulf %mul3A_401, %sub3A_409 : vector<16xf32>
      %get3A_411 = arith.index_cast %add3A_365 : i32 to index
      %get3A_412 = arith.constant 0 : index
      %get3A_413 = tpu.vector_load %arg18[%get3A_411, %get3A_412] {strides = array<i32>} : memref<625x16xf32, #tpu.memory_space<vmem>>, vector<16xf32>,
      %mul3A_414 = arith.mulf %mul3A_410, %get3A_413 : vector<16xf32>
      %get3A_415 = arith.index_cast %add3A_365 : i32 to index
      %get3A_416 = arith.constant 0 : index
      %get3A_417 = tpu.vector_load %arg19[%get3A_415, %get3A_416] {strides = array<i32>} : memref<625x16xf32, #tpu.memory_space<vmem>>, vector<16xf32>,
      %get3A_418 = arith.index_cast %add3A_365 : i32 to index
      %get3A_419 = arith.constant 0 : index
      %get3A_420 = tpu.vector_load %arg20[%get3A_418, %get3A_419] {strides = array<i32>} : memref<625x16xf32, #tpu.memory_space<vmem>>, vector<16xf32>,
      %add3A_421 = arith.addf %get3A_417, %get3A_420 : vector<16xf32>
      %add3A_422 = arith.addf %add3A_421, %mul3A_414 : vector<16xf32>
      %mul3A_423 = arith.mulf %mul3A_410, %add3A_422 : vector<16xf32>
      %add3A_424 = arith.addf %mul3A_423, %get3A_12 : vector<16xf32>
      %max3A_425 = arith.constant 0.000000e+00 : f32
      %max3A_426 = vector.broadcast %max3A_425 : f32 to vector<16xf32>
      %max3A_427 = arith.maximumf %add3A_424, %max3A_426 : vector<16xf32>
      %mul3A_428 = arith.mulf %mul3A_410, %max3A_427 : vector<16xf32>
      %swap3A_429 = arith.index_cast %add3A_365 : i32 to index
      %swap3A_430 = arith.constant 0 : index
      %swap3A_431 = tpu.vector_load %arg18[%swap3A_429, %swap3A_430] {strides = array<i32>} : memref<625x16xf32, #tpu.memory_space<vmem>>, vector<16xf32>,
      tpu.vector_store %arg18[%swap3A_429, %swap3A_430], %mul3A_428 {strides = array<i32>} : memref<625x16xf32, #tpu.memory_space<vmem>>, vector<16xf32>,
      %mul3A_432 = arith.constant 5.000000e-01 : f32
      %mul3A_433 = vector.broadcast %mul3A_432 : f32 to vector<16xf32>
      %mul3A_434 = arith.mulf %mul3A_433, %mul3A_428 : vector<16xf32>
      %swap3A_435 = arith.index_cast %add3A_365 : i32 to index
      %swap3A_436 = arith.constant 0 : index
      %swap3A_437 = tpu.vector_load %arg20[%swap3A_435, %swap3A_436] {strides = array<i32>} : memref<625x16xf32, #tpu.memory_space<vmem>>, vector<16xf32>,
      tpu.vector_store %arg20[%swap3A_435, %swap3A_436], %mul3A_434 {strides = array<i32>} : memref<625x16xf32, #tpu.memory_space<vmem>>, vector<16xf32>,
      %add3A_438 = arith.constant 4 : i32
      %add3A_439 = arith.addi %add3A_146, %add3A_438 : i32
      %get3A_440 = arith.index_cast %add3A_439 : i32 to index
      %get3A_441 = arith.constant 0 : index
      %get3A_442 = tpu.vector_load %arg16[%get3A_440, %get3A_441] {strides = array<i32>} : memref<625x16xf32, #tpu.memory_space<vmem>>, vector<16xf32>,
      %get3A_443 = arith.index_cast %add3A_439 : i32 to index
      %get3A_444 = arith.constant 0 : index
      %get3A_445 = tpu.vector_load %arg17[%get3A_443, %get3A_444] {strides = array<i32>} : memref<625x16xf32, #tpu.memory_space<vmem>>, vector<16xf32>,
      %add3A_446 = arith.addf %get3A_442, %get3A_445 : vector<16xf32>
      %add3A_447 = arith.constant 1.000000e+00 : f32
      %add3A_448 = vector.broadcast %add3A_447 : f32 to vector<16xf32>
      %add3A_449 = arith.addf %add3A_446, %add3A_448 : vector<16xf32>
      %bitcast3A_450 = vector.bitcast %add3A_449 : vector<16xf32> to vector<16xi32>
      %shift_right_logical3A_451 = arith.constant 1 : i32
      %shift_right_logical3A_452 = vector.broadcast %shift_right_logical3A_451 : i32 to vector<16xi32>
      %shift_right_logical3A_453 = arith.shrui %bitcast3A_450, %shift_right_logical3A_452 : vector<16xi32>
      %sub3A_454 = arith.constant 1597463007 : i32
      %sub3A_455 = vector.broadcast %sub3A_454 : i32 to vector<16xi32>
      %sub3A_456 = arith.subi %sub3A_455, %shift_right_logical3A_453 : vector<16xi32>
      %bitcast3A_457 = vector.bitcast %sub3A_456 : vector<16xi32> to vector<16xf32>
      %mul3A_458 = arith.constant 5.000000e-01 : f32
      %mul3A_459 = vector.broadcast %mul3A_458 : f32 to vector<16xf32>
      %mul3A_460 = arith.mulf %mul3A_459, %add3A_449 : vector<16xf32>
      %mul3A_461 = arith.mulf %mul3A_460, %bitcast3A_457 : vector<16xf32>
      %mul3A_462 = arith.mulf %mul3A_461, %bitcast3A_457 : vector<16xf32>
      %sub3A_463 = arith.constant 1.500000e+00 : f32
      %sub3A_464 = vector.broadcast %sub3A_463 : f32 to vector<16xf32>
      %sub3A_465 = arith.subf %sub3A_464, %mul3A_462 : vector<16xf32>
      %mul3A_466 = arith.mulf %bitcast3A_457, %sub3A_465 : vector<16xf32>
      %mul3A_467 = arith.constant 5.000000e-01 : f32
      %mul3A_468 = vector.broadcast %mul3A_467 : f32 to vector<16xf32>
      %mul3A_469 = arith.mulf %mul3A_468, %add3A_449 : vector<16xf32>
      %mul3A_470 = arith.mulf %mul3A_469, %mul3A_466 : vector<16xf32>
      %mul3A_471 = arith.mulf %mul3A_470, %mul3A_466 : vector<16xf32>
      %sub3A_472 = arith.constant 1.500000e+00 : f32
      %sub3A_473 = vector.broadcast %sub3A_472 : f32 to vector<16xf32>
      %sub3A_474 = arith.subf %sub3A_473, %mul3A_471 : vector<16xf32>
      %mul3A_475 = arith.mulf %mul3A_466, %sub3A_474 : vector<16xf32>
      %mul3A_476 = arith.constant 5.000000e-01 : f32
      %mul3A_477 = vector.broadcast %mul3A_476 : f32 to vector<16xf32>
      %mul3A_478 = arith.mulf %mul3A_477, %add3A_449 : vector<16xf32>
      %mul3A_479 = arith.mulf %mul3A_478, %mul3A_475 : vector<16xf32>
      %mul3A_480 = arith.mulf %mul3A_479, %mul3A_475 : vector<16xf32>
      %sub3A_481 = arith.constant 1.500000e+00 : f32
      %sub3A_482 = vector.broadcast %sub3A_481 : f32 to vector<16xf32>
      %sub3A_483 = arith.subf %sub3A_482, %mul3A_480 : vector<16xf32>
      %mul3A_484 = arith.mulf %mul3A_475, %sub3A_483 : vector<16xf32>
      %get3A_485 = arith.index_cast %add3A_439 : i32 to index
      %get3A_486 = arith.constant 0 : index
      %get3A_487 = tpu.vector_load %arg18[%get3A_485, %get3A_486] {strides = array<i32>} : memref<625x16xf32, #tpu.memory_space<vmem>>, vector<16xf32>,
      %mul3A_488 = arith.mulf %mul3A_484, %get3A_487 : vector<16xf32>
      %get3A_489 = arith.index_cast %add3A_439 : i32 to index
      %get3A_490 = arith.constant 0 : index
      %get3A_491 = tpu.vector_load %arg19[%get3A_489, %get3A_490] {strides = array<i32>} : memref<625x16xf32, #tpu.memory_space<vmem>>, vector<16xf32>,
      %get3A_492 = arith.index_cast %add3A_439 : i32 to index
      %get3A_493 = arith.constant 0 : index
      %get3A_494 = tpu.vector_load %arg20[%get3A_492, %get3A_493] {strides = array<i32>} : memref<625x16xf32, #tpu.memory_space<vmem>>, vector<16xf32>,
      %add3A_495 = arith.addf %get3A_491, %get3A_494 : vector<16xf32>
      %add3A_496 = arith.addf %add3A_495, %mul3A_488 : vector<16xf32>
      %mul3A_497 = arith.mulf %mul3A_484, %add3A_496 : vector<16xf32>
      %add3A_498 = arith.addf %mul3A_497, %get3A_12 : vector<16xf32>
      %max3A_499 = arith.constant 0.000000e+00 : f32
      %max3A_500 = vector.broadcast %max3A_499 : f32 to vector<16xf32>
      %max3A_501 = arith.maximumf %add3A_498, %max3A_500 : vector<16xf32>
      %mul3A_502 = arith.mulf %mul3A_484, %max3A_501 : vector<16xf32>
      %swap3A_503 = arith.index_cast %add3A_439 : i32 to index
      %swap3A_504 = arith.constant 0 : index
      %swap3A_505 = tpu.vector_load %arg18[%swap3A_503, %swap3A_504] {strides = array<i32>} : memref<625x16xf32, #tpu.memory_space<vmem>>, vector<16xf32>,
      tpu.vector_store %arg18[%swap3A_503, %swap3A_504], %mul3A_502 {strides = array<i32>} : memref<625x16xf32, #tpu.memory_space<vmem>>, vector<16xf32>,
      %mul3A_506 = arith.constant 5.000000e-01 : f32
      %mul3A_507 = vector.broadcast %mul3A_506 : f32 to vector<16xf32>
      %mul3A_508 = arith.mulf %mul3A_507, %mul3A_502 : vector<16xf32>
      %swap3A_509 = arith.index_cast %add3A_439 : i32 to index
      %swap3A_510 = arith.constant 0 : index
      %swap3A_511 = tpu.vector_load %arg20[%swap3A_509, %swap3A_510] {strides = array<i32>} : memref<625x16xf32, #tpu.memory_space<vmem>>, vector<16xf32>,
      tpu.vector_store %arg20[%swap3A_509, %swap3A_510], %mul3A_508 {strides = array<i32>} : memref<625x16xf32, #tpu.memory_space<vmem>>, vector<16xf32>,
    }
    %scan3A_16 = arith.constant 125 : i32
    "tpu.region"() ({
      %run_scoped3A_142 = tpu.sem_alloc : memref<!tpu.dma_semaphore, #tpu.memory_space<semaphore_mem>>
      %dma_start3A_143 = arith.constant 0 : i32
      %dma_start3A_144 = tpu.memref_slice %arg21[%mul3A_2, %dma_start3A_143] : memref<10000x16xf32, #tpu.memory_space<vmem_shared>> -> memref<625x16xf32, #tpu.memory_space<vmem_shared>>
      %dma_start3A_145 = arith.constant 0 : i32
      %dma_start3A_146 = tpu.memref_slice %arg21[%mul3A_2, %dma_start3A_145] : memref<10000x16xf32, #tpu.memory_space<vmem_shared>> -> memref<625x16xf32, #tpu.memory_space<vmem_shared>>
      tpu.enqueue_dma source(%arg18 : memref<625x16xf32, #tpu.memory_space<vmem>>) target(%dma_start3A_146 : memref<625x16xf32, #tpu.memory_space<vmem_shared>>) target_semaphore(%run_scoped3A_142 : memref<!tpu.dma_semaphore, #tpu.memory_space<semaphore_mem>>)
      %dma_wait3A_147 = arith.constant 0 : i32
      %dma_wait3A_148 = tpu.memref_slice %arg21[%mul3A_2, %dma_wait3A_147] : memref<10000x16xf32, #tpu.memory_space<vmem_shared>> -> memref<625x16xf32, #tpu.memory_space<vmem_shared>>
      %dma_wait3A_149 = arith.constant 0 : i32
      %dma_wait3A_150 = tpu.memref_slice %arg21[%mul3A_2, %dma_wait3A_149] : memref<10000x16xf32, #tpu.memory_space<vmem_shared>> -> memref<625x16xf32, #tpu.memory_space<vmem_shared>>
      tpu.wait_dma2 semaphore(%run_scoped3A_142 : memref<!tpu.dma_semaphore, #tpu.memory_space<semaphore_mem>>) src(%arg18 : memref<625x16xf32, #tpu.memory_space<vmem>>) dst(%dma_wait3A_150 : memref<625x16xf32, #tpu.memory_space<vmem_shared>>)
      tpu.yield
    }) : () -> ()
    "tpu.region"() ({
      %run_scoped3A_142 = tpu.sem_alloc : memref<!tpu.dma_semaphore, #tpu.memory_space<semaphore_mem>>
      %dma_start3A_143 = arith.constant 0 : i32
      %dma_start3A_144 = tpu.memref_slice %arg22[%mul3A_2, %dma_start3A_143] : memref<10000x16xf32, #tpu.memory_space<vmem_shared>> -> memref<625x16xf32, #tpu.memory_space<vmem_shared>>
      %dma_start3A_145 = arith.constant 0 : i32
      %dma_start3A_146 = tpu.memref_slice %arg22[%mul3A_2, %dma_start3A_145] : memref<10000x16xf32, #tpu.memory_space<vmem_shared>> -> memref<625x16xf32, #tpu.memory_space<vmem_shared>>
      tpu.enqueue_dma source(%arg20 : memref<625x16xf32, #tpu.memory_space<vmem>>) target(%dma_start3A_146 : memref<625x16xf32, #tpu.memory_space<vmem_shared>>) target_semaphore(%run_scoped3A_142 : memref<!tpu.dma_semaphore, #tpu.memory_space<semaphore_mem>>)
      %dma_wait3A_147 = arith.constant 0 : i32
      %dma_wait3A_148 = tpu.memref_slice %arg22[%mul3A_2, %dma_wait3A_147] : memref<10000x16xf32, #tpu.memory_space<vmem_shared>> -> memref<625x16xf32, #tpu.memory_space<vmem_shared>>
      %dma_wait3A_149 = arith.constant 0 : i32
      %dma_wait3A_150 = tpu.memref_slice %arg22[%mul3A_2, %dma_wait3A_149] : memref<10000x16xf32, #tpu.memory_space<vmem_shared>> -> memref<625x16xf32, #tpu.memory_space<vmem_shared>>
      tpu.wait_dma2 semaphore(%run_scoped3A_142 : memref<!tpu.dma_semaphore, #tpu.memory_space<semaphore_mem>>) src(%arg20 : memref<625x16xf32, #tpu.memory_space<vmem>>) dst(%dma_wait3A_150 : memref<625x16xf32, #tpu.memory_space<vmem_shared>>)
      tpu.yield
    }) : () -> ()
    %barrier3A = arith.constant 0 : index
    tpu.barrier barrier_id(%barrier3A)
    %dma_start3A = arith.constant 0 : i32
    %dma_start3A_17 = arith.constant 0 : i32
    %dma_start3A_18 = tpu.memref_slice %arg9[%dma_start3A, %dma_start3A_17] : memref<80x125xi32, #tpu.memory_space<vmem>> -> memref<1x125xi32, #tpu.memory_space<vmem>>
    %dma_start3A_19 = tpu.memref_squeeze %dma_start3A_18 : memref<1x125xi32, #tpu.memory_space<vmem>> -> memref<125xi32, #tpu.memory_space<vmem>>
    %dma_start3A_20 = arith.constant 0 : i32
    %dma_start3A_21 = arith.constant 0 : i32
    %dma_start3A_22 = tpu.memref_slice %arg21[%dma_start3A_20, %dma_start3A_21] : memref<10000x16xf32, #tpu.memory_space<vmem_shared>> -> memref<10000x16xf32, #tpu.memory_space<vmem_shared>>
    tpu.enqueue_indirect_dma source(%dma_start3A_22 : memref<10000x16xf32, #tpu.memory_space<vmem_shared>>) target(%arg12 : memref<125x16xf32, #tpu.memory_space<vmem>>) offsets(%dma_start3A_19 : memref<125xi32, #tpu.memory_space<vmem>>) semaphore(%arg23 : memref<!tpu.dma_semaphore, #tpu.memory_space<semaphore_mem>>)
    %dma_start3A_23 = arith.constant 1 : i32
    %dma_start3A_24 = arith.constant 0 : i32
    %dma_start3A_25 = tpu.memref_slice %arg9[%dma_start3A_23, %dma_start3A_24] : memref<80x125xi32, #tpu.memory_space<vmem>> -> memref<1x125xi32, #tpu.memory_space<vmem>>
    %dma_start3A_26 = tpu.memref_squeeze %dma_start3A_25 : memref<1x125xi32, #tpu.memory_space<vmem>> -> memref<125xi32, #tpu.memory_space<vmem>>
    %dma_start3A_27 = arith.constant 0 : i32
    %dma_start3A_28 = arith.constant 0 : i32
    %dma_start3A_29 = tpu.memref_slice %arg21[%dma_start3A_27, %dma_start3A_28] : memref<10000x16xf32, #tpu.memory_space<vmem_shared>> -> memref<10000x16xf32, #tpu.memory_space<vmem_shared>>
    tpu.enqueue_indirect_dma source(%dma_start3A_29 : memref<10000x16xf32, #tpu.memory_space<vmem_shared>>) target(%arg13 : memref<125x16xf32, #tpu.memory_space<vmem>>) offsets(%dma_start3A_26 : memref<125xi32, #tpu.memory_space<vmem>>) semaphore(%arg24 : memref<!tpu.dma_semaphore, #tpu.memory_space<semaphore_mem>>)
    %dma_start3A_30 = arith.constant 2 : i32
    %dma_start3A_31 = arith.constant 0 : i32
    %dma_start3A_32 = tpu.memref_slice %arg9[%dma_start3A_30, %dma_start3A_31] : memref<80x125xi32, #tpu.memory_space<vmem>> -> memref<1x125xi32, #tpu.memory_space<vmem>>
    %dma_start3A_33 = tpu.memref_squeeze %dma_start3A_32 : memref<1x125xi32, #tpu.memory_space<vmem>> -> memref<125xi32, #tpu.memory_space<vmem>>
    %dma_start3A_34 = arith.constant 0 : i32
    %dma_start3A_35 = arith.constant 0 : i32
    %dma_start3A_36 = tpu.memref_slice %arg21[%dma_start3A_34, %dma_start3A_35] : memref<10000x16xf32, #tpu.memory_space<vmem_shared>> -> memref<10000x16xf32, #tpu.memory_space<vmem_shared>>
    tpu.enqueue_indirect_dma source(%dma_start3A_36 : memref<10000x16xf32, #tpu.memory_space<vmem_shared>>) target(%arg14 : memref<125x16xf32, #tpu.memory_space<vmem>>) offsets(%dma_start3A_33 : memref<125xi32, #tpu.memory_space<vmem>>) semaphore(%arg25 : memref<!tpu.dma_semaphore, #tpu.memory_space<semaphore_mem>>)
    %dma_start3A_37 = arith.constant 3 : i32
    %dma_start3A_38 = arith.constant 0 : i32
    %dma_start3A_39 = tpu.memref_slice %arg9[%dma_start3A_37, %dma_start3A_38] : memref<80x125xi32, #tpu.memory_space<vmem>> -> memref<1x125xi32, #tpu.memory_space<vmem>>
    %dma_start3A_40 = tpu.memref_squeeze %dma_start3A_39 : memref<1x125xi32, #tpu.memory_space<vmem>> -> memref<125xi32, #tpu.memory_space<vmem>>
    %dma_start3A_41 = arith.constant 0 : i32
    %dma_start3A_42 = arith.constant 0 : i32
    %dma_start3A_43 = tpu.memref_slice %arg21[%dma_start3A_41, %dma_start3A_42] : memref<10000x16xf32, #tpu.memory_space<vmem_shared>> -> memref<10000x16xf32, #tpu.memory_space<vmem_shared>>
    tpu.enqueue_indirect_dma source(%dma_start3A_43 : memref<10000x16xf32, #tpu.memory_space<vmem_shared>>) target(%arg15 : memref<125x16xf32, #tpu.memory_space<vmem>>) offsets(%dma_start3A_40 : memref<125xi32, #tpu.memory_space<vmem>>) semaphore(%arg26 : memref<!tpu.dma_semaphore, #tpu.memory_space<semaphore_mem>>)
    %scan3A_44 = arith.constant 0 : i32
    %scan3A_45 = arith.constant 19 : i32
    %scan3A_46 = arith.addi %scan3A_44, %scan3A_45 : i32
    %scan3A_47 = arith.constant 1 : i32
    scf.for %scan3A_142 = %scan3A_44 to %scan3A_46 step %scan3A_47  : i32 {
      %mul3A_143 = arith.constant 4 : i32
      %mul3A_144 = arith.muli %scan3A_142, %mul3A_143 : i32
      %add3A_145 = arith.constant 0 : i32
      %add3A_146 = arith.addi %add3A_145, %mul3A_144 : i32
      %add3A_147 = arith.constant 0 : i32
      %add3A_148 = arith.addi %add3A_146, %add3A_147 : i32
      %dma_wait3A_149 = arith.constant 0 : i32
      %dma_wait3A_150 = tpu.memref_slice %arg9[%add3A_148, %dma_wait3A_149] : memref<80x125xi32, #tpu.memory_space<vmem>> -> memref<1x125xi32, #tpu.memory_space<vmem>>
      %dma_wait3A_151 = tpu.memref_squeeze %dma_wait3A_150 : memref<1x125xi32, #tpu.memory_space<vmem>> -> memref<125xi32, #tpu.memory_space<vmem>>
      %dma_wait3A_152 = arith.constant 0 : i32
      %dma_wait3A_153 = arith.constant 0 : i32
      %dma_wait3A_154 = tpu.memref_slice %arg21[%dma_wait3A_152, %dma_wait3A_153] : memref<10000x16xf32, #tpu.memory_space<vmem_shared>> -> memref<10000x16xf32, #tpu.memory_space<vmem_shared>>
      tpu.wait_indirect_dma semaphore(%arg23 : memref<!tpu.dma_semaphore, #tpu.memory_space<semaphore_mem>>) src(%dma_wait3A_154 : memref<10000x16xf32, #tpu.memory_space<vmem_shared>>) dst(%arg12 : memref<125x16xf32, #tpu.memory_space<vmem>>)
      %add3A_155 = arith.constant 0 : i32
      %add3A_156 = arith.addi %add3A_146, %add3A_155 : i32
      %dma_start3A_157 = arith.constant 0 : i32
      %dma_start3A_158 = tpu.memref_slice %arg10[%add3A_156, %dma_start3A_157] : memref<80x125xi32, #tpu.memory_space<vmem>> -> memref<1x125xi32, #tpu.memory_space<vmem>>
      %dma_start3A_159 = tpu.memref_squeeze %dma_start3A_158 : memref<1x125xi32, #tpu.memory_space<vmem>> -> memref<125xi32, #tpu.memory_space<vmem>>
      %dma_start3A_160 = arith.constant 0 : i32
      %dma_start3A_161 = arith.constant 0 : i32
      %dma_start3A_162 = tpu.memref_slice %arg22[%dma_start3A_160, %dma_start3A_161] : memref<10000x16xf32, #tpu.memory_space<vmem_shared>> -> memref<10000x16xf32, #tpu.memory_space<vmem_shared>>
      tpu.enqueue_indirect_dma source(%arg12 : memref<125x16xf32, #tpu.memory_space<vmem>>) target(%dma_start3A_162 : memref<10000x16xf32, #tpu.memory_space<vmem_shared>>) offsets(%dma_start3A_159 : memref<125xi32, #tpu.memory_space<vmem>>) semaphore(%arg27 : memref<!tpu.dma_semaphore, #tpu.memory_space<semaphore_mem>>) {add = true}
      %add3A_163 = arith.constant 1 : i32
      %add3A_164 = arith.addi %add3A_146, %add3A_163 : i32
      %dma_wait3A_165 = arith.constant 0 : i32
      %dma_wait3A_166 = tpu.memref_slice %arg9[%add3A_164, %dma_wait3A_165] : memref<80x125xi32, #tpu.memory_space<vmem>> -> memref<1x125xi32, #tpu.memory_space<vmem>>
      %dma_wait3A_167 = tpu.memref_squeeze %dma_wait3A_166 : memref<1x125xi32, #tpu.memory_space<vmem>> -> memref<125xi32, #tpu.memory_space<vmem>>
      %dma_wait3A_168 = arith.constant 0 : i32
      %dma_wait3A_169 = arith.constant 0 : i32
      %dma_wait3A_170 = tpu.memref_slice %arg21[%dma_wait3A_168, %dma_wait3A_169] : memref<10000x16xf32, #tpu.memory_space<vmem_shared>> -> memref<10000x16xf32, #tpu.memory_space<vmem_shared>>
      tpu.wait_indirect_dma semaphore(%arg24 : memref<!tpu.dma_semaphore, #tpu.memory_space<semaphore_mem>>) src(%dma_wait3A_170 : memref<10000x16xf32, #tpu.memory_space<vmem_shared>>) dst(%arg13 : memref<125x16xf32, #tpu.memory_space<vmem>>)
      %add3A_171 = arith.constant 1 : i32
      %add3A_172 = arith.addi %add3A_146, %add3A_171 : i32
      %dma_start3A_173 = arith.constant 0 : i32
      %dma_start3A_174 = tpu.memref_slice %arg10[%add3A_172, %dma_start3A_173] : memref<80x125xi32, #tpu.memory_space<vmem>> -> memref<1x125xi32, #tpu.memory_space<vmem>>
      %dma_start3A_175 = tpu.memref_squeeze %dma_start3A_174 : memref<1x125xi32, #tpu.memory_space<vmem>> -> memref<125xi32, #tpu.memory_space<vmem>>
      %dma_start3A_176 = arith.constant 0 : i32
      %dma_start3A_177 = arith.constant 0 : i32
      %dma_start3A_178 = tpu.memref_slice %arg22[%dma_start3A_176, %dma_start3A_177] : memref<10000x16xf32, #tpu.memory_space<vmem_shared>> -> memref<10000x16xf32, #tpu.memory_space<vmem_shared>>
      tpu.enqueue_indirect_dma source(%arg13 : memref<125x16xf32, #tpu.memory_space<vmem>>) target(%dma_start3A_178 : memref<10000x16xf32, #tpu.memory_space<vmem_shared>>) offsets(%dma_start3A_175 : memref<125xi32, #tpu.memory_space<vmem>>) semaphore(%arg28 : memref<!tpu.dma_semaphore, #tpu.memory_space<semaphore_mem>>) {add = true}
      %add3A_179 = arith.constant 2 : i32
      %add3A_180 = arith.addi %add3A_146, %add3A_179 : i32
      %dma_wait3A_181 = arith.constant 0 : i32
      %dma_wait3A_182 = tpu.memref_slice %arg9[%add3A_180, %dma_wait3A_181] : memref<80x125xi32, #tpu.memory_space<vmem>> -> memref<1x125xi32, #tpu.memory_space<vmem>>
      %dma_wait3A_183 = tpu.memref_squeeze %dma_wait3A_182 : memref<1x125xi32, #tpu.memory_space<vmem>> -> memref<125xi32, #tpu.memory_space<vmem>>
      %dma_wait3A_184 = arith.constant 0 : i32
      %dma_wait3A_185 = arith.constant 0 : i32
      %dma_wait3A_186 = tpu.memref_slice %arg21[%dma_wait3A_184, %dma_wait3A_185] : memref<10000x16xf32, #tpu.memory_space<vmem_shared>> -> memref<10000x16xf32, #tpu.memory_space<vmem_shared>>
      tpu.wait_indirect_dma semaphore(%arg25 : memref<!tpu.dma_semaphore, #tpu.memory_space<semaphore_mem>>) src(%dma_wait3A_186 : memref<10000x16xf32, #tpu.memory_space<vmem_shared>>) dst(%arg14 : memref<125x16xf32, #tpu.memory_space<vmem>>)
      %add3A_187 = arith.constant 2 : i32
      %add3A_188 = arith.addi %add3A_146, %add3A_187 : i32
      %dma_start3A_189 = arith.constant 0 : i32
      %dma_start3A_190 = tpu.memref_slice %arg10[%add3A_188, %dma_start3A_189] : memref<80x125xi32, #tpu.memory_space<vmem>> -> memref<1x125xi32, #tpu.memory_space<vmem>>
      %dma_start3A_191 = tpu.memref_squeeze %dma_start3A_190 : memref<1x125xi32, #tpu.memory_space<vmem>> -> memref<125xi32, #tpu.memory_space<vmem>>
      %dma_start3A_192 = arith.constant 0 : i32
      %dma_start3A_193 = arith.constant 0 : i32
      %dma_start3A_194 = tpu.memref_slice %arg22[%dma_start3A_192, %dma_start3A_193] : memref<10000x16xf32, #tpu.memory_space<vmem_shared>> -> memref<10000x16xf32, #tpu.memory_space<vmem_shared>>
      tpu.enqueue_indirect_dma source(%arg14 : memref<125x16xf32, #tpu.memory_space<vmem>>) target(%dma_start3A_194 : memref<10000x16xf32, #tpu.memory_space<vmem_shared>>) offsets(%dma_start3A_191 : memref<125xi32, #tpu.memory_space<vmem>>) semaphore(%arg29 : memref<!tpu.dma_semaphore, #tpu.memory_space<semaphore_mem>>) {add = true}
      %add3A_195 = arith.constant 3 : i32
      %add3A_196 = arith.addi %add3A_146, %add3A_195 : i32
      %dma_wait3A_197 = arith.constant 0 : i32
      %dma_wait3A_198 = tpu.memref_slice %arg9[%add3A_196, %dma_wait3A_197] : memref<80x125xi32, #tpu.memory_space<vmem>> -> memref<1x125xi32, #tpu.memory_space<vmem>>
      %dma_wait3A_199 = tpu.memref_squeeze %dma_wait3A_198 : memref<1x125xi32, #tpu.memory_space<vmem>> -> memref<125xi32, #tpu.memory_space<vmem>>
      %dma_wait3A_200 = arith.constant 0 : i32
      %dma_wait3A_201 = arith.constant 0 : i32
      %dma_wait3A_202 = tpu.memref_slice %arg21[%dma_wait3A_200, %dma_wait3A_201] : memref<10000x16xf32, #tpu.memory_space<vmem_shared>> -> memref<10000x16xf32, #tpu.memory_space<vmem_shared>>
      tpu.wait_indirect_dma semaphore(%arg26 : memref<!tpu.dma_semaphore, #tpu.memory_space<semaphore_mem>>) src(%dma_wait3A_202 : memref<10000x16xf32, #tpu.memory_space<vmem_shared>>) dst(%arg15 : memref<125x16xf32, #tpu.memory_space<vmem>>)
      %add3A_203 = arith.constant 3 : i32
      %add3A_204 = arith.addi %add3A_146, %add3A_203 : i32
      %dma_start3A_205 = arith.constant 0 : i32
      %dma_start3A_206 = tpu.memref_slice %arg10[%add3A_204, %dma_start3A_205] : memref<80x125xi32, #tpu.memory_space<vmem>> -> memref<1x125xi32, #tpu.memory_space<vmem>>
      %dma_start3A_207 = tpu.memref_squeeze %dma_start3A_206 : memref<1x125xi32, #tpu.memory_space<vmem>> -> memref<125xi32, #tpu.memory_space<vmem>>
      %dma_start3A_208 = arith.constant 0 : i32
      %dma_start3A_209 = arith.constant 0 : i32
      %dma_start3A_210 = tpu.memref_slice %arg22[%dma_start3A_208, %dma_start3A_209] : memref<10000x16xf32, #tpu.memory_space<vmem_shared>> -> memref<10000x16xf32, #tpu.memory_space<vmem_shared>>
      tpu.enqueue_indirect_dma source(%arg15 : memref<125x16xf32, #tpu.memory_space<vmem>>) target(%dma_start3A_210 : memref<10000x16xf32, #tpu.memory_space<vmem_shared>>) offsets(%dma_start3A_207 : memref<125xi32, #tpu.memory_space<vmem>>) semaphore(%arg30 : memref<!tpu.dma_semaphore, #tpu.memory_space<semaphore_mem>>) {add = true}
      %add3A_211 = arith.constant 0 : i32
      %add3A_212 = arith.addi %add3A_146, %add3A_211 : i32
      %dma_wait3A_213 = arith.constant 0 : i32
      %dma_wait3A_214 = tpu.memref_slice %arg10[%add3A_212, %dma_wait3A_213] : memref<80x125xi32, #tpu.memory_space<vmem>> -> memref<1x125xi32, #tpu.memory_space<vmem>>
      %dma_wait3A_215 = tpu.memref_squeeze %dma_wait3A_214 : memref<1x125xi32, #tpu.memory_space<vmem>> -> memref<125xi32, #tpu.memory_space<vmem>>
      %dma_wait3A_216 = arith.constant 0 : i32
      %dma_wait3A_217 = arith.constant 0 : i32
      %dma_wait3A_218 = tpu.memref_slice %arg22[%dma_wait3A_216, %dma_wait3A_217] : memref<10000x16xf32, #tpu.memory_space<vmem_shared>> -> memref<10000x16xf32, #tpu.memory_space<vmem_shared>>
      tpu.wait_indirect_dma semaphore(%arg27 : memref<!tpu.dma_semaphore, #tpu.memory_space<semaphore_mem>>) src(%arg12 : memref<125x16xf32, #tpu.memory_space<vmem>>) dst(%dma_wait3A_218 : memref<10000x16xf32, #tpu.memory_space<vmem_shared>>)
      %add3A_219 = arith.constant 4 : i32
      %add3A_220 = arith.addi %add3A_146, %add3A_219 : i32
      %add3A_221 = arith.constant 0 : i32
      %add3A_222 = arith.addi %add3A_220, %add3A_221 : i32
      %dma_start3A_223 = arith.constant 0 : i32
      %dma_start3A_224 = tpu.memref_slice %arg9[%add3A_222, %dma_start3A_223] : memref<80x125xi32, #tpu.memory_space<vmem>> -> memref<1x125xi32, #tpu.memory_space<vmem>>
      %dma_start3A_225 = tpu.memref_squeeze %dma_start3A_224 : memref<1x125xi32, #tpu.memory_space<vmem>> -> memref<125xi32, #tpu.memory_space<vmem>>
      %dma_start3A_226 = arith.constant 0 : i32
      %dma_start3A_227 = arith.constant 0 : i32
      %dma_start3A_228 = tpu.memref_slice %arg21[%dma_start3A_226, %dma_start3A_227] : memref<10000x16xf32, #tpu.memory_space<vmem_shared>> -> memref<10000x16xf32, #tpu.memory_space<vmem_shared>>
      tpu.enqueue_indirect_dma source(%dma_start3A_228 : memref<10000x16xf32, #tpu.memory_space<vmem_shared>>) target(%arg12 : memref<125x16xf32, #tpu.memory_space<vmem>>) offsets(%dma_start3A_225 : memref<125xi32, #tpu.memory_space<vmem>>) semaphore(%arg23 : memref<!tpu.dma_semaphore, #tpu.memory_space<semaphore_mem>>)
      %add3A_229 = arith.constant 1 : i32
      %add3A_230 = arith.addi %add3A_146, %add3A_229 : i32
      %dma_wait3A_231 = arith.constant 0 : i32
      %dma_wait3A_232 = tpu.memref_slice %arg10[%add3A_230, %dma_wait3A_231] : memref<80x125xi32, #tpu.memory_space<vmem>> -> memref<1x125xi32, #tpu.memory_space<vmem>>
      %dma_wait3A_233 = tpu.memref_squeeze %dma_wait3A_232 : memref<1x125xi32, #tpu.memory_space<vmem>> -> memref<125xi32, #tpu.memory_space<vmem>>
      %dma_wait3A_234 = arith.constant 0 : i32
      %dma_wait3A_235 = arith.constant 0 : i32
      %dma_wait3A_236 = tpu.memref_slice %arg22[%dma_wait3A_234, %dma_wait3A_235] : memref<10000x16xf32, #tpu.memory_space<vmem_shared>> -> memref<10000x16xf32, #tpu.memory_space<vmem_shared>>
      tpu.wait_indirect_dma semaphore(%arg28 : memref<!tpu.dma_semaphore, #tpu.memory_space<semaphore_mem>>) src(%arg13 : memref<125x16xf32, #tpu.memory_space<vmem>>) dst(%dma_wait3A_236 : memref<10000x16xf32, #tpu.memory_space<vmem_shared>>)
      %add3A_237 = arith.constant 4 : i32
      %add3A_238 = arith.addi %add3A_146, %add3A_237 : i32
      %add3A_239 = arith.constant 1 : i32
      %add3A_240 = arith.addi %add3A_238, %add3A_239 : i32
      %dma_start3A_241 = arith.constant 0 : i32
      %dma_start3A_242 = tpu.memref_slice %arg9[%add3A_240, %dma_start3A_241] : memref<80x125xi32, #tpu.memory_space<vmem>> -> memref<1x125xi32, #tpu.memory_space<vmem>>
      %dma_start3A_243 = tpu.memref_squeeze %dma_start3A_242 : memref<1x125xi32, #tpu.memory_space<vmem>> -> memref<125xi32, #tpu.memory_space<vmem>>
      %dma_start3A_244 = arith.constant 0 : i32
      %dma_start3A_245 = arith.constant 0 : i32
      %dma_start3A_246 = tpu.memref_slice %arg21[%dma_start3A_244, %dma_start3A_245] : memref<10000x16xf32, #tpu.memory_space<vmem_shared>> -> memref<10000x16xf32, #tpu.memory_space<vmem_shared>>
      tpu.enqueue_indirect_dma source(%dma_start3A_246 : memref<10000x16xf32, #tpu.memory_space<vmem_shared>>) target(%arg13 : memref<125x16xf32, #tpu.memory_space<vmem>>) offsets(%dma_start3A_243 : memref<125xi32, #tpu.memory_space<vmem>>) semaphore(%arg24 : memref<!tpu.dma_semaphore, #tpu.memory_space<semaphore_mem>>)
      %add3A_247 = arith.constant 2 : i32
      %add3A_248 = arith.addi %add3A_146, %add3A_247 : i32
      %dma_wait3A_249 = arith.constant 0 : i32
      %dma_wait3A_250 = tpu.memref_slice %arg10[%add3A_248, %dma_wait3A_249] : memref<80x125xi32, #tpu.memory_space<vmem>> -> memref<1x125xi32, #tpu.memory_space<vmem>>
      %dma_wait3A_251 = tpu.memref_squeeze %dma_wait3A_250 : memref<1x125xi32, #tpu.memory_space<vmem>> -> memref<125xi32, #tpu.memory_space<vmem>>
      %dma_wait3A_252 = arith.constant 0 : i32
      %dma_wait3A_253 = arith.constant 0 : i32
      %dma_wait3A_254 = tpu.memref_slice %arg22[%dma_wait3A_252, %dma_wait3A_253] : memref<10000x16xf32, #tpu.memory_space<vmem_shared>> -> memref<10000x16xf32, #tpu.memory_space<vmem_shared>>
      tpu.wait_indirect_dma semaphore(%arg29 : memref<!tpu.dma_semaphore, #tpu.memory_space<semaphore_mem>>) src(%arg14 : memref<125x16xf32, #tpu.memory_space<vmem>>) dst(%dma_wait3A_254 : memref<10000x16xf32, #tpu.memory_space<vmem_shared>>)
      %add3A_255 = arith.constant 4 : i32
      %add3A_256 = arith.addi %add3A_146, %add3A_255 : i32
      %add3A_257 = arith.constant 2 : i32
      %add3A_258 = arith.addi %add3A_256, %add3A_257 : i32
      %dma_start3A_259 = arith.constant 0 : i32
      %dma_start3A_260 = tpu.memref_slice %arg9[%add3A_258, %dma_start3A_259] : memref<80x125xi32, #tpu.memory_space<vmem>> -> memref<1x125xi32, #tpu.memory_space<vmem>>
      %dma_start3A_261 = tpu.memref_squeeze %dma_start3A_260 : memref<1x125xi32, #tpu.memory_space<vmem>> -> memref<125xi32, #tpu.memory_space<vmem>>
      %dma_start3A_262 = arith.constant 0 : i32
      %dma_start3A_263 = arith.constant 0 : i32
      %dma_start3A_264 = tpu.memref_slice %arg21[%dma_start3A_262, %dma_start3A_263] : memref<10000x16xf32, #tpu.memory_space<vmem_shared>> -> memref<10000x16xf32, #tpu.memory_space<vmem_shared>>
      tpu.enqueue_indirect_dma source(%dma_start3A_264 : memref<10000x16xf32, #tpu.memory_space<vmem_shared>>) target(%arg14 : memref<125x16xf32, #tpu.memory_space<vmem>>) offsets(%dma_start3A_261 : memref<125xi32, #tpu.memory_space<vmem>>) semaphore(%arg25 : memref<!tpu.dma_semaphore, #tpu.memory_space<semaphore_mem>>)
      %add3A_265 = arith.constant 3 : i32
      %add3A_266 = arith.addi %add3A_146, %add3A_265 : i32
      %dma_wait3A_267 = arith.constant 0 : i32
      %dma_wait3A_268 = tpu.memref_slice %arg10[%add3A_266, %dma_wait3A_267] : memref<80x125xi32, #tpu.memory_space<vmem>> -> memref<1x125xi32, #tpu.memory_space<vmem>>
      %dma_wait3A_269 = tpu.memref_squeeze %dma_wait3A_268 : memref<1x125xi32, #tpu.memory_space<vmem>> -> memref<125xi32, #tpu.memory_space<vmem>>
      %dma_wait3A_270 = arith.constant 0 : i32
      %dma_wait3A_271 = arith.constant 0 : i32
      %dma_wait3A_272 = tpu.memref_slice %arg22[%dma_wait3A_270, %dma_wait3A_271] : memref<10000x16xf32, #tpu.memory_space<vmem_shared>> -> memref<10000x16xf32, #tpu.memory_space<vmem_shared>>
      tpu.wait_indirect_dma semaphore(%arg30 : memref<!tpu.dma_semaphore, #tpu.memory_space<semaphore_mem>>) src(%arg15 : memref<125x16xf32, #tpu.memory_space<vmem>>) dst(%dma_wait3A_272 : memref<10000x16xf32, #tpu.memory_space<vmem_shared>>)
      %add3A_273 = arith.constant 4 : i32
      %add3A_274 = arith.addi %add3A_146, %add3A_273 : i32
      %add3A_275 = arith.constant 3 : i32
      %add3A_276 = arith.addi %add3A_274, %add3A_275 : i32
      %dma_start3A_277 = arith.constant 0 : i32
      %dma_start3A_278 = tpu.memref_slice %arg9[%add3A_276, %dma_start3A_277] : memref<80x125xi32, #tpu.memory_space<vmem>> -> memref<1x125xi32, #tpu.memory_space<vmem>>
      %dma_start3A_279 = tpu.memref_squeeze %dma_start3A_278 : memref<1x125xi32, #tpu.memory_space<vmem>> -> memref<125xi32, #tpu.memory_space<vmem>>
      %dma_start3A_280 = arith.constant 0 : i32
      %dma_start3A_281 = arith.constant 0 : i32
      %dma_start3A_282 = tpu.memref_slice %arg21[%dma_start3A_280, %dma_start3A_281] : memref<10000x16xf32, #tpu.memory_space<vmem_shared>> -> memref<10000x16xf32, #tpu.memory_space<vmem_shared>>
      tpu.enqueue_indirect_dma source(%dma_start3A_282 : memref<10000x16xf32, #tpu.memory_space<vmem_shared>>) target(%arg15 : memref<125x16xf32, #tpu.memory_space<vmem>>) offsets(%dma_start3A_279 : memref<125xi32, #tpu.memory_space<vmem>>) semaphore(%arg26 : memref<!tpu.dma_semaphore, #tpu.memory_space<semaphore_mem>>)
    }
    %scan3A_48 = arith.constant 19 : i32
    %dma_wait3A = arith.constant 76 : i32
    %dma_wait3A_49 = arith.constant 0 : i32
    %dma_wait3A_50 = tpu.memref_slice %arg9[%dma_wait3A, %dma_wait3A_49] : memref<80x125xi32, #tpu.memory_space<vmem>> -> memref<1x125xi32, #tpu.memory_space<vmem>>
    %dma_wait3A_51 = tpu.memref_squeeze %dma_wait3A_50 : memref<1x125xi32, #tpu.memory_space<vmem>> -> memref<125xi32, #tpu.memory_space<vmem>>
    %dma_wait3A_52 = arith.constant 0 : i32
    %dma_wait3A_53 = arith.constant 0 : i32
    %dma_wait3A_54 = tpu.memref_slice %arg21[%dma_wait3A_52, %dma_wait3A_53] : memref<10000x16xf32, #tpu.memory_space<vmem_shared>> -> memref<10000x16xf32, #tpu.memory_space<vmem_shared>>
    tpu.wait_indirect_dma semaphore(%arg23 : memref<!tpu.dma_semaphore, #tpu.memory_space<semaphore_mem>>) src(%dma_wait3A_54 : memref<10000x16xf32, #tpu.memory_space<vmem_shared>>) dst(%arg12 : memref<125x16xf32, #tpu.memory_space<vmem>>)
    %dma_start3A_55 = arith.constant 76 : i32
    %dma_start3A_56 = arith.constant 0 : i32
    %dma_start3A_57 = tpu.memref_slice %arg10[%dma_start3A_55, %dma_start3A_56] : memref<80x125xi32, #tpu.memory_space<vmem>> -> memref<1x125xi32, #tpu.memory_space<vmem>>
    %dma_start3A_58 = tpu.memref_squeeze %dma_start3A_57 : memref<1x125xi32, #tpu.memory_space<vmem>> -> memref<125xi32, #tpu.memory_space<vmem>>
    %dma_start3A_59 = arith.constant 0 : i32
    %dma_start3A_60 = arith.constant 0 : i32
    %dma_start3A_61 = tpu.memref_slice %arg22[%dma_start3A_59, %dma_start3A_60] : memref<10000x16xf32, #tpu.memory_space<vmem_shared>> -> memref<10000x16xf32, #tpu.memory_space<vmem_shared>>
    tpu.enqueue_indirect_dma source(%arg12 : memref<125x16xf32, #tpu.memory_space<vmem>>) target(%dma_start3A_61 : memref<10000x16xf32, #tpu.memory_space<vmem_shared>>) offsets(%dma_start3A_58 : memref<125xi32, #tpu.memory_space<vmem>>) semaphore(%arg27 : memref<!tpu.dma_semaphore, #tpu.memory_space<semaphore_mem>>) {add = true}
    %dma_wait3A_62 = arith.constant 77 : i32
    %dma_wait3A_63 = arith.constant 0 : i32
    %dma_wait3A_64 = tpu.memref_slice %arg9[%dma_wait3A_62, %dma_wait3A_63] : memref<80x125xi32, #tpu.memory_space<vmem>> -> memref<1x125xi32, #tpu.memory_space<vmem>>
    %dma_wait3A_65 = tpu.memref_squeeze %dma_wait3A_64 : memref<1x125xi32, #tpu.memory_space<vmem>> -> memref<125xi32, #tpu.memory_space<vmem>>
    %dma_wait3A_66 = arith.constant 0 : i32
    %dma_wait3A_67 = arith.constant 0 : i32
    %dma_wait3A_68 = tpu.memref_slice %arg21[%dma_wait3A_66, %dma_wait3A_67] : memref<10000x16xf32, #tpu.memory_space<vmem_shared>> -> memref<10000x16xf32, #tpu.memory_space<vmem_shared>>
    tpu.wait_indirect_dma semaphore(%arg24 : memref<!tpu.dma_semaphore, #tpu.memory_space<semaphore_mem>>) src(%dma_wait3A_68 : memref<10000x16xf32, #tpu.memory_space<vmem_shared>>) dst(%arg13 : memref<125x16xf32, #tpu.memory_space<vmem>>)
    %dma_start3A_69 = arith.constant 77 : i32
    %dma_start3A_70 = arith.constant 0 : i32
    %dma_start3A_71 = tpu.memref_slice %arg10[%dma_start3A_69, %dma_start3A_70] : memref<80x125xi32, #tpu.memory_space<vmem>> -> memref<1x125xi32, #tpu.memory_space<vmem>>
    %dma_start3A_72 = tpu.memref_squeeze %dma_start3A_71 : memref<1x125xi32, #tpu.memory_space<vmem>> -> memref<125xi32, #tpu.memory_space<vmem>>
    %dma_start3A_73 = arith.constant 0 : i32
    %dma_start3A_74 = arith.constant 0 : i32
    %dma_start3A_75 = tpu.memref_slice %arg22[%dma_start3A_73, %dma_start3A_74] : memref<10000x16xf32, #tpu.memory_space<vmem_shared>> -> memref<10000x16xf32, #tpu.memory_space<vmem_shared>>
    tpu.enqueue_indirect_dma source(%arg13 : memref<125x16xf32, #tpu.memory_space<vmem>>) target(%dma_start3A_75 : memref<10000x16xf32, #tpu.memory_space<vmem_shared>>) offsets(%dma_start3A_72 : memref<125xi32, #tpu.memory_space<vmem>>) semaphore(%arg28 : memref<!tpu.dma_semaphore, #tpu.memory_space<semaphore_mem>>) {add = true}
    %dma_wait3A_76 = arith.constant 78 : i32
    %dma_wait3A_77 = arith.constant 0 : i32
    %dma_wait3A_78 = tpu.memref_slice %arg9[%dma_wait3A_76, %dma_wait3A_77] : memref<80x125xi32, #tpu.memory_space<vmem>> -> memref<1x125xi32, #tpu.memory_space<vmem>>
    %dma_wait3A_79 = tpu.memref_squeeze %dma_wait3A_78 : memref<1x125xi32, #tpu.memory_space<vmem>> -> memref<125xi32, #tpu.memory_space<vmem>>
    %dma_wait3A_80 = arith.constant 0 : i32
    %dma_wait3A_81 = arith.constant 0 : i32
    %dma_wait3A_82 = tpu.memref_slice %arg21[%dma_wait3A_80, %dma_wait3A_81] : memref<10000x16xf32, #tpu.memory_space<vmem_shared>> -> memref<10000x16xf32, #tpu.memory_space<vmem_shared>>
    tpu.wait_indirect_dma semaphore(%arg25 : memref<!tpu.dma_semaphore, #tpu.memory_space<semaphore_mem>>) src(%dma_wait3A_82 : memref<10000x16xf32, #tpu.memory_space<vmem_shared>>) dst(%arg14 : memref<125x16xf32, #tpu.memory_space<vmem>>)
    %dma_start3A_83 = arith.constant 78 : i32
    %dma_start3A_84 = arith.constant 0 : i32
    %dma_start3A_85 = tpu.memref_slice %arg10[%dma_start3A_83, %dma_start3A_84] : memref<80x125xi32, #tpu.memory_space<vmem>> -> memref<1x125xi32, #tpu.memory_space<vmem>>
    %dma_start3A_86 = tpu.memref_squeeze %dma_start3A_85 : memref<1x125xi32, #tpu.memory_space<vmem>> -> memref<125xi32, #tpu.memory_space<vmem>>
    %dma_start3A_87 = arith.constant 0 : i32
    %dma_start3A_88 = arith.constant 0 : i32
    %dma_start3A_89 = tpu.memref_slice %arg22[%dma_start3A_87, %dma_start3A_88] : memref<10000x16xf32, #tpu.memory_space<vmem_shared>> -> memref<10000x16xf32, #tpu.memory_space<vmem_shared>>
    tpu.enqueue_indirect_dma source(%arg14 : memref<125x16xf32, #tpu.memory_space<vmem>>) target(%dma_start3A_89 : memref<10000x16xf32, #tpu.memory_space<vmem_shared>>) offsets(%dma_start3A_86 : memref<125xi32, #tpu.memory_space<vmem>>) semaphore(%arg29 : memref<!tpu.dma_semaphore, #tpu.memory_space<semaphore_mem>>) {add = true}
    %dma_wait3A_90 = arith.constant 79 : i32
    %dma_wait3A_91 = arith.constant 0 : i32
    %dma_wait3A_92 = tpu.memref_slice %arg9[%dma_wait3A_90, %dma_wait3A_91] : memref<80x125xi32, #tpu.memory_space<vmem>> -> memref<1x125xi32, #tpu.memory_space<vmem>>
    %dma_wait3A_93 = tpu.memref_squeeze %dma_wait3A_92 : memref<1x125xi32, #tpu.memory_space<vmem>> -> memref<125xi32, #tpu.memory_space<vmem>>
    %dma_wait3A_94 = arith.constant 0 : i32
    %dma_wait3A_95 = arith.constant 0 : i32
    %dma_wait3A_96 = tpu.memref_slice %arg21[%dma_wait3A_94, %dma_wait3A_95] : memref<10000x16xf32, #tpu.memory_space<vmem_shared>> -> memref<10000x16xf32, #tpu.memory_space<vmem_shared>>
    tpu.wait_indirect_dma semaphore(%arg26 : memref<!tpu.dma_semaphore, #tpu.memory_space<semaphore_mem>>) src(%dma_wait3A_96 : memref<10000x16xf32, #tpu.memory_space<vmem_shared>>) dst(%arg15 : memref<125x16xf32, #tpu.memory_space<vmem>>)
    %dma_start3A_97 = arith.constant 79 : i32
    %dma_start3A_98 = arith.constant 0 : i32
    %dma_start3A_99 = tpu.memref_slice %arg10[%dma_start3A_97, %dma_start3A_98] : memref<80x125xi32, #tpu.memory_space<vmem>> -> memref<1x125xi32, #tpu.memory_space<vmem>>
    %dma_start3A_100 = tpu.memref_squeeze %dma_start3A_99 : memref<1x125xi32, #tpu.memory_space<vmem>> -> memref<125xi32, #tpu.memory_space<vmem>>
    %dma_start3A_101 = arith.constant 0 : i32
    %dma_start3A_102 = arith.constant 0 : i32
    %dma_start3A_103 = tpu.memref_slice %arg22[%dma_start3A_101, %dma_start3A_102] : memref<10000x16xf32, #tpu.memory_space<vmem_shared>> -> memref<10000x16xf32, #tpu.memory_space<vmem_shared>>
    tpu.enqueue_indirect_dma source(%arg15 : memref<125x16xf32, #tpu.memory_space<vmem>>) target(%dma_start3A_103 : memref<10000x16xf32, #tpu.memory_space<vmem_shared>>) offsets(%dma_start3A_100 : memref<125xi32, #tpu.memory_space<vmem>>) semaphore(%arg30 : memref<!tpu.dma_semaphore, #tpu.memory_space<semaphore_mem>>) {add = true}
    %dma_wait3A_104 = arith.constant 76 : i32
    %dma_wait3A_105 = arith.constant 0 : i32
    %dma_wait3A_106 = tpu.memref_slice %arg10[%dma_wait3A_104, %dma_wait3A_105] : memref<80x125xi32, #tpu.memory_space<vmem>> -> memref<1x125xi32, #tpu.memory_space<vmem>>
    %dma_wait3A_107 = tpu.memref_squeeze %dma_wait3A_106 : memref<1x125xi32, #tpu.memory_space<vmem>> -> memref<125xi32, #tpu.memory_space<vmem>>
    %dma_wait3A_108 = arith.constant 0 : i32
    %dma_wait3A_109 = arith.constant 0 : i32
    %dma_wait3A_110 = tpu.memref_slice %arg22[%dma_wait3A_108, %dma_wait3A_109] : memref<10000x16xf32, #tpu.memory_space<vmem_shared>> -> memref<10000x16xf32, #tpu.memory_space<vmem_shared>>
    tpu.wait_indirect_dma semaphore(%arg27 : memref<!tpu.dma_semaphore, #tpu.memory_space<semaphore_mem>>) src(%arg12 : memref<125x16xf32, #tpu.memory_space<vmem>>) dst(%dma_wait3A_110 : memref<10000x16xf32, #tpu.memory_space<vmem_shared>>)
    %dma_wait3A_111 = arith.constant 77 : i32
    %dma_wait3A_112 = arith.constant 0 : i32
    %dma_wait3A_113 = tpu.memref_slice %arg10[%dma_wait3A_111, %dma_wait3A_112] : memref<80x125xi32, #tpu.memory_space<vmem>> -> memref<1x125xi32, #tpu.memory_space<vmem>>
    %dma_wait3A_114 = tpu.memref_squeeze %dma_wait3A_113 : memref<1x125xi32, #tpu.memory_space<vmem>> -> memref<125xi32, #tpu.memory_space<vmem>>
    %dma_wait3A_115 = arith.constant 0 : i32
    %dma_wait3A_116 = arith.constant 0 : i32
    %dma_wait3A_117 = tpu.memref_slice %arg22[%dma_wait3A_115, %dma_wait3A_116] : memref<10000x16xf32, #tpu.memory_space<vmem_shared>> -> memref<10000x16xf32, #tpu.memory_space<vmem_shared>>
    tpu.wait_indirect_dma semaphore(%arg28 : memref<!tpu.dma_semaphore, #tpu.memory_space<semaphore_mem>>) src(%arg13 : memref<125x16xf32, #tpu.memory_space<vmem>>) dst(%dma_wait3A_117 : memref<10000x16xf32, #tpu.memory_space<vmem_shared>>)
    %dma_wait3A_118 = arith.constant 78 : i32
    %dma_wait3A_119 = arith.constant 0 : i32
    %dma_wait3A_120 = tpu.memref_slice %arg10[%dma_wait3A_118, %dma_wait3A_119] : memref<80x125xi32, #tpu.memory_space<vmem>> -> memref<1x125xi32, #tpu.memory_space<vmem>>
    %dma_wait3A_121 = tpu.memref_squeeze %dma_wait3A_120 : memref<1x125xi32, #tpu.memory_space<vmem>> -> memref<125xi32, #tpu.memory_space<vmem>>
    %dma_wait3A_122 = arith.constant 0 : i32
    %dma_wait3A_123 = arith.constant 0 : i32
    %dma_wait3A_124 = tpu.memref_slice %arg22[%dma_wait3A_122, %dma_wait3A_123] : memref<10000x16xf32, #tpu.memory_space<vmem_shared>> -> memref<10000x16xf32, #tpu.memory_space<vmem_shared>>
    tpu.wait_indirect_dma semaphore(%arg29 : memref<!tpu.dma_semaphore, #tpu.memory_space<semaphore_mem>>) src(%arg14 : memref<125x16xf32, #tpu.memory_space<vmem>>) dst(%dma_wait3A_124 : memref<10000x16xf32, #tpu.memory_space<vmem_shared>>)
    %dma_wait3A_125 = arith.constant 79 : i32
    %dma_wait3A_126 = arith.constant 0 : i32
    %dma_wait3A_127 = tpu.memref_slice %arg10[%dma_wait3A_125, %dma_wait3A_126] : memref<80x125xi32, #tpu.memory_space<vmem>> -> memref<1x125xi32, #tpu.memory_space<vmem>>
    %dma_wait3A_128 = tpu.memref_squeeze %dma_wait3A_127 : memref<1x125xi32, #tpu.memory_space<vmem>> -> memref<125xi32, #tpu.memory_space<vmem>>
    %dma_wait3A_129 = arith.constant 0 : i32
    %dma_wait3A_130 = arith.constant 0 : i32
    %dma_wait3A_131 = tpu.memref_slice %arg22[%dma_wait3A_129, %dma_wait3A_130] : memref<10000x16xf32, #tpu.memory_space<vmem_shared>> -> memref<10000x16xf32, #tpu.memory_space<vmem_shared>>
    tpu.wait_indirect_dma semaphore(%arg30 : memref<!tpu.dma_semaphore, #tpu.memory_space<semaphore_mem>>) src(%arg15 : memref<125x16xf32, #tpu.memory_space<vmem>>) dst(%dma_wait3A_131 : memref<10000x16xf32, #tpu.memory_space<vmem_shared>>)
    %barrier3A_132 = arith.constant 0 : index
    tpu.barrier barrier_id(%barrier3A_132)
    "tpu.region"() ({
      %run_scoped3A_142 = tpu.sem_alloc : memref<!tpu.dma_semaphore, #tpu.memory_space<semaphore_mem>>
      %dma_start3A_143 = arith.constant 0 : i32
      %dma_start3A_144 = tpu.memref_slice %arg22[%mul3A_2, %dma_start3A_143] : memref<10000x16xf32, #tpu.memory_space<vmem_shared>> -> memref<625x16xf32, #tpu.memory_space<vmem_shared>>
      %dma_start3A_145 = arith.constant 0 : i32
      %dma_start3A_146 = tpu.memref_slice %arg22[%mul3A_2, %dma_start3A_145] : memref<10000x16xf32, #tpu.memory_space<vmem_shared>> -> memref<625x16xf32, #tpu.memory_space<vmem_shared>>
      tpu.enqueue_dma source(%dma_start3A_146 : memref<625x16xf32, #tpu.memory_space<vmem_shared>>) target(%arg19 : memref<625x16xf32, #tpu.memory_space<vmem>>) target_semaphore(%run_scoped3A_142 : memref<!tpu.dma_semaphore, #tpu.memory_space<semaphore_mem>>)
      %dma_wait3A_147 = arith.constant 0 : i32
      %dma_wait3A_148 = tpu.memref_slice %arg22[%mul3A_2, %dma_wait3A_147] : memref<10000x16xf32, #tpu.memory_space<vmem_shared>> -> memref<625x16xf32, #tpu.memory_space<vmem_shared>>
      %dma_wait3A_149 = arith.constant 0 : i32
      %dma_wait3A_150 = tpu.memref_slice %arg22[%mul3A_2, %dma_wait3A_149] : memref<10000x16xf32, #tpu.memory_space<vmem_shared>> -> memref<625x16xf32, #tpu.memory_space<vmem_shared>>
      tpu.wait_dma2 semaphore(%run_scoped3A_142 : memref<!tpu.dma_semaphore, #tpu.memory_space<semaphore_mem>>) src(%dma_wait3A_150 : memref<625x16xf32, #tpu.memory_space<vmem_shared>>) dst(%arg19 : memref<625x16xf32, #tpu.memory_space<vmem>>)
      tpu.yield
    }) : () -> ()
    %scan3A_133 = arith.constant 0 : i32
    %scan3A_134 = arith.constant 125 : i32
    %scan3A_135 = arith.addi %scan3A_133, %scan3A_134 : i32
    %scan3A_136 = arith.constant 1 : i32
    scf.for %scan3A_142 = %scan3A_133 to %scan3A_135 step %scan3A_136  : i32 {
      %mul3A_143 = arith.constant 5 : i32
      %mul3A_144 = arith.muli %scan3A_142, %mul3A_143 : i32
      %add3A_145 = arith.constant 0 : i32
      %add3A_146 = arith.addi %add3A_145, %mul3A_144 : i32
      %add3A_147 = arith.constant 0 : i32
      %add3A_148 = arith.addi %add3A_146, %add3A_147 : i32
      %get3A_149 = arith.index_cast %add3A_148 : i32 to index
      %get3A_150 = arith.constant 0 : index
      %get3A_151 = tpu.vector_load %arg16[%get3A_149, %get3A_150] {strides = array<i32>} : memref<625x16xf32, #tpu.memory_space<vmem>>, vector<16xf32>,
      %get3A_152 = arith.index_cast %add3A_148 : i32 to index
      %get3A_153 = arith.constant 0 : index
      %get3A_154 = tpu.vector_load %arg17[%get3A_152, %get3A_153] {strides = array<i32>} : memref<625x16xf32, #tpu.memory_space<vmem>>, vector<16xf32>,
      %add3A_155 = arith.addf %get3A_151, %get3A_154 : vector<16xf32>
      %add3A_156 = arith.constant 1.000000e+00 : f32
      %add3A_157 = vector.broadcast %add3A_156 : f32 to vector<16xf32>
      %add3A_158 = arith.addf %add3A_155, %add3A_157 : vector<16xf32>
      %bitcast3A = vector.bitcast %add3A_158 : vector<16xf32> to vector<16xi32>
      %shift_right_logical3A = arith.constant 1 : i32
      %shift_right_logical3A_159 = vector.broadcast %shift_right_logical3A : i32 to vector<16xi32>
      %shift_right_logical3A_160 = arith.shrui %bitcast3A, %shift_right_logical3A_159 : vector<16xi32>
      %sub3A = arith.constant 1597463007 : i32
      %sub3A_161 = vector.broadcast %sub3A : i32 to vector<16xi32>
      %sub3A_162 = arith.subi %sub3A_161, %shift_right_logical3A_160 : vector<16xi32>
      %bitcast3A_163 = vector.bitcast %sub3A_162 : vector<16xi32> to vector<16xf32>
      %mul3A_164 = arith.constant 5.000000e-01 : f32
      %mul3A_165 = vector.broadcast %mul3A_164 : f32 to vector<16xf32>
      %mul3A_166 = arith.mulf %mul3A_165, %add3A_158 : vector<16xf32>
      %mul3A_167 = arith.mulf %mul3A_166, %bitcast3A_163 : vector<16xf32>
      %mul3A_168 = arith.mulf %mul3A_167, %bitcast3A_163 : vector<16xf32>
      %sub3A_169 = arith.constant 1.500000e+00 : f32
      %sub3A_170 = vector.broadcast %sub3A_169 : f32 to vector<16xf32>
      %sub3A_171 = arith.subf %sub3A_170, %mul3A_168 : vector<16xf32>
      %mul3A_172 = arith.mulf %bitcast3A_163, %sub3A_171 : vector<16xf32>
      %mul3A_173 = arith.constant 5.000000e-01 : f32
      %mul3A_174 = vector.broadcast %mul3A_173 : f32 to vector<16xf32>
      %mul3A_175 = arith.mulf %mul3A_174, %add3A_158 : vector<16xf32>
      %mul3A_176 = arith.mulf %mul3A_175, %mul3A_172 : vector<16xf32>
      %mul3A_177 = arith.mulf %mul3A_176, %mul3A_172 : vector<16xf32>
      %sub3A_178 = arith.constant 1.500000e+00 : f32
      %sub3A_179 = vector.broadcast %sub3A_178 : f32 to vector<16xf32>
      %sub3A_180 = arith.subf %sub3A_179, %mul3A_177 : vector<16xf32>
      %mul3A_181 = arith.mulf %mul3A_172, %sub3A_180 : vector<16xf32>
      %mul3A_182 = arith.constant 5.000000e-01 : f32
      %mul3A_183 = vector.broadcast %mul3A_182 : f32 to vector<16xf32>
      %mul3A_184 = arith.mulf %mul3A_183, %add3A_158 : vector<16xf32>
      %mul3A_185 = arith.mulf %mul3A_184, %mul3A_181 : vector<16xf32>
      %mul3A_186 = arith.mulf %mul3A_185, %mul3A_181 : vector<16xf32>
      %sub3A_187 = arith.constant 1.500000e+00 : f32
      %sub3A_188 = vector.broadcast %sub3A_187 : f32 to vector<16xf32>
      %sub3A_189 = arith.subf %sub3A_188, %mul3A_186 : vector<16xf32>
      %mul3A_190 = arith.mulf %mul3A_181, %sub3A_189 : vector<16xf32>
      %get3A_191 = arith.index_cast %add3A_148 : i32 to index
      %get3A_192 = arith.constant 0 : index
      %get3A_193 = tpu.vector_load %arg19[%get3A_191, %get3A_192] {strides = array<i32>} : memref<625x16xf32, #tpu.memory_space<vmem>>, vector<16xf32>,
      %mul3A_194 = arith.mulf %mul3A_190, %get3A_193 : vector<16xf32>
      %swap3A = arith.index_cast %add3A_148 : i32 to index
      %swap3A_195 = arith.constant 0 : index
      %swap3A_196 = tpu.vector_load %arg19[%swap3A, %swap3A_195] {strides = array<i32>} : memref<625x16xf32, #tpu.memory_space<vmem>>, vector<16xf32>,
      tpu.vector_store %arg19[%swap3A, %swap3A_195], %mul3A_194 {strides = array<i32>} : memref<625x16xf32, #tpu.memory_space<vmem>>, vector<16xf32>,
      %add3A_197 = arith.constant 1 : i32
      %add3A_198 = arith.addi %add3A_146, %add3A_197 : i32
      %get3A_199 = arith.index_cast %add3A_198 : i32 to index
      %get3A_200 = arith.constant 0 : index
      %get3A_201 = tpu.vector_load %arg16[%get3A_199, %get3A_200] {strides = array<i32>} : memref<625x16xf32, #tpu.memory_space<vmem>>, vector<16xf32>,
      %get3A_202 = arith.index_cast %add3A_198 : i32 to index
      %get3A_203 = arith.constant 0 : index
      %get3A_204 = tpu.vector_load %arg17[%get3A_202, %get3A_203] {strides = array<i32>} : memref<625x16xf32, #tpu.memory_space<vmem>>, vector<16xf32>,
      %add3A_205 = arith.addf %get3A_201, %get3A_204 : vector<16xf32>
      %add3A_206 = arith.constant 1.000000e+00 : f32
      %add3A_207 = vector.broadcast %add3A_206 : f32 to vector<16xf32>
      %add3A_208 = arith.addf %add3A_205, %add3A_207 : vector<16xf32>
      %bitcast3A_209 = vector.bitcast %add3A_208 : vector<16xf32> to vector<16xi32>
      %shift_right_logical3A_210 = arith.constant 1 : i32
      %shift_right_logical3A_211 = vector.broadcast %shift_right_logical3A_210 : i32 to vector<16xi32>
      %shift_right_logical3A_212 = arith.shrui %bitcast3A_209, %shift_right_logical3A_211 : vector<16xi32>
      %sub3A_213 = arith.constant 1597463007 : i32
      %sub3A_214 = vector.broadcast %sub3A_213 : i32 to vector<16xi32>
      %sub3A_215 = arith.subi %sub3A_214, %shift_right_logical3A_212 : vector<16xi32>
      %bitcast3A_216 = vector.bitcast %sub3A_215 : vector<16xi32> to vector<16xf32>
      %mul3A_217 = arith.constant 5.000000e-01 : f32
      %mul3A_218 = vector.broadcast %mul3A_217 : f32 to vector<16xf32>
      %mul3A_219 = arith.mulf %mul3A_218, %add3A_208 : vector<16xf32>
      %mul3A_220 = arith.mulf %mul3A_219, %bitcast3A_216 : vector<16xf32>
      %mul3A_221 = arith.mulf %mul3A_220, %bitcast3A_216 : vector<16xf32>
      %sub3A_222 = arith.constant 1.500000e+00 : f32
      %sub3A_223 = vector.broadcast %sub3A_222 : f32 to vector<16xf32>
      %sub3A_224 = arith.subf %sub3A_223, %mul3A_221 : vector<16xf32>
      %mul3A_225 = arith.mulf %bitcast3A_216, %sub3A_224 : vector<16xf32>
      %mul3A_226 = arith.constant 5.000000e-01 : f32
      %mul3A_227 = vector.broadcast %mul3A_226 : f32 to vector<16xf32>
      %mul3A_228 = arith.mulf %mul3A_227, %add3A_208 : vector<16xf32>
      %mul3A_229 = arith.mulf %mul3A_228, %mul3A_225 : vector<16xf32>
      %mul3A_230 = arith.mulf %mul3A_229, %mul3A_225 : vector<16xf32>
      %sub3A_231 = arith.constant 1.500000e+00 : f32
      %sub3A_232 = vector.broadcast %sub3A_231 : f32 to vector<16xf32>
      %sub3A_233 = arith.subf %sub3A_232, %mul3A_230 : vector<16xf32>
      %mul3A_234 = arith.mulf %mul3A_225, %sub3A_233 : vector<16xf32>
      %mul3A_235 = arith.constant 5.000000e-01 : f32
      %mul3A_236 = vector.broadcast %mul3A_235 : f32 to vector<16xf32>
      %mul3A_237 = arith.mulf %mul3A_236, %add3A_208 : vector<16xf32>
      %mul3A_238 = arith.mulf %mul3A_237, %mul3A_234 : vector<16xf32>
      %mul3A_239 = arith.mulf %mul3A_238, %mul3A_234 : vector<16xf32>
      %sub3A_240 = arith.constant 1.500000e+00 : f32
      %sub3A_241 = vector.broadcast %sub3A_240 : f32 to vector<16xf32>
      %sub3A_242 = arith.subf %sub3A_241, %mul3A_239 : vector<16xf32>
      %mul3A_243 = arith.mulf %mul3A_234, %sub3A_242 : vector<16xf32>
      %get3A_244 = arith.index_cast %add3A_198 : i32 to index
      %get3A_245 = arith.constant 0 : index
      %get3A_246 = tpu.vector_load %arg19[%get3A_244, %get3A_245] {strides = array<i32>} : memref<625x16xf32, #tpu.memory_space<vmem>>, vector<16xf32>,
      %mul3A_247 = arith.mulf %mul3A_243, %get3A_246 : vector<16xf32>
      %swap3A_248 = arith.index_cast %add3A_198 : i32 to index
      %swap3A_249 = arith.constant 0 : index
      %swap3A_250 = tpu.vector_load %arg19[%swap3A_248, %swap3A_249] {strides = array<i32>} : memref<625x16xf32, #tpu.memory_space<vmem>>, vector<16xf32>,
      tpu.vector_store %arg19[%swap3A_248, %swap3A_249], %mul3A_247 {strides = array<i32>} : memref<625x16xf32, #tpu.memory_space<vmem>>, vector<16xf32>,
      %add3A_251 = arith.constant 2 : i32
      %add3A_252 = arith.addi %add3A_146, %add3A_251 : i32
      %get3A_253 = arith.index_cast %add3A_252 : i32 to index
      %get3A_254 = arith.constant 0 : index
      %get3A_255 = tpu.vector_load %arg16[%get3A_253, %get3A_254] {strides = array<i32>} : memref<625x16xf32, #tpu.memory_space<vmem>>, vector<16xf32>,
      %get3A_256 = arith.index_cast %add3A_252 : i32 to index
      %get3A_257 = arith.constant 0 : index
      %get3A_258 = tpu.vector_load %arg17[%get3A_256, %get3A_257] {strides = array<i32>} : memref<625x16xf32, #tpu.memory_space<vmem>>, vector<16xf32>,
      %add3A_259 = arith.addf %get3A_255, %get3A_258 : vector<16xf32>
      %add3A_260 = arith.constant 1.000000e+00 : f32
      %add3A_261 = vector.broadcast %add3A_260 : f32 to vector<16xf32>
      %add3A_262 = arith.addf %add3A_259, %add3A_261 : vector<16xf32>
      %bitcast3A_263 = vector.bitcast %add3A_262 : vector<16xf32> to vector<16xi32>
      %shift_right_logical3A_264 = arith.constant 1 : i32
      %shift_right_logical3A_265 = vector.broadcast %shift_right_logical3A_264 : i32 to vector<16xi32>
      %shift_right_logical3A_266 = arith.shrui %bitcast3A_263, %shift_right_logical3A_265 : vector<16xi32>
      %sub3A_267 = arith.constant 1597463007 : i32
      %sub3A_268 = vector.broadcast %sub3A_267 : i32 to vector<16xi32>
      %sub3A_269 = arith.subi %sub3A_268, %shift_right_logical3A_266 : vector<16xi32>
      %bitcast3A_270 = vector.bitcast %sub3A_269 : vector<16xi32> to vector<16xf32>
      %mul3A_271 = arith.constant 5.000000e-01 : f32
      %mul3A_272 = vector.broadcast %mul3A_271 : f32 to vector<16xf32>
      %mul3A_273 = arith.mulf %mul3A_272, %add3A_262 : vector<16xf32>
      %mul3A_274 = arith.mulf %mul3A_273, %bitcast3A_270 : vector<16xf32>
      %mul3A_275 = arith.mulf %mul3A_274, %bitcast3A_270 : vector<16xf32>
      %sub3A_276 = arith.constant 1.500000e+00 : f32
      %sub3A_277 = vector.broadcast %sub3A_276 : f32 to vector<16xf32>
      %sub3A_278 = arith.subf %sub3A_277, %mul3A_275 : vector<16xf32>
      %mul3A_279 = arith.mulf %bitcast3A_270, %sub3A_278 : vector<16xf32>
      %mul3A_280 = arith.constant 5.000000e-01 : f32
      %mul3A_281 = vector.broadcast %mul3A_280 : f32 to vector<16xf32>
      %mul3A_282 = arith.mulf %mul3A_281, %add3A_262 : vector<16xf32>
      %mul3A_283 = arith.mulf %mul3A_282, %mul3A_279 : vector<16xf32>
      %mul3A_284 = arith.mulf %mul3A_283, %mul3A_279 : vector<16xf32>
      %sub3A_285 = arith.constant 1.500000e+00 : f32
      %sub3A_286 = vector.broadcast %sub3A_285 : f32 to vector<16xf32>
      %sub3A_287 = arith.subf %sub3A_286, %mul3A_284 : vector<16xf32>
      %mul3A_288 = arith.mulf %mul3A_279, %sub3A_287 : vector<16xf32>
      %mul3A_289 = arith.constant 5.000000e-01 : f32
      %mul3A_290 = vector.broadcast %mul3A_289 : f32 to vector<16xf32>
      %mul3A_291 = arith.mulf %mul3A_290, %add3A_262 : vector<16xf32>
      %mul3A_292 = arith.mulf %mul3A_291, %mul3A_288 : vector<16xf32>
      %mul3A_293 = arith.mulf %mul3A_292, %mul3A_288 : vector<16xf32>
      %sub3A_294 = arith.constant 1.500000e+00 : f32
      %sub3A_295 = vector.broadcast %sub3A_294 : f32 to vector<16xf32>
      %sub3A_296 = arith.subf %sub3A_295, %mul3A_293 : vector<16xf32>
      %mul3A_297 = arith.mulf %mul3A_288, %sub3A_296 : vector<16xf32>
      %get3A_298 = arith.index_cast %add3A_252 : i32 to index
      %get3A_299 = arith.constant 0 : index
      %get3A_300 = tpu.vector_load %arg19[%get3A_298, %get3A_299] {strides = array<i32>} : memref<625x16xf32, #tpu.memory_space<vmem>>, vector<16xf32>,
      %mul3A_301 = arith.mulf %mul3A_297, %get3A_300 : vector<16xf32>
      %swap3A_302 = arith.index_cast %add3A_252 : i32 to index
      %swap3A_303 = arith.constant 0 : index
      %swap3A_304 = tpu.vector_load %arg19[%swap3A_302, %swap3A_303] {strides = array<i32>} : memref<625x16xf32, #tpu.memory_space<vmem>>, vector<16xf32>,
      tpu.vector_store %arg19[%swap3A_302, %swap3A_303], %mul3A_301 {strides = array<i32>} : memref<625x16xf32, #tpu.memory_space<vmem>>, vector<16xf32>,
      %add3A_305 = arith.constant 3 : i32
      %add3A_306 = arith.addi %add3A_146, %add3A_305 : i32
      %get3A_307 = arith.index_cast %add3A_306 : i32 to index
      %get3A_308 = arith.constant 0 : index
      %get3A_309 = tpu.vector_load %arg16[%get3A_307, %get3A_308] {strides = array<i32>} : memref<625x16xf32, #tpu.memory_space<vmem>>, vector<16xf32>,
      %get3A_310 = arith.index_cast %add3A_306 : i32 to index
      %get3A_311 = arith.constant 0 : index
      %get3A_312 = tpu.vector_load %arg17[%get3A_310, %get3A_311] {strides = array<i32>} : memref<625x16xf32, #tpu.memory_space<vmem>>, vector<16xf32>,
      %add3A_313 = arith.addf %get3A_309, %get3A_312 : vector<16xf32>
      %add3A_314 = arith.constant 1.000000e+00 : f32
      %add3A_315 = vector.broadcast %add3A_314 : f32 to vector<16xf32>
      %add3A_316 = arith.addf %add3A_313, %add3A_315 : vector<16xf32>
      %bitcast3A_317 = vector.bitcast %add3A_316 : vector<16xf32> to vector<16xi32>
      %shift_right_logical3A_318 = arith.constant 1 : i32
      %shift_right_logical3A_319 = vector.broadcast %shift_right_logical3A_318 : i32 to vector<16xi32>
      %shift_right_logical3A_320 = arith.shrui %bitcast3A_317, %shift_right_logical3A_319 : vector<16xi32>
      %sub3A_321 = arith.constant 1597463007 : i32
      %sub3A_322 = vector.broadcast %sub3A_321 : i32 to vector<16xi32>
      %sub3A_323 = arith.subi %sub3A_322, %shift_right_logical3A_320 : vector<16xi32>
      %bitcast3A_324 = vector.bitcast %sub3A_323 : vector<16xi32> to vector<16xf32>
      %mul3A_325 = arith.constant 5.000000e-01 : f32
      %mul3A_326 = vector.broadcast %mul3A_325 : f32 to vector<16xf32>
      %mul3A_327 = arith.mulf %mul3A_326, %add3A_316 : vector<16xf32>
      %mul3A_328 = arith.mulf %mul3A_327, %bitcast3A_324 : vector<16xf32>
      %mul3A_329 = arith.mulf %mul3A_328, %bitcast3A_324 : vector<16xf32>
      %sub3A_330 = arith.constant 1.500000e+00 : f32
      %sub3A_331 = vector.broadcast %sub3A_330 : f32 to vector<16xf32>
      %sub3A_332 = arith.subf %sub3A_331, %mul3A_329 : vector<16xf32>
      %mul3A_333 = arith.mulf %bitcast3A_324, %sub3A_332 : vector<16xf32>
      %mul3A_334 = arith.constant 5.000000e-01 : f32
      %mul3A_335 = vector.broadcast %mul3A_334 : f32 to vector<16xf32>
      %mul3A_336 = arith.mulf %mul3A_335, %add3A_316 : vector<16xf32>
      %mul3A_337 = arith.mulf %mul3A_336, %mul3A_333 : vector<16xf32>
      %mul3A_338 = arith.mulf %mul3A_337, %mul3A_333 : vector<16xf32>
      %sub3A_339 = arith.constant 1.500000e+00 : f32
      %sub3A_340 = vector.broadcast %sub3A_339 : f32 to vector<16xf32>
      %sub3A_341 = arith.subf %sub3A_340, %mul3A_338 : vector<16xf32>
      %mul3A_342 = arith.mulf %mul3A_333, %sub3A_341 : vector<16xf32>
      %mul3A_343 = arith.constant 5.000000e-01 : f32
      %mul3A_344 = vector.broadcast %mul3A_343 : f32 to vector<16xf32>
      %mul3A_345 = arith.mulf %mul3A_344, %add3A_316 : vector<16xf32>
      %mul3A_346 = arith.mulf %mul3A_345, %mul3A_342 : vector<16xf32>
      %mul3A_347 = arith.mulf %mul3A_346, %mul3A_342 : vector<16xf32>
      %sub3A_348 = arith.constant 1.500000e+00 : f32
      %sub3A_349 = vector.broadcast %sub3A_348 : f32 to vector<16xf32>
      %sub3A_350 = arith.subf %sub3A_349, %mul3A_347 : vector<16xf32>
      %mul3A_351 = arith.mulf %mul3A_342, %sub3A_350 : vector<16xf32>
      %get3A_352 = arith.index_cast %add3A_306 : i32 to index
      %get3A_353 = arith.constant 0 : index
      %get3A_354 = tpu.vector_load %arg19[%get3A_352, %get3A_353] {strides = array<i32>} : memref<625x16xf32, #tpu.memory_space<vmem>>, vector<16xf32>,
      %mul3A_355 = arith.mulf %mul3A_351, %get3A_354 : vector<16xf32>
      %swap3A_356 = arith.index_cast %add3A_306 : i32 to index
      %swap3A_357 = arith.constant 0 : index
      %swap3A_358 = tpu.vector_load %arg19[%swap3A_356, %swap3A_357] {strides = array<i32>} : memref<625x16xf32, #tpu.memory_space<vmem>>, vector<16xf32>,
      tpu.vector_store %arg19[%swap3A_356, %swap3A_357], %mul3A_355 {strides = array<i32>} : memref<625x16xf32, #tpu.memory_space<vmem>>, vector<16xf32>,
      %add3A_359 = arith.constant 4 : i32
      %add3A_360 = arith.addi %add3A_146, %add3A_359 : i32
      %get3A_361 = arith.index_cast %add3A_360 : i32 to index
      %get3A_362 = arith.constant 0 : index
      %get3A_363 = tpu.vector_load %arg16[%get3A_361, %get3A_362] {strides = array<i32>} : memref<625x16xf32, #tpu.memory_space<vmem>>, vector<16xf32>,
      %get3A_364 = arith.index_cast %add3A_360 : i32 to index
      %get3A_365 = arith.constant 0 : index
      %get3A_366 = tpu.vector_load %arg17[%get3A_364, %get3A_365] {strides = array<i32>} : memref<625x16xf32, #tpu.memory_space<vmem>>, vector<16xf32>,
      %add3A_367 = arith.addf %get3A_363, %get3A_366 : vector<16xf32>
      %add3A_368 = arith.constant 1.000000e+00 : f32
      %add3A_369 = vector.broadcast %add3A_368 : f32 to vector<16xf32>
      %add3A_370 = arith.addf %add3A_367, %add3A_369 : vector<16xf32>
      %bitcast3A_371 = vector.bitcast %add3A_370 : vector<16xf32> to vector<16xi32>
      %shift_right_logical3A_372 = arith.constant 1 : i32
      %shift_right_logical3A_373 = vector.broadcast %shift_right_logical3A_372 : i32 to vector<16xi32>
      %shift_right_logical3A_374 = arith.shrui %bitcast3A_371, %shift_right_logical3A_373 : vector<16xi32>
      %sub3A_375 = arith.constant 1597463007 : i32
      %sub3A_376 = vector.broadcast %sub3A_375 : i32 to vector<16xi32>
      %sub3A_377 = arith.subi %sub3A_376, %shift_right_logical3A_374 : vector<16xi32>
      %bitcast3A_378 = vector.bitcast %sub3A_377 : vector<16xi32> to vector<16xf32>
      %mul3A_379 = arith.constant 5.000000e-01 : f32
      %mul3A_380 = vector.broadcast %mul3A_379 : f32 to vector<16xf32>
      %mul3A_381 = arith.mulf %mul3A_380, %add3A_370 : vector<16xf32>
      %mul3A_382 = arith.mulf %mul3A_381, %bitcast3A_378 : vector<16xf32>
      %mul3A_383 = arith.mulf %mul3A_382, %bitcast3A_378 : vector<16xf32>
      %sub3A_384 = arith.constant 1.500000e+00 : f32
      %sub3A_385 = vector.broadcast %sub3A_384 : f32 to vector<16xf32>
      %sub3A_386 = arith.subf %sub3A_385, %mul3A_383 : vector<16xf32>
      %mul3A_387 = arith.mulf %bitcast3A_378, %sub3A_386 : vector<16xf32>
      %mul3A_388 = arith.constant 5.000000e-01 : f32
      %mul3A_389 = vector.broadcast %mul3A_388 : f32 to vector<16xf32>
      %mul3A_390 = arith.mulf %mul3A_389, %add3A_370 : vector<16xf32>
      %mul3A_391 = arith.mulf %mul3A_390, %mul3A_387 : vector<16xf32>
      %mul3A_392 = arith.mulf %mul3A_391, %mul3A_387 : vector<16xf32>
      %sub3A_393 = arith.constant 1.500000e+00 : f32
      %sub3A_394 = vector.broadcast %sub3A_393 : f32 to vector<16xf32>
      %sub3A_395 = arith.subf %sub3A_394, %mul3A_392 : vector<16xf32>
      %mul3A_396 = arith.mulf %mul3A_387, %sub3A_395 : vector<16xf32>
      %mul3A_397 = arith.constant 5.000000e-01 : f32
      %mul3A_398 = vector.broadcast %mul3A_397 : f32 to vector<16xf32>
      %mul3A_399 = arith.mulf %mul3A_398, %add3A_370 : vector<16xf32>
      %mul3A_400 = arith.mulf %mul3A_399, %mul3A_396 : vector<16xf32>
      %mul3A_401 = arith.mulf %mul3A_400, %mul3A_396 : vector<16xf32>
      %sub3A_402 = arith.constant 1.500000e+00 : f32
      %sub3A_403 = vector.broadcast %sub3A_402 : f32 to vector<16xf32>
      %sub3A_404 = arith.subf %sub3A_403, %mul3A_401 : vector<16xf32>
      %mul3A_405 = arith.mulf %mul3A_396, %sub3A_404 : vector<16xf32>
      %get3A_406 = arith.index_cast %add3A_360 : i32 to index
      %get3A_407 = arith.constant 0 : index
      %get3A_408 = tpu.vector_load %arg19[%get3A_406, %get3A_407] {strides = array<i32>} : memref<625x16xf32, #tpu.memory_space<vmem>>, vector<16xf32>,
      %mul3A_409 = arith.mulf %mul3A_405, %get3A_408 : vector<16xf32>
      %swap3A_410 = arith.index_cast %add3A_360 : i32 to index
      %swap3A_411 = arith.constant 0 : index
      %swap3A_412 = tpu.vector_load %arg19[%swap3A_410, %swap3A_411] {strides = array<i32>} : memref<625x16xf32, #tpu.memory_space<vmem>>, vector<16xf32>,
      tpu.vector_store %arg19[%swap3A_410, %swap3A_411], %mul3A_409 {strides = array<i32>} : memref<625x16xf32, #tpu.memory_space<vmem>>, vector<16xf32>,
    }
    %scan3A_137 = arith.constant 125 : i32
    "tpu.region"() ({
      %run_scoped3A_142 = tpu.sem_alloc : memref<!tpu.dma_semaphore, #tpu.memory_space<semaphore_mem>>
      %dma_start3A_143 = arith.constant 0 : i32
      %dma_start3A_144 = tpu.memref_slice %arg22[%mul3A_2, %dma_start3A_143] : memref<10000x16xf32, #tpu.memory_space<vmem_shared>> -> memref<625x16xf32, #tpu.memory_space<vmem_shared>>
      %dma_start3A_145 = arith.constant 0 : i32
      %dma_start3A_146 = tpu.memref_slice %arg22[%mul3A_2, %dma_start3A_145] : memref<10000x16xf32, #tpu.memory_space<vmem_shared>> -> memref<625x16xf32, #tpu.memory_space<vmem_shared>>
      tpu.enqueue_dma source(%arg19 : memref<625x16xf32, #tpu.memory_space<vmem>>) target(%dma_start3A_146 : memref<625x16xf32, #tpu.memory_space<vmem_shared>>) target_semaphore(%run_scoped3A_142 : memref<!tpu.dma_semaphore, #tpu.memory_space<semaphore_mem>>)
      %dma_wait3A_147 = arith.constant 0 : i32
      %dma_wait3A_148 = tpu.memref_slice %arg22[%mul3A_2, %dma_wait3A_147] : memref<10000x16xf32, #tpu.memory_space<vmem_shared>> -> memref<625x16xf32, #tpu.memory_space<vmem_shared>>
      %dma_wait3A_149 = arith.constant 0 : i32
      %dma_wait3A_150 = tpu.memref_slice %arg22[%mul3A_2, %dma_wait3A_149] : memref<10000x16xf32, #tpu.memory_space<vmem_shared>> -> memref<625x16xf32, #tpu.memory_space<vmem_shared>>
      tpu.wait_dma2 semaphore(%run_scoped3A_142 : memref<!tpu.dma_semaphore, #tpu.memory_space<semaphore_mem>>) src(%arg19 : memref<625x16xf32, #tpu.memory_space<vmem>>) dst(%dma_wait3A_150 : memref<625x16xf32, #tpu.memory_space<vmem_shared>>)
      tpu.yield
    }) : () -> ()
    %barrier3A_138 = arith.constant 0 : index
    tpu.barrier barrier_id(%barrier3A_138)
    %mul3A_139 = arith.constant 632 : i32
    %mul3A_140 = arith.muli %arg1, %mul3A_139 : i32
    %min3A = arith.constant 9368 : i32
    %min3A_141 = arith.minsi %mul3A_140, %min3A : i32
    %multiple_of3A = tpu.assume_multiple %min3A_141, 8 : i32
    "tpu.region"() ({
      %run_scoped3A_142 = tpu.sem_alloc : memref<!tpu.dma_semaphore, #tpu.memory_space<semaphore_mem>>
      %dma_start3A_143 = arith.constant 0 : i32
      %dma_start3A_144 = tpu.memref_slice %arg8[%arg0, %multiple_of3A, %dma_start3A_143] : memref<2x10000x16xf32, #tpu.memory_space<hbm>> -> memref<1x632x16xf32, #tpu.memory_space<hbm>>
      %dma_start3A_145 = tpu.memref_squeeze %dma_start3A_144 : memref<1x632x16xf32, #tpu.memory_space<hbm>> -> memref<632x16xf32, #tpu.memory_space<hbm>>
      %dma_start3A_146 = arith.constant 0 : i32
      %dma_start3A_147 = tpu.memref_slice %arg22[%multiple_of3A, %dma_start3A_146] : memref<10000x16xf32, #tpu.memory_space<vmem_shared>> -> memref<632x16xf32, #tpu.memory_space<vmem_shared>>
      tpu.enqueue_dma source(%dma_start3A_147 : memref<632x16xf32, #tpu.memory_space<vmem_shared>>) target(%dma_start3A_145 : memref<632x16xf32, #tpu.memory_space<hbm>>) target_semaphore(%run_scoped3A_142 : memref<!tpu.dma_semaphore, #tpu.memory_space<semaphore_mem>>)
      %dma_wait3A_148 = arith.constant 0 : i32
      %dma_wait3A_149 = tpu.memref_slice %arg8[%arg0, %multiple_of3A, %dma_wait3A_148] : memref<2x10000x16xf32, #tpu.memory_space<hbm>> -> memref<1x632x16xf32, #tpu.memory_space<hbm>>
      %dma_wait3A_150 = tpu.memref_squeeze %dma_wait3A_149 : memref<1x632x16xf32, #tpu.memory_space<hbm>> -> memref<632x16xf32, #tpu.memory_space<hbm>>
      %dma_wait3A_151 = arith.constant 0 : i32
      %dma_wait3A_152 = tpu.memref_slice %arg22[%multiple_of3A, %dma_wait3A_151] : memref<10000x16xf32, #tpu.memory_space<vmem_shared>> -> memref<632x16xf32, #tpu.memory_space<vmem_shared>>
      tpu.wait_dma2 semaphore(%run_scoped3A_142 : memref<!tpu.dma_semaphore, #tpu.memory_space<semaphore_mem>>) src(%dma_wait3A_152 : memref<632x16xf32, #tpu.memory_space<vmem_shared>>) dst(%dma_wait3A_150 : memref<632x16xf32, #tpu.memory_space<hbm>>)
      tpu.yield
    }) : () -> ()
    return
  }
}

#map = affine_map<(d0, d1) -> (0, 0)>
#map1 = affine_map<(d0, d1) -> (0, 0, 0)>
module attributes {stable_mosaic.version = 14 : i64} {
  func.func @k(%arg0: i32, %arg1: i32, %arg2: memref<2560x125xi32, #tpu.memory_space<hbm>>, %arg3: memref<2560x125xi32, #tpu.memory_space<hbm>>, %arg4: memref<2x10000x16xf32, #tpu.memory_space<hbm>>, %arg5: memref<10000x16xf32, #tpu.memory_space<hbm>>, %arg6: memref<2x10000x16xf32, #tpu.memory_space<hbm>>, %arg7: memref<80x125xi32, #tpu.memory_space<vmem>>, %arg8: memref<80x125xi32, #tpu.memory_space<vmem>>, %arg9: memref<125x16xf32, #tpu.memory_space<vmem>>, %arg10: memref<125x16xf32, #tpu.memory_space<vmem>>, %arg11: memref<125x16xf32, #tpu.memory_space<vmem>>, %arg12: memref<125x16xf32, #tpu.memory_space<vmem>>, %arg13: memref<125x16xf32, #tpu.memory_space<vmem>>, %arg14: memref<625x16xf32, #tpu.memory_space<vmem>>, %arg15: memref<625x16xf32, #tpu.memory_space<vmem>>, %arg16: memref<625x16xf32, #tpu.memory_space<vmem>>, %arg17: memref<10000x16xf32, #tpu.memory_space<vmem_shared>>, %arg18: memref<10000x16xf32, #tpu.memory_space<vmem_shared>>, %arg19: memref<!tpu.dma_semaphore, #tpu.memory_space<semaphore_mem>>, %arg20: memref<!tpu.dma_semaphore, #tpu.memory_space<semaphore_mem>>, %arg21: memref<!tpu.dma_semaphore, #tpu.memory_space<semaphore_mem>>, %arg22: memref<!tpu.dma_semaphore, #tpu.memory_space<semaphore_mem>>, %arg23: memref<!tpu.dma_semaphore, #tpu.memory_space<semaphore_mem>>, %arg24: memref<!tpu.dma_semaphore, #tpu.memory_space<semaphore_mem>>, %arg25: memref<!tpu.dma_semaphore, #tpu.memory_space<semaphore_mem>>, %arg26: memref<!tpu.dma_semaphore, #tpu.memory_space<semaphore_mem>>) attributes {dimension_semantics = [#tpu.dimension_semantics<core_parallel>, #tpu.dimension_semantics<subcore_parallel>], iteration_bounds = array<i64: 2, 16>, scalar_prefetch = 0 : i64, scratch_operands = 20 : i64, tpu.core_type = #tpu.core_type<sc_vector_subcore>, window_params = [{transform_indices = #map}, {transform_indices = #map}, {transform_indices = #map1}, {transform_indices = #map}, {transform_indices = #map1}]} {
    %mul3A = arith.constant 16 : i32
    %mul3A_0 = arith.muli %arg0, %mul3A : i32
    %add3A = arith.addi %mul3A_0, %arg1 : i32
    %mul3A_1 = arith.constant 625 : i32
    %mul3A_2 = arith.muli %arg1, %mul3A_1 : i32
    %run_scoped3A = arith.constant 0 : i32
    "tpu.region"() ({
      %run_scoped3A_141 = tpu.sem_alloc : memref<!tpu.dma_semaphore, #tpu.memory_space<semaphore_mem>>
      %dma_start3A_142 = arith.constant 0 : i32
      %dma_start3A_143 = tpu.memref_slice %arg4[%run_scoped3A, %mul3A_2, %dma_start3A_142] : memref<2x10000x16xf32, #tpu.memory_space<hbm>> -> memref<1x625x16xf32, #tpu.memory_space<hbm>>
      %dma_start3A_144 = tpu.memref_squeeze %dma_start3A_143 : memref<1x625x16xf32, #tpu.memory_space<hbm>> -> memref<625x16xf32, #tpu.memory_space<hbm>>
      %dma_start3A_145 = arith.constant 0 : i32
      %dma_start3A_146 = tpu.memref_slice %arg4[%run_scoped3A, %mul3A_2, %dma_start3A_145] : memref<2x10000x16xf32, #tpu.memory_space<hbm>> -> memref<1x625x16xf32, #tpu.memory_space<hbm>>
      %dma_start3A_147 = tpu.memref_squeeze %dma_start3A_146 : memref<1x625x16xf32, #tpu.memory_space<hbm>> -> memref<625x16xf32, #tpu.memory_space<hbm>>
      tpu.enqueue_dma source(%dma_start3A_147 : memref<625x16xf32, #tpu.memory_space<hbm>>) target(%arg14 : memref<625x16xf32, #tpu.memory_space<vmem>>) target_semaphore(%run_scoped3A_141 : memref<!tpu.dma_semaphore, #tpu.memory_space<semaphore_mem>>)
      %dma_wait3A_148 = arith.constant 0 : i32
      %dma_wait3A_149 = tpu.memref_slice %arg4[%run_scoped3A, %mul3A_2, %dma_wait3A_148] : memref<2x10000x16xf32, #tpu.memory_space<hbm>> -> memref<1x625x16xf32, #tpu.memory_space<hbm>>
      %dma_wait3A_150 = tpu.memref_squeeze %dma_wait3A_149 : memref<1x625x16xf32, #tpu.memory_space<hbm>> -> memref<625x16xf32, #tpu.memory_space<hbm>>
      %dma_wait3A_151 = arith.constant 0 : i32
      %dma_wait3A_152 = tpu.memref_slice %arg4[%run_scoped3A, %mul3A_2, %dma_wait3A_151] : memref<2x10000x16xf32, #tpu.memory_space<hbm>> -> memref<1x625x16xf32, #tpu.memory_space<hbm>>
      %dma_wait3A_153 = tpu.memref_squeeze %dma_wait3A_152 : memref<1x625x16xf32, #tpu.memory_space<hbm>> -> memref<625x16xf32, #tpu.memory_space<hbm>>
      tpu.wait_dma2 semaphore(%run_scoped3A_141 : memref<!tpu.dma_semaphore, #tpu.memory_space<semaphore_mem>>) src(%dma_wait3A_153 : memref<625x16xf32, #tpu.memory_space<hbm>>) dst(%arg14 : memref<625x16xf32, #tpu.memory_space<vmem>>)
      tpu.yield
    }) : () -> ()
    %run_scoped3A_3 = arith.constant 1 : i32
    "tpu.region"() ({
      %run_scoped3A_141 = tpu.sem_alloc : memref<!tpu.dma_semaphore, #tpu.memory_space<semaphore_mem>>
      %dma_start3A_142 = arith.constant 0 : i32
      %dma_start3A_143 = tpu.memref_slice %arg4[%run_scoped3A_3, %mul3A_2, %dma_start3A_142] : memref<2x10000x16xf32, #tpu.memory_space<hbm>> -> memref<1x625x16xf32, #tpu.memory_space<hbm>>
      %dma_start3A_144 = tpu.memref_squeeze %dma_start3A_143 : memref<1x625x16xf32, #tpu.memory_space<hbm>> -> memref<625x16xf32, #tpu.memory_space<hbm>>
      %dma_start3A_145 = arith.constant 0 : i32
      %dma_start3A_146 = tpu.memref_slice %arg4[%run_scoped3A_3, %mul3A_2, %dma_start3A_145] : memref<2x10000x16xf32, #tpu.memory_space<hbm>> -> memref<1x625x16xf32, #tpu.memory_space<hbm>>
      %dma_start3A_147 = tpu.memref_squeeze %dma_start3A_146 : memref<1x625x16xf32, #tpu.memory_space<hbm>> -> memref<625x16xf32, #tpu.memory_space<hbm>>
      tpu.enqueue_dma source(%dma_start3A_147 : memref<625x16xf32, #tpu.memory_space<hbm>>) target(%arg15 : memref<625x16xf32, #tpu.memory_space<vmem>>) target_semaphore(%run_scoped3A_141 : memref<!tpu.dma_semaphore, #tpu.memory_space<semaphore_mem>>)
      %dma_wait3A_148 = arith.constant 0 : i32
      %dma_wait3A_149 = tpu.memref_slice %arg4[%run_scoped3A_3, %mul3A_2, %dma_wait3A_148] : memref<2x10000x16xf32, #tpu.memory_space<hbm>> -> memref<1x625x16xf32, #tpu.memory_space<hbm>>
      %dma_wait3A_150 = tpu.memref_squeeze %dma_wait3A_149 : memref<1x625x16xf32, #tpu.memory_space<hbm>> -> memref<625x16xf32, #tpu.memory_space<hbm>>
      %dma_wait3A_151 = arith.constant 0 : i32
      %dma_wait3A_152 = tpu.memref_slice %arg4[%run_scoped3A_3, %mul3A_2, %dma_wait3A_151] : memref<2x10000x16xf32, #tpu.memory_space<hbm>> -> memref<1x625x16xf32, #tpu.memory_space<hbm>>
      %dma_wait3A_153 = tpu.memref_squeeze %dma_wait3A_152 : memref<1x625x16xf32, #tpu.memory_space<hbm>> -> memref<625x16xf32, #tpu.memory_space<hbm>>
      tpu.wait_dma2 semaphore(%run_scoped3A_141 : memref<!tpu.dma_semaphore, #tpu.memory_space<semaphore_mem>>) src(%dma_wait3A_153 : memref<625x16xf32, #tpu.memory_space<hbm>>) dst(%arg15 : memref<625x16xf32, #tpu.memory_space<vmem>>)
      tpu.yield
    }) : () -> ()
    "tpu.region"() ({
      %run_scoped3A_141 = tpu.sem_alloc : memref<!tpu.dma_semaphore, #tpu.memory_space<semaphore_mem>>
      %dma_start3A_142 = arith.constant 0 : i32
      %dma_start3A_143 = tpu.memref_slice %arg5[%mul3A_2, %dma_start3A_142] : memref<10000x16xf32, #tpu.memory_space<hbm>> -> memref<625x16xf32, #tpu.memory_space<hbm>>
      %dma_start3A_144 = arith.constant 0 : i32
      %dma_start3A_145 = tpu.memref_slice %arg5[%mul3A_2, %dma_start3A_144] : memref<10000x16xf32, #tpu.memory_space<hbm>> -> memref<625x16xf32, #tpu.memory_space<hbm>>
      tpu.enqueue_dma source(%dma_start3A_145 : memref<625x16xf32, #tpu.memory_space<hbm>>) target(%arg16 : memref<625x16xf32, #tpu.memory_space<vmem>>) target_semaphore(%run_scoped3A_141 : memref<!tpu.dma_semaphore, #tpu.memory_space<semaphore_mem>>)
      %dma_wait3A_146 = arith.constant 0 : i32
      %dma_wait3A_147 = tpu.memref_slice %arg5[%mul3A_2, %dma_wait3A_146] : memref<10000x16xf32, #tpu.memory_space<hbm>> -> memref<625x16xf32, #tpu.memory_space<hbm>>
      %dma_wait3A_148 = arith.constant 0 : i32
      %dma_wait3A_149 = tpu.memref_slice %arg5[%mul3A_2, %dma_wait3A_148] : memref<10000x16xf32, #tpu.memory_space<hbm>> -> memref<625x16xf32, #tpu.memory_space<hbm>>
      tpu.wait_dma2 semaphore(%run_scoped3A_141 : memref<!tpu.dma_semaphore, #tpu.memory_space<semaphore_mem>>) src(%dma_wait3A_149 : memref<625x16xf32, #tpu.memory_space<hbm>>) dst(%arg16 : memref<625x16xf32, #tpu.memory_space<vmem>>)
      tpu.yield
    }) : () -> ()
    %mul3A_4 = arith.constant 80 : i32
    %mul3A_5 = arith.muli %add3A, %mul3A_4 : i32
    "tpu.region"() ({
      %run_scoped3A_141 = tpu.sem_alloc : memref<!tpu.dma_semaphore, #tpu.memory_space<semaphore_mem>>
      %dma_start3A_142 = arith.constant 0 : i32
      %dma_start3A_143 = tpu.memref_slice %arg2[%mul3A_5, %dma_start3A_142] : memref<2560x125xi32, #tpu.memory_space<hbm>> -> memref<80x125xi32, #tpu.memory_space<hbm>>
      %dma_start3A_144 = arith.constant 0 : i32
      %dma_start3A_145 = tpu.memref_slice %arg2[%mul3A_5, %dma_start3A_144] : memref<2560x125xi32, #tpu.memory_space<hbm>> -> memref<80x125xi32, #tpu.memory_space<hbm>>
      tpu.enqueue_dma source(%dma_start3A_145 : memref<80x125xi32, #tpu.memory_space<hbm>>) target(%arg7 : memref<80x125xi32, #tpu.memory_space<vmem>>) target_semaphore(%run_scoped3A_141 : memref<!tpu.dma_semaphore, #tpu.memory_space<semaphore_mem>>)
      %dma_wait3A_146 = arith.constant 0 : i32
      %dma_wait3A_147 = tpu.memref_slice %arg2[%mul3A_5, %dma_wait3A_146] : memref<2560x125xi32, #tpu.memory_space<hbm>> -> memref<80x125xi32, #tpu.memory_space<hbm>>
      %dma_wait3A_148 = arith.constant 0 : i32
      %dma_wait3A_149 = tpu.memref_slice %arg2[%mul3A_5, %dma_wait3A_148] : memref<2560x125xi32, #tpu.memory_space<hbm>> -> memref<80x125xi32, #tpu.memory_space<hbm>>
      tpu.wait_dma2 semaphore(%run_scoped3A_141 : memref<!tpu.dma_semaphore, #tpu.memory_space<semaphore_mem>>) src(%dma_wait3A_149 : memref<80x125xi32, #tpu.memory_space<hbm>>) dst(%arg7 : memref<80x125xi32, #tpu.memory_space<vmem>>)
      tpu.yield
    }) : () -> ()
    %mul3A_6 = arith.constant 80 : i32
    %mul3A_7 = arith.muli %add3A, %mul3A_6 : i32
    "tpu.region"() ({
      %run_scoped3A_141 = tpu.sem_alloc : memref<!tpu.dma_semaphore, #tpu.memory_space<semaphore_mem>>
      %dma_start3A_142 = arith.constant 0 : i32
      %dma_start3A_143 = tpu.memref_slice %arg3[%mul3A_7, %dma_start3A_142] : memref<2560x125xi32, #tpu.memory_space<hbm>> -> memref<80x125xi32, #tpu.memory_space<hbm>>
      %dma_start3A_144 = arith.constant 0 : i32
      %dma_start3A_145 = tpu.memref_slice %arg3[%mul3A_7, %dma_start3A_144] : memref<2560x125xi32, #tpu.memory_space<hbm>> -> memref<80x125xi32, #tpu.memory_space<hbm>>
      tpu.enqueue_dma source(%dma_start3A_145 : memref<80x125xi32, #tpu.memory_space<hbm>>) target(%arg8 : memref<80x125xi32, #tpu.memory_space<vmem>>) target_semaphore(%run_scoped3A_141 : memref<!tpu.dma_semaphore, #tpu.memory_space<semaphore_mem>>)
      %dma_wait3A_146 = arith.constant 0 : i32
      %dma_wait3A_147 = tpu.memref_slice %arg3[%mul3A_7, %dma_wait3A_146] : memref<2560x125xi32, #tpu.memory_space<hbm>> -> memref<80x125xi32, #tpu.memory_space<hbm>>
      %dma_wait3A_148 = arith.constant 0 : i32
      %dma_wait3A_149 = tpu.memref_slice %arg3[%mul3A_7, %dma_wait3A_148] : memref<2560x125xi32, #tpu.memory_space<hbm>> -> memref<80x125xi32, #tpu.memory_space<hbm>>
      tpu.wait_dma2 semaphore(%run_scoped3A_141 : memref<!tpu.dma_semaphore, #tpu.memory_space<semaphore_mem>>) src(%dma_wait3A_149 : memref<80x125xi32, #tpu.memory_space<hbm>>) dst(%arg8 : memref<80x125xi32, #tpu.memory_space<vmem>>)
      tpu.yield
    }) : () -> ()
    %scan3A = arith.constant 0 : i32
    %scan3A_8 = arith.constant 125 : i32
    %scan3A_9 = arith.addi %scan3A, %scan3A_8 : i32
    %scan3A_10 = arith.constant 1 : i32
    scf.for %scan3A_141 = %scan3A to %scan3A_9 step %scan3A_10  : i32 {
      %mul3A_142 = arith.constant 5 : i32
      %mul3A_143 = arith.muli %scan3A_141, %mul3A_142 : i32
      %add3A_144 = arith.constant 0 : i32
      %add3A_145 = arith.addi %add3A_144, %mul3A_143 : i32
      %add3A_146 = arith.constant 0 : i32
      %add3A_147 = arith.addi %add3A_145, %add3A_146 : i32
      %get3A = arith.index_cast %add3A_147 : i32 to index
      %get3A_148 = arith.constant 0 : index
      %get3A_149 = tpu.vector_load %arg14[%get3A, %get3A_148] {strides = array<i32>} : memref<625x16xf32, #tpu.memory_space<vmem>>, vector<16xf32>,
      %get3A_150 = arith.index_cast %add3A_147 : i32 to index
      %get3A_151 = arith.constant 0 : index
      %get3A_152 = tpu.vector_load %arg15[%get3A_150, %get3A_151] {strides = array<i32>} : memref<625x16xf32, #tpu.memory_space<vmem>>, vector<16xf32>,
      %add3A_153 = arith.addf %get3A_149, %get3A_152 : vector<16xf32>
      %add3A_154 = arith.constant 1.000000e+00 : f32
      %add3A_155 = vector.broadcast %add3A_154 : f32 to vector<16xf32>
      %add3A_156 = arith.addf %add3A_153, %add3A_155 : vector<16xf32>
      %bitcast3A = vector.bitcast %add3A_156 : vector<16xf32> to vector<16xi32>
      %shift_right_logical3A = arith.constant 1 : i32
      %shift_right_logical3A_157 = vector.broadcast %shift_right_logical3A : i32 to vector<16xi32>
      %shift_right_logical3A_158 = arith.shrui %bitcast3A, %shift_right_logical3A_157 : vector<16xi32>
      %sub3A = arith.constant 1597463007 : i32
      %sub3A_159 = vector.broadcast %sub3A : i32 to vector<16xi32>
      %sub3A_160 = arith.subi %sub3A_159, %shift_right_logical3A_158 : vector<16xi32>
      %bitcast3A_161 = vector.bitcast %sub3A_160 : vector<16xi32> to vector<16xf32>
      %mul3A_162 = arith.constant 5.000000e-01 : f32
      %mul3A_163 = vector.broadcast %mul3A_162 : f32 to vector<16xf32>
      %mul3A_164 = arith.mulf %mul3A_163, %add3A_156 : vector<16xf32>
      %mul3A_165 = arith.mulf %mul3A_164, %bitcast3A_161 : vector<16xf32>
      %mul3A_166 = arith.mulf %mul3A_165, %bitcast3A_161 : vector<16xf32>
      %sub3A_167 = arith.constant 1.500000e+00 : f32
      %sub3A_168 = vector.broadcast %sub3A_167 : f32 to vector<16xf32>
      %sub3A_169 = arith.subf %sub3A_168, %mul3A_166 : vector<16xf32>
      %mul3A_170 = arith.mulf %bitcast3A_161, %sub3A_169 : vector<16xf32>
      %mul3A_171 = arith.constant 5.000000e-01 : f32
      %mul3A_172 = vector.broadcast %mul3A_171 : f32 to vector<16xf32>
      %mul3A_173 = arith.mulf %mul3A_172, %add3A_156 : vector<16xf32>
      %mul3A_174 = arith.mulf %mul3A_173, %mul3A_170 : vector<16xf32>
      %mul3A_175 = arith.mulf %mul3A_174, %mul3A_170 : vector<16xf32>
      %sub3A_176 = arith.constant 1.500000e+00 : f32
      %sub3A_177 = vector.broadcast %sub3A_176 : f32 to vector<16xf32>
      %sub3A_178 = arith.subf %sub3A_177, %mul3A_175 : vector<16xf32>
      %mul3A_179 = arith.mulf %mul3A_170, %sub3A_178 : vector<16xf32>
      %mul3A_180 = arith.constant 5.000000e-01 : f32
      %mul3A_181 = vector.broadcast %mul3A_180 : f32 to vector<16xf32>
      %mul3A_182 = arith.mulf %mul3A_181, %add3A_156 : vector<16xf32>
      %mul3A_183 = arith.mulf %mul3A_182, %mul3A_179 : vector<16xf32>
      %mul3A_184 = arith.mulf %mul3A_183, %mul3A_179 : vector<16xf32>
      %sub3A_185 = arith.constant 1.500000e+00 : f32
      %sub3A_186 = vector.broadcast %sub3A_185 : f32 to vector<16xf32>
      %sub3A_187 = arith.subf %sub3A_186, %mul3A_184 : vector<16xf32>
      %mul3A_188 = arith.mulf %mul3A_179, %sub3A_187 : vector<16xf32>
      %get3A_189 = arith.index_cast %add3A_147 : i32 to index
      %get3A_190 = arith.constant 0 : index
      %get3A_191 = tpu.vector_load %arg16[%get3A_189, %get3A_190] {strides = array<i32>} : memref<625x16xf32, #tpu.memory_space<vmem>>, vector<16xf32>,
      %mul3A_192 = arith.mulf %mul3A_188, %get3A_191 : vector<16xf32>
      %swap3A = arith.index_cast %add3A_147 : i32 to index
      %swap3A_193 = arith.constant 0 : index
      %swap3A_194 = tpu.vector_load %arg16[%swap3A, %swap3A_193] {strides = array<i32>} : memref<625x16xf32, #tpu.memory_space<vmem>>, vector<16xf32>,
      tpu.vector_store %arg16[%swap3A, %swap3A_193], %mul3A_192 {strides = array<i32>} : memref<625x16xf32, #tpu.memory_space<vmem>>, vector<16xf32>,
      %add3A_195 = arith.constant 1 : i32
      %add3A_196 = arith.addi %add3A_145, %add3A_195 : i32
      %get3A_197 = arith.index_cast %add3A_196 : i32 to index
      %get3A_198 = arith.constant 0 : index
      %get3A_199 = tpu.vector_load %arg14[%get3A_197, %get3A_198] {strides = array<i32>} : memref<625x16xf32, #tpu.memory_space<vmem>>, vector<16xf32>,
      %get3A_200 = arith.index_cast %add3A_196 : i32 to index
      %get3A_201 = arith.constant 0 : index
      %get3A_202 = tpu.vector_load %arg15[%get3A_200, %get3A_201] {strides = array<i32>} : memref<625x16xf32, #tpu.memory_space<vmem>>, vector<16xf32>,
      %add3A_203 = arith.addf %get3A_199, %get3A_202 : vector<16xf32>
      %add3A_204 = arith.constant 1.000000e+00 : f32
      %add3A_205 = vector.broadcast %add3A_204 : f32 to vector<16xf32>
      %add3A_206 = arith.addf %add3A_203, %add3A_205 : vector<16xf32>
      %bitcast3A_207 = vector.bitcast %add3A_206 : vector<16xf32> to vector<16xi32>
      %shift_right_logical3A_208 = arith.constant 1 : i32
      %shift_right_logical3A_209 = vector.broadcast %shift_right_logical3A_208 : i32 to vector<16xi32>
      %shift_right_logical3A_210 = arith.shrui %bitcast3A_207, %shift_right_logical3A_209 : vector<16xi32>
      %sub3A_211 = arith.constant 1597463007 : i32
      %sub3A_212 = vector.broadcast %sub3A_211 : i32 to vector<16xi32>
      %sub3A_213 = arith.subi %sub3A_212, %shift_right_logical3A_210 : vector<16xi32>
      %bitcast3A_214 = vector.bitcast %sub3A_213 : vector<16xi32> to vector<16xf32>
      %mul3A_215 = arith.constant 5.000000e-01 : f32
      %mul3A_216 = vector.broadcast %mul3A_215 : f32 to vector<16xf32>
      %mul3A_217 = arith.mulf %mul3A_216, %add3A_206 : vector<16xf32>
      %mul3A_218 = arith.mulf %mul3A_217, %bitcast3A_214 : vector<16xf32>
      %mul3A_219 = arith.mulf %mul3A_218, %bitcast3A_214 : vector<16xf32>
      %sub3A_220 = arith.constant 1.500000e+00 : f32
      %sub3A_221 = vector.broadcast %sub3A_220 : f32 to vector<16xf32>
      %sub3A_222 = arith.subf %sub3A_221, %mul3A_219 : vector<16xf32>
      %mul3A_223 = arith.mulf %bitcast3A_214, %sub3A_222 : vector<16xf32>
      %mul3A_224 = arith.constant 5.000000e-01 : f32
      %mul3A_225 = vector.broadcast %mul3A_224 : f32 to vector<16xf32>
      %mul3A_226 = arith.mulf %mul3A_225, %add3A_206 : vector<16xf32>
      %mul3A_227 = arith.mulf %mul3A_226, %mul3A_223 : vector<16xf32>
      %mul3A_228 = arith.mulf %mul3A_227, %mul3A_223 : vector<16xf32>
      %sub3A_229 = arith.constant 1.500000e+00 : f32
      %sub3A_230 = vector.broadcast %sub3A_229 : f32 to vector<16xf32>
      %sub3A_231 = arith.subf %sub3A_230, %mul3A_228 : vector<16xf32>
      %mul3A_232 = arith.mulf %mul3A_223, %sub3A_231 : vector<16xf32>
      %mul3A_233 = arith.constant 5.000000e-01 : f32
      %mul3A_234 = vector.broadcast %mul3A_233 : f32 to vector<16xf32>
      %mul3A_235 = arith.mulf %mul3A_234, %add3A_206 : vector<16xf32>
      %mul3A_236 = arith.mulf %mul3A_235, %mul3A_232 : vector<16xf32>
      %mul3A_237 = arith.mulf %mul3A_236, %mul3A_232 : vector<16xf32>
      %sub3A_238 = arith.constant 1.500000e+00 : f32
      %sub3A_239 = vector.broadcast %sub3A_238 : f32 to vector<16xf32>
      %sub3A_240 = arith.subf %sub3A_239, %mul3A_237 : vector<16xf32>
      %mul3A_241 = arith.mulf %mul3A_232, %sub3A_240 : vector<16xf32>
      %get3A_242 = arith.index_cast %add3A_196 : i32 to index
      %get3A_243 = arith.constant 0 : index
      %get3A_244 = tpu.vector_load %arg16[%get3A_242, %get3A_243] {strides = array<i32>} : memref<625x16xf32, #tpu.memory_space<vmem>>, vector<16xf32>,
      %mul3A_245 = arith.mulf %mul3A_241, %get3A_244 : vector<16xf32>
      %swap3A_246 = arith.index_cast %add3A_196 : i32 to index
      %swap3A_247 = arith.constant 0 : index
      %swap3A_248 = tpu.vector_load %arg16[%swap3A_246, %swap3A_247] {strides = array<i32>} : memref<625x16xf32, #tpu.memory_space<vmem>>, vector<16xf32>,
      tpu.vector_store %arg16[%swap3A_246, %swap3A_247], %mul3A_245 {strides = array<i32>} : memref<625x16xf32, #tpu.memory_space<vmem>>, vector<16xf32>,
      %add3A_249 = arith.constant 2 : i32
      %add3A_250 = arith.addi %add3A_145, %add3A_249 : i32
      %get3A_251 = arith.index_cast %add3A_250 : i32 to index
      %get3A_252 = arith.constant 0 : index
      %get3A_253 = tpu.vector_load %arg14[%get3A_251, %get3A_252] {strides = array<i32>} : memref<625x16xf32, #tpu.memory_space<vmem>>, vector<16xf32>,
      %get3A_254 = arith.index_cast %add3A_250 : i32 to index
      %get3A_255 = arith.constant 0 : index
      %get3A_256 = tpu.vector_load %arg15[%get3A_254, %get3A_255] {strides = array<i32>} : memref<625x16xf32, #tpu.memory_space<vmem>>, vector<16xf32>,
      %add3A_257 = arith.addf %get3A_253, %get3A_256 : vector<16xf32>
      %add3A_258 = arith.constant 1.000000e+00 : f32
      %add3A_259 = vector.broadcast %add3A_258 : f32 to vector<16xf32>
      %add3A_260 = arith.addf %add3A_257, %add3A_259 : vector<16xf32>
      %bitcast3A_261 = vector.bitcast %add3A_260 : vector<16xf32> to vector<16xi32>
      %shift_right_logical3A_262 = arith.constant 1 : i32
      %shift_right_logical3A_263 = vector.broadcast %shift_right_logical3A_262 : i32 to vector<16xi32>
      %shift_right_logical3A_264 = arith.shrui %bitcast3A_261, %shift_right_logical3A_263 : vector<16xi32>
      %sub3A_265 = arith.constant 1597463007 : i32
      %sub3A_266 = vector.broadcast %sub3A_265 : i32 to vector<16xi32>
      %sub3A_267 = arith.subi %sub3A_266, %shift_right_logical3A_264 : vector<16xi32>
      %bitcast3A_268 = vector.bitcast %sub3A_267 : vector<16xi32> to vector<16xf32>
      %mul3A_269 = arith.constant 5.000000e-01 : f32
      %mul3A_270 = vector.broadcast %mul3A_269 : f32 to vector<16xf32>
      %mul3A_271 = arith.mulf %mul3A_270, %add3A_260 : vector<16xf32>
      %mul3A_272 = arith.mulf %mul3A_271, %bitcast3A_268 : vector<16xf32>
      %mul3A_273 = arith.mulf %mul3A_272, %bitcast3A_268 : vector<16xf32>
      %sub3A_274 = arith.constant 1.500000e+00 : f32
      %sub3A_275 = vector.broadcast %sub3A_274 : f32 to vector<16xf32>
      %sub3A_276 = arith.subf %sub3A_275, %mul3A_273 : vector<16xf32>
      %mul3A_277 = arith.mulf %bitcast3A_268, %sub3A_276 : vector<16xf32>
      %mul3A_278 = arith.constant 5.000000e-01 : f32
      %mul3A_279 = vector.broadcast %mul3A_278 : f32 to vector<16xf32>
      %mul3A_280 = arith.mulf %mul3A_279, %add3A_260 : vector<16xf32>
      %mul3A_281 = arith.mulf %mul3A_280, %mul3A_277 : vector<16xf32>
      %mul3A_282 = arith.mulf %mul3A_281, %mul3A_277 : vector<16xf32>
      %sub3A_283 = arith.constant 1.500000e+00 : f32
      %sub3A_284 = vector.broadcast %sub3A_283 : f32 to vector<16xf32>
      %sub3A_285 = arith.subf %sub3A_284, %mul3A_282 : vector<16xf32>
      %mul3A_286 = arith.mulf %mul3A_277, %sub3A_285 : vector<16xf32>
      %mul3A_287 = arith.constant 5.000000e-01 : f32
      %mul3A_288 = vector.broadcast %mul3A_287 : f32 to vector<16xf32>
      %mul3A_289 = arith.mulf %mul3A_288, %add3A_260 : vector<16xf32>
      %mul3A_290 = arith.mulf %mul3A_289, %mul3A_286 : vector<16xf32>
      %mul3A_291 = arith.mulf %mul3A_290, %mul3A_286 : vector<16xf32>
      %sub3A_292 = arith.constant 1.500000e+00 : f32
      %sub3A_293 = vector.broadcast %sub3A_292 : f32 to vector<16xf32>
      %sub3A_294 = arith.subf %sub3A_293, %mul3A_291 : vector<16xf32>
      %mul3A_295 = arith.mulf %mul3A_286, %sub3A_294 : vector<16xf32>
      %get3A_296 = arith.index_cast %add3A_250 : i32 to index
      %get3A_297 = arith.constant 0 : index
      %get3A_298 = tpu.vector_load %arg16[%get3A_296, %get3A_297] {strides = array<i32>} : memref<625x16xf32, #tpu.memory_space<vmem>>, vector<16xf32>,
      %mul3A_299 = arith.mulf %mul3A_295, %get3A_298 : vector<16xf32>
      %swap3A_300 = arith.index_cast %add3A_250 : i32 to index
      %swap3A_301 = arith.constant 0 : index
      %swap3A_302 = tpu.vector_load %arg16[%swap3A_300, %swap3A_301] {strides = array<i32>} : memref<625x16xf32, #tpu.memory_space<vmem>>, vector<16xf32>,
      tpu.vector_store %arg16[%swap3A_300, %swap3A_301], %mul3A_299 {strides = array<i32>} : memref<625x16xf32, #tpu.memory_space<vmem>>, vector<16xf32>,
      %add3A_303 = arith.constant 3 : i32
      %add3A_304 = arith.addi %add3A_145, %add3A_303 : i32
      %get3A_305 = arith.index_cast %add3A_304 : i32 to index
      %get3A_306 = arith.constant 0 : index
      %get3A_307 = tpu.vector_load %arg14[%get3A_305, %get3A_306] {strides = array<i32>} : memref<625x16xf32, #tpu.memory_space<vmem>>, vector<16xf32>,
      %get3A_308 = arith.index_cast %add3A_304 : i32 to index
      %get3A_309 = arith.constant 0 : index
      %get3A_310 = tpu.vector_load %arg15[%get3A_308, %get3A_309] {strides = array<i32>} : memref<625x16xf32, #tpu.memory_space<vmem>>, vector<16xf32>,
      %add3A_311 = arith.addf %get3A_307, %get3A_310 : vector<16xf32>
      %add3A_312 = arith.constant 1.000000e+00 : f32
      %add3A_313 = vector.broadcast %add3A_312 : f32 to vector<16xf32>
      %add3A_314 = arith.addf %add3A_311, %add3A_313 : vector<16xf32>
      %bitcast3A_315 = vector.bitcast %add3A_314 : vector<16xf32> to vector<16xi32>
      %shift_right_logical3A_316 = arith.constant 1 : i32
      %shift_right_logical3A_317 = vector.broadcast %shift_right_logical3A_316 : i32 to vector<16xi32>
      %shift_right_logical3A_318 = arith.shrui %bitcast3A_315, %shift_right_logical3A_317 : vector<16xi32>
      %sub3A_319 = arith.constant 1597463007 : i32
      %sub3A_320 = vector.broadcast %sub3A_319 : i32 to vector<16xi32>
      %sub3A_321 = arith.subi %sub3A_320, %shift_right_logical3A_318 : vector<16xi32>
      %bitcast3A_322 = vector.bitcast %sub3A_321 : vector<16xi32> to vector<16xf32>
      %mul3A_323 = arith.constant 5.000000e-01 : f32
      %mul3A_324 = vector.broadcast %mul3A_323 : f32 to vector<16xf32>
      %mul3A_325 = arith.mulf %mul3A_324, %add3A_314 : vector<16xf32>
      %mul3A_326 = arith.mulf %mul3A_325, %bitcast3A_322 : vector<16xf32>
      %mul3A_327 = arith.mulf %mul3A_326, %bitcast3A_322 : vector<16xf32>
      %sub3A_328 = arith.constant 1.500000e+00 : f32
      %sub3A_329 = vector.broadcast %sub3A_328 : f32 to vector<16xf32>
      %sub3A_330 = arith.subf %sub3A_329, %mul3A_327 : vector<16xf32>
      %mul3A_331 = arith.mulf %bitcast3A_322, %sub3A_330 : vector<16xf32>
      %mul3A_332 = arith.constant 5.000000e-01 : f32
      %mul3A_333 = vector.broadcast %mul3A_332 : f32 to vector<16xf32>
      %mul3A_334 = arith.mulf %mul3A_333, %add3A_314 : vector<16xf32>
      %mul3A_335 = arith.mulf %mul3A_334, %mul3A_331 : vector<16xf32>
      %mul3A_336 = arith.mulf %mul3A_335, %mul3A_331 : vector<16xf32>
      %sub3A_337 = arith.constant 1.500000e+00 : f32
      %sub3A_338 = vector.broadcast %sub3A_337 : f32 to vector<16xf32>
      %sub3A_339 = arith.subf %sub3A_338, %mul3A_336 : vector<16xf32>
      %mul3A_340 = arith.mulf %mul3A_331, %sub3A_339 : vector<16xf32>
      %mul3A_341 = arith.constant 5.000000e-01 : f32
      %mul3A_342 = vector.broadcast %mul3A_341 : f32 to vector<16xf32>
      %mul3A_343 = arith.mulf %mul3A_342, %add3A_314 : vector<16xf32>
      %mul3A_344 = arith.mulf %mul3A_343, %mul3A_340 : vector<16xf32>
      %mul3A_345 = arith.mulf %mul3A_344, %mul3A_340 : vector<16xf32>
      %sub3A_346 = arith.constant 1.500000e+00 : f32
      %sub3A_347 = vector.broadcast %sub3A_346 : f32 to vector<16xf32>
      %sub3A_348 = arith.subf %sub3A_347, %mul3A_345 : vector<16xf32>
      %mul3A_349 = arith.mulf %mul3A_340, %sub3A_348 : vector<16xf32>
      %get3A_350 = arith.index_cast %add3A_304 : i32 to index
      %get3A_351 = arith.constant 0 : index
      %get3A_352 = tpu.vector_load %arg16[%get3A_350, %get3A_351] {strides = array<i32>} : memref<625x16xf32, #tpu.memory_space<vmem>>, vector<16xf32>,
      %mul3A_353 = arith.mulf %mul3A_349, %get3A_352 : vector<16xf32>
      %swap3A_354 = arith.index_cast %add3A_304 : i32 to index
      %swap3A_355 = arith.constant 0 : index
      %swap3A_356 = tpu.vector_load %arg16[%swap3A_354, %swap3A_355] {strides = array<i32>} : memref<625x16xf32, #tpu.memory_space<vmem>>, vector<16xf32>,
      tpu.vector_store %arg16[%swap3A_354, %swap3A_355], %mul3A_353 {strides = array<i32>} : memref<625x16xf32, #tpu.memory_space<vmem>>, vector<16xf32>,
      %add3A_357 = arith.constant 4 : i32
      %add3A_358 = arith.addi %add3A_145, %add3A_357 : i32
      %get3A_359 = arith.index_cast %add3A_358 : i32 to index
      %get3A_360 = arith.constant 0 : index
      %get3A_361 = tpu.vector_load %arg14[%get3A_359, %get3A_360] {strides = array<i32>} : memref<625x16xf32, #tpu.memory_space<vmem>>, vector<16xf32>,
      %get3A_362 = arith.index_cast %add3A_358 : i32 to index
      %get3A_363 = arith.constant 0 : index
      %get3A_364 = tpu.vector_load %arg15[%get3A_362, %get3A_363] {strides = array<i32>} : memref<625x16xf32, #tpu.memory_space<vmem>>, vector<16xf32>,
      %add3A_365 = arith.addf %get3A_361, %get3A_364 : vector<16xf32>
      %add3A_366 = arith.constant 1.000000e+00 : f32
      %add3A_367 = vector.broadcast %add3A_366 : f32 to vector<16xf32>
      %add3A_368 = arith.addf %add3A_365, %add3A_367 : vector<16xf32>
      %bitcast3A_369 = vector.bitcast %add3A_368 : vector<16xf32> to vector<16xi32>
      %shift_right_logical3A_370 = arith.constant 1 : i32
      %shift_right_logical3A_371 = vector.broadcast %shift_right_logical3A_370 : i32 to vector<16xi32>
      %shift_right_logical3A_372 = arith.shrui %bitcast3A_369, %shift_right_logical3A_371 : vector<16xi32>
      %sub3A_373 = arith.constant 1597463007 : i32
      %sub3A_374 = vector.broadcast %sub3A_373 : i32 to vector<16xi32>
      %sub3A_375 = arith.subi %sub3A_374, %shift_right_logical3A_372 : vector<16xi32>
      %bitcast3A_376 = vector.bitcast %sub3A_375 : vector<16xi32> to vector<16xf32>
      %mul3A_377 = arith.constant 5.000000e-01 : f32
      %mul3A_378 = vector.broadcast %mul3A_377 : f32 to vector<16xf32>
      %mul3A_379 = arith.mulf %mul3A_378, %add3A_368 : vector<16xf32>
      %mul3A_380 = arith.mulf %mul3A_379, %bitcast3A_376 : vector<16xf32>
      %mul3A_381 = arith.mulf %mul3A_380, %bitcast3A_376 : vector<16xf32>
      %sub3A_382 = arith.constant 1.500000e+00 : f32
      %sub3A_383 = vector.broadcast %sub3A_382 : f32 to vector<16xf32>
      %sub3A_384 = arith.subf %sub3A_383, %mul3A_381 : vector<16xf32>
      %mul3A_385 = arith.mulf %bitcast3A_376, %sub3A_384 : vector<16xf32>
      %mul3A_386 = arith.constant 5.000000e-01 : f32
      %mul3A_387 = vector.broadcast %mul3A_386 : f32 to vector<16xf32>
      %mul3A_388 = arith.mulf %mul3A_387, %add3A_368 : vector<16xf32>
      %mul3A_389 = arith.mulf %mul3A_388, %mul3A_385 : vector<16xf32>
      %mul3A_390 = arith.mulf %mul3A_389, %mul3A_385 : vector<16xf32>
      %sub3A_391 = arith.constant 1.500000e+00 : f32
      %sub3A_392 = vector.broadcast %sub3A_391 : f32 to vector<16xf32>
      %sub3A_393 = arith.subf %sub3A_392, %mul3A_390 : vector<16xf32>
      %mul3A_394 = arith.mulf %mul3A_385, %sub3A_393 : vector<16xf32>
      %mul3A_395 = arith.constant 5.000000e-01 : f32
      %mul3A_396 = vector.broadcast %mul3A_395 : f32 to vector<16xf32>
      %mul3A_397 = arith.mulf %mul3A_396, %add3A_368 : vector<16xf32>
      %mul3A_398 = arith.mulf %mul3A_397, %mul3A_394 : vector<16xf32>
      %mul3A_399 = arith.mulf %mul3A_398, %mul3A_394 : vector<16xf32>
      %sub3A_400 = arith.constant 1.500000e+00 : f32
      %sub3A_401 = vector.broadcast %sub3A_400 : f32 to vector<16xf32>
      %sub3A_402 = arith.subf %sub3A_401, %mul3A_399 : vector<16xf32>
      %mul3A_403 = arith.mulf %mul3A_394, %sub3A_402 : vector<16xf32>
      %get3A_404 = arith.index_cast %add3A_358 : i32 to index
      %get3A_405 = arith.constant 0 : index
      %get3A_406 = tpu.vector_load %arg16[%get3A_404, %get3A_405] {strides = array<i32>} : memref<625x16xf32, #tpu.memory_space<vmem>>, vector<16xf32>,
      %mul3A_407 = arith.mulf %mul3A_403, %get3A_406 : vector<16xf32>
      %swap3A_408 = arith.index_cast %add3A_358 : i32 to index
      %swap3A_409 = arith.constant 0 : index
      %swap3A_410 = tpu.vector_load %arg16[%swap3A_408, %swap3A_409] {strides = array<i32>} : memref<625x16xf32, #tpu.memory_space<vmem>>, vector<16xf32>,
      tpu.vector_store %arg16[%swap3A_408, %swap3A_409], %mul3A_407 {strides = array<i32>} : memref<625x16xf32, #tpu.memory_space<vmem>>, vector<16xf32>,
    }
    %scan3A_11 = arith.constant 125 : i32
    "tpu.region"() ({
      %run_scoped3A_141 = tpu.sem_alloc : memref<!tpu.dma_semaphore, #tpu.memory_space<semaphore_mem>>
      %dma_start3A_142 = arith.constant 0 : i32
      %dma_start3A_143 = tpu.memref_slice %arg17[%mul3A_2, %dma_start3A_142] : memref<10000x16xf32, #tpu.memory_space<vmem_shared>> -> memref<625x16xf32, #tpu.memory_space<vmem_shared>>
      %dma_start3A_144 = arith.constant 0 : i32
      %dma_start3A_145 = tpu.memref_slice %arg17[%mul3A_2, %dma_start3A_144] : memref<10000x16xf32, #tpu.memory_space<vmem_shared>> -> memref<625x16xf32, #tpu.memory_space<vmem_shared>>
      tpu.enqueue_dma source(%arg16 : memref<625x16xf32, #tpu.memory_space<vmem>>) target(%dma_start3A_145 : memref<625x16xf32, #tpu.memory_space<vmem_shared>>) target_semaphore(%run_scoped3A_141 : memref<!tpu.dma_semaphore, #tpu.memory_space<semaphore_mem>>)
      %dma_wait3A_146 = arith.constant 0 : i32
      %dma_wait3A_147 = tpu.memref_slice %arg17[%mul3A_2, %dma_wait3A_146] : memref<10000x16xf32, #tpu.memory_space<vmem_shared>> -> memref<625x16xf32, #tpu.memory_space<vmem_shared>>
      %dma_wait3A_148 = arith.constant 0 : i32
      %dma_wait3A_149 = tpu.memref_slice %arg17[%mul3A_2, %dma_wait3A_148] : memref<10000x16xf32, #tpu.memory_space<vmem_shared>> -> memref<625x16xf32, #tpu.memory_space<vmem_shared>>
      tpu.wait_dma2 semaphore(%run_scoped3A_141 : memref<!tpu.dma_semaphore, #tpu.memory_space<semaphore_mem>>) src(%arg16 : memref<625x16xf32, #tpu.memory_space<vmem>>) dst(%dma_wait3A_149 : memref<625x16xf32, #tpu.memory_space<vmem_shared>>)
      tpu.yield
    }) : () -> ()
    %scan3A_12 = arith.constant 0 : i32
    %scan3A_13 = arith.constant 25 : i32
    %scan3A_14 = arith.addi %scan3A_12, %scan3A_13 : i32
    %scan3A_15 = arith.constant 1 : i32
    scf.for %scan3A_141 = %scan3A_12 to %scan3A_14 step %scan3A_15  : i32 {
      %mul3A_142 = arith.constant 5 : i32
      %mul3A_143 = arith.muli %scan3A_141, %mul3A_142 : i32
      %add3A_144 = arith.constant 0 : i32
      %add3A_145 = arith.addi %add3A_144, %mul3A_143 : i32
      %broadcast_in_dim3A = arith.constant 0.000000e+00 : f32
      %broadcast_in_dim3A_146 = vector.broadcast %broadcast_in_dim3A : f32 to vector<16xf32>
      %add3A_147 = arith.constant 0 : i32
      %add3A_148 = arith.addi %add3A_145, %add3A_147 : i32
      %swap3A = arith.index_cast %add3A_148 : i32 to index
      %swap3A_149 = arith.constant 0 : index
      %swap3A_150 = tpu.vector_load %arg9[%swap3A, %swap3A_149] {strides = array<i32>} : memref<125x16xf32, #tpu.memory_space<vmem>>, vector<16xf32>,
      tpu.vector_store %arg9[%swap3A, %swap3A_149], %broadcast_in_dim3A_146 {strides = array<i32>} : memref<125x16xf32, #tpu.memory_space<vmem>>, vector<16xf32>,
      %broadcast_in_dim3A_151 = arith.constant 0.000000e+00 : f32
      %broadcast_in_dim3A_152 = vector.broadcast %broadcast_in_dim3A_151 : f32 to vector<16xf32>
      %add3A_153 = arith.constant 1 : i32
      %add3A_154 = arith.addi %add3A_145, %add3A_153 : i32
      %swap3A_155 = arith.index_cast %add3A_154 : i32 to index
      %swap3A_156 = arith.constant 0 : index
      %swap3A_157 = tpu.vector_load %arg9[%swap3A_155, %swap3A_156] {strides = array<i32>} : memref<125x16xf32, #tpu.memory_space<vmem>>, vector<16xf32>,
      tpu.vector_store %arg9[%swap3A_155, %swap3A_156], %broadcast_in_dim3A_152 {strides = array<i32>} : memref<125x16xf32, #tpu.memory_space<vmem>>, vector<16xf32>,
      %broadcast_in_dim3A_158 = arith.constant 0.000000e+00 : f32
      %broadcast_in_dim3A_159 = vector.broadcast %broadcast_in_dim3A_158 : f32 to vector<16xf32>
      %add3A_160 = arith.constant 2 : i32
      %add3A_161 = arith.addi %add3A_145, %add3A_160 : i32
      %swap3A_162 = arith.index_cast %add3A_161 : i32 to index
      %swap3A_163 = arith.constant 0 : index
      %swap3A_164 = tpu.vector_load %arg9[%swap3A_162, %swap3A_163] {strides = array<i32>} : memref<125x16xf32, #tpu.memory_space<vmem>>, vector<16xf32>,
      tpu.vector_store %arg9[%swap3A_162, %swap3A_163], %broadcast_in_dim3A_159 {strides = array<i32>} : memref<125x16xf32, #tpu.memory_space<vmem>>, vector<16xf32>,
      %broadcast_in_dim3A_165 = arith.constant 0.000000e+00 : f32
      %broadcast_in_dim3A_166 = vector.broadcast %broadcast_in_dim3A_165 : f32 to vector<16xf32>
      %add3A_167 = arith.constant 3 : i32
      %add3A_168 = arith.addi %add3A_145, %add3A_167 : i32
      %swap3A_169 = arith.index_cast %add3A_168 : i32 to index
      %swap3A_170 = arith.constant 0 : index
      %swap3A_171 = tpu.vector_load %arg9[%swap3A_169, %swap3A_170] {strides = array<i32>} : memref<125x16xf32, #tpu.memory_space<vmem>>, vector<16xf32>,
      tpu.vector_store %arg9[%swap3A_169, %swap3A_170], %broadcast_in_dim3A_166 {strides = array<i32>} : memref<125x16xf32, #tpu.memory_space<vmem>>, vector<16xf32>,
      %broadcast_in_dim3A_172 = arith.constant 0.000000e+00 : f32
      %broadcast_in_dim3A_173 = vector.broadcast %broadcast_in_dim3A_172 : f32 to vector<16xf32>
      %add3A_174 = arith.constant 4 : i32
      %add3A_175 = arith.addi %add3A_145, %add3A_174 : i32
      %swap3A_176 = arith.index_cast %add3A_175 : i32 to index
      %swap3A_177 = arith.constant 0 : index
      %swap3A_178 = tpu.vector_load %arg9[%swap3A_176, %swap3A_177] {strides = array<i32>} : memref<125x16xf32, #tpu.memory_space<vmem>>, vector<16xf32>,
      tpu.vector_store %arg9[%swap3A_176, %swap3A_177], %broadcast_in_dim3A_173 {strides = array<i32>} : memref<125x16xf32, #tpu.memory_space<vmem>>, vector<16xf32>,
    }
    %scan3A_16 = arith.constant 25 : i32
    %scan3A_17 = arith.constant 0 : i32
    %scan3A_18 = arith.constant 5 : i32
    %scan3A_19 = arith.addi %scan3A_17, %scan3A_18 : i32
    %scan3A_20 = arith.constant 1 : i32
    scf.for %scan3A_141 = %scan3A_17 to %scan3A_19 step %scan3A_20  : i32 {
      %mul3A_142 = arith.constant 1 : i32
      %mul3A_143 = arith.muli %scan3A_141, %mul3A_142 : i32
      %add3A_144 = arith.constant 0 : i32
      %add3A_145 = arith.addi %add3A_144, %mul3A_143 : i32
      %mul3A_146 = arith.constant 625 : i32
      %mul3A_147 = arith.muli %arg1, %mul3A_146 : i32
      %mul3A_148 = arith.constant 125 : i32
      %mul3A_149 = arith.muli %add3A_145, %mul3A_148 : i32
      %add3A_150 = arith.addi %mul3A_147, %mul3A_149 : i32
      "tpu.region"() ({
        %run_scoped3A_151 = tpu.sem_alloc : memref<!tpu.dma_semaphore, #tpu.memory_space<semaphore_mem>>
        %dma_start3A_152 = arith.constant 0 : i32
        %dma_start3A_153 = tpu.memref_slice %arg18[%add3A_150, %dma_start3A_152] : memref<10000x16xf32, #tpu.memory_space<vmem_shared>> -> memref<125x16xf32, #tpu.memory_space<vmem_shared>>
        %dma_start3A_154 = arith.constant 0 : i32
        %dma_start3A_155 = tpu.memref_slice %arg18[%add3A_150, %dma_start3A_154] : memref<10000x16xf32, #tpu.memory_space<vmem_shared>> -> memref<125x16xf32, #tpu.memory_space<vmem_shared>>
        tpu.enqueue_dma source(%arg9 : memref<125x16xf32, #tpu.memory_space<vmem>>) target(%dma_start3A_155 : memref<125x16xf32, #tpu.memory_space<vmem_shared>>) target_semaphore(%run_scoped3A_151 : memref<!tpu.dma_semaphore, #tpu.memory_space<semaphore_mem>>)
        %dma_wait3A_156 = arith.constant 0 : i32
        %dma_wait3A_157 = tpu.memref_slice %arg18[%add3A_150, %dma_wait3A_156] : memref<10000x16xf32, #tpu.memory_space<vmem_shared>> -> memref<125x16xf32, #tpu.memory_space<vmem_shared>>
        %dma_wait3A_158 = arith.constant 0 : i32
        %dma_wait3A_159 = tpu.memref_slice %arg18[%add3A_150, %dma_wait3A_158] : memref<10000x16xf32, #tpu.memory_space<vmem_shared>> -> memref<125x16xf32, #tpu.memory_space<vmem_shared>>
        tpu.wait_dma2 semaphore(%run_scoped3A_151 : memref<!tpu.dma_semaphore, #tpu.memory_space<semaphore_mem>>) src(%arg9 : memref<125x16xf32, #tpu.memory_space<vmem>>) dst(%dma_wait3A_159 : memref<125x16xf32, #tpu.memory_space<vmem_shared>>)
        tpu.yield
      }) : () -> ()
    }
    %scan3A_21 = arith.constant 5 : i32
    %barrier3A = arith.constant 0 : index
    tpu.barrier barrier_id(%barrier3A)
    %dma_start3A = arith.constant 0 : i32
    %dma_start3A_22 = arith.constant 0 : i32
    %dma_start3A_23 = tpu.memref_slice %arg7[%dma_start3A, %dma_start3A_22] : memref<80x125xi32, #tpu.memory_space<vmem>> -> memref<1x125xi32, #tpu.memory_space<vmem>>
    %dma_start3A_24 = tpu.memref_squeeze %dma_start3A_23 : memref<1x125xi32, #tpu.memory_space<vmem>> -> memref<125xi32, #tpu.memory_space<vmem>>
    %dma_start3A_25 = arith.constant 0 : i32
    %dma_start3A_26 = arith.constant 0 : i32
    %dma_start3A_27 = tpu.memref_slice %arg17[%dma_start3A_25, %dma_start3A_26] : memref<10000x16xf32, #tpu.memory_space<vmem_shared>> -> memref<10000x16xf32, #tpu.memory_space<vmem_shared>>
    tpu.enqueue_indirect_dma source(%dma_start3A_27 : memref<10000x16xf32, #tpu.memory_space<vmem_shared>>) target(%arg10 : memref<125x16xf32, #tpu.memory_space<vmem>>) offsets(%dma_start3A_24 : memref<125xi32, #tpu.memory_space<vmem>>) semaphore(%arg19 : memref<!tpu.dma_semaphore, #tpu.memory_space<semaphore_mem>>)
    %dma_start3A_28 = arith.constant 1 : i32
    %dma_start3A_29 = arith.constant 0 : i32
    %dma_start3A_30 = tpu.memref_slice %arg7[%dma_start3A_28, %dma_start3A_29] : memref<80x125xi32, #tpu.memory_space<vmem>> -> memref<1x125xi32, #tpu.memory_space<vmem>>
    %dma_start3A_31 = tpu.memref_squeeze %dma_start3A_30 : memref<1x125xi32, #tpu.memory_space<vmem>> -> memref<125xi32, #tpu.memory_space<vmem>>
    %dma_start3A_32 = arith.constant 0 : i32
    %dma_start3A_33 = arith.constant 0 : i32
    %dma_start3A_34 = tpu.memref_slice %arg17[%dma_start3A_32, %dma_start3A_33] : memref<10000x16xf32, #tpu.memory_space<vmem_shared>> -> memref<10000x16xf32, #tpu.memory_space<vmem_shared>>
    tpu.enqueue_indirect_dma source(%dma_start3A_34 : memref<10000x16xf32, #tpu.memory_space<vmem_shared>>) target(%arg11 : memref<125x16xf32, #tpu.memory_space<vmem>>) offsets(%dma_start3A_31 : memref<125xi32, #tpu.memory_space<vmem>>) semaphore(%arg20 : memref<!tpu.dma_semaphore, #tpu.memory_space<semaphore_mem>>)
    %dma_start3A_35 = arith.constant 2 : i32
    %dma_start3A_36 = arith.constant 0 : i32
    %dma_start3A_37 = tpu.memref_slice %arg7[%dma_start3A_35, %dma_start3A_36] : memref<80x125xi32, #tpu.memory_space<vmem>> -> memref<1x125xi32, #tpu.memory_space<vmem>>
    %dma_start3A_38 = tpu.memref_squeeze %dma_start3A_37 : memref<1x125xi32, #tpu.memory_space<vmem>> -> memref<125xi32, #tpu.memory_space<vmem>>
    %dma_start3A_39 = arith.constant 0 : i32
    %dma_start3A_40 = arith.constant 0 : i32
    %dma_start3A_41 = tpu.memref_slice %arg17[%dma_start3A_39, %dma_start3A_40] : memref<10000x16xf32, #tpu.memory_space<vmem_shared>> -> memref<10000x16xf32, #tpu.memory_space<vmem_shared>>
    tpu.enqueue_indirect_dma source(%dma_start3A_41 : memref<10000x16xf32, #tpu.memory_space<vmem_shared>>) target(%arg12 : memref<125x16xf32, #tpu.memory_space<vmem>>) offsets(%dma_start3A_38 : memref<125xi32, #tpu.memory_space<vmem>>) semaphore(%arg21 : memref<!tpu.dma_semaphore, #tpu.memory_space<semaphore_mem>>)
    %dma_start3A_42 = arith.constant 3 : i32
    %dma_start3A_43 = arith.constant 0 : i32
    %dma_start3A_44 = tpu.memref_slice %arg7[%dma_start3A_42, %dma_start3A_43] : memref<80x125xi32, #tpu.memory_space<vmem>> -> memref<1x125xi32, #tpu.memory_space<vmem>>
    %dma_start3A_45 = tpu.memref_squeeze %dma_start3A_44 : memref<1x125xi32, #tpu.memory_space<vmem>> -> memref<125xi32, #tpu.memory_space<vmem>>
    %dma_start3A_46 = arith.constant 0 : i32
    %dma_start3A_47 = arith.constant 0 : i32
    %dma_start3A_48 = tpu.memref_slice %arg17[%dma_start3A_46, %dma_start3A_47] : memref<10000x16xf32, #tpu.memory_space<vmem_shared>> -> memref<10000x16xf32, #tpu.memory_space<vmem_shared>>
    tpu.enqueue_indirect_dma source(%dma_start3A_48 : memref<10000x16xf32, #tpu.memory_space<vmem_shared>>) target(%arg13 : memref<125x16xf32, #tpu.memory_space<vmem>>) offsets(%dma_start3A_45 : memref<125xi32, #tpu.memory_space<vmem>>) semaphore(%arg22 : memref<!tpu.dma_semaphore, #tpu.memory_space<semaphore_mem>>)
    %scan3A_49 = arith.constant 0 : i32
    %scan3A_50 = arith.constant 19 : i32
    %scan3A_51 = arith.addi %scan3A_49, %scan3A_50 : i32
    %scan3A_52 = arith.constant 1 : i32
    scf.for %scan3A_141 = %scan3A_49 to %scan3A_51 step %scan3A_52  : i32 {
      %mul3A_142 = arith.constant 4 : i32
      %mul3A_143 = arith.muli %scan3A_141, %mul3A_142 : i32
      %add3A_144 = arith.constant 0 : i32
      %add3A_145 = arith.addi %add3A_144, %mul3A_143 : i32
      %add3A_146 = arith.constant 0 : i32
      %add3A_147 = arith.addi %add3A_145, %add3A_146 : i32
      %dma_wait3A_148 = arith.constant 0 : i32
      %dma_wait3A_149 = tpu.memref_slice %arg7[%add3A_147, %dma_wait3A_148] : memref<80x125xi32, #tpu.memory_space<vmem>> -> memref<1x125xi32, #tpu.memory_space<vmem>>
      %dma_wait3A_150 = tpu.memref_squeeze %dma_wait3A_149 : memref<1x125xi32, #tpu.memory_space<vmem>> -> memref<125xi32, #tpu.memory_space<vmem>>
      %dma_wait3A_151 = arith.constant 0 : i32
      %dma_wait3A_152 = arith.constant 0 : i32
      %dma_wait3A_153 = tpu.memref_slice %arg17[%dma_wait3A_151, %dma_wait3A_152] : memref<10000x16xf32, #tpu.memory_space<vmem_shared>> -> memref<10000x16xf32, #tpu.memory_space<vmem_shared>>
      tpu.wait_indirect_dma semaphore(%arg19 : memref<!tpu.dma_semaphore, #tpu.memory_space<semaphore_mem>>) src(%dma_wait3A_153 : memref<10000x16xf32, #tpu.memory_space<vmem_shared>>) dst(%arg10 : memref<125x16xf32, #tpu.memory_space<vmem>>)
      %add3A_154 = arith.constant 0 : i32
      %add3A_155 = arith.addi %add3A_145, %add3A_154 : i32
      %dma_start3A_156 = arith.constant 0 : i32
      %dma_start3A_157 = tpu.memref_slice %arg8[%add3A_155, %dma_start3A_156] : memref<80x125xi32, #tpu.memory_space<vmem>> -> memref<1x125xi32, #tpu.memory_space<vmem>>
      %dma_start3A_158 = tpu.memref_squeeze %dma_start3A_157 : memref<1x125xi32, #tpu.memory_space<vmem>> -> memref<125xi32, #tpu.memory_space<vmem>>
      %dma_start3A_159 = arith.constant 0 : i32
      %dma_start3A_160 = arith.constant 0 : i32
      %dma_start3A_161 = tpu.memref_slice %arg18[%dma_start3A_159, %dma_start3A_160] : memref<10000x16xf32, #tpu.memory_space<vmem_shared>> -> memref<10000x16xf32, #tpu.memory_space<vmem_shared>>
      tpu.enqueue_indirect_dma source(%arg10 : memref<125x16xf32, #tpu.memory_space<vmem>>) target(%dma_start3A_161 : memref<10000x16xf32, #tpu.memory_space<vmem_shared>>) offsets(%dma_start3A_158 : memref<125xi32, #tpu.memory_space<vmem>>) semaphore(%arg23 : memref<!tpu.dma_semaphore, #tpu.memory_space<semaphore_mem>>) {add = true}
      %add3A_162 = arith.constant 1 : i32
      %add3A_163 = arith.addi %add3A_145, %add3A_162 : i32
      %dma_wait3A_164 = arith.constant 0 : i32
      %dma_wait3A_165 = tpu.memref_slice %arg7[%add3A_163, %dma_wait3A_164] : memref<80x125xi32, #tpu.memory_space<vmem>> -> memref<1x125xi32, #tpu.memory_space<vmem>>
      %dma_wait3A_166 = tpu.memref_squeeze %dma_wait3A_165 : memref<1x125xi32, #tpu.memory_space<vmem>> -> memref<125xi32, #tpu.memory_space<vmem>>
      %dma_wait3A_167 = arith.constant 0 : i32
      %dma_wait3A_168 = arith.constant 0 : i32
      %dma_wait3A_169 = tpu.memref_slice %arg17[%dma_wait3A_167, %dma_wait3A_168] : memref<10000x16xf32, #tpu.memory_space<vmem_shared>> -> memref<10000x16xf32, #tpu.memory_space<vmem_shared>>
      tpu.wait_indirect_dma semaphore(%arg20 : memref<!tpu.dma_semaphore, #tpu.memory_space<semaphore_mem>>) src(%dma_wait3A_169 : memref<10000x16xf32, #tpu.memory_space<vmem_shared>>) dst(%arg11 : memref<125x16xf32, #tpu.memory_space<vmem>>)
      %add3A_170 = arith.constant 1 : i32
      %add3A_171 = arith.addi %add3A_145, %add3A_170 : i32
      %dma_start3A_172 = arith.constant 0 : i32
      %dma_start3A_173 = tpu.memref_slice %arg8[%add3A_171, %dma_start3A_172] : memref<80x125xi32, #tpu.memory_space<vmem>> -> memref<1x125xi32, #tpu.memory_space<vmem>>
      %dma_start3A_174 = tpu.memref_squeeze %dma_start3A_173 : memref<1x125xi32, #tpu.memory_space<vmem>> -> memref<125xi32, #tpu.memory_space<vmem>>
      %dma_start3A_175 = arith.constant 0 : i32
      %dma_start3A_176 = arith.constant 0 : i32
      %dma_start3A_177 = tpu.memref_slice %arg18[%dma_start3A_175, %dma_start3A_176] : memref<10000x16xf32, #tpu.memory_space<vmem_shared>> -> memref<10000x16xf32, #tpu.memory_space<vmem_shared>>
      tpu.enqueue_indirect_dma source(%arg11 : memref<125x16xf32, #tpu.memory_space<vmem>>) target(%dma_start3A_177 : memref<10000x16xf32, #tpu.memory_space<vmem_shared>>) offsets(%dma_start3A_174 : memref<125xi32, #tpu.memory_space<vmem>>) semaphore(%arg24 : memref<!tpu.dma_semaphore, #tpu.memory_space<semaphore_mem>>) {add = true}
      %add3A_178 = arith.constant 2 : i32
      %add3A_179 = arith.addi %add3A_145, %add3A_178 : i32
      %dma_wait3A_180 = arith.constant 0 : i32
      %dma_wait3A_181 = tpu.memref_slice %arg7[%add3A_179, %dma_wait3A_180] : memref<80x125xi32, #tpu.memory_space<vmem>> -> memref<1x125xi32, #tpu.memory_space<vmem>>
      %dma_wait3A_182 = tpu.memref_squeeze %dma_wait3A_181 : memref<1x125xi32, #tpu.memory_space<vmem>> -> memref<125xi32, #tpu.memory_space<vmem>>
      %dma_wait3A_183 = arith.constant 0 : i32
      %dma_wait3A_184 = arith.constant 0 : i32
      %dma_wait3A_185 = tpu.memref_slice %arg17[%dma_wait3A_183, %dma_wait3A_184] : memref<10000x16xf32, #tpu.memory_space<vmem_shared>> -> memref<10000x16xf32, #tpu.memory_space<vmem_shared>>
      tpu.wait_indirect_dma semaphore(%arg21 : memref<!tpu.dma_semaphore, #tpu.memory_space<semaphore_mem>>) src(%dma_wait3A_185 : memref<10000x16xf32, #tpu.memory_space<vmem_shared>>) dst(%arg12 : memref<125x16xf32, #tpu.memory_space<vmem>>)
      %add3A_186 = arith.constant 2 : i32
      %add3A_187 = arith.addi %add3A_145, %add3A_186 : i32
      %dma_start3A_188 = arith.constant 0 : i32
      %dma_start3A_189 = tpu.memref_slice %arg8[%add3A_187, %dma_start3A_188] : memref<80x125xi32, #tpu.memory_space<vmem>> -> memref<1x125xi32, #tpu.memory_space<vmem>>
      %dma_start3A_190 = tpu.memref_squeeze %dma_start3A_189 : memref<1x125xi32, #tpu.memory_space<vmem>> -> memref<125xi32, #tpu.memory_space<vmem>>
      %dma_start3A_191 = arith.constant 0 : i32
      %dma_start3A_192 = arith.constant 0 : i32
      %dma_start3A_193 = tpu.memref_slice %arg18[%dma_start3A_191, %dma_start3A_192] : memref<10000x16xf32, #tpu.memory_space<vmem_shared>> -> memref<10000x16xf32, #tpu.memory_space<vmem_shared>>
      tpu.enqueue_indirect_dma source(%arg12 : memref<125x16xf32, #tpu.memory_space<vmem>>) target(%dma_start3A_193 : memref<10000x16xf32, #tpu.memory_space<vmem_shared>>) offsets(%dma_start3A_190 : memref<125xi32, #tpu.memory_space<vmem>>) semaphore(%arg25 : memref<!tpu.dma_semaphore, #tpu.memory_space<semaphore_mem>>) {add = true}
      %add3A_194 = arith.constant 3 : i32
      %add3A_195 = arith.addi %add3A_145, %add3A_194 : i32
      %dma_wait3A_196 = arith.constant 0 : i32
      %dma_wait3A_197 = tpu.memref_slice %arg7[%add3A_195, %dma_wait3A_196] : memref<80x125xi32, #tpu.memory_space<vmem>> -> memref<1x125xi32, #tpu.memory_space<vmem>>
      %dma_wait3A_198 = tpu.memref_squeeze %dma_wait3A_197 : memref<1x125xi32, #tpu.memory_space<vmem>> -> memref<125xi32, #tpu.memory_space<vmem>>
      %dma_wait3A_199 = arith.constant 0 : i32
      %dma_wait3A_200 = arith.constant 0 : i32
      %dma_wait3A_201 = tpu.memref_slice %arg17[%dma_wait3A_199, %dma_wait3A_200] : memref<10000x16xf32, #tpu.memory_space<vmem_shared>> -> memref<10000x16xf32, #tpu.memory_space<vmem_shared>>
      tpu.wait_indirect_dma semaphore(%arg22 : memref<!tpu.dma_semaphore, #tpu.memory_space<semaphore_mem>>) src(%dma_wait3A_201 : memref<10000x16xf32, #tpu.memory_space<vmem_shared>>) dst(%arg13 : memref<125x16xf32, #tpu.memory_space<vmem>>)
      %add3A_202 = arith.constant 3 : i32
      %add3A_203 = arith.addi %add3A_145, %add3A_202 : i32
      %dma_start3A_204 = arith.constant 0 : i32
      %dma_start3A_205 = tpu.memref_slice %arg8[%add3A_203, %dma_start3A_204] : memref<80x125xi32, #tpu.memory_space<vmem>> -> memref<1x125xi32, #tpu.memory_space<vmem>>
      %dma_start3A_206 = tpu.memref_squeeze %dma_start3A_205 : memref<1x125xi32, #tpu.memory_space<vmem>> -> memref<125xi32, #tpu.memory_space<vmem>>
      %dma_start3A_207 = arith.constant 0 : i32
      %dma_start3A_208 = arith.constant 0 : i32
      %dma_start3A_209 = tpu.memref_slice %arg18[%dma_start3A_207, %dma_start3A_208] : memref<10000x16xf32, #tpu.memory_space<vmem_shared>> -> memref<10000x16xf32, #tpu.memory_space<vmem_shared>>
      tpu.enqueue_indirect_dma source(%arg13 : memref<125x16xf32, #tpu.memory_space<vmem>>) target(%dma_start3A_209 : memref<10000x16xf32, #tpu.memory_space<vmem_shared>>) offsets(%dma_start3A_206 : memref<125xi32, #tpu.memory_space<vmem>>) semaphore(%arg26 : memref<!tpu.dma_semaphore, #tpu.memory_space<semaphore_mem>>) {add = true}
      %add3A_210 = arith.constant 0 : i32
      %add3A_211 = arith.addi %add3A_145, %add3A_210 : i32
      %dma_wait3A_212 = arith.constant 0 : i32
      %dma_wait3A_213 = tpu.memref_slice %arg8[%add3A_211, %dma_wait3A_212] : memref<80x125xi32, #tpu.memory_space<vmem>> -> memref<1x125xi32, #tpu.memory_space<vmem>>
      %dma_wait3A_214 = tpu.memref_squeeze %dma_wait3A_213 : memref<1x125xi32, #tpu.memory_space<vmem>> -> memref<125xi32, #tpu.memory_space<vmem>>
      %dma_wait3A_215 = arith.constant 0 : i32
      %dma_wait3A_216 = arith.constant 0 : i32
      %dma_wait3A_217 = tpu.memref_slice %arg18[%dma_wait3A_215, %dma_wait3A_216] : memref<10000x16xf32, #tpu.memory_space<vmem_shared>> -> memref<10000x16xf32, #tpu.memory_space<vmem_shared>>
      tpu.wait_indirect_dma semaphore(%arg23 : memref<!tpu.dma_semaphore, #tpu.memory_space<semaphore_mem>>) src(%arg10 : memref<125x16xf32, #tpu.memory_space<vmem>>) dst(%dma_wait3A_217 : memref<10000x16xf32, #tpu.memory_space<vmem_shared>>)
      %add3A_218 = arith.constant 4 : i32
      %add3A_219 = arith.addi %add3A_145, %add3A_218 : i32
      %add3A_220 = arith.constant 0 : i32
      %add3A_221 = arith.addi %add3A_219, %add3A_220 : i32
      %dma_start3A_222 = arith.constant 0 : i32
      %dma_start3A_223 = tpu.memref_slice %arg7[%add3A_221, %dma_start3A_222] : memref<80x125xi32, #tpu.memory_space<vmem>> -> memref<1x125xi32, #tpu.memory_space<vmem>>
      %dma_start3A_224 = tpu.memref_squeeze %dma_start3A_223 : memref<1x125xi32, #tpu.memory_space<vmem>> -> memref<125xi32, #tpu.memory_space<vmem>>
      %dma_start3A_225 = arith.constant 0 : i32
      %dma_start3A_226 = arith.constant 0 : i32
      %dma_start3A_227 = tpu.memref_slice %arg17[%dma_start3A_225, %dma_start3A_226] : memref<10000x16xf32, #tpu.memory_space<vmem_shared>> -> memref<10000x16xf32, #tpu.memory_space<vmem_shared>>
      tpu.enqueue_indirect_dma source(%dma_start3A_227 : memref<10000x16xf32, #tpu.memory_space<vmem_shared>>) target(%arg10 : memref<125x16xf32, #tpu.memory_space<vmem>>) offsets(%dma_start3A_224 : memref<125xi32, #tpu.memory_space<vmem>>) semaphore(%arg19 : memref<!tpu.dma_semaphore, #tpu.memory_space<semaphore_mem>>)
      %add3A_228 = arith.constant 1 : i32
      %add3A_229 = arith.addi %add3A_145, %add3A_228 : i32
      %dma_wait3A_230 = arith.constant 0 : i32
      %dma_wait3A_231 = tpu.memref_slice %arg8[%add3A_229, %dma_wait3A_230] : memref<80x125xi32, #tpu.memory_space<vmem>> -> memref<1x125xi32, #tpu.memory_space<vmem>>
      %dma_wait3A_232 = tpu.memref_squeeze %dma_wait3A_231 : memref<1x125xi32, #tpu.memory_space<vmem>> -> memref<125xi32, #tpu.memory_space<vmem>>
      %dma_wait3A_233 = arith.constant 0 : i32
      %dma_wait3A_234 = arith.constant 0 : i32
      %dma_wait3A_235 = tpu.memref_slice %arg18[%dma_wait3A_233, %dma_wait3A_234] : memref<10000x16xf32, #tpu.memory_space<vmem_shared>> -> memref<10000x16xf32, #tpu.memory_space<vmem_shared>>
      tpu.wait_indirect_dma semaphore(%arg24 : memref<!tpu.dma_semaphore, #tpu.memory_space<semaphore_mem>>) src(%arg11 : memref<125x16xf32, #tpu.memory_space<vmem>>) dst(%dma_wait3A_235 : memref<10000x16xf32, #tpu.memory_space<vmem_shared>>)
      %add3A_236 = arith.constant 4 : i32
      %add3A_237 = arith.addi %add3A_145, %add3A_236 : i32
      %add3A_238 = arith.constant 1 : i32
      %add3A_239 = arith.addi %add3A_237, %add3A_238 : i32
      %dma_start3A_240 = arith.constant 0 : i32
      %dma_start3A_241 = tpu.memref_slice %arg7[%add3A_239, %dma_start3A_240] : memref<80x125xi32, #tpu.memory_space<vmem>> -> memref<1x125xi32, #tpu.memory_space<vmem>>
      %dma_start3A_242 = tpu.memref_squeeze %dma_start3A_241 : memref<1x125xi32, #tpu.memory_space<vmem>> -> memref<125xi32, #tpu.memory_space<vmem>>
      %dma_start3A_243 = arith.constant 0 : i32
      %dma_start3A_244 = arith.constant 0 : i32
      %dma_start3A_245 = tpu.memref_slice %arg17[%dma_start3A_243, %dma_start3A_244] : memref<10000x16xf32, #tpu.memory_space<vmem_shared>> -> memref<10000x16xf32, #tpu.memory_space<vmem_shared>>
      tpu.enqueue_indirect_dma source(%dma_start3A_245 : memref<10000x16xf32, #tpu.memory_space<vmem_shared>>) target(%arg11 : memref<125x16xf32, #tpu.memory_space<vmem>>) offsets(%dma_start3A_242 : memref<125xi32, #tpu.memory_space<vmem>>) semaphore(%arg20 : memref<!tpu.dma_semaphore, #tpu.memory_space<semaphore_mem>>)
      %add3A_246 = arith.constant 2 : i32
      %add3A_247 = arith.addi %add3A_145, %add3A_246 : i32
      %dma_wait3A_248 = arith.constant 0 : i32
      %dma_wait3A_249 = tpu.memref_slice %arg8[%add3A_247, %dma_wait3A_248] : memref<80x125xi32, #tpu.memory_space<vmem>> -> memref<1x125xi32, #tpu.memory_space<vmem>>
      %dma_wait3A_250 = tpu.memref_squeeze %dma_wait3A_249 : memref<1x125xi32, #tpu.memory_space<vmem>> -> memref<125xi32, #tpu.memory_space<vmem>>
      %dma_wait3A_251 = arith.constant 0 : i32
      %dma_wait3A_252 = arith.constant 0 : i32
      %dma_wait3A_253 = tpu.memref_slice %arg18[%dma_wait3A_251, %dma_wait3A_252] : memref<10000x16xf32, #tpu.memory_space<vmem_shared>> -> memref<10000x16xf32, #tpu.memory_space<vmem_shared>>
      tpu.wait_indirect_dma semaphore(%arg25 : memref<!tpu.dma_semaphore, #tpu.memory_space<semaphore_mem>>) src(%arg12 : memref<125x16xf32, #tpu.memory_space<vmem>>) dst(%dma_wait3A_253 : memref<10000x16xf32, #tpu.memory_space<vmem_shared>>)
      %add3A_254 = arith.constant 4 : i32
      %add3A_255 = arith.addi %add3A_145, %add3A_254 : i32
      %add3A_256 = arith.constant 2 : i32
      %add3A_257 = arith.addi %add3A_255, %add3A_256 : i32
      %dma_start3A_258 = arith.constant 0 : i32
      %dma_start3A_259 = tpu.memref_slice %arg7[%add3A_257, %dma_start3A_258] : memref<80x125xi32, #tpu.memory_space<vmem>> -> memref<1x125xi32, #tpu.memory_space<vmem>>
      %dma_start3A_260 = tpu.memref_squeeze %dma_start3A_259 : memref<1x125xi32, #tpu.memory_space<vmem>> -> memref<125xi32, #tpu.memory_space<vmem>>
      %dma_start3A_261 = arith.constant 0 : i32
      %dma_start3A_262 = arith.constant 0 : i32
      %dma_start3A_263 = tpu.memref_slice %arg17[%dma_start3A_261, %dma_start3A_262] : memref<10000x16xf32, #tpu.memory_space<vmem_shared>> -> memref<10000x16xf32, #tpu.memory_space<vmem_shared>>
      tpu.enqueue_indirect_dma source(%dma_start3A_263 : memref<10000x16xf32, #tpu.memory_space<vmem_shared>>) target(%arg12 : memref<125x16xf32, #tpu.memory_space<vmem>>) offsets(%dma_start3A_260 : memref<125xi32, #tpu.memory_space<vmem>>) semaphore(%arg21 : memref<!tpu.dma_semaphore, #tpu.memory_space<semaphore_mem>>)
      %add3A_264 = arith.constant 3 : i32
      %add3A_265 = arith.addi %add3A_145, %add3A_264 : i32
      %dma_wait3A_266 = arith.constant 0 : i32
      %dma_wait3A_267 = tpu.memref_slice %arg8[%add3A_265, %dma_wait3A_266] : memref<80x125xi32, #tpu.memory_space<vmem>> -> memref<1x125xi32, #tpu.memory_space<vmem>>
      %dma_wait3A_268 = tpu.memref_squeeze %dma_wait3A_267 : memref<1x125xi32, #tpu.memory_space<vmem>> -> memref<125xi32, #tpu.memory_space<vmem>>
      %dma_wait3A_269 = arith.constant 0 : i32
      %dma_wait3A_270 = arith.constant 0 : i32
      %dma_wait3A_271 = tpu.memref_slice %arg18[%dma_wait3A_269, %dma_wait3A_270] : memref<10000x16xf32, #tpu.memory_space<vmem_shared>> -> memref<10000x16xf32, #tpu.memory_space<vmem_shared>>
      tpu.wait_indirect_dma semaphore(%arg26 : memref<!tpu.dma_semaphore, #tpu.memory_space<semaphore_mem>>) src(%arg13 : memref<125x16xf32, #tpu.memory_space<vmem>>) dst(%dma_wait3A_271 : memref<10000x16xf32, #tpu.memory_space<vmem_shared>>)
      %add3A_272 = arith.constant 4 : i32
      %add3A_273 = arith.addi %add3A_145, %add3A_272 : i32
      %add3A_274 = arith.constant 3 : i32
      %add3A_275 = arith.addi %add3A_273, %add3A_274 : i32
      %dma_start3A_276 = arith.constant 0 : i32
      %dma_start3A_277 = tpu.memref_slice %arg7[%add3A_275, %dma_start3A_276] : memref<80x125xi32, #tpu.memory_space<vmem>> -> memref<1x125xi32, #tpu.memory_space<vmem>>
      %dma_start3A_278 = tpu.memref_squeeze %dma_start3A_277 : memref<1x125xi32, #tpu.memory_space<vmem>> -> memref<125xi32, #tpu.memory_space<vmem>>
      %dma_start3A_279 = arith.constant 0 : i32
      %dma_start3A_280 = arith.constant 0 : i32
      %dma_start3A_281 = tpu.memref_slice %arg17[%dma_start3A_279, %dma_start3A_280] : memref<10000x16xf32, #tpu.memory_space<vmem_shared>> -> memref<10000x16xf32, #tpu.memory_space<vmem_shared>>
      tpu.enqueue_indirect_dma source(%dma_start3A_281 : memref<10000x16xf32, #tpu.memory_space<vmem_shared>>) target(%arg13 : memref<125x16xf32, #tpu.memory_space<vmem>>) offsets(%dma_start3A_278 : memref<125xi32, #tpu.memory_space<vmem>>) semaphore(%arg22 : memref<!tpu.dma_semaphore, #tpu.memory_space<semaphore_mem>>)
    }
    %scan3A_53 = arith.constant 19 : i32
    %dma_wait3A = arith.constant 76 : i32
    %dma_wait3A_54 = arith.constant 0 : i32
    %dma_wait3A_55 = tpu.memref_slice %arg7[%dma_wait3A, %dma_wait3A_54] : memref<80x125xi32, #tpu.memory_space<vmem>> -> memref<1x125xi32, #tpu.memory_space<vmem>>
    %dma_wait3A_56 = tpu.memref_squeeze %dma_wait3A_55 : memref<1x125xi32, #tpu.memory_space<vmem>> -> memref<125xi32, #tpu.memory_space<vmem>>
    %dma_wait3A_57 = arith.constant 0 : i32
    %dma_wait3A_58 = arith.constant 0 : i32
    %dma_wait3A_59 = tpu.memref_slice %arg17[%dma_wait3A_57, %dma_wait3A_58] : memref<10000x16xf32, #tpu.memory_space<vmem_shared>> -> memref<10000x16xf32, #tpu.memory_space<vmem_shared>>
    tpu.wait_indirect_dma semaphore(%arg19 : memref<!tpu.dma_semaphore, #tpu.memory_space<semaphore_mem>>) src(%dma_wait3A_59 : memref<10000x16xf32, #tpu.memory_space<vmem_shared>>) dst(%arg10 : memref<125x16xf32, #tpu.memory_space<vmem>>)
    %dma_start3A_60 = arith.constant 76 : i32
    %dma_start3A_61 = arith.constant 0 : i32
    %dma_start3A_62 = tpu.memref_slice %arg8[%dma_start3A_60, %dma_start3A_61] : memref<80x125xi32, #tpu.memory_space<vmem>> -> memref<1x125xi32, #tpu.memory_space<vmem>>
    %dma_start3A_63 = tpu.memref_squeeze %dma_start3A_62 : memref<1x125xi32, #tpu.memory_space<vmem>> -> memref<125xi32, #tpu.memory_space<vmem>>
    %dma_start3A_64 = arith.constant 0 : i32
    %dma_start3A_65 = arith.constant 0 : i32
    %dma_start3A_66 = tpu.memref_slice %arg18[%dma_start3A_64, %dma_start3A_65] : memref<10000x16xf32, #tpu.memory_space<vmem_shared>> -> memref<10000x16xf32, #tpu.memory_space<vmem_shared>>
    tpu.enqueue_indirect_dma source(%arg10 : memref<125x16xf32, #tpu.memory_space<vmem>>) target(%dma_start3A_66 : memref<10000x16xf32, #tpu.memory_space<vmem_shared>>) offsets(%dma_start3A_63 : memref<125xi32, #tpu.memory_space<vmem>>) semaphore(%arg23 : memref<!tpu.dma_semaphore, #tpu.memory_space<semaphore_mem>>) {add = true}
    %dma_wait3A_67 = arith.constant 77 : i32
    %dma_wait3A_68 = arith.constant 0 : i32
    %dma_wait3A_69 = tpu.memref_slice %arg7[%dma_wait3A_67, %dma_wait3A_68] : memref<80x125xi32, #tpu.memory_space<vmem>> -> memref<1x125xi32, #tpu.memory_space<vmem>>
    %dma_wait3A_70 = tpu.memref_squeeze %dma_wait3A_69 : memref<1x125xi32, #tpu.memory_space<vmem>> -> memref<125xi32, #tpu.memory_space<vmem>>
    %dma_wait3A_71 = arith.constant 0 : i32
    %dma_wait3A_72 = arith.constant 0 : i32
    %dma_wait3A_73 = tpu.memref_slice %arg17[%dma_wait3A_71, %dma_wait3A_72] : memref<10000x16xf32, #tpu.memory_space<vmem_shared>> -> memref<10000x16xf32, #tpu.memory_space<vmem_shared>>
    tpu.wait_indirect_dma semaphore(%arg20 : memref<!tpu.dma_semaphore, #tpu.memory_space<semaphore_mem>>) src(%dma_wait3A_73 : memref<10000x16xf32, #tpu.memory_space<vmem_shared>>) dst(%arg11 : memref<125x16xf32, #tpu.memory_space<vmem>>)
    %dma_start3A_74 = arith.constant 77 : i32
    %dma_start3A_75 = arith.constant 0 : i32
    %dma_start3A_76 = tpu.memref_slice %arg8[%dma_start3A_74, %dma_start3A_75] : memref<80x125xi32, #tpu.memory_space<vmem>> -> memref<1x125xi32, #tpu.memory_space<vmem>>
    %dma_start3A_77 = tpu.memref_squeeze %dma_start3A_76 : memref<1x125xi32, #tpu.memory_space<vmem>> -> memref<125xi32, #tpu.memory_space<vmem>>
    %dma_start3A_78 = arith.constant 0 : i32
    %dma_start3A_79 = arith.constant 0 : i32
    %dma_start3A_80 = tpu.memref_slice %arg18[%dma_start3A_78, %dma_start3A_79] : memref<10000x16xf32, #tpu.memory_space<vmem_shared>> -> memref<10000x16xf32, #tpu.memory_space<vmem_shared>>
    tpu.enqueue_indirect_dma source(%arg11 : memref<125x16xf32, #tpu.memory_space<vmem>>) target(%dma_start3A_80 : memref<10000x16xf32, #tpu.memory_space<vmem_shared>>) offsets(%dma_start3A_77 : memref<125xi32, #tpu.memory_space<vmem>>) semaphore(%arg24 : memref<!tpu.dma_semaphore, #tpu.memory_space<semaphore_mem>>) {add = true}
    %dma_wait3A_81 = arith.constant 78 : i32
    %dma_wait3A_82 = arith.constant 0 : i32
    %dma_wait3A_83 = tpu.memref_slice %arg7[%dma_wait3A_81, %dma_wait3A_82] : memref<80x125xi32, #tpu.memory_space<vmem>> -> memref<1x125xi32, #tpu.memory_space<vmem>>
    %dma_wait3A_84 = tpu.memref_squeeze %dma_wait3A_83 : memref<1x125xi32, #tpu.memory_space<vmem>> -> memref<125xi32, #tpu.memory_space<vmem>>
    %dma_wait3A_85 = arith.constant 0 : i32
    %dma_wait3A_86 = arith.constant 0 : i32
    %dma_wait3A_87 = tpu.memref_slice %arg17[%dma_wait3A_85, %dma_wait3A_86] : memref<10000x16xf32, #tpu.memory_space<vmem_shared>> -> memref<10000x16xf32, #tpu.memory_space<vmem_shared>>
    tpu.wait_indirect_dma semaphore(%arg21 : memref<!tpu.dma_semaphore, #tpu.memory_space<semaphore_mem>>) src(%dma_wait3A_87 : memref<10000x16xf32, #tpu.memory_space<vmem_shared>>) dst(%arg12 : memref<125x16xf32, #tpu.memory_space<vmem>>)
    %dma_start3A_88 = arith.constant 78 : i32
    %dma_start3A_89 = arith.constant 0 : i32
    %dma_start3A_90 = tpu.memref_slice %arg8[%dma_start3A_88, %dma_start3A_89] : memref<80x125xi32, #tpu.memory_space<vmem>> -> memref<1x125xi32, #tpu.memory_space<vmem>>
    %dma_start3A_91 = tpu.memref_squeeze %dma_start3A_90 : memref<1x125xi32, #tpu.memory_space<vmem>> -> memref<125xi32, #tpu.memory_space<vmem>>
    %dma_start3A_92 = arith.constant 0 : i32
    %dma_start3A_93 = arith.constant 0 : i32
    %dma_start3A_94 = tpu.memref_slice %arg18[%dma_start3A_92, %dma_start3A_93] : memref<10000x16xf32, #tpu.memory_space<vmem_shared>> -> memref<10000x16xf32, #tpu.memory_space<vmem_shared>>
    tpu.enqueue_indirect_dma source(%arg12 : memref<125x16xf32, #tpu.memory_space<vmem>>) target(%dma_start3A_94 : memref<10000x16xf32, #tpu.memory_space<vmem_shared>>) offsets(%dma_start3A_91 : memref<125xi32, #tpu.memory_space<vmem>>) semaphore(%arg25 : memref<!tpu.dma_semaphore, #tpu.memory_space<semaphore_mem>>) {add = true}
    %dma_wait3A_95 = arith.constant 79 : i32
    %dma_wait3A_96 = arith.constant 0 : i32
    %dma_wait3A_97 = tpu.memref_slice %arg7[%dma_wait3A_95, %dma_wait3A_96] : memref<80x125xi32, #tpu.memory_space<vmem>> -> memref<1x125xi32, #tpu.memory_space<vmem>>
    %dma_wait3A_98 = tpu.memref_squeeze %dma_wait3A_97 : memref<1x125xi32, #tpu.memory_space<vmem>> -> memref<125xi32, #tpu.memory_space<vmem>>
    %dma_wait3A_99 = arith.constant 0 : i32
    %dma_wait3A_100 = arith.constant 0 : i32
    %dma_wait3A_101 = tpu.memref_slice %arg17[%dma_wait3A_99, %dma_wait3A_100] : memref<10000x16xf32, #tpu.memory_space<vmem_shared>> -> memref<10000x16xf32, #tpu.memory_space<vmem_shared>>
    tpu.wait_indirect_dma semaphore(%arg22 : memref<!tpu.dma_semaphore, #tpu.memory_space<semaphore_mem>>) src(%dma_wait3A_101 : memref<10000x16xf32, #tpu.memory_space<vmem_shared>>) dst(%arg13 : memref<125x16xf32, #tpu.memory_space<vmem>>)
    %dma_start3A_102 = arith.constant 79 : i32
    %dma_start3A_103 = arith.constant 0 : i32
    %dma_start3A_104 = tpu.memref_slice %arg8[%dma_start3A_102, %dma_start3A_103] : memref<80x125xi32, #tpu.memory_space<vmem>> -> memref<1x125xi32, #tpu.memory_space<vmem>>
    %dma_start3A_105 = tpu.memref_squeeze %dma_start3A_104 : memref<1x125xi32, #tpu.memory_space<vmem>> -> memref<125xi32, #tpu.memory_space<vmem>>
    %dma_start3A_106 = arith.constant 0 : i32
    %dma_start3A_107 = arith.constant 0 : i32
    %dma_start3A_108 = tpu.memref_slice %arg18[%dma_start3A_106, %dma_start3A_107] : memref<10000x16xf32, #tpu.memory_space<vmem_shared>> -> memref<10000x16xf32, #tpu.memory_space<vmem_shared>>
    tpu.enqueue_indirect_dma source(%arg13 : memref<125x16xf32, #tpu.memory_space<vmem>>) target(%dma_start3A_108 : memref<10000x16xf32, #tpu.memory_space<vmem_shared>>) offsets(%dma_start3A_105 : memref<125xi32, #tpu.memory_space<vmem>>) semaphore(%arg26 : memref<!tpu.dma_semaphore, #tpu.memory_space<semaphore_mem>>) {add = true}
    %dma_wait3A_109 = arith.constant 76 : i32
    %dma_wait3A_110 = arith.constant 0 : i32
    %dma_wait3A_111 = tpu.memref_slice %arg8[%dma_wait3A_109, %dma_wait3A_110] : memref<80x125xi32, #tpu.memory_space<vmem>> -> memref<1x125xi32, #tpu.memory_space<vmem>>
    %dma_wait3A_112 = tpu.memref_squeeze %dma_wait3A_111 : memref<1x125xi32, #tpu.memory_space<vmem>> -> memref<125xi32, #tpu.memory_space<vmem>>
    %dma_wait3A_113 = arith.constant 0 : i32
    %dma_wait3A_114 = arith.constant 0 : i32
    %dma_wait3A_115 = tpu.memref_slice %arg18[%dma_wait3A_113, %dma_wait3A_114] : memref<10000x16xf32, #tpu.memory_space<vmem_shared>> -> memref<10000x16xf32, #tpu.memory_space<vmem_shared>>
    tpu.wait_indirect_dma semaphore(%arg23 : memref<!tpu.dma_semaphore, #tpu.memory_space<semaphore_mem>>) src(%arg10 : memref<125x16xf32, #tpu.memory_space<vmem>>) dst(%dma_wait3A_115 : memref<10000x16xf32, #tpu.memory_space<vmem_shared>>)
    %dma_wait3A_116 = arith.constant 77 : i32
    %dma_wait3A_117 = arith.constant 0 : i32
    %dma_wait3A_118 = tpu.memref_slice %arg8[%dma_wait3A_116, %dma_wait3A_117] : memref<80x125xi32, #tpu.memory_space<vmem>> -> memref<1x125xi32, #tpu.memory_space<vmem>>
    %dma_wait3A_119 = tpu.memref_squeeze %dma_wait3A_118 : memref<1x125xi32, #tpu.memory_space<vmem>> -> memref<125xi32, #tpu.memory_space<vmem>>
    %dma_wait3A_120 = arith.constant 0 : i32
    %dma_wait3A_121 = arith.constant 0 : i32
    %dma_wait3A_122 = tpu.memref_slice %arg18[%dma_wait3A_120, %dma_wait3A_121] : memref<10000x16xf32, #tpu.memory_space<vmem_shared>> -> memref<10000x16xf32, #tpu.memory_space<vmem_shared>>
    tpu.wait_indirect_dma semaphore(%arg24 : memref<!tpu.dma_semaphore, #tpu.memory_space<semaphore_mem>>) src(%arg11 : memref<125x16xf32, #tpu.memory_space<vmem>>) dst(%dma_wait3A_122 : memref<10000x16xf32, #tpu.memory_space<vmem_shared>>)
    %dma_wait3A_123 = arith.constant 78 : i32
    %dma_wait3A_124 = arith.constant 0 : i32
    %dma_wait3A_125 = tpu.memref_slice %arg8[%dma_wait3A_123, %dma_wait3A_124] : memref<80x125xi32, #tpu.memory_space<vmem>> -> memref<1x125xi32, #tpu.memory_space<vmem>>
    %dma_wait3A_126 = tpu.memref_squeeze %dma_wait3A_125 : memref<1x125xi32, #tpu.memory_space<vmem>> -> memref<125xi32, #tpu.memory_space<vmem>>
    %dma_wait3A_127 = arith.constant 0 : i32
    %dma_wait3A_128 = arith.constant 0 : i32
    %dma_wait3A_129 = tpu.memref_slice %arg18[%dma_wait3A_127, %dma_wait3A_128] : memref<10000x16xf32, #tpu.memory_space<vmem_shared>> -> memref<10000x16xf32, #tpu.memory_space<vmem_shared>>
    tpu.wait_indirect_dma semaphore(%arg25 : memref<!tpu.dma_semaphore, #tpu.memory_space<semaphore_mem>>) src(%arg12 : memref<125x16xf32, #tpu.memory_space<vmem>>) dst(%dma_wait3A_129 : memref<10000x16xf32, #tpu.memory_space<vmem_shared>>)
    %dma_wait3A_130 = arith.constant 79 : i32
    %dma_wait3A_131 = arith.constant 0 : i32
    %dma_wait3A_132 = tpu.memref_slice %arg8[%dma_wait3A_130, %dma_wait3A_131] : memref<80x125xi32, #tpu.memory_space<vmem>> -> memref<1x125xi32, #tpu.memory_space<vmem>>
    %dma_wait3A_133 = tpu.memref_squeeze %dma_wait3A_132 : memref<1x125xi32, #tpu.memory_space<vmem>> -> memref<125xi32, #tpu.memory_space<vmem>>
    %dma_wait3A_134 = arith.constant 0 : i32
    %dma_wait3A_135 = arith.constant 0 : i32
    %dma_wait3A_136 = tpu.memref_slice %arg18[%dma_wait3A_134, %dma_wait3A_135] : memref<10000x16xf32, #tpu.memory_space<vmem_shared>> -> memref<10000x16xf32, #tpu.memory_space<vmem_shared>>
    tpu.wait_indirect_dma semaphore(%arg26 : memref<!tpu.dma_semaphore, #tpu.memory_space<semaphore_mem>>) src(%arg13 : memref<125x16xf32, #tpu.memory_space<vmem>>) dst(%dma_wait3A_136 : memref<10000x16xf32, #tpu.memory_space<vmem_shared>>)
    %barrier3A_137 = arith.constant 0 : index
    tpu.barrier barrier_id(%barrier3A_137)
    %mul3A_138 = arith.constant 632 : i32
    %mul3A_139 = arith.muli %arg1, %mul3A_138 : i32
    %min3A = arith.constant 9368 : i32
    %min3A_140 = arith.minsi %mul3A_139, %min3A : i32
    %multiple_of3A = tpu.assume_multiple %min3A_140, 8 : i32
    "tpu.region"() ({
      %run_scoped3A_141 = tpu.sem_alloc : memref<!tpu.dma_semaphore, #tpu.memory_space<semaphore_mem>>
      %dma_start3A_142 = arith.constant 0 : i32
      %dma_start3A_143 = tpu.memref_slice %arg6[%arg0, %multiple_of3A, %dma_start3A_142] : memref<2x10000x16xf32, #tpu.memory_space<hbm>> -> memref<1x632x16xf32, #tpu.memory_space<hbm>>
      %dma_start3A_144 = tpu.memref_squeeze %dma_start3A_143 : memref<1x632x16xf32, #tpu.memory_space<hbm>> -> memref<632x16xf32, #tpu.memory_space<hbm>>
      %dma_start3A_145 = arith.constant 0 : i32
      %dma_start3A_146 = tpu.memref_slice %arg18[%multiple_of3A, %dma_start3A_145] : memref<10000x16xf32, #tpu.memory_space<vmem_shared>> -> memref<632x16xf32, #tpu.memory_space<vmem_shared>>
      tpu.enqueue_dma source(%dma_start3A_146 : memref<632x16xf32, #tpu.memory_space<vmem_shared>>) target(%dma_start3A_144 : memref<632x16xf32, #tpu.memory_space<hbm>>) target_semaphore(%run_scoped3A_141 : memref<!tpu.dma_semaphore, #tpu.memory_space<semaphore_mem>>)
      %dma_wait3A_147 = arith.constant 0 : i32
      %dma_wait3A_148 = tpu.memref_slice %arg6[%arg0, %multiple_of3A, %dma_wait3A_147] : memref<2x10000x16xf32, #tpu.memory_space<hbm>> -> memref<1x632x16xf32, #tpu.memory_space<hbm>>
      %dma_wait3A_149 = tpu.memref_squeeze %dma_wait3A_148 : memref<1x632x16xf32, #tpu.memory_space<hbm>> -> memref<632x16xf32, #tpu.memory_space<hbm>>
      %dma_wait3A_150 = arith.constant 0 : i32
      %dma_wait3A_151 = tpu.memref_slice %arg18[%multiple_of3A, %dma_wait3A_150] : memref<10000x16xf32, #tpu.memory_space<vmem_shared>> -> memref<632x16xf32, #tpu.memory_space<vmem_shared>>
      tpu.wait_dma2 semaphore(%run_scoped3A_141 : memref<!tpu.dma_semaphore, #tpu.memory_space<semaphore_mem>>) src(%dma_wait3A_151 : memref<632x16xf32, #tpu.memory_space<vmem_shared>>) dst(%dma_wait3A_149 : memref<632x16xf32, #tpu.memory_space<hbm>>)
      tpu.yield
    }) : () -> ()
    return
  }
}

module attributes {stable_mosaic.version = 14 : i64} {
  func.func @_tc_xw_body(%arg0: memref<10000x128xf32, #tpu.memory_space<vmem>>, %arg1: memref<128x16xf32, #tpu.memory_space<vmem>>, %arg2: memref<10000x16xf32, #tpu.memory_space<vmem>>) attributes {dimension_semantics = [], scalar_prefetch = 0 : i64, scratch_operands = 0 : i64, tpu.core_type = #tpu.core_type<tc>} {
    %get3A = arith.constant 0 : index
    %get3A_0 = arith.constant 0 : index
    %get3A_1 = vector.load %arg0[%get3A, %get3A_0] : memref<10000x128xf32, #tpu.memory_space<vmem>>, vector<10000x128xf32>
    %get3A_2 = arith.constant 0 : index
    %get3A_3 = arith.constant 0 : index
    %get3A_4 = vector.load %arg1[%get3A_2, %get3A_3] : memref<128x16xf32, #tpu.memory_space<vmem>>, vector<128x16xf32>
    %dot_general3A = arith.constant dense<0.000000e+00> : vector<10000x16xf32>
    %dot_general3A_5 = tpu.matmul %get3A_1, %get3A_4, %dot_general3A {dimension_numbers = #tpu.dot_dimension_numbers<[1], [0], [0], [1], [0, 0, 1, 1], [], []>, transpose_lhs_hint = false} : vector<10000x128xf32>, vector<128x16xf32>, vector<10000x16xf32> -> vector<10000x16xf32>
    %swap3A = arith.constant 0 : index
    %swap3A_6 = arith.constant 0 : index
    %swap3A_7 = vector.load %arg2[%swap3A, %swap3A_6] : memref<10000x16xf32, #tpu.memory_space<vmem>>, vector<10000x16xf32>
    tpu.vector_store %arg2[%swap3A, %swap3A_6], %dot_general3A_5 {strides = array<i32>} : memref<10000x16xf32, #tpu.memory_space<vmem>>, vector<10000x16xf32>,
    return
  }
}

module attributes {stable_mosaic.version = 14 : i64} {
  func.func @_tc_c_body(%arg0: memref<2x10000x16xf32, #tpu.memory_space<vmem>>, %arg1: memref<16x64xf32, #tpu.memory_space<vmem>>, %arg2: memref<1x64xf32, #tpu.memory_space<vmem>>, %arg3: memref<1x10000xi32, #tpu.memory_space<vmem>>, %arg4: memref<64x64xf32, #tpu.memory_space<vmem>>, %arg5: memref<1x64xf32, #tpu.memory_space<vmem>>, %arg6: memref<64x40xf32, #tpu.memory_space<vmem>>, %arg7: memref<1x40xf32, #tpu.memory_space<vmem>>, %arg8: memref<8x40xf32, #tpu.memory_space<vmem>>) attributes {dimension_semantics = [], scalar_prefetch = 0 : i64, scratch_operands = 0 : i64, tpu.core_type = #tpu.core_type<tc>} {
    %get3A = arith.constant 0 : index
    %get3A_0 = arith.constant 0 : index
    %get3A_1 = arith.constant 0 : index
    %get3A_2 = vector.load %arg0[%get3A, %get3A_0, %get3A_1] : memref<2x10000x16xf32, #tpu.memory_space<vmem>>, vector<1x10000x16xf32>
    %get3A_3 = vector.shape_cast %get3A_2 : vector<1x10000x16xf32> to vector<10000x16xf32>
    %get3A_4 = arith.constant 1 : index
    %get3A_5 = arith.constant 0 : index
    %get3A_6 = arith.constant 0 : index
    %get3A_7 = vector.load %arg0[%get3A_4, %get3A_5, %get3A_6] : memref<2x10000x16xf32, #tpu.memory_space<vmem>>, vector<1x10000x16xf32>
    %get3A_8 = vector.shape_cast %get3A_7 : vector<1x10000x16xf32> to vector<10000x16xf32>
    %add3A = arith.addf %get3A_3, %get3A_8 : vector<10000x16xf32>
    %get3A_9 = arith.constant 0 : index
    %get3A_10 = arith.constant 0 : index
    %get3A_11 = vector.load %arg1[%get3A_9, %get3A_10] : memref<16x64xf32, #tpu.memory_space<vmem>>, vector<16x64xf32>
    %dot_general3A = arith.constant dense<0.000000e+00> : vector<10000x64xf32>
    %dot_general3A_12 = tpu.matmul %add3A, %get3A_11, %dot_general3A {dimension_numbers = #tpu.dot_dimension_numbers<[1], [0], [0], [1], [0, 0, 1, 1], [], []>, transpose_lhs_hint = false} : vector<10000x16xf32>, vector<16x64xf32>, vector<10000x64xf32> -> vector<10000x64xf32>
    %get3A_13 = arith.constant 0 : index
    %get3A_14 = arith.constant 0 : index
    %get3A_15 = vector.load %arg2[%get3A_13, %get3A_14] : memref<1x64xf32, #tpu.memory_space<vmem>>, vector<1x64xf32>
    %add3A_16 = vector.broadcast %get3A_15 : vector<1x64xf32> to vector<10000x64xf32>
    %add3A_17 = arith.addf %dot_general3A_12, %add3A_16 : vector<10000x64xf32>
    %max3A = arith.constant 0.000000e+00 : f32
    %max3A_18 = vector.broadcast %max3A : f32 to vector<10000x64xf32>
    %max3A_19 = arith.maximumf %add3A_17, %max3A_18 : vector<10000x64xf32>
    %broadcast_in_dim3A = arith.constant 1.000000e+00 : f32
    %broadcast_in_dim3A_20 = vector.broadcast %broadcast_in_dim3A : f32 to vector<10000x1xf32>
    %concatenate3A = tpu.concatenate %max3A_19, %broadcast_in_dim3A_20 in 1 : vector<10000x64xf32>, vector<10000x1xf32> -> vector<10000x65xf32>
    %get3A_21 = arith.constant 0 : index
    %get3A_22 = arith.constant 0 : index
    %get3A_23 = vector.load %arg3[%get3A_21, %get3A_22] : memref<1x10000xi32, #tpu.memory_space<vmem>>, vector<1x10000xi32>
    %iota3A = tpu.iota {dimensions = array<i32: 0>} : vector<8x1xi32>
    %eq3A = vector.broadcast %get3A_23 : vector<1x10000xi32> to vector<8x10000xi32>
    %eq3A_24 = vector.broadcast %iota3A : vector<8x1xi32> to vector<8x10000xi32>
    %eq3A_25 = arith.cmpi eq, %eq3A, %eq3A_24 : vector<8x10000xi32>
    %convert_element_type3A = arith.extui %eq3A_25 : vector<8x10000xi1> to vector<8x10000xi32>
    %convert_element_type3A_26 = arith.sitofp %convert_element_type3A : vector<8x10000xi32> to vector<8x10000xf32>
    %dot_general3A_27 = arith.constant dense<0.000000e+00> : vector<8x65xf32>
    %dot_general3A_28 = tpu.matmul %convert_element_type3A_26, %concatenate3A, %dot_general3A_27 {dimension_numbers = #tpu.dot_dimension_numbers<[1], [0], [0], [1], [0, 0, 1, 1], [], []>, transpose_lhs_hint = false} : vector<8x10000xf32>, vector<10000x65xf32>, vector<8x65xf32> -> vector<8x65xf32>
    %slice3A = vector.extract_strided_slice %dot_general3A_28 {offsets = [0, 64], sizes = [8, 1], strides = [1, 1]} : vector<8x65xf32> to vector<8x1xf32>
    %slice3A_29 = vector.extract_strided_slice %dot_general3A_28 {offsets = [0, 0], sizes = [8, 64], strides = [1, 1]} : vector<8x65xf32> to vector<8x64xf32>
    %max3A_30 = arith.constant 1.000000e+00 : f32
    %max3A_31 = vector.broadcast %max3A_30 : f32 to vector<8x1xf32>
    %max3A_32 = arith.maximumf %slice3A, %max3A_31 : vector<8x1xf32>
    %div3A = vector.broadcast %max3A_32 : vector<8x1xf32> to vector<8x64xf32>
    %div3A_33 = arith.divf %slice3A_29, %div3A : vector<8x64xf32>
    %get3A_34 = arith.constant 0 : index
    %get3A_35 = arith.constant 0 : index
    %get3A_36 = vector.load %arg4[%get3A_34, %get3A_35] : memref<64x64xf32, #tpu.memory_space<vmem>>, vector<64x64xf32>
    %dot_general3A_37 = arith.constant dense<0.000000e+00> : vector<8x64xf32>
    %dot_general3A_38 = tpu.matmul %div3A_33, %get3A_36, %dot_general3A_37 {dimension_numbers = #tpu.dot_dimension_numbers<[1], [0], [0], [1], [0, 0, 1, 1], [], []>, transpose_lhs_hint = false} : vector<8x64xf32>, vector<64x64xf32>, vector<8x64xf32> -> vector<8x64xf32>
    %get3A_39 = arith.constant 0 : index
    %get3A_40 = arith.constant 0 : index
    %get3A_41 = vector.load %arg5[%get3A_39, %get3A_40] : memref<1x64xf32, #tpu.memory_space<vmem>>, vector<1x64xf32>
    %add3A_42 = vector.broadcast %get3A_41 : vector<1x64xf32> to vector<8x64xf32>
    %add3A_43 = arith.addf %dot_general3A_38, %add3A_42 : vector<8x64xf32>
    %max3A_44 = arith.constant 0.000000e+00 : f32
    %max3A_45 = vector.broadcast %max3A_44 : f32 to vector<8x64xf32>
    %max3A_46 = arith.maximumf %add3A_43, %max3A_45 : vector<8x64xf32>
    %get3A_47 = arith.constant 0 : index
    %get3A_48 = arith.constant 0 : index
    %get3A_49 = vector.load %arg6[%get3A_47, %get3A_48] : memref<64x40xf32, #tpu.memory_space<vmem>>, vector<64x40xf32>
    %dot_general3A_50 = arith.constant dense<0.000000e+00> : vector<8x40xf32>
    %dot_general3A_51 = tpu.matmul %max3A_46, %get3A_49, %dot_general3A_50 {dimension_numbers = #tpu.dot_dimension_numbers<[1], [0], [0], [1], [0, 0, 1, 1], [], []>, transpose_lhs_hint = false} : vector<8x64xf32>, vector<64x40xf32>, vector<8x40xf32> -> vector<8x40xf32>
    %get3A_52 = arith.constant 0 : index
    %get3A_53 = arith.constant 0 : index
    %get3A_54 = vector.load %arg7[%get3A_52, %get3A_53] : memref<1x40xf32, #tpu.memory_space<vmem>>, vector<1x40xf32>
    %add3A_55 = vector.broadcast %get3A_54 : vector<1x40xf32> to vector<8x40xf32>
    %add3A_56 = arith.addf %dot_general3A_51, %add3A_55 : vector<8x40xf32>
    %reduce_max3A = arith.constant dense<0xFF800000> : vector<8xf32>
    %reduce_max3A_57 = vector.multi_reduction <maximumf>, %add3A_56, %reduce_max3A [1] : vector<8x40xf32> to vector<8xf32>
    %broadcast_in_dim3A_58 = vector.shape_cast %reduce_max3A_57 : vector<8xf32> to vector<8x1xf32>
    %sub3A = vector.broadcast %broadcast_in_dim3A_58 : vector<8x1xf32> to vector<8x40xf32>
    %sub3A_59 = arith.subf %add3A_56, %sub3A : vector<8x40xf32>
    %exp3A = math.exp %sub3A_59 : vector<8x40xf32>
    %reduce_sum3A = arith.constant dense<0.000000e+00> : vector<8xf32>
    %reduce_sum3A_60 = vector.multi_reduction <add>, %exp3A, %reduce_sum3A [1] : vector<8x40xf32> to vector<8xf32>
    %broadcast_in_dim3A_61 = vector.shape_cast %reduce_sum3A_60 : vector<8xf32> to vector<8x1xf32>
    %log3A = math.log %broadcast_in_dim3A_61 : vector<8x1xf32>
    %add3A_62 = arith.addf %broadcast_in_dim3A_58, %log3A : vector<8x1xf32>
    %sub3A_63 = vector.broadcast %add3A_62 : vector<8x1xf32> to vector<8x40xf32>
    %sub3A_64 = arith.subf %add3A_56, %sub3A_63 : vector<8x40xf32>
    %swap3A = arith.constant 0 : index
    %swap3A_65 = arith.constant 0 : index
    %swap3A_66 = vector.load %arg8[%swap3A, %swap3A_65] : memref<8x40xf32, #tpu.memory_space<vmem>>, vector<8x40xf32>
    tpu.vector_store %arg8[%swap3A, %swap3A_65], %sub3A_64 {strides = array<i32>} : memref<8x40xf32, #tpu.memory_space<vmem>>, vector<8x40xf32>,
    return
  }
}

</mosaic_0001>

<sc_bundles>
// kernel: kernel.10.cloned.1.call-start
scs
__scs_entry_jumppad:
0x0: {  	(pc) =	sbr.rel $0x88, $3  }
0x1: {  	(tag) =	ssettag $0x0;
	lr =	simm.s32 $0x1  }
0x2: {  	[smem:$0x3F96] =	sst lr;
	_ =	strace $0xD0000000  }
0x3: {  	_ = 	snop  }
0x4: {  	_ = 	snop  }
0x5: {  	_ = 	snop  }
0x6: {  	_ = 	snop  }
0x7: {  	_ = 	snop  }
__scs_overlays_trampoline_lowered:
0x8: {  	[smem:$0x3FA5] =	sst s0  }
0x9: {  	[smem:$0x3FA6] =	sst s1  }
0xa: {  	[smem:$0x3FA7] =	sst s2  }
0xb: {  	[smem:$0x3FA8] =	sst s3  }
0xc: {  	[smem:$0x3FA9] =	sst s4  }
0xd: {  	[smem:$0x3FAA] =	sst s5  }
0xe: {  	[smem:$0x3FAB] =	sst s6  }
0xf: {  	[smem:$0x3FAC] =	sst s7  }
0x10: {  	[smem:$0x3FAD] =	sst s8  }
0x11: {  	[smem:$0x3FAE] =	sst s9;
	s0 =	simm.s32 @!p0 $0x0  }
0x12: {  	s1 =	sld [smem:$0x3F94];
	s0 =	simm.s32 @p0 $0x1  }
0x13: {  	[smem:$0x3FAF] =	sst s0;
	s0 =	simm.s32 @!p1 $0x0  }
0x14: {  	s2 =	sld [smem:$0x3F93];
	s0 =	simm.s32 @p1 $0x1  }
0x15: {  	[smem:$0x3FB0] =	sst s0;
	s0 =	simm.s32 @!p2 $0x0  }
0x16: {  	s3 =	sld [smem:$0x3FDB];
	s0 =	simm.s32 @p2 $0x1  }
0x17: {  	s4 =	simm.s32 $0x1BF5;
	[smem:$0x3FB2] =	sst s0  }
0x18: {  	s0 =	sld [smem:$0x3F95];
	_ =	swait.ge [sflag:s4], $0x0  }
0x19: {  	s7 =	sld [smem:$0x3F96]  }
0x1a: {  	s8 =	sadd.s32 $0xFFFFE003, lr  }
0x1b: {  	s9 =	sadd.s32 $0xFFFFFEF7, lr;
	s5 =	simm.s32 $0xFFFFFFFF;
	p2 =	slt.u32 s8, $0xFFFFF086  }
0x1c: {  	p1 =	slt.u32 s9, $0xF7A;
	s5 =	simm.s32 @!p2 $0x0  }
0x1d: {  	s5 =	simm.s32 @p1 $0x1;
	p0 =	seq.s32 s7, s2  }
0x1e: {  	s7 =	smul.u32 @!p0 $0xF7A, s2;
	p2 =	seq.s32 @!p0 s5, $0x0  }
0x1f: {  	s9 =	smul.u32 $0xF7A, s1;
	s8 =	simm.s32 @!p0 $0x1BF5;
	p2 =	por !p2, p0  }
0x20: {  	[sflag:s8] =	ssyncset.s32 @!p0 $0xFFFFF086;
	s6 =	sadd.s32 @!p0 s3, s7;
	s7 =	simm.s32 @!p0 $0x108  }
0x21: {  	s3 =	sadd.s32 s3, s9;
	s6 =	sadd.s32 @!p0 $0x88, s6;
	s7 =	simm.s32 @p2 $0x1082  }
0x22: {  	[simem:s7], [sflag:s8] =	dma.local @!p0 [hbm:s6], $0xF7A  }
0x23: {  	s9 =	sor.u32 $0xD0000000, s2;
	s6 =	simm.s32 $0x108;
	_ =	swait.ge @!p0 [sflag:s8], $0x0  }
0x24: {  	s3 =	sadd.s32 $0x88, s3;
	s6 =	simm.s32 @!p1 $0x1082;
	[sflag:s4] =	ssyncset.s32 $0xFFFFF086  }
0x25: {  	[simem:s6], [sflag:s4] =	dma.local [hbm:s3], $0xF7A  }
0x26: {  	[smem:$0x3F96] =	sst s1;
	(tag) =	ssettag s2;
	_ =	strace s9  }
0x27: {  	s1 =	sld [smem:$0x3FA6]  }
0x28: {  	s2 =	sld [smem:$0x3FA7]  }
0x29: {  	s4 =	sld [smem:$0x3FA9]  }
0x2a: {  	p0 =	seq.s32 s5, $0x0;
	s5 =	sld [smem:$0x3FAA]  }
0x2b: {  	s6 =	sld [smem:$0x3FAB]  }
0x2c: {  	s7 =	sld [smem:$0x3FAC]  }
0x2d: {  	s3 =	simm.s32 $0x108;
	s8 =	sld [smem:$0x3FAD]  }
0x2e: {  	s3 =	simm.s32 @!p0 $0x1082;
	s9 =	sld [smem:$0x3FAE]  }
0x2f: {  	lr =	sadd.s32 s0, s3;
	s0 =	sld [smem:$0x3FA5]  }
0x30: {  	s3 =	sld [smem:$0x3FA8]  }
0x31: {  	[smem:$0x3FB1] =	sst s10  }
0x32: {  	s10 =	sld [smem:$0x3FAF];
	_ =	sdelay $0x3  }
0x33: {  	p0 =	seq.s32 s10, $0x1;
	s10 =	sld [smem:$0x3FB1];
	_ =	sdelay $0x3  }
0x34: {  	[smem:$0x3FB1] =	sst s10  }
0x35: {  	s10 =	sld [smem:$0x3FB0];
	_ =	sdelay $0x3  }
0x36: {  	p1 =	seq.s32 s10, $0x1;
	s10 =	sld [smem:$0x3FB1];
	_ =	sdelay $0x3  }
0x37: {  	[smem:$0x3FB1] =	sst s10  }
0x38: {  	s10 =	sld [smem:$0x3FB2]  }
0x39: {  	_ = 	snop;
	(pc) =	sbr.ind lr, $3  }
0x3a: {  	_ = 	snop  }
0x3b: {  	_ = 	snop  }
0x3c: {  	p2 =	seq.s32 s10, $0x1;
	s10 =	sld [smem:$0x3FB1]  }
0x3d: {  	_ =	shalt  }
0x3e: {  	_ =	shalt  }
0x3f: {  	_ =	shalt  }
0x40: {  	_ =	shalt  }
0x41: {  	_ =	shalt  }
0x42: {  	_ =	shalt  }
0x43: {  	_ =	shalt  }
0x44: {  	_ =	shalt  }
0x45: {  	_ =	shalt  }
0x46: {  	_ =	shalt  }
0x47: {  	_ =	shalt  }
0x48: {  	_ =	shalt  }
0x49: {  	_ =	shalt  }
0x4a: {  	_ =	shalt  }
0x4b: {  	_ =	shalt  }
0x4c: {  	_ =	shalt  }
0x4d: {  	_ =	shalt  }
0x4e: {  	_ =	shalt  }
0x4f: {  	_ =	shalt  }
0x50: {  	_ =	shalt  }
0x51: {  	_ =	shalt  }
0x52: {  	_ =	shalt  }
0x53: {  	_ =	shalt  }
0x54: {  	_ =	shalt  }
0x55: {  	_ =	shalt  }
0x56: {  	_ =	shalt  }
0x57: {  	_ =	shalt  }
0x58: {  	_ =	shalt  }
0x59: {  	_ =	shalt  }
0x5a: {  	_ =	shalt  }
0x5b: {  	_ =	shalt  }
0x5c: {  	_ =	shalt  }
0x5d: {  	_ =	shalt  }
0x5e: {  	_ =	shalt  }
0x5f: {  	_ =	shalt  }
0x60: {  	_ =	shalt  }
0x61: {  	_ =	shalt  }
0x62: {  	_ =	shalt  }
0x63: {  	_ =	shalt  }
0x64: {  	_ =	shalt  }
0x65: {  	_ =	shalt  }
0x66: {  	_ =	shalt  }
0x67: {  	_ =	shalt  }
0x68: {  	_ =	shalt  }
0x69: {  	_ =	shalt  }
0x6a: {  	_ =	shalt  }
0x6b: {  	_ =	shalt  }
0x6c: {  	_ =	shalt  }
0x6d: {  	_ =	shalt  }
0x6e: {  	_ =	shalt  }
0x6f: {  	_ =	shalt  }
0x70: {  	_ =	shalt  }
0x71: {  	_ =	shalt  }
0x72: {  	_ =	shalt  }
0x73: {  	_ =	shalt  }
0x74: {  	_ =	shalt  }
0x75: {  	_ =	shalt  }
0x76: {  	_ =	shalt  }
0x77: {  	_ =	shalt  }
0x78: {  	_ =	shalt  }
0x79: {  	_ =	shalt  }
0x7a: {  	_ =	shalt  }
0x7b: {  	_ =	shalt  }
0x7c: {  	_ =	shalt  }
0x7d: {  	_ =	shalt  }
0x7e: {  	_ =	shalt  }
0x7f: {  	_ =	shalt  }
0x80: {  	_ =	shalt  }
0x81: {  	_ =	shalt  }
0x82: {  	_ =	shalt  }
0x83: {  	_ =	shalt  }
0x84: {  	_ =	shalt  }
0x85: {  	_ =	shalt  }
0x86: {  	_ =	shalt  }
0x87: {  	_ =	shalt  }
.Lfunc_end0:
.L_simem_size_0:
called_computation.1_lowered:
.L_overlay_start_0:
0x88: {  	s2 =	sld [smem:$0x3FD9]  }
0x89: {  	s3 =	sld [smem:$0x3FFE];
	_ =	sdelay $0x1  }
0x8a: {  	s1 =	srdreg.scid  }
0x8b: {  	s0 =	sand.u32 $0x1, s1  }
0x8c: {  	s16 =	sshll.u32 s0, $0xA;
	s2 =	sadd.s32 s3, s2  }
0x8d: {  	s2 =	sadd.s32 s2, s16  }
0x8e: {  	[smem:$0x3FBD] =	sst s2  }
0x8f: {  	_ = 	snop  }
0x90: {  	(tm) =	ssettm $0x1  }
0x91: {  	s17 =	sld [smem:$0x3FFB];
	_ =	sdelay $0x3  }
0x92: {  	_ =	strace s17  }
0x93: {  	s2 =	sld [smem:$0x3FFC];
	_ =	sdelay $0x3  }
0x94: {  	_ =	strace s2  }
0x95: {  	s2 =	sld [smem:$0x3FFD];
	_ =	sdelay $0x3  }
0x96: {  	_ =	strace s2  }
0x97: {  	_ =	strace $0x8FFFFFFF  }
0x98: {  	s18 =	sld [smem:$0x3FDB];
	_ =	sdelay $0x1  }
0x99: {  	s19 =	simm.s32 $_scs_section_size  }
0x9a: {  	s4 =	simm.s32 $_size__tile_overlayer_lowered;
	s5 =	simm.s32 $_tile_overlayer_lowered  }
0x9b: {  	s22 =	simm.s32 $0x1BFF;
	s21 =	sshll.u32 s5, $0x1;
	s2 =	sadd.s32 s19, s18  }
0x9c: {  	s6 =	simm.s32 $0x0;
	s20 =	sshll.u32 s4, $0x1;
	s4 =	sadd.s32 s21, s2  }
0x9d: {  	[timem:s6], [sflag:s22] =	dma.local [hbm:s4], s20  }
0x9e: {  	_ =	swait.ge [sflag:s22], s20  }
0x9f: {  	s3 =	ssub.s32 $0x0, s20;
	[sflag:s22] =	ssyncset.done $0x0  }
0xa0: {  	[sflag:s22] =	ssyncadd.s32 s3;
	_ =	sdelay $0x1  }
0xa1: {  	s23 =	simm.s32 $0x1B8B  }
0xa2: {  	_ =	swait.ge [sflag:s23], $0x1  }
0xa3: {  	[sflag:s23] =	ssyncset.done $0x0  }
0xa4: {  	s25 =	simm.s32 $0x1B8E;
	s24 =	sld [smem:$0x3FFE];
	[sflag:s23] =	ssyncadd.s32 $0xFFFFFFFF  }
0xa5: {  	s26 =	simm.s32 $execute0_lowered;
	[smem:$0x3FD2] =	sst s25  }
0xa6: {  	s4 =	sshll.u32 s26, $0x1;
	_ =	strace $0x80000049;
	[dreg:$0x1] =	wrdreg $0xFFFFFFFF  }
0xa7: {  	s28 =	simm.s32 $_size_execute0_lowered;
	s2 =	sadd.s32 s2, s4;
	[dreg:$0x0] =	wrdreg $0x0  }
0xa8: {  	s4 =	sshll.u32 s28, $0x1;
	[dreg:$0x2] =	wrdreg s2  }
0xa9: {  	[dreg:$0x3] =	wrdreg s4  }
0xaa: {  	[dreg:$0x4] =	wrdreg $0xC0  }
0xab: {  	_ =	task [dreg:s6], $0x5FFFF  }
0xac: {  	[dreg:$0x1] =	wrdreg $0xFFFFFFFF  }
0xad: {  	[dreg:$0x0] =	wrdreg $0x60  }
0xae: {  	[dreg:$0x2] =	wrdreg s24  }
0xaf: {  	[dreg:$0x3] =	wrdreg $0xEC400  }
0xb0: {  	[dreg:$0x4] =	wrdreg $0x113500  }
0xb1: {  	[dreg:$0x5] =	wrdreg $0x9  }
0xb2: {  	_ =	task.clear_ibuf [dreg:s6], $0x6FFFF;
	_ =	strace $0x90000049  }
0xb3: {  	s29 =	simm.s32 $0x9;
	_ =	strace $0x8000004B  }
0xb4: {  	_ =	swait.ge [sflag:s29], $0x1  }
0xb5: {  	[sflag:s29] =	ssyncadd.s32 $0xFFFFFFFF  }
0xb6: {  	_ =	strace $0x9000004B  }
0xb7: {  	_ =	sfence  }
0xb8: {  	s30 =	sld [smem:$0x0];
	_ =	sdelay $0x2  }
0xb9: {  	s31 =	sshll.u32 s1, $0xD;
	s1 =	sshrl.u32 s1, $0x2  }
0xba: {  	s3 =	sand.u32 $0x4000, s31;
	s1 =	sadd.s32 s1, s30  }
0xbb: {  	s0 =	sor.u32 s3, s0;
	s1 =	sshll.u32 s1, $0x11  }
0xbc: {  	s0 =	sor.u32 s1, s0  }
0xbd: {  	s0 =	sadd.s32 $0x8F2B, s0  }
0xbe: {  	[sflag:s0] =	ssyncadd.remote.s32 $0x1  }
0xbf: {  	_ =	sfence.sel $0xFFFF  }
0xc0: {  	[dreg:$0x0] =	wrdreg $0xFFFFFFFF;
	(pc) =	sbr.abs _section_cstart, $3  }
0xc1: {  	[dreg:$0x1] =	wrdreg $0xFFFFFFFF  }
0xc2: {  	_ =	task.clear_ibuf [dreg:s6], $0x2FFFF;
	_ =	strace $0x9FFFFFFF  }
0xc3: {  	(tm) =	ssettm $0x7FFFFFFF  }
tec
execute0_lowered:
.L_overlay_start_1:
0x0: {  	(tag) =	ssettag $0x1  }
0x1: {  	s0 =	srdreg.scid;
	s1 =	rddreg [dreg:$0x0]  }
0x2: {  	s2 =	rddreg [dreg:$0x1];
	s10 =	stileid.u32  }
0x3: {  	s3 =	rddreg [dreg:$0x2];
	s29 =	simm.s32 $0x5FA0;
	s5 =	smul.u32 $0x278, s10  }
0x4: {  	s31 =	simm.s32 $0x6770;
	s18 =	simm.s32 $0x6F40;
	s8 =	smul.u32 $0x2710, s10  }
0x5: {  	s28 =	simm.s32 $0x3;
	s0 =	sand.u32 $0x1, s0;
	s21 =	smul.u32 $0x9C40, s10  }
0x6: {  	s30 =	simm.s32 $0x4;
	s4 =	sshll.u32 s0, $0x4;
	s7 =	smul.u32 $0x27100, s0  }
0x7: {  	s0 =	ssub.s32 $0x2, s0;
	s4 =	sor.u32 s10, s4;
	s5 =	smin.u32 s5, $0x2498  }
0x8: {  	s9 =	sshrl.u32 s8, $0x3;
	s19 =	sshrl.u32 s0, $0x1;
	s24 =	sadd.s32 s8, s2  }
0x9: {  	s25 =	sshrl.u32 s21, $0x2;
	s21 =	simm.s32 $0xC530;
	s6 =	smul.u32 $0x500, s4  }
0xa: {  	s4 =	simm.s32 $0x0;
	s5 =	sshll.u32 s5, $0x4;
	s9 =	sadd.s32 s9, s1  }
0xb: {  	s0 =	ssub.s32 s0, s19;
	s12 =	sadd.s32 s25, s3;
	s19 =	simm.s32 $0x9  }
0xc: {  	[smem:$0x7FF] =	sst s4;
	s7 =	sadd.s32 s7, s5;
	s20 =	sadd.s32 $0x16800, s9  }
0xd: {  	s22 =	sadd.s32 $0x1B620, s9;
	s9 =	sadd.s32 $0x34600, s9;
	s26 =	sadd.s32 s5, s3  }
0xe: {  	s13 =	smax.u32 s0, $0x1;
	s14 =	sadd.s32 $0x7D0, s12;
	s15 =	sadd.s32 $0xFA0, s12  }
0xf: {  	s16 =	sadd.s32 $0x1770, s12;
	_ =	strace $0x8000004A;
	[dreg:$0x4] =	wrdreg s20  }
0x10: {  	s17 =	sadd.s32 $0x1F40, s12;
	s0 =	simm.s32 $0x6;
	[dreg:$0x5] =	wrdreg s22  }
0x11: {  	s5 =	simm.s32 $0x7;
	s6 =	sadd.s32 s6, s1;
	[dreg:$0x6] =	wrdreg s9  }
0x12: {  	s7 =	sshrl.u32 s7, $0x3;
	[dreg:$0x9] =	wrdreg s24;
	s24 =	simm.s32 $0x7D  }
0x13: {  	s25 =	sshrl.u32 s26, $0x3;
	s26 =	simm.s32 $0x57D0;
	s20 =	simm.s32 $0x1  }
0x14: {  	s22 =	simm.s32 $0x2;
	s1 =	sadd.s32 s7, s1;
	s23 =	sadd.s32 $0x20600, s6  }
0x15: {  	s6 =	sadd.s32 $0x2A600, s6;
	s7 =	simm.s32 $0x0;
	[dreg:$0x7] =	wrdreg s23  }
0x16: {  	[dreg:$0x8] =	wrdreg s6;
	s1 =	sadd.s32 $0x2800, s1;
	s23 =	simm.s32 $0x5000  }
0x17: {  	v0 =	vimm.f32 $0.0e+00;
	s6 =	simm.s32 $0x8;
	[dreg:$0xa] =	wrdreg s1;
	s1 =	simm.s32 $0x5  }
.LBB2_1:
0x18: {  	s8 =	rddreg [dreg:$0x4];
	s9 =	simm.s32 $0x7710  }
0x19: {  	[tilespmem:s9], [sflag:$0x9] =	stream.linear.gather [hbm4b:s8+s4], $0x2710, $0x38;
	[tilespmem:$0x13A60] =	vst v63  }
0x1a: {  	_ =	swait.ge [sflag:s19], $0x2710  }
0x1b: {  	[sflag:s19] =	ssyncset.done $0x0  }
0x1c: {  	s10 =	simm.s32 $0x9E20;
	s9 =	rddreg [dreg:$0x5];
	[sflag:s19] =	ssyncadd.s32 $0xFFFFD8F0  }
0x1d: {  	[tilespmem:s10], [sflag:$0x9] =	stream.linear.gather [hbm4b:s9+s4], $0x2710, $0x38;
	[tilespmem:$0x13A60] =	vst v63  }
0x1e: {  	_ =	swait.ge [sflag:s19], $0x2710  }
0x1f: {  	[sflag:s19] =	ssyncset.done $0x0  }
0x20: {  	s11 =	rddreg [dreg:$0x6];
	[sflag:s19] =	ssyncadd.s32 $0xFFFFD8F0  }
0x21: {  	[tilespmem:s21], [sflag:$0x9] =	stream.linear.gather [hbm4b:s11+s4], $0x2710, $0x38;
	[tilespmem:$0x13A60] =	vst v63  }
0x22: {  	_ =	swait.ge [sflag:s19], $0x2710  }
0x23: {  	[sflag:s19] =	ssyncset.done $0x0  }
0x24: {  	s9 =	rddreg [dreg:$0x7];
	[sflag:s19] =	ssyncadd.s32 $0xFFFFD8F0  }
0x25: {  	[tilespmem:s4], [sflag:$0x9] =	stream.linear.gather [hbm4b:s9+s4], $0x2800, $0x38;
	[tilespmem:$0x13A60] =	vst v63  }
0x26: {  	_ =	swait.ge [sflag:s19], $0x2800  }
0x27: {  	[sflag:s19] =	ssyncset.done $0x0  }
0x28: {  	s11 =	simm.s32 $0x2800;
	s10 =	rddreg [dreg:$0x8];
	[sflag:s19] =	ssyncadd.s32 $0xFFFFD800  }
0x29: {  	[tilespmem:s11], [sflag:$0x9] =	stream.linear.gather [hbm4b:s10+s4], $0x2800, $0x38;
	[tilespmem:$0x13A60] =	vst v63  }
0x2a: {  	_ =	swait.ge [sflag:s19], $0x2800  }
0x2b: {  	[sflag:s19] =	ssyncset.done $0x0  }
0x2c: {  	s9 =	simm.s32 $0x0;
	[sflag:s19] =	ssyncadd.s32 $0xFFFFD800  }
0x2d: {  	v1 =	vld [tilespmem:s9+$0x7710]  }
0x2e: {  	v2 =	vld [tilespmem:s9+$0x9E20]  }
0x2f: {  	v3 =	vld [tilespmem:s9+$0x7720]  }
0x30: {  	v4 =	vld [tilespmem:s9+$0x9E30]  }
0x31: {  	v5 =	vld [tilespmem:s9+$0x7730]  }
0x32: {  	v6 =	vld [tilespmem:s9+$0x9E40]  }
0x33: {  	v7 =	vld [tilespmem:s9+$0x7740]  }
0x34: {  	v8 =	vld [tilespmem:s9+$0x9E50]  }
0x35: {  	v9 =	vld [tilespmem:s9+$0x7750]  }
0x36: {  	v10 =	vld [tilespmem:s9+$0x9E60];
	_ =	sdelay $0x2  }
0x37: {  	v1 =	vadd.f32 v2, v1;
	v2 =	vadd.f32 v4, v3  }
0x38: {  	v3 =	vadd.f32 v6, v5;
	v4 =	vadd.f32 v8, v7  }
0x39: {  	v5 =	vadd.f32 v10, v9;
	v1 =	vadd.f32 $1.000000000e+00, v1  }
0x3a: {  	v2 =	vadd.f32 $1.000000000e+00, v2;
	v3 =	vadd.f32 $1.000000000e+00, v3  }
0x3b: {  	v4 =	vadd.f32 $1.000000000e+00, v4;
	v5 =	vadd.f32 $1.000000000e+00, v5;
	v6 =	vmul.f32 $5.000000000e-01, v1  }
0x3c: {  	v1 =	vshrl.u32 v1, $0x1;
	v8 =	vmul.f32 $5.000000000e-01, v2;
	v10 =	vmul.f32 $5.000000000e-01, v3  }
0x3d: {  	v2 =	vshrl.u32 v2, $0x1;
	v3 =	vshrl.u32 v3, $0x1;
	v9 =	vshrl.u32 v4, $0x1  }
0x3e: {  	s8 =	simm.s32 $0x50;
	v11 =	vmul.f32 $5.000000000e-01, v4;
	v12 =	vshrl.u32 v5, $0x1;
	v16 =	vmul.f32 $5.000000000e-01, v5  }
0x3f: {  	v13 =	vld [tilespmem:s8+$0x9E30];
	v1 =	vsub.s32 $0x5F3759DF, v1;
	v2 =	vsub.s32 $0x5F3759DF, v2;
	v3 =	vsub.s32 $0x5F3759DF, v3  }
0x40: {  	v17 =	vld [tilespmem:s8+$0x7730];
	v9 =	vsub.s32 $0x5F3759DF, v9;
	v14 =	vmul.f32 v1, v6;
	v15 =	vmul.f32 v2, v8  }
0x41: {  	v7 =	vld [tilespmem:s8+$0x7710];
	v12 =	vsub.s32 $0x5F3759DF, v12;
	v18 =	vmul.f32 v3, v10;
	v19 =	vmul.f32 v9, v11  }
0x42: {  	v4 =	vld [tilespmem:s8+$0x9E20];
	v21 =	vmul.f32 v12, v16;
	v14 =	vmul.f32 v1, v14  }
0x43: {  	v5 =	vld [tilespmem:s8+$0x7720];
	v15 =	vmul.f32 v2, v15;
	v18 =	vmul.f32 v3, v18  }
0x44: {  	v20 =	vld [tilespmem:s8+$0x9E40];
	v19 =	vmul.f32 v9, v19;
	v21 =	vmul.f32 v12, v21;
	v14 =	vsub.f32 $1.500000000e+00, v14  }
0x45: {  	v22 =	vld [tilespmem:s8+$0x7740];
	v15 =	vsub.f32 $1.500000000e+00, v15;
	v18 =	vsub.f32 $1.500000000e+00, v18  }
0x46: {  	v23 =	vld [tilespmem:s8+$0x9E50];
	v14 =	vmul.f32 v1, v14;
	v1 =	vsub.f32 $1.500000000e+00, v19;
	v19 =	vsub.f32 $1.500000000e+00, v21  }
0x47: {  	v24 =	vld [tilespmem:s8+$0x7750];
	v4 =	vadd.f32 v4, v7;
	v2 =	vmul.f32 v2, v15;
	v3 =	vmul.f32 v3, v18  }
0x48: {  	v25 =	vld [tilespmem:s8+$0x9E60];
	v5 =	vadd.f32 v13, v5;
	v7 =	vmul.f32 v9, v1;
	v15 =	vmul.f32 v12, v19  }
0x49: {  	v21 =	vadd.f32 $1.000000000e+00, v4;
	v1 =	vmul.f32 v14, v6;
	v12 =	vmul.f32 v2, v8  }
0x4a: {  	v4 =	vadd.f32 $1.000000000e+00, v5;
	v13 =	vmul.f32 v3, v10;
	v18 =	vmul.f32 v7, v11  }
0x4b: {  	v9 =	vadd.f32 v20, v17;
	v1 =	vmul.f32 v1, v14;
	v20 =	vmul.f32 v15, v16  }
0x4c: {  	v17 =	vadd.f32 v23, v22;
	v12 =	vmul.f32 v12, v2;
	v13 =	vmul.f32 v13, v3  }
0x4d: {  	v19 =	vadd.f32 v25, v24;
	v5 =	vsub.f32 $1.500000000e+00, v1;
	v18 =	vmul.f32 v18, v7  }
0x4e: {  	v12 =	vsub.f32 $1.500000000e+00, v12;
	v13 =	vsub.f32 $1.500000000e+00, v13;
	v20 =	vmul.f32 v20, v15  }
0x4f: {  	v1 =	vmul.f32 $5.000000000e-01, v21;
	v22 =	vmul.f32 v5, v14;
	v5 =	vsub.f32 $1.500000000e+00, v18  }
0x50: {  	v23 =	vmul.f32 v12, v2;
	v12 =	vmul.f32 v13, v3;
	v2 =	vsub.f32 $1.500000000e+00, v20  }
0x51: {  	v9 =	vadd.f32 $1.000000000e+00, v9;
	v3 =	vmul.f32 v22, v6;
	v13 =	vmul.f32 v5, v7  }
0x52: {  	v7 =	vadd.f32 $1.000000000e+00, v17;
	v17 =	vmul.f32 v23, v8;
	v5 =	vmul.f32 v2, v15  }
0x53: {  	v6 =	vadd.f32 $1.000000000e+00, v19;
	v2 =	vmul.f32 v3, v22;
	v3 =	vmul.f32 v12, v10  }
0x54: {  	v14 =	vld [tilespmem:s9+$0xC530];
	v8 =	vshrl.u32 v21, $0x1;
	v10 =	vmul.f32 v17, v23;
	v11 =	vmul.f32 v13, v11  }
0x55: {  	v15 =	vld [tilespmem:s9+$0xC540];
	v20 =	vmul.f32 v5, v16;
	v17 =	vsub.f32 $1.500000000e+00, v2;
	v3 =	vmul.f32 v3, v12  }
0x56: {  	v16 =	vld [tilespmem:s9+$0xC550];
	v2 =	vmul.f32 $5.000000000e-01, v4;
	v21 =	vsub.f32 $1.500000000e+00, v10;
	v11 =	vmul.f32 v11, v13  }
0x57: {  	v10 =	vld [tilespmem:s9+$0xC560];
	v18 =	vmul.f32 v17, v22;
	v19 =	vsub.f32 $1.500000000e+00, v3;
	v17 =	vmul.f32 v20, v5  }
0x58: {  	s10 =	simm.s32 $0x280;
	v3 =	vmul.f32 $5.000000000e-01, v9;
	v20 =	vmul.f32 v21, v23;
	v21 =	vsub.f32 $1.500000000e+00, v11;
	v11 =	vld [tilespmem:s9+$0xC570]  }
.LBB2_2:
0x59: {  	p0 =	sne.s32 s10, $0x9B00;
	v14 =	vmul.f32 v18, v14;
	v12 =	vmul.f32 v19, v12;
	v17 =	vsub.f32 $1.500000000e+00, v17  }
0x5a: {  	v4 =	vshrl.u32 v4, $0x1;
	v15 =	vmul.f32 v20, v15;
	v13 =	vmul.f32 v21, v13  }
0x5b: {  	s11 =	sshra.s32 s10, $0x2;
	v9 =	vshrl.u32 v9, $0x1;
	[tilespmem:s9+$0xC530] =	vst v14;
	v12 =	vmul.f32 v12, v16;
	v5 =	vmul.f32 v17, v5  }
0x5c: {  	v16 =	vshrl.u32 v7, $0x1;
	v17 =	vmul.f32 $5.000000000e-01, v7;
	v14 =	vld [tilespmem:s11+$0x7710];
	[tilespmem:s9+$0xC540] =	vst v15;
	v7 =	vmul.f32 v13, v10  }
0x5d: {  	v18 =	vmul.f32 $5.000000000e-01, v6;
	v13 =	vshrl.u32 v6, $0x1;
	v10 =	vld [tilespmem:s11+$0x9E20];
	[tilespmem:s9+$0xC550] =	vst v12;
	v5 =	vmul.f32 v5, v11  }
0x5e: {  	v8 =	vsub.s32 $0x5F3759DF, v8;
	v4 =	vsub.s32 $0x5F3759DF, v4;
	v9 =	vsub.s32 $0x5F3759DF, v9;
	v6 =	vld [tilespmem:s11+$0x7720];
	[tilespmem:s9+$0xC560] =	vst v7  }
0x5f: {  	v15 =	vsub.s32 $0x5F3759DF, v16;
	v11 =	vmul.f32 v8, v1;
	v12 =	vmul.f32 v4, v2;
	v7 =	vld [tilespmem:s11+$0x9E30];
	[tilespmem:s9+$0xC570] =	vst v5;
	s9 =	smov.u32 s8;
	s8 =	smov.u32 s11  }
0x60: {  	v16 =	vmul.f32 v9, v3;
	v19 =	vmul.f32 v15, v17;
	v13 =	vsub.s32 $0x5F3759DF, v13;
	v5 =	vld [tilespmem:s8+$0x7730]  }
0x61: {  	v21 =	vmul.f32 v13, v18;
	v11 =	vmul.f32 v8, v11;
	v20 =	vld [tilespmem:s8+$0x9E40]  }
0x62: {  	v16 =	vmul.f32 v9, v16;
	v12 =	vmul.f32 v4, v12;
	v22 =	vld [tilespmem:s8+$0x7740]  }
0x63: {  	v19 =	vmul.f32 v15, v19;
	v21 =	vmul.f32 v13, v21;
	v11 =	vsub.f32 $1.500000000e+00, v11;
	v23 =	vld [tilespmem:s8+$0x9E50]  }
0x64: {  	v16 =	vsub.f32 $1.500000000e+00, v16;
	v12 =	vsub.f32 $1.500000000e+00, v12;
	v24 =	vld [tilespmem:s8+$0x7750]  }
0x65: {  	v8 =	vmul.f32 v8, v11;
	v11 =	vsub.f32 $1.500000000e+00, v19;
	v19 =	vsub.f32 $1.500000000e+00, v21;
	v25 =	vld [tilespmem:s8+$0x9E60]  }
0x66: {  	v10 =	vadd.f32 v10, v14;
	v9 =	vmul.f32 v9, v16;
	v12 =	vmul.f32 v4, v12  }
0x67: {  	v4 =	vadd.f32 v7, v6;
	v6 =	vmul.f32 v15, v11;
	v11 =	vmul.f32 v13, v19  }
0x68: {  	v7 =	vmul.f32 v8, v1;
	v13 =	vmul.f32 v12, v2;
	v5 =	vadd.f32 v20, v5  }
0x69: {  	v15 =	vmul.f32 v9, v3;
	v16 =	vmul.f32 v6, v17;
	v14 =	vadd.f32 v23, v22  }
0x6a: {  	v7 =	vmul.f32 v7, v8;
	v20 =	vmul.f32 v11, v18;
	v19 =	vadd.f32 v25, v24  }
0x6b: {  	v10 =	vadd.f32 $1.000000000e+00, v10;
	v13 =	vmul.f32 v13, v12;
	v15 =	vmul.f32 v15, v9  }
0x6c: {  	v4 =	vadd.f32 $1.000000000e+00, v4;
	v7 =	vsub.f32 $1.500000000e+00, v7;
	v16 =	vmul.f32 v16, v6  }
0x6d: {  	v13 =	vsub.f32 $1.500000000e+00, v13;
	v15 =	vsub.f32 $1.500000000e+00, v15;
	v20 =	vmul.f32 v20, v11  }
0x6e: {  	v21 =	vmul.f32 $5.000000000e-01, v10;
	v22 =	vmul.f32 v7, v8;
	v7 =	vsub.f32 $1.500000000e+00, v16  }
0x6f: {  	v23 =	vmul.f32 v13, v12;
	v12 =	vmul.f32 v15, v9;
	v8 =	vsub.f32 $1.500000000e+00, v20  }
0x70: {  	v9 =	vadd.f32 $1.000000000e+00, v5;
	v15 =	vmul.f32 v22, v1;
	v13 =	vmul.f32 v7, v6;
	v1 =	vmovc v21  }
0x71: {  	v7 =	vadd.f32 $1.000000000e+00, v14;
	v2 =	vmul.f32 v23, v2;
	v5 =	vmul.f32 v8, v11  }
0x72: {  	v6 =	vadd.f32 $1.000000000e+00, v19;
	v3 =	vmul.f32 v12, v3;
	v11 =	vmul.f32 v15, v22  }
.Ltmp0:
0x73: {  	v8 =	vshrl.u32 v10, $0x1;
	v10 =	vmul.f32 v2, v23;
	v17 =	vmul.f32 v13, v17;
	v14 =	vld [tilespmem:s9+$0xC530];
	(pc) =	sbr.rel @p0 .LBB2_2-.Ltmp0, $4  }
0x74: {  	v3 =	vmul.f32 v3, v12;
	v20 =	vmul.f32 v5, v18;
	v11 =	vsub.f32 $1.500000000e+00, v11;
	v15 =	vld [tilespmem:s9+$0xC540]  }
0x75: {  	v2 =	vmul.f32 $5.000000000e-01, v4;
	v21 =	vsub.f32 $1.500000000e+00, v10;
	v24 =	vmul.f32 v17, v13;
	v16 =	vld [tilespmem:s9+$0xC550]  }
0x76: {  	v19 =	vsub.f32 $1.500000000e+00, v3;
	v17 =	vmul.f32 v20, v5;
	v18 =	vmul.f32 v11, v22;
	v10 =	vld [tilespmem:s9+$0xC560]  }
0x77: {  	s10 =	sadd.s32 $0x140, s10;
	v3 =	vmul.f32 $5.000000000e-01, v9;
	v20 =	vmul.f32 v21, v23;
	v21 =	vsub.f32 $1.500000000e+00, v24;
	v11 =	vld [tilespmem:s9+$0xC570]  }
0x78: {  	v14 =	vmul.f32 v18, v14;
	v12 =	vmul.f32 v19, v12  }
0x79: {  	v4 =	vshrl.u32 v4, $0x1;
	v9 =	vshrl.u32 v9, $0x1;
	v37 =	vshrl.u32 v7, $0x1  }
0x7a: {  	v38 =	vmul.f32 $5.000000000e-01, v7;
	v39 =	vshrl.u32 v6, $0x1;
	v40 =	vmul.f32 $5.000000000e-01, v6  }
0x7b: {  	v8 =	vsub.s32 $0x5F3759DF, v8;
	v15 =	vmul.f32 v20, v15;
	v13 =	vmul.f32 v21, v13  }
0x7c: {  	v4 =	vsub.s32 $0x5F3759DF, v4;
	v9 =	vsub.s32 $0x5F3759DF, v9;
	v41 =	vmul.f32 v8, v1  }
0x7d: {  	v18 =	vsub.s32 $0x5F3759DF, v39;
	v12 =	vmul.f32 v12, v16;
	v42 =	vmul.f32 v4, v2  }
0x7e: {  	v16 =	vsub.s32 $0x5F3759DF, v37;
	v43 =	vmul.f32 v9, v3;
	v23 =	vmul.f32 v18, v40  }
0x7f: {  	v22 =	vmul.f32 v16, v38;
	v19 =	vmul.f32 v8, v41  }
0x80: {  	v17 =	vsub.f32 $1.500000000e+00, v17;
	v20 =	vmul.f32 v4, v42;
	v21 =	vmul.f32 v9, v43  }
0x81: {  	v23 =	vmul.f32 v18, v23;
	v19 =	vsub.f32 $1.500000000e+00, v19;
	v22 =	vmul.f32 v16, v22  }
0x82: {  	v5 =	vmul.f32 v17, v5;
	v44 =	vsub.f32 $1.500000000e+00, v20;
	v45 =	vsub.f32 $1.500000000e+00, v21  }
0x83: {  	v47 =	vsub.f32 $1.500000000e+00, v23;
	v8 =	vmul.f32 v8, v19;
	v46 =	vsub.f32 $1.500000000e+00, v22  }
0x84: {  	v4 =	vmul.f32 v4, v44;
	v9 =	vmul.f32 v9, v45  }
0x85: {  	v48 =	vmul.f32 v18, v47;
	v16 =	vmul.f32 v16, v46  }
0x86: {  	v49 =	vmul.f32 v8, v1;
	v50 =	vmul.f32 v4, v2  }
0x87: {  	v20 =	vmul.f32 v9, v3;
	v52 =	vmul.f32 v48, v40  }
0x88: {  	v51 =	vmul.f32 v16, v38;
	v18 =	vmul.f32 v49, v8  }
0x89: {  	v19 =	vmul.f32 v50, v4;
	v20 =	vmul.f32 v20, v9  }
0x8a: {  	v10 =	vmul.f32 v13, v10;
	v55 =	vmul.f32 v52, v48;
	v53 =	vsub.f32 $1.500000000e+00, v18  }
0x8b: {  	v54 =	vmul.f32 v51, v16;
	v19 =	vsub.f32 $1.500000000e+00, v19;
	v20 =	vsub.f32 $1.500000000e+00, v20  }
0x8c: {  	[tilespmem:s9+$0xC530] =	vst v14;
	v5 =	vmul.f32 v5, v11;
	v57 =	vsub.f32 $1.500000000e+00, v55;
	v8 =	vmul.f32 v53, v8  }
0x8d: {  	[tilespmem:s9+$0xC540] =	vst v15;
	v56 =	vsub.f32 $1.500000000e+00, v54;
	v4 =	vmul.f32 v19, v4;
	v9 =	vmul.f32 v20, v9  }
0x8e: {  	[tilespmem:s9+$0xC550] =	vst v12;
	v58 =	vmul.f32 v57, v48;
	v1 =	vmul.f32 v8, v1  }
0x8f: {  	[tilespmem:s9+$0xC560] =	vst v10;
	v11 =	vmul.f32 v56, v16;
	v2 =	vmul.f32 v4, v2  }
0x90: {  	[tilespmem:s9+$0xC570] =	vst v5;
	v3 =	vmul.f32 v9, v3;
	v1 =	vmul.f32 v1, v8  }
0x91: {  	v5 =	vld [tilespmem:s8+$0xC530];
	v7 =	vmul.f32 v11, v38;
	v2 =	vmul.f32 v2, v4  }
0x92: {  	v12 =	vld [tilespmem:s8+$0xC540];
	v6 =	vmul.f32 v58, v40;
	v3 =	vmul.f32 v3, v9;
	v1 =	vsub.f32 $1.500000000e+00, v1  }
0x93: {  	v59 =	vld [tilespmem:s8+$0xC550];
	v7 =	vmul.f32 v7, v11;
	v2 =	vsub.f32 $1.500000000e+00, v2  }
0x94: {  	v60 =	vld [tilespmem:s8+$0xC560];
	v6 =	vmul.f32 v6, v58;
	v3 =	vsub.f32 $1.500000000e+00, v3;
	v1 =	vmul.f32 v1, v8  }
0x95: {  	v62 =	vld [tilespmem:s8+$0xC570];
	v61 =	vsub.f32 $1.500000000e+00, v7;
	v2 =	vmul.f32 v2, v4  }
0x96: {  	v63 =	vsub.f32 $1.500000000e+00, v6;
	v3 =	vmul.f32 v3, v9;
	v1 =	vmul.f32 v1, v5  }
0x97: {  	v4 =	vmul.f32 v61, v11;
	v2 =	vmul.f32 v2, v12  }
0x98: {  	[tilespmem:s8+$0xC530] =	vst v1;
	v1 =	vmul.f32 v3, v59;
	v3 =	vmul.f32 v63, v58  }
0x99: {  	[tilespmem:s8+$0xC540] =	vst v2;
	v2 =	vmul.f32 v4, v60  }
0x9a: {  	[tilespmem:s8+$0xC550] =	vst v1;
	v1 =	vmul.f32 v3, v62  }
0x9b: {  	[tilespmem:s8+$0xC560] =	vst v2  }
0x9c: {  	s11 =	rddreg [dreg:$0x9];
	[tilespmem:s8+$0xC570] =	vst v1  }
0x9d: {  	[spmem:s11] =	stream.linear.scatter [tilespmem:s21], [sflag:$0x9], $0x2710, $0x38;
	[tilespmem:$0x13A60] =	vst v63  }
0x9e: {  	_ =	swait.ge [sflag:s19], $0x2710  }
0x9f: {  	[sflag:s19] =	ssyncset.done $0x0  }
0xa0: {  	s9 =	simm.s32 $0x140;
	s8 =	simm.s32 $0x0;
	[sflag:s19] =	ssyncadd.s32 $0xFFFFD8F0  }
.LBB2_4:
0xa1: {  	p0 =	sne.s32 s9, $0x1E00;
	[tilespmem:s8+$0x5040] =	vst v0;
	s10 =	smov.u32 s9;
	s9 =	sadd.s32 $0x140, s9  }
.Ltmp1:
0xa2: {  	[tilespmem:s8+$0x5030] =	vst v0;
	(pc) =	sbr.rel @p0 .LBB2_4-.Ltmp1, $4  }
0xa3: {  	[tilespmem:s8+$0x5020] =	vst v0  }
0xa4: {  	[tilespmem:s8+$0x5000] =	vst v0  }
0xa5: {  	[tilespmem:s8+$0x5010] =	vst v0  }
0xa6: {  	s8 =	sshra.s32 s10, $0x2  }
0xa7: {  	[tilespmem:s8+$0x5040] =	vst v0  }
0xa8: {  	[tilespmem:s8+$0x5030] =	vst v0  }
0xa9: {  	[tilespmem:s8+$0x5020] =	vst v0  }
0xaa: {  	[tilespmem:s8+$0x5000] =	vst v0  }
0xab: {  	[tilespmem:s8+$0x5010] =	vst v0  }
0xac: {  	[spmem:s12] =	stream.linear.scatter [tilespmem:s23], [sflag:$0x9], $0x7D0, $0x38;
	[tilespmem:$0x13A60] =	vst v63  }
0xad: {  	_ =	swait.ge [sflag:s19], $0x7D0  }
0xae: {  	[sflag:s19] =	ssyncset.done $0x0  }
0xaf: {  	[sflag:s19] =	ssyncadd.s32 $0xFFFFF830  }
0xb0: {  	[spmem:s14] =	stream.linear.scatter [tilespmem:s23], [sflag:$0x9], $0x7D0, $0x38;
	[tilespmem:$0x13A60] =	vst v63  }
0xb1: {  	_ =	swait.ge [sflag:s19], $0x7D0  }
0xb2: {  	[sflag:s19] =	ssyncset.done $0x0  }
0xb3: {  	[sflag:s19] =	ssyncadd.s32 $0xFFFFF830  }
0xb4: {  	[spmem:s15] =	stream.linear.scatter [tilespmem:s23], [sflag:$0x9], $0x7D0, $0x38;
	[tilespmem:$0x13A60] =	vst v63  }
0xb5: {  	_ =	swait.ge [sflag:s19], $0x7D0  }
0xb6: {  	[sflag:s19] =	ssyncset.done $0x0  }
0xb7: {  	[sflag:s19] =	ssyncadd.s32 $0xFFFFF830  }
0xb8: {  	[spmem:s16] =	stream.linear.scatter [tilespmem:s23], [sflag:$0x9], $0x7D0, $0x38;
	[tilespmem:$0x13A60] =	vst v63  }
0xb9: {  	_ =	swait.ge [sflag:s19], $0x7D0  }
0xba: {  	[sflag:s19] =	ssyncset.done $0x0  }
0xbb: {  	[sflag:s19] =	ssyncadd.s32 $0xFFFFF830  }
0xbc: {  	[spmem:s17] =	stream.linear.scatter [tilespmem:s23], [sflag:$0x9], $0x7D0, $0x38;
	[tilespmem:$0x13A60] =	vst v63  }
0xbd: {  	_ =	swait.ge [sflag:s19], $0x7D0  }
0xbe: {  	[sflag:s19] =	ssyncset.done $0x0  }
0xbf: {  	[sflag:s19] =	ssyncadd.s32 $0xFFFFF830  }
0xc0: {  	s10 =	simm.s32 $0x0;
	[bflag:$0x0] =	sbarrier.arrive $0xFFFF  }
0xc1: {  	[tilespmem:s26], [sflag:$0x1] =	stream.indirect.gather [spmem:s2], $0x10, s10, s24, $0xb8;
	[tilespmem:$0x13A60] =	vst v63  }
0xc2: {  	s11 =	simm.s32 $0x80  }
0xc3: {  	[tilespmem:s29], [sflag:$0x2] =	stream.indirect.gather [spmem:s2], $0x10, s11, s24, $0xb8;
	[tilespmem:$0x13A60] =	vst v63  }
0xc4: {  	s9 =	simm.s32 $0x100  }
0xc5: {  	[tilespmem:s31], [sflag:$0x3] =	stream.indirect.gather [spmem:s2], $0x10, s9, s24, $0xb8;
	[tilespmem:$0x13A60] =	vst v63  }
0xc6: {  	s10 =	simm.s32 $0x180  }
0xc7: {  	[tilespmem:s18], [sflag:$0x4] =	stream.indirect.gather [spmem:s2], $0x10, s10, s24, $0xb8;
	[tilespmem:$0x13A60] =	vst v63  }
0xc8: {  	_ =	swait.ge [sflag:s20], $0x7D0  }
0xc9: {  	[sflag:s20] =	ssyncset.done $0x0  }
0xca: {  	s11 =	simm.s32 $0x2800;
	[sflag:s20] =	ssyncadd.s32 $0xFFFFF830  }
0xcb: {  	[spmem:s3] =	stream.indirect.scatter.add.f32 [tilespmem:s26], [sflag:$0x5], $0x10, s11, s24, $0xb8;
	[tilespmem:$0x13A60] =	vst v63  }
0xcc: {  	_ =	swait.ge [sflag:s22], $0x7D0  }
0xcd: {  	[sflag:s22] =	ssyncset.done $0x0  }
0xce: {  	s9 =	simm.s32 $0x2880;
	[sflag:s22] =	ssyncadd.s32 $0xFFFFF830  }
0xcf: {  	[spmem:s3] =	stream.indirect.scatter.add.f32 [tilespmem:s29], [sflag:$0x6], $0x10, s9, s24, $0xb8;
	[tilespmem:$0x13A60] =	vst v63  }
0xd0: {  	_ =	swait.ge [sflag:s28], $0x7D0  }
0xd1: {  	[sflag:s28] =	ssyncset.done $0x0  }
0xd2: {  	s10 =	simm.s32 $0x2900;
	[sflag:s28] =	ssyncadd.s32 $0xFFFFF830  }
0xd3: {  	[spmem:s3] =	stream.indirect.scatter.add.f32 [tilespmem:s31], [sflag:$0x7], $0x10, s10, s24, $0xb8;
	[tilespmem:$0x13A60] =	vst v63  }
0xd4: {  	_ =	swait.ge [sflag:s30], $0x7D0  }
0xd5: {  	[sflag:s30] =	ssyncset.done $0x0  }
0xd6: {  	s11 =	simm.s32 $0x2980;
	[sflag:s30] =	ssyncadd.s32 $0xFFFFF830  }
0xd7: {  	[spmem:s3] =	stream.indirect.scatter.add.f32 [tilespmem:s18], [sflag:$0x8], $0x10, s11, s24, $0xb8;
	[tilespmem:$0x13A60] =	vst v63  }
0xd8: {  	_ =	swait.ge [sflag:s1], $0x7D0  }
0xd9: {  	[sflag:s1] =	ssyncset.done $0x0  }
0xda: {  	s9 =	simm.s32 $0x200;
	[sflag:s1] =	ssyncadd.s32 $0xFFFFF830  }
0xdb: {  	[tilespmem:s26], [sflag:$0x1] =	stream.indirect.gather [spmem:s2], $0x10, s9, s24, $0xb8;
	[tilespmem:$0x13A60] =	vst v63  }
0xdc: {  	_ =	swait.ge [sflag:s0], $0x7D0  }
0xdd: {  	[sflag:s0] =	ssyncset.done $0x0  }
0xde: {  	s10 =	simm.s32 $0x280;
	[sflag:s0] =	ssyncadd.s32 $0xFFFFF830  }
0xdf: {  	[tilespmem:s29], [sflag:$0x2] =	stream.indirect.gather [spmem:s2], $0x10, s10, s24, $0xb8;
	[tilespmem:$0x13A60] =	vst v63  }
0xe0: {  	_ =	swait.ge [sflag:s5], $0x7D0  }
0xe1: {  	[sflag:s5] =	ssyncset.done $0x0  }
0xe2: {  	s11 =	simm.s32 $0x300;
	[sflag:s5] =	ssyncadd.s32 $0xFFFFF830  }
0xe3: {  	[tilespmem:s31], [sflag:$0x3] =	stream.indirect.gather [spmem:s2], $0x10, s11, s24, $0xb8;
	[tilespmem:$0x13A60] =	vst v63  }
0xe4: {  	_ =	swait.ge [sflag:s6], $0x7D0  }
0xe5: {  	[sflag:s6] =	ssyncset.done $0x0  }
0xe6: {  	s8 =	simm.s32 $0x800;
	s9 =	simm.s32 $0x380;
	[sflag:s6] =	ssyncadd.s32 $0xFFFFF830  }
.LBB2_6:
0xe7: {  	[tilespmem:s18], [sflag:$0x4] =	stream.indirect.gather [spmem:s2], $0x10, s9, s24, $0xb8;
	[tilespmem:$0x13A60] =	vst v63  }
0xe8: {  	s9 =	smov.u32 s8  }
0xe9: {  	p0 =	sne.s32 s8, $0x9000;
	s8 =	sadd.s32 $0x800, s8;
	_ =	swait.ge [sflag:s20], $0x7D0  }
0xea: {  	s9 =	sshra.s32 s9, $0x2;
	[sflag:s20] =	ssyncset.done $0x0  }
0xeb: {  	s10 =	sadd.s32 $0x2800, s9;
	[sflag:s20] =	ssyncadd.s32 $0xFFFFF830  }
0xec: {  	[spmem:s3] =	stream.indirect.scatter.add.f32 [tilespmem:s26], [sflag:$0x5], $0x10, s10, s24, $0xb8;
	[tilespmem:$0x13A60] =	vst v63  }
0xed: {  	_ =	swait.ge [sflag:s22], $0x7D0  }
0xee: {  	[sflag:s22] =	ssyncset.done $0x0  }
0xef: {  	s10 =	sadd.s32 $0x2880, s9;
	[sflag:s22] =	ssyncadd.s32 $0xFFFFF830  }
0xf0: {  	[spmem:s3] =	stream.indirect.scatter.add.f32 [tilespmem:s29], [sflag:$0x6], $0x10, s10, s24, $0xb8;
	[tilespmem:$0x13A60] =	vst v63  }
0xf1: {  	_ =	swait.ge [sflag:s28], $0x7D0  }
0xf2: {  	[sflag:s28] =	ssyncset.done $0x0  }
0xf3: {  	s10 =	sadd.s32 $0x2900, s9;
	[sflag:s28] =	ssyncadd.s32 $0xFFFFF830  }
0xf4: {  	[spmem:s3] =	stream.indirect.scatter.add.f32 [tilespmem:s31], [sflag:$0x7], $0x10, s10, s24, $0xb8;
	[tilespmem:$0x13A60] =	vst v63  }
0xf5: {  	_ =	swait.ge [sflag:s30], $0x7D0  }
0xf6: {  	[sflag:s30] =	ssyncset.done $0x0  }
0xf7: {  	s10 =	sadd.s32 $0x2980, s9;
	[sflag:s30] =	ssyncadd.s32 $0xFFFFF830  }
0xf8: {  	[spmem:s3] =	stream.indirect.scatter.add.f32 [tilespmem:s18], [sflag:$0x8], $0x10, s10, s24, $0xb8;
	[tilespmem:$0x13A60] =	vst v63  }
0xf9: {  	_ =	swait.ge [sflag:s1], $0x7D0  }
0xfa: {  	[sflag:s1] =	ssyncset.done $0x0  }
0xfb: {  	s10 =	sadd.s32 $0x200, s9;
	[sflag:s1] =	ssyncadd.s32 $0xFFFFF830  }
0xfc: {  	[tilespmem:s26], [sflag:$0x1] =	stream.indirect.gather [spmem:s2], $0x10, s10, s24, $0xb8;
	[tilespmem:$0x13A60] =	vst v63  }
0xfd: {  	_ =	swait.ge [sflag:s0], $0x7D0  }
0xfe: {  	[sflag:s0] =	ssyncset.done $0x0  }
0xff: {  	s10 =	sadd.s32 $0x280, s9;
	[sflag:s0] =	ssyncadd.s32 $0xFFFFF830  }
0x100: {  	[tilespmem:s29], [sflag:$0x2] =	stream.indirect.gather [spmem:s2], $0x10, s10, s24, $0xb8;
	[tilespmem:$0x13A60] =	vst v63  }
0x101: {  	_ =	swait.ge [sflag:s5], $0x7D0  }
0x102: {  	[sflag:s5] =	ssyncset.done $0x0  }
.Ltmp2:
0x103: {  	s10 =	sadd.s32 $0x300, s9;
	[sflag:s5] =	ssyncadd.s32 $0xFFFFF830;
	(pc) =	sbr.rel @p0 .LBB2_6-.Ltmp2, $4  }
0x104: {  	[tilespmem:s31], [sflag:$0x3] =	stream.indirect.gather [spmem:s2], $0x10, s10, s24, $0xb8;
	[tilespmem:$0x13A60] =	vst v63  }
0x105: {  	_ =	swait.ge [sflag:s6], $0x7D0  }
0x106: {  	[sflag:s6] =	ssyncset.done $0x0  }
0x107: {  	s9 =	sadd.s32 $0x380, s9;
	[sflag:s6] =	ssyncadd.s32 $0xFFFFF830  }
0x108: {  	[tilespmem:s18], [sflag:$0x4] =	stream.indirect.gather [spmem:s2], $0x10, s9, s24, $0xb8;
	[tilespmem:$0x13A60] =	vst v63  }
0x109: {  	_ =	swait.ge [sflag:s20], $0x7D0  }
0x10a: {  	[sflag:s20] =	ssyncset.done $0x0  }
0x10b: {  	s8 =	simm.s32 $0x4E00;
	[sflag:s20] =	ssyncadd.s32 $0xFFFFF830  }
0x10c: {  	[spmem:s3] =	stream.indirect.scatter.add.f32 [tilespmem:s26], [sflag:$0x5], $0x10, s8, s24, $0xb8;
	[tilespmem:$0x13A60] =	vst v63  }
0x10d: {  	_ =	swait.ge [sflag:s22], $0x7D0  }
0x10e: {  	[sflag:s22] =	ssyncset.done $0x0  }
0x10f: {  	s10 =	simm.s32 $0x4E80;
	[sflag:s22] =	ssyncadd.s32 $0xFFFFF830  }
0x110: {  	[spmem:s3] =	stream.indirect.scatter.add.f32 [tilespmem:s29], [sflag:$0x6], $0x10, s10, s24, $0xb8;
	[tilespmem:$0x13A60] =	vst v63  }
0x111: {  	_ =	swait.ge [sflag:s28], $0x7D0  }
0x112: {  	[sflag:s28] =	ssyncset.done $0x0  }
0x113: {  	s11 =	simm.s32 $0x4F00;
	[sflag:s28] =	ssyncadd.s32 $0xFFFFF830  }
0x114: {  	[spmem:s3] =	stream.indirect.scatter.add.f32 [tilespmem:s31], [sflag:$0x7], $0x10, s11, s24, $0xb8;
	[tilespmem:$0x13A60] =	vst v63  }
0x115: {  	_ =	swait.ge [sflag:s30], $0x7D0  }
0x116: {  	[sflag:s30] =	ssyncset.done $0x0  }
0x117: {  	s9 =	simm.s32 $0x4F80;
	[sflag:s30] =	ssyncadd.s32 $0xFFFFF830  }
0x118: {  	[spmem:s3] =	stream.indirect.scatter.add.f32 [tilespmem:s18], [sflag:$0x8], $0x10, s9, s24, $0xb8;
	[tilespmem:$0x13A60] =	vst v63  }
0x119: {  	_ =	swait.ge [sflag:s1], $0x7D0  }
0x11a: {  	[sflag:s1] =	ssyncset.done $0x0  }
0x11b: {  	[sflag:s1] =	ssyncadd.s32 $0xFFFFF830  }
0x11c: {  	_ =	swait.ge [sflag:s0], $0x7D0  }
0x11d: {  	[sflag:s0] =	ssyncset.done $0x0  }
0x11e: {  	[sflag:s0] =	ssyncadd.s32 $0xFFFFF830  }
0x11f: {  	_ =	swait.ge [sflag:s5], $0x7D0  }
0x120: {  	[sflag:s5] =	ssyncset.done $0x0  }
0x121: {  	[sflag:s5] =	ssyncadd.s32 $0xFFFFF830  }
0x122: {  	_ =	swait.ge [sflag:s6], $0x7D0  }
0x123: {  	[sflag:s6] =	ssyncset.done $0x0  }
0x124: {  	s7 =	sadd.s32 $0x1, s7;
	s10 =	stileid.u32;
	[sflag:s6] =	ssyncadd.s32 $0xFFFFF830  }
0x125: {  	p0 =	sne.s32 s7, s13;
	s8 =	sshll.u32 s10, $0x6;
	[bflag:$0x0] =	sbarrier.arrive $0xFFFF  }
.Ltmp3:
0x126: {  	s8 =	sor.u32 $0x1C09, s8;
	s11 =	rddreg [dreg:$0xa];
	(pc) =	sbr.rel @p0 .LBB2_1-.Ltmp3, $4  }
0x127: {  	[hbm:s11], [sflag:s8] =	dma.local [spmem:s25], $0x4F0  }
0x128: {  	_ =	swait.ge [sflag:s19], $0x4F0  }
0x129: {  	[sflag:s19] =	ssyncset.done $0x0  }
0x12a: {  	[sflag:s19] =	ssyncadd.s32 $0xFFFFFB10  }
0x12b: {  	_ =	sfence.sel $0x180000  }
0x12c: {  	[bflag:$0x0] =	sbarrier.arrive $0xFFFF  }
0x12d: {  	_ =	strace $0x9000004A  }
0x12e: {  	s0 =	stileid.u32;
	[bflag:$0x2] =	sbarrier.arrive $0xFFFF  }
0x12f: {  	p0 =	sne.s32 s0, $0x0;
	s0 =	rddreg [dreg:$0x3]  }
0x130: {  	s0 =	sadd.s32 @!p0 $0x100000, s0  }
0x131: {  	[sflag:s0] =	ssyncadd.tile.s32 @!p0 $0x1;
	_ =	shalt  }
.Lfunc_end2:
_tile_overlayer_lowered:
.L_overlay_start_2:
0x132: {  	(tag) =	ssettag $0x2  }
0x133: {  	s0 =	rddreg [dreg:$0x0];
	s2 =	stileid.u32  }
0x134: {  	s1 =	rddreg [dreg:$0x1];
	p0 =	sne.s32 s2, $0x0  }
0x135: {  	s3 =	rddreg [dreg:$0x2];
	[bflag:$0x3] =	sbarrier.arrive $0xFFFF;
	s2 =	simm.s32 @!p0 $0x1C09  }
0x136: {  	[timem:s3], [sflag:s2] =	dma.local @!p0 [hbm:s0], s1  }
0x137: {  	s0 =	simm.s32 @!p0 $0x9  }
0x138: {  	_ =	swait.ge @!p0 [sflag:s0], s1  }
0x139: {  	s1 =	ssub.s32 @!p0 $0x0, s1;
	[sflag:s0] =	ssyncset.done @!p0 $0x0  }
0x13a: {  	[sflag:s0] =	ssyncadd.s32 @!p0 s1  }
0x13b: {  	[bflag:$0x3] =	sbarrier.arrive $0xFFFF  }
0x13c: {  	_ =	shalt  }

// kernel: kernel.13.cloned.1.call-start
scs
__scs_entry_jumppad:
0x0: {  	(pc) =	sbr.rel $0x88, $3  }
0x1: {  	(tag) =	ssettag $0x0;
	lr =	simm.s32 $0x1  }
0x2: {  	[smem:$0x3F96] =	sst lr;
	_ =	strace $0xD0000000  }
0x3: {  	_ = 	snop  }
0x4: {  	_ = 	snop  }
0x5: {  	_ = 	snop  }
0x6: {  	_ = 	snop  }
0x7: {  	_ = 	snop  }
__scs_overlays_trampoline_lowered:
0x8: {  	[smem:$0x3FA5] =	sst s0  }
0x9: {  	[smem:$0x3FA6] =	sst s1  }
0xa: {  	[smem:$0x3FA7] =	sst s2  }
0xb: {  	[smem:$0x3FA8] =	sst s3  }
0xc: {  	[smem:$0x3FA9] =	sst s4  }
0xd: {  	[smem:$0x3FAA] =	sst s5  }
0xe: {  	[smem:$0x3FAB] =	sst s6  }
0xf: {  	[smem:$0x3FAC] =	sst s7  }
0x10: {  	[smem:$0x3FAD] =	sst s8  }
0x11: {  	[smem:$0x3FAE] =	sst s9;
	s0 =	simm.s32 @!p0 $0x0  }
0x12: {  	s1 =	sld [smem:$0x3F94];
	s0 =	simm.s32 @p0 $0x1  }
0x13: {  	[smem:$0x3FAF] =	sst s0;
	s0 =	simm.s32 @!p1 $0x0  }
0x14: {  	s2 =	sld [smem:$0x3F93];
	s0 =	simm.s32 @p1 $0x1  }
0x15: {  	[smem:$0x3FB0] =	sst s0;
	s0 =	simm.s32 @!p2 $0x0  }
0x16: {  	s3 =	sld [smem:$0x3FDB];
	s0 =	simm.s32 @p2 $0x1  }
0x17: {  	s4 =	simm.s32 $0x1BF5;
	[smem:$0x3FB2] =	sst s0  }
0x18: {  	s0 =	sld [smem:$0x3F95];
	_ =	swait.ge [sflag:s4], $0x0  }
0x19: {  	s7 =	sld [smem:$0x3F96]  }
0x1a: {  	s8 =	sadd.s32 $0xFFFFE003, lr  }
0x1b: {  	s9 =	sadd.s32 $0xFFFFFEF7, lr;
	s5 =	simm.s32 $0xFFFFFFFF;
	p2 =	slt.u32 s8, $0xFFFFF086  }
0x1c: {  	p1 =	slt.u32 s9, $0xF7A;
	s5 =	simm.s32 @!p2 $0x0  }
0x1d: {  	s5 =	simm.s32 @p1 $0x1;
	p0 =	seq.s32 s7, s2  }
0x1e: {  	s7 =	smul.u32 @!p0 $0xF7A, s2;
	p2 =	seq.s32 @!p0 s5, $0x0  }
0x1f: {  	s9 =	smul.u32 $0xF7A, s1;
	s8 =	simm.s32 @!p0 $0x1BF5;
	p2 =	por !p2, p0  }
0x20: {  	[sflag:s8] =	ssyncset.s32 @!p0 $0xFFFFF086;
	s6 =	sadd.s32 @!p0 s3, s7;
	s7 =	simm.s32 @!p0 $0x108  }
0x21: {  	s3 =	sadd.s32 s3, s9;
	s6 =	sadd.s32 @!p0 $0x88, s6;
	s7 =	simm.s32 @p2 $0x1082  }
0x22: {  	[simem:s7], [sflag:s8] =	dma.local @!p0 [hbm:s6], $0xF7A  }
0x23: {  	s9 =	sor.u32 $0xD0000000, s2;
	s6 =	simm.s32 $0x108;
	_ =	swait.ge @!p0 [sflag:s8], $0x0  }
0x24: {  	s3 =	sadd.s32 $0x88, s3;
	s6 =	simm.s32 @!p1 $0x1082;
	[sflag:s4] =	ssyncset.s32 $0xFFFFF086  }
0x25: {  	[simem:s6], [sflag:s4] =	dma.local [hbm:s3], $0xF7A  }
0x26: {  	[smem:$0x3F96] =	sst s1;
	(tag) =	ssettag s2;
	_ =	strace s9  }
0x27: {  	s1 =	sld [smem:$0x3FA6]  }
0x28: {  	s2 =	sld [smem:$0x3FA7]  }
0x29: {  	s4 =	sld [smem:$0x3FA9]  }
0x2a: {  	p0 =	seq.s32 s5, $0x0;
	s5 =	sld [smem:$0x3FAA]  }
0x2b: {  	s6 =	sld [smem:$0x3FAB]  }
0x2c: {  	s7 =	sld [smem:$0x3FAC]  }
0x2d: {  	s3 =	simm.s32 $0x108;
	s8 =	sld [smem:$0x3FAD]  }
0x2e: {  	s3 =	simm.s32 @!p0 $0x1082;
	s9 =	sld [smem:$0x3FAE]  }
0x2f: {  	lr =	sadd.s32 s0, s3;
	s0 =	sld [smem:$0x3FA5]  }
0x30: {  	s3 =	sld [smem:$0x3FA8]  }
0x31: {  	[smem:$0x3FB1] =	sst s10  }
0x32: {  	s10 =	sld [smem:$0x3FAF];
	_ =	sdelay $0x3  }
0x33: {  	p0 =	seq.s32 s10, $0x1;
	s10 =	sld [smem:$0x3FB1];
	_ =	sdelay $0x3  }
0x34: {  	[smem:$0x3FB1] =	sst s10  }
0x35: {  	s10 =	sld [smem:$0x3FB0];
	_ =	sdelay $0x3  }
0x36: {  	p1 =	seq.s32 s10, $0x1;
	s10 =	sld [smem:$0x3FB1];
	_ =	sdelay $0x3  }
0x37: {  	[smem:$0x3FB1] =	sst s10  }
0x38: {  	s10 =	sld [smem:$0x3FB2]  }
0x39: {  	_ = 	snop;
	(pc) =	sbr.ind lr, $3  }
0x3a: {  	_ = 	snop  }
0x3b: {  	_ = 	snop  }
0x3c: {  	p2 =	seq.s32 s10, $0x1;
	s10 =	sld [smem:$0x3FB1]  }
0x3d: {  	_ =	shalt  }
0x3e: {  	_ =	shalt  }
0x3f: {  	_ =	shalt  }
0x40: {  	_ =	shalt  }
0x41: {  	_ =	shalt  }
0x42: {  	_ =	shalt  }
0x43: {  	_ =	shalt  }
0x44: {  	_ =	shalt  }
0x45: {  	_ =	shalt  }
0x46: {  	_ =	shalt  }
0x47: {  	_ =	shalt  }
0x48: {  	_ =	shalt  }
0x49: {  	_ =	shalt  }
0x4a: {  	_ =	shalt  }
0x4b: {  	_ =	shalt  }
0x4c: {  	_ =	shalt  }
0x4d: {  	_ =	shalt  }
0x4e: {  	_ =	shalt  }
0x4f: {  	_ =	shalt  }
0x50: {  	_ =	shalt  }
0x51: {  	_ =	shalt  }
0x52: {  	_ =	shalt  }
0x53: {  	_ =	shalt  }
0x54: {  	_ =	shalt  }
0x55: {  	_ =	shalt  }
0x56: {  	_ =	shalt  }
0x57: {  	_ =	shalt  }
0x58: {  	_ =	shalt  }
0x59: {  	_ =	shalt  }
0x5a: {  	_ =	shalt  }
0x5b: {  	_ =	shalt  }
0x5c: {  	_ =	shalt  }
0x5d: {  	_ =	shalt  }
0x5e: {  	_ =	shalt  }
0x5f: {  	_ =	shalt  }
0x60: {  	_ =	shalt  }
0x61: {  	_ =	shalt  }
0x62: {  	_ =	shalt  }
0x63: {  	_ =	shalt  }
0x64: {  	_ =	shalt  }
0x65: {  	_ =	shalt  }
0x66: {  	_ =	shalt  }
0x67: {  	_ =	shalt  }
0x68: {  	_ =	shalt  }
0x69: {  	_ =	shalt  }
0x6a: {  	_ =	shalt  }
0x6b: {  	_ =	shalt  }
0x6c: {  	_ =	shalt  }
0x6d: {  	_ =	shalt  }
0x6e: {  	_ =	shalt  }
0x6f: {  	_ =	shalt  }
0x70: {  	_ =	shalt  }
0x71: {  	_ =	shalt  }
0x72: {  	_ =	shalt  }
0x73: {  	_ =	shalt  }
0x74: {  	_ =	shalt  }
0x75: {  	_ =	shalt  }
0x76: {  	_ =	shalt  }
0x77: {  	_ =	shalt  }
0x78: {  	_ =	shalt  }
0x79: {  	_ =	shalt  }
0x7a: {  	_ =	shalt  }
0x7b: {  	_ =	shalt  }
0x7c: {  	_ =	shalt  }
0x7d: {  	_ =	shalt  }
0x7e: {  	_ =	shalt  }
0x7f: {  	_ =	shalt  }
0x80: {  	_ =	shalt  }
0x81: {  	_ =	shalt  }
0x82: {  	_ =	shalt  }
0x83: {  	_ =	shalt  }
0x84: {  	_ =	shalt  }
0x85: {  	_ =	shalt  }
0x86: {  	_ =	shalt  }
0x87: {  	_ =	shalt  }
.Lfunc_end0:
.L_simem_size_0:
called_computation.2_lowered:
.L_overlay_start_0:
0x88: {  	s2 =	sld [smem:$0x3FD9]  }
0x89: {  	s3 =	sld [smem:$0x3FFE];
	_ =	sdelay $0x1  }
0x8a: {  	s1 =	srdreg.scid  }
0x8b: {  	s0 =	sand.u32 $0x1, s1  }
0x8c: {  	s17 =	sshll.u32 s0, $0xA;
	s2 =	sadd.s32 s3, s2  }
0x8d: {  	s2 =	sadd.s32 s2, s17  }
0x8e: {  	[smem:$0x3FBD] =	sst s2  }
0x8f: {  	_ = 	snop  }
0x90: {  	s2 =	sld [smem:$0x3FC5];
	(tm) =	ssettm $0x1  }
0x91: {  	s18 =	sld [smem:$0x3FFB];
	_ =	sdelay $0x3  }
0x92: {  	_ =	strace s18  }
0x93: {  	s3 =	sld [smem:$0x3FFC];
	_ =	sdelay $0x3  }
0x94: {  	_ =	strace s3  }
0x95: {  	s3 =	sld [smem:$0x3FFD];
	_ =	sdelay $0x3  }
0x96: {  	_ =	strace s3  }
0x97: {  	_ =	strace $0x8FFFFFFF  }
0x98: {  	s19 =	sld [smem:$0x3FDB];
	_ =	sdelay $0x1  }
0x99: {  	s4 =	simm.s32 $_scs_section_size  }
0x9a: {  	s5 =	simm.s32 $_size__tile_overlayer_lowered;
	s6 =	simm.s32 $_tile_overlayer_lowered  }
0x9b: {  	s22 =	simm.s32 $0x1BFF;
	s21 =	sshll.u32 s6, $0x1;
	s3 =	sadd.s32 s4, s19  }
0x9c: {  	s7 =	simm.s32 $0x0;
	s20 =	sshll.u32 s5, $0x1;
	s5 =	sadd.s32 s21, s3  }
0x9d: {  	[timem:s7], [sflag:s22] =	dma.local [hbm:s5], s20  }
0x9e: {  	_ =	swait.ge [sflag:s22], s20  }
0x9f: {  	s4 =	ssub.s32 $0x0, s20;
	[sflag:s22] =	ssyncset.done $0x0  }
0xa0: {  	[sflag:s22] =	ssyncadd.s32 s4;
	_ =	sdelay $0x1  }
0xa1: {  	s23 =	simm.s32 $0x1B8B  }
0xa2: {  	_ =	swait.ge [sflag:s23], $0x1  }
0xa3: {  	[sflag:s23] =	ssyncset.done $0x0  }
0xa4: {  	s25 =	simm.s32 $0x1B8E;
	s24 =	sld [smem:$0x3FFE];
	[sflag:s23] =	ssyncadd.s32 $0xFFFFFFFF  }
0xa5: {  	s26 =	simm.s32 $execute0_lowered;
	[smem:$0x3FD2] =	sst s25  }
0xa6: {  	s5 =	sshll.u32 s26, $0x1;
	_ =	strace $0x8000004C;
	[dreg:$0x1] =	wrdreg $0xFFFFFFFF  }
0xa7: {  	s28 =	simm.s32 $_size_execute0_lowered;
	s3 =	sadd.s32 s3, s5;
	[dreg:$0x0] =	wrdreg $0x0  }
0xa8: {  	s5 =	sshll.u32 s28, $0x1;
	[dreg:$0x2] =	wrdreg s3  }
0xa9: {  	[dreg:$0x3] =	wrdreg s5  }
0xaa: {  	[dreg:$0x4] =	wrdreg $0xC0  }
0xab: {  	_ =	task [dreg:s7], $0x5FFFF  }
0xac: {  	[dreg:$0x1] =	wrdreg $0xFFFFFFFF  }
0xad: {  	[dreg:$0x0] =	wrdreg $0x60  }
0xae: {  	[dreg:$0x2] =	wrdreg s24  }
0xaf: {  	[dreg:$0x3] =	wrdreg s2  }
0xb0: {  	[dreg:$0x4] =	wrdreg $0x132900  }
0xb1: {  	[dreg:$0x5] =	wrdreg $0x159A00  }
0xb2: {  	[dreg:$0x6] =	wrdreg $0x9  }
0xb3: {  	_ =	task.clear_ibuf [dreg:s7], $0x7FFFF;
	_ =	strace $0x9000004C  }
0xb4: {  	s29 =	simm.s32 $0x9;
	_ =	strace $0x8000004E  }
0xb5: {  	_ =	swait.ge [sflag:s29], $0x1  }
0xb6: {  	[sflag:s29] =	ssyncadd.s32 $0xFFFFFFFF  }
0xb7: {  	_ =	strace $0x9000004E  }
0xb8: {  	_ =	sfence  }
0xb9: {  	s30 =	sld [smem:$0x0];
	_ =	sdelay $0x2  }
0xba: {  	s31 =	sshll.u32 s1, $0xD;
	s1 =	sshrl.u32 s1, $0x2  }
0xbb: {  	s3 =	sand.u32 $0x4000, s31;
	s1 =	sadd.s32 s1, s30  }
0xbc: {  	s0 =	sor.u32 s3, s0;
	s1 =	sshll.u32 s1, $0x11  }
0xbd: {  	s0 =	sor.u32 s1, s0  }
0xbe: {  	s0 =	sadd.s32 $0x8F2B, s0  }
0xbf: {  	[sflag:s0] =	ssyncadd.remote.s32 $0x1  }
0xc0: {  	_ =	sfence.sel $0xFFFF  }
0xc1: {  	[dreg:$0x0] =	wrdreg $0xFFFFFFFF;
	(pc) =	sbr.abs _section_cstart, $3  }
0xc2: {  	[dreg:$0x1] =	wrdreg $0xFFFFFFFF  }
0xc3: {  	_ =	task.clear_ibuf [dreg:s7], $0x2FFFF;
	_ =	strace $0x9FFFFFFF  }
0xc4: {  	(tm) =	ssettm $0x7FFFFFFF  }
0xc5: {  	_ =	shalt  }
tec
execute0_lowered:
.L_overlay_start_1:
0x0: {  	(tag) =	ssettag $0x1  }
0x1: {  	s0 =	rddreg [dreg:$0x0]  }
0x2: {  	s1 =	srdreg.scid;
	s3 =	rddreg [dreg:$0x2]  }
0x3: {  	s7 =	stileid.u32;
	s4 =	rddreg [dreg:$0x3]  }
0x4: {  	s5 =	simm.s32 $0x0;
	s18 =	simm.s32 $0x9;
	s21 =	simm.s32 $0xE470  }
0x5: {  	s28 =	simm.s32 $0x5000;
	s30 =	simm.s32 $0x57D0;
	s17 =	simm.s32 $0x6770  }
0x6: {  	s19 =	simm.s32 $0x1;
	s29 =	simm.s32 $0x4;
	s31 =	simm.s32 $0x5  }
0x7: {  	s20 =	simm.s32 $0x8;
	s1 =	sand.u32 $0x1, s1;
	[smem:$0x7FF] =	sst s5  }
0x8: {  	s6 =	smul.u32 $0x278, s7;
	s9 =	sadd.s32 $0x16800, s0;
	s12 =	sadd.s32 $0x2800, s0  }
0x9: {  	s2 =	sshll.u32 s1, $0x4;
	_ =	strace $0x8000004D;
	s8 =	smul.u32 $0x27100, s1  }
0xa: {  	s1 =	ssub.s32 $0x2, s1;
	s2 =	sor.u32 s7, s2;
	s7 =	smul.u32 $0x2710, s7  }
0xb: {  	s6 =	smin.u32 s6, $0x2498;
	s13 =	sshrl.u32 s1, $0x1;
	s2 =	smul.u32 $0x500, s2  }
0xc: {  	s6 =	sshll.u32 s6, $0x4;
	s1 =	ssub.s32 s1, s13;
	s10 =	sshrl.u32 s7, $0x3  }
0xd: {  	s8 =	sadd.s32 s8, s6;
	s13 =	sadd.s32 s7, s3;
	s14 =	sadd.s32 s7, s4  }
0xe: {  	s26 =	sadd.s32 s6, s4;
	s16 =	smax.u32 s1, $0x1;
	s1 =	simm.s32 $0x6  }
0xf: {  	s2 =	sadd.s32 s2, s0;
	s11 =	sadd.s32 s10, s0;
	s8 =	sshrl.u32 s8, $0x3  }
0x10: {  	s22 =	sadd.s32 $0x4E20, s10;
	s23 =	sadd.s32 s9, s10;
	s25 =	sadd.s32 s12, s10  }
0x11: {  	s0 =	sadd.s32 s8, s0;
	[dreg:$0x5] =	wrdreg s23;
	s9 =	sadd.s32 s9, s22  }
0x12: {  	s24 =	sadd.s32 $0x34600, s11;
	[dreg:$0x8] =	wrdreg s25;
	s10 =	sadd.s32 s12, s22  }
0x13: {  	s11 =	sadd.s32 $0x20600, s2;
	s12 =	sadd.s32 $0x2A600, s2;
	s25 =	sshrl.u32 s26, $0x3  }
0x14: {  	s26 =	simm.s32 $0x7D;
	s2 =	simm.s32 $0x5FA0;
	[dreg:$0x6] =	wrdreg s9  }
0x15: {  	s23 =	simm.s32 $0x2;
	s22 =	simm.s32 $0x0;
	[dreg:$0x7] =	wrdreg s24  }
0x16: {  	s15 =	sadd.s32 $0xC600, s0;
	s24 =	simm.s32 $0x3;
	s0 =	simm.s32 $0x7  }
.LBB2_1:
0x17: {  	s6 =	rddreg [dreg:$0x5];
	s7 =	simm.s32 $0x6F40  }
0x18: {  	[tilespmem:s7], [sflag:$0x9] =	stream.linear.gather [hbm4b:s6+s5], $0x2710, $0x38;
	[tilespmem:$0x180C0] =	vst v63  }
0x19: {  	_ =	swait.ge [sflag:s18], $0x2710  }
0x1a: {  	[sflag:s18] =	ssyncset.done $0x0  }
0x1b: {  	s9 =	simm.s32 $0x9650;
	s8 =	rddreg [dreg:$0x6];
	[sflag:s18] =	ssyncadd.s32 $0xFFFFD8F0  }
0x1c: {  	[tilespmem:s9], [sflag:$0x9] =	stream.linear.gather [hbm4b:s8+s5], $0x2710, $0x38;
	[tilespmem:$0x180C0] =	vst v63  }
0x1d: {  	_ =	swait.ge [sflag:s18], $0x2710  }
0x1e: {  	[sflag:s18] =	ssyncset.done $0x0  }
0x1f: {  	s9 =	simm.s32 $0xBD60;
	s8 =	rddreg [dreg:$0x7];
	[sflag:s18] =	ssyncadd.s32 $0xFFFFD8F0  }
0x20: {  	[tilespmem:s9], [sflag:$0x9] =	stream.linear.gather [hbm4b:s8+s5], $0x2710, $0x38;
	[tilespmem:$0x180C0] =	vst v63  }
0x21: {  	_ =	swait.ge [sflag:s18], $0x2710  }
0x22: {  	[sflag:s18] =	ssyncset.done $0x0  }
0x23: {  	s8 =	rddreg [dreg:$0x8];
	[sflag:s18] =	ssyncadd.s32 $0xFFFFD8F0  }
0x24: {  	[tilespmem:s21], [sflag:$0x9] =	stream.linear.gather [hbm4b:s8+s5], $0x2710, $0x38;
	[tilespmem:$0x180C0] =	vst v63  }
0x25: {  	_ =	swait.ge [sflag:s18], $0x2710  }
0x26: {  	[sflag:s18] =	ssyncset.done $0x0  }
0x27: {  	s9 =	simm.s32 $0x10B80;
	[sflag:s18] =	ssyncadd.s32 $0xFFFFD8F0  }
0x28: {  	[tilespmem:s9], [sflag:$0x9] =	stream.linear.gather [hbm4b:s10+s5], $0x2710, $0x38;
	[tilespmem:$0x180C0] =	vst v63  }
0x29: {  	_ =	swait.ge [sflag:s18], $0x2710  }
0x2a: {  	[sflag:s18] =	ssyncset.done $0x0  }
0x2b: {  	[sflag:s18] =	ssyncadd.s32 $0xFFFFD8F0  }
0x2c: {  	s8 =	simm.s32 $0x180B0;
	s7 =	rddreg [dreg:$0x1]  }
0x2d: {  	[tilespmem:s8], [sflag:$0x9] =	stream.linear.gather [hbm4b:s7+s5], $0x10, $0x38;
	[tilespmem:$0x180C0] =	vst v63  }
0x2e: {  	_ =	swait.ge [sflag:s18], $0x10  }
0x2f: {  	[sflag:s18] =	ssyncset.done $0x0  }
0x30: {  	[sflag:s18] =	ssyncadd.s32 $0xFFFFFFF0  }
0x31: {  	[tilespmem:s5], [sflag:$0x9] =	stream.linear.gather [hbm4b:s11+s5], $0x2800, $0x38;
	[tilespmem:$0x180C0] =	vst v63  }
0x32: {  	_ =	swait.ge [sflag:s18], $0x2800  }
0x33: {  	[sflag:s18] =	ssyncset.done $0x0  }
0x34: {  	s9 =	simm.s32 $0x2800;
	[sflag:s18] =	ssyncadd.s32 $0xFFFFD800  }
0x35: {  	[tilespmem:s9], [sflag:$0x9] =	stream.linear.gather [hbm4b:s12+s5], $0x2800, $0x38;
	[tilespmem:$0x180C0] =	vst v63  }
0x36: {  	_ =	swait.ge [sflag:s18], $0x2800  }
0x37: {  	[sflag:s18] =	ssyncset.done $0x0  }
0x38: {  	s7 =	simm.s32 $0x0;
	[sflag:s18] =	ssyncadd.s32 $0xFFFFD800  }
0x39: {  	v0 =	vld [tilespmem:s7+$0x6F40]  }
0x3a: {  	v1 =	vld [tilespmem:s7+$0x9650]  }
0x3b: {  	v2 =	vld [tilespmem:s7+$0x9660]  }
0x3c: {  	v3 =	vld [tilespmem:s7+$0x6F50];
	_ =	sdelay $0x1  }
0x3d: {  	v4 =	vld [tilespmem:s7+$0x9690]  }
0x3e: {  	v5 =	vld [tilespmem:s7+$0x9670]  }
0x3f: {  	v6 =	vld [tilespmem:s7+$0x6F80];
	v0 =	vadd.f32 v1, v0  }
0x40: {  	v7 =	vld [tilespmem:s7+$0x6F60];
	v2 =	vadd.f32 v2, v3  }
0x41: {  	v1 =	vld [tilespmem:s7+$0x9680];
	v0 =	vadd.f32 $1.000000000e+00, v0  }
0x42: {  	v3 =	vld [tilespmem:s7+$0x6F70];
	v2 =	vadd.f32 $1.000000000e+00, v2  }
0x43: {  	v8 =	vshrl.u32 v0, $0x1;
	v0 =	vmul.f32 $5.000000000e-01, v0  }
0x44: {  	v9 =	vshrl.u32 v2, $0x1;
	v2 =	vmul.f32 $5.000000000e-01, v2;
	v8 =	vsub.s32 $0x5F3759DF, v8  }
0x45: {  	v4 =	vadd.f32 v4, v6;
	v6 =	vsub.s32 $0x5F3759DF, v9;
	v10 =	vmul.f32 v8, v0  }
0x46: {  	v5 =	vadd.f32 v5, v7;
	v7 =	vmul.f32 v6, v2  }
0x47: {  	v4 =	vadd.f32 $1.000000000e+00, v4;
	v1 =	vadd.f32 v1, v3;
	v3 =	vmul.f32 v8, v10  }
0x48: {  	v5 =	vadd.f32 $1.000000000e+00, v5;
	v7 =	vmul.f32 v6, v7  }
0x49: {  	v9 =	vshrl.u32 v4, $0x1;
	v4 =	vmul.f32 $5.000000000e-01, v4;
	v3 =	vsub.f32 $1.500000000e+00, v3  }
0x4a: {  	v10 =	vmul.f32 $5.000000000e-01, v5;
	v5 =	vshrl.u32 v5, $0x1;
	v7 =	vsub.f32 $1.500000000e+00, v7  }
0x4b: {  	v1 =	vadd.f32 $1.000000000e+00, v1;
	v5 =	vsub.s32 $0x5F3759DF, v5;
	v3 =	vmul.f32 v8, v3  }
0x4c: {  	s6 =	simm.s32 $0x50;
	v8 =	vsub.s32 $0x5F3759DF, v9;
	v6 =	vmul.f32 v6, v7;
	v7 =	vmul.f32 v5, v10  }
0x4d: {  	v13 =	vld [tilespmem:s6+$0x9690];
	v9 =	vmul.f32 $5.000000000e-01, v1;
	v11 =	vmul.f32 v8, v4  }
0x4e: {  	v14 =	vld [tilespmem:s6+$0x6F40];
	v12 =	vmul.f32 v3, v0;
	v7 =	vmul.f32 v5, v7  }
0x4f: {  	v16 =	vld [tilespmem:s6+$0x9650];
	v15 =	vmul.f32 v6, v2;
	v11 =	vmul.f32 v8, v11  }
0x50: {  	v21 =	vld [tilespmem:s6+$0x6F70];
	v1 =	vshrl.u32 v1, $0x1;
	v12 =	vmul.f32 v12, v3;
	v7 =	vsub.f32 $1.500000000e+00, v7  }
0x51: {  	v22 =	vld [tilespmem:s6+$0x6F60];
	v1 =	vsub.s32 $0x5F3759DF, v1;
	v15 =	vmul.f32 v15, v6;
	v11 =	vsub.f32 $1.500000000e+00, v11  }
0x52: {  	v17 =	vmul.f32 v1, v9;
	v12 =	vsub.f32 $1.500000000e+00, v12;
	v5 =	vmul.f32 v5, v7;
	v7 =	vld [tilespmem:s6+$0x9680]  }
0x53: {  	v15 =	vsub.f32 $1.500000000e+00, v15;
	v8 =	vmul.f32 v8, v11;
	v11 =	vld [tilespmem:s6+$0x9670]  }
0x54: {  	v14 =	vadd.f32 v16, v14;
	v17 =	vmul.f32 v1, v17;
	v3 =	vmul.f32 v12, v3;
	v12 =	vld [tilespmem:s6+$0x6F80]  }
0x55: {  	v6 =	vmul.f32 v15, v6;
	v19 =	vmul.f32 v8, v4  }
0x56: {  	v18 =	vld [tilespmem:s6+$0x9660];
	v14 =	vadd.f32 $1.000000000e+00, v14;
	v20 =	vmul.f32 v5, v10;
	v0 =	vmul.f32 v3, v0  }
0x57: {  	v16 =	vsub.f32 $1.500000000e+00, v17;
	v15 =	vld [tilespmem:s6+$0x6F50];
	v2 =	vmul.f32 v6, v2;
	v19 =	vmul.f32 v19, v8  }
0x58: {  	v7 =	vadd.f32 v7, v21;
	v0 =	vmul.f32 v0, v3;
	v11 =	vadd.f32 v11, v22  }
0x59: {  	v2 =	vmul.f32 v2, v6;
	v17 =	vsub.f32 $1.500000000e+00, v19;
	v12 =	vadd.f32 v13, v12  }
0x5a: {  	v19 =	vmul.f32 v20, v5;
	v7 =	vadd.f32 $1.000000000e+00, v7;
	v11 =	vadd.f32 $1.000000000e+00, v11  }
0x5b: {  	v27 =	vsub.f32 $1.500000000e+00, v2;
	v0 =	vsub.f32 $1.500000000e+00, v0;
	v17 =	vmul.f32 v17, v8  }
0x5c: {  	v32 =	vld [tilespmem:s7+$0x10BC0];
	v8 =	vadd.f32 v18, v15;
	v13 =	vsub.f32 $1.500000000e+00, v19;
	v15 =	vmul.f32 v1, v16  }
0x5d: {  	v22 =	vld [tilespmem:s7+$0xE4B0];
	v1 =	vshrl.u32 v14, $0x1;
	v19 =	vmul.f32 $5.000000000e-01, v14;
	v16 =	vadd.f32 $1.000000000e+00, v12  }
0x5e: {  	v21 =	vsub.s32 $0x5F3759DF, v1;
	v1 =	vshrl.u32 v7, $0x1;
	v2 =	vmul.f32 $5.000000000e-01, v11  }
0x5f: {  	v14 =	vld [tilespmem:s7+$0xE480];
	v25 =	vshrl.u32 v11, $0x1;
	v18 =	vmul.f32 v13, v5;
	v20 =	vmul.f32 v15, v9  }
0x60: {  	v8 =	vadd.f32 $1.000000000e+00, v8;
	v13 =	vld [tilespmem:s7+$0x10B90];
	v4 =	vmul.f32 v17, v4;
	v24 =	vmul.f32 v21, v19  }
0x61: {  	v5 =	vsub.s32 $0x5F3759DF, v1;
	v23 =	vshrl.u32 v16, $0x1;
	v1 =	vmul.f32 v18, v10  }
0x62: {  	v26 =	vld [tilespmem:s7+$0xBD70];
	v32 =	vadd.f32 v32, v22;
	v20 =	vmul.f32 v20, v15;
	v24 =	vmul.f32 v21, v24  }
0x63: {  	v28 =	vld [tilespmem:s7+$0x10B80];
	v12 =	vshrl.u32 v8, $0x1;
	v8 =	vmul.f32 $5.000000000e-01, v8;
	v4 =	vmul.f32 v4, v17  }
0x64: {  	v31 =	vld [tilespmem:s7+$0xE490];
	v12 =	vsub.s32 $0x5F3759DF, v12;
	v30 =	vmul.f32 v1, v18;
	v11 =	vsub.f32 $1.500000000e+00, v24  }
0x65: {  	v10 =	vld [tilespmem:s7+$0x10BA0];
	v24 =	vmul.f32 v12, v8;
	v1 =	vmul.f32 $5.000000000e-01, v7;
	v29 =	vadd.f32 v13, v14  }
0x66: {  	v7 =	vld [tilespmem:s7+$0xE470];
	v13 =	vsub.s32 $0x5F3759DF, v25;
	v14 =	vmul.f32 v27, v6;
	v6 =	vmul.f32 $5.000000000e-01, v16  }
0x67: {  	v16 =	vld [tilespmem:s7+$0xBD60];
	v25 =	vmul.f32 v21, v11;
	v11 =	vsub.f32 $1.500000000e+00, v30;
	v27 =	vmul.f32 v5, v1  }
0x68: {  	v30 =	vsub.s32 $0x5F3759DF, v23;
	v22 =	vmul.f32 v12, v24;
	v23 =	vmul.f32 v14, v26  }
0x69: {  	v20 =	vsub.f32 $1.500000000e+00, v20;
	v26 =	vmul.f32 v13, v2;
	v21 =	vmul.f32 v25, v19  }
0x6a: {  	v4 =	vsub.f32 $1.500000000e+00, v4;
	v11 =	vmul.f32 v11, v18;
	v18 =	vmul.f32 v0, v3  }
0x6b: {  	v31 =	vadd.f32 v10, v31;
	v0 =	vmul.f32 v21, v25;
	v21 =	vmul.f32 v20, v15  }
0x6c: {  	v3 =	vadd.f32 v28, v7;
	v15 =	vld [tilespmem:s7+$0xBDA0];
	v20 =	vmul.f32 v30, v6;
	v7 =	vmul.f32 v18, v16  }
0x6d: {  	v27 =	vmul.f32 v5, v27;
	v28 =	vld [tilespmem:s7+$0xBD80];
	v16 =	vmul.f32 v4, v17;
	v10 =	vsub.f32 $1.500000000e+00, v0  }
0x6e: {  	v24 =	vmul.f32 v21, v9;
	v3 =	vadd.f32 v7, v3;
	v4 =	vmul.f32 v30, v20  }
0x6f: {  	v29 =	vadd.f32 v23, v29;
	v23 =	vmul.f32 v13, v26;
	v0 =	vld [tilespmem:$0x180B0];
	v7 =	vmul.f32 v10, v25  }
0x70: {  	v9 =	vld [tilespmem:s7+$0xE4A0];
	v33 =	vmul.f32 v3, v18;
	v20 =	vsub.f32 $1.500000000e+00, v4;
	v25 =	vmul.f32 v24, v21  }
0x71: {  	v3 =	vld [tilespmem:s6+$0xE4A0];
	v10 =	vmul.f32 v16, v15;
	v17 =	vmul.f32 v7, v19  }
0x72: {  	v22 =	vsub.f32 $1.500000000e+00, v22;
	v4 =	vld [tilespmem:s6+$0xE4B0];
	v19 =	vmul.f32 v11, v28;
	v20 =	vmul.f32 v30, v20  }
0x73: {  	v15 =	vld [tilespmem:s7+$0xBD90];
	v26 =	vadd.f32 v10, v32;
	v10 =	vmul.f32 v17, v7;
	v17 =	vsub.f32 $1.500000000e+00, v27  }
0x74: {  	s8 =	simm.s32 $0x280;
	v28 =	vmul.f32 v29, v14;
	v24 =	vadd.f32 v19, v31;
	v19 =	vld [tilespmem:s7+$0x10BB0];
	v27 =	vadd.f32 v33, v0  }
.LBB2_2:
0x75: {  	s9 =	sshra.s32 s8, $0x2;
	p0 =	sne.s32 s8, $0x9B00;
	s8 =	sadd.s32 $0x140, s8;
	v12 =	vmul.f32 v12, v22;
	v22 =	vsub.f32 $1.500000000e+00, v23;
	v23 =	vmul.f32 v26, v16  }
0x76: {  	v25 =	vsub.f32 $1.500000000e+00, v25;
	v26 =	vld [tilespmem:s9+$0x9690];
	v28 =	vadd.f32 v28, v0  }
0x77: {  	v31 =	vmul.f32 v20, v6;
	v27 =	vmax.f32 v27, $0.0e+00;
	v29 =	vld [tilespmem:s9+$0x6F40];
	v30 =	vmul.f32 v12, v8  }
0x78: {  	v13 =	vmul.f32 v13, v22;
	v21 =	vmul.f32 v25, v21;
	v32 =	vld [tilespmem:s9+$0x9650];
	v22 =	vmax.f32 v28, $0.0e+00  }
0x79: {  	v24 =	vmul.f32 v24, v11;
	v23 =	vadd.f32 v23, v0;
	v25 =	vld [tilespmem:s9+$0x9660];
	v28 =	vmul.f32 v30, v12  }
0x7a: {  	v19 =	vadd.f32 v19, v9;
	v9 =	vmovc v3;
	v31 =	vmul.f32 v31, v20;
	v15 =	vmul.f32 v21, v15;
	v30 =	vld [tilespmem:s9+$0x9670]  }
0x7b: {  	v34 =	vmul.f32 v13, v2;
	v14 =	vmul.f32 v22, v14;
	v33 =	vld [tilespmem:s9+$0x6F80];
	v28 =	vsub.f32 $1.500000000e+00, v28  }
0x7c: {  	v18 =	vmul.f32 v27, v18;
	v31 =	vsub.f32 $1.500000000e+00, v31;
	v15 =	vadd.f32 v15, v19;
	v22 =	vld [tilespmem:s9+$0x9680]  }
0x7d: {  	v3 =	vld [tilespmem:s9+$0xE4A0];
	v27 =	vmul.f32 v28, v12;
	[tilespmem:s7+$0xBD70] =	vst v14;
	v12 =	vmul.f32 $5.000000000e-01, v14;
	v14 =	vadd.f32 v24, v0  }
0x7e: {  	v23 =	vmax.f32 v23, $0.0e+00;
	v24 =	vmul.f32 v34, v13;
	v15 =	vmul.f32 v15, v21;
	v19 =	vld [tilespmem:s9+$0x6F50];
	[tilespmem:s7+$0xBD60] =	vst v18  }
0x7f: {  	v18 =	vmul.f32 $5.000000000e-01, v18;
	v28 =	vld [tilespmem:s9+$0x6F60];
	v8 =	vmul.f32 v27, v8;
	[tilespmem:s7+$0x10B90] =	vst v12;
	v12 =	vmax.f32 v14, $0.0e+00  }
0x80: {  	v14 =	vadd.f32 v32, v29;
	v29 =	vld [tilespmem:s9+$0x6F70];
	v11 =	vmul.f32 v12, v11;
	v12 =	vmul.f32 v23, v16  }
0x81: {  	v20 =	vmul.f32 v31, v20;
	v16 =	vmul.f32 v8, v27;
	[tilespmem:s7+$0x10B80] =	vst v18;
	v8 =	vadd.f32 v15, v0  }
0x82: {  	v14 =	vadd.f32 $1.000000000e+00, v14;
	v15 =	vadd.f32 v26, v33;
	v23 =	vld [tilespmem:s9+$0xE4B0];
	[tilespmem:s7+$0xBD80] =	vst v11;
	v11 =	vmul.f32 $5.000000000e-01, v11  }
0x83: {  	v17 =	vmul.f32 v5, v17;
	v18 =	vadd.f32 v25, v19;
	v19 =	vsub.f32 $1.500000000e+00, v24;
	[tilespmem:s7+$0xBDA0] =	vst v12  }
0x84: {  	v5 =	vshrl.u32 v14, $0x1;
	v24 =	vmul.f32 $5.000000000e-01, v14;
	v8 =	vmax.f32 v8, $0.0e+00;
	[tilespmem:s7+$0x10BA0] =	vst v11  }
0x85: {  	v11 =	vadd.f32 v30, v28;
	v8 =	vmul.f32 v8, v21;
	v14 =	vadd.f32 v22, v29;
	v22 =	vld [tilespmem:s6+$0x10BA0]  }
0x86: {  	v12 =	vmul.f32 $5.000000000e-01, v12;
	v21 =	vadd.f32 $1.000000000e+00, v15;
	v18 =	vadd.f32 $1.000000000e+00, v18;
	v25 =	vld [tilespmem:s6+$0xBD70]  }
0x87: {  	v28 =	vmul.f32 v19, v13;
	v14 =	vadd.f32 $1.000000000e+00, v14;
	v26 =	vld [tilespmem:s6+$0xE480];
	[tilespmem:s7+$0xBD90] =	vst v8;
	v8 =	vmul.f32 $5.000000000e-01, v8  }
0x88: {  	v30 =	vmul.f32 v17, v1;
	v11 =	vadd.f32 $1.000000000e+00, v11;
	v13 =	vshrl.u32 v18, $0x1;
	v29 =	vld [tilespmem:s6+$0x10B90];
	[tilespmem:s7+$0x10BC0] =	vst v12  }
0x89: {  	v6 =	vmul.f32 v20, v6;
	v31 =	vsub.s32 $0x5F3759DF, v5;
	v5 =	vshrl.u32 v14, $0x1;
	v15 =	vld [tilespmem:s6+$0xBD90];
	[tilespmem:s7+$0x10BB0] =	vst v8;
	s7 =	smov.u32 s6;
	s6 =	smov.u32 s9  }
0x8a: {  	v32 =	vshrl.u32 v21, $0x1;
	v2 =	vmul.f32 v28, v2;
	v5 =	vsub.s32 $0x5F3759DF, v5;
	v19 =	vld [tilespmem:s7+$0x10BB0]  }
0x8b: {  	v33 =	vmul.f32 v31, v24;
	v30 =	vmul.f32 v30, v17;
	v34 =	vshrl.u32 v11, $0x1  }
0x8c: {  	v16 =	vsub.f32 $1.500000000e+00, v16;
	v12 =	vsub.s32 $0x5F3759DF, v13;
	v8 =	vmul.f32 $5.000000000e-01, v18  }
0x8d: {  	v13 =	vmul.f32 v31, v33;
	v18 =	vmul.f32 v2, v28;
	v33 =	vld [tilespmem:s7+$0x10B80];
	v26 =	vadd.f32 v29, v26  }
0x8e: {  	v10 =	vsub.f32 $1.500000000e+00, v10;
	v35 =	vmul.f32 v6, v20;
	v2 =	vmul.f32 $5.000000000e-01, v11;
	v29 =	vld [tilespmem:s7+$0xE490]  }
0x8f: {  	v30 =	vsub.f32 $1.500000000e+00, v30;
	v6 =	vsub.f32 $1.500000000e+00, v13;
	v36 =	vmul.f32 v12, v8;
	v37 =	vld [tilespmem:s7+$0x10BC0]  }
0x90: {  	v13 =	vsub.s32 $0x5F3759DF, v34;
	v34 =	vmul.f32 $5.000000000e-01, v14;
	v14 =	vmul.f32 v16, v27;
	v38 =	vld [tilespmem:s7+$0xE470]  }
0x91: {  	v11 =	vsub.f32 $1.500000000e+00, v18;
	v27 =	vmul.f32 v31, v6;
	v6 =	vmul.f32 $5.000000000e-01, v21;
	v16 =	vld [tilespmem:s7+$0xBD60]  }
0x92: {  	v32 =	vsub.s32 $0x5F3759DF, v32;
	v31 =	vmul.f32 v5, v34;
	v25 =	vmul.f32 v14, v25  }
0x93: {  	v11 =	vmul.f32 v11, v28;
	v28 =	vsub.f32 $1.500000000e+00, v35;
	v21 =	vmul.f32 v27, v24  }
0x94: {  	v18 =	vmul.f32 v10, v7;
	v35 =	vmul.f32 v13, v2;
	v10 =	vadd.f32 v37, v4;
	v4 =	vmovc v23  }
0x95: {  	v7 =	vmul.f32 v21, v27;
	v21 =	vmul.f32 v30, v17;
	v23 =	vadd.f32 v33, v38;
	v17 =	vld [tilespmem:s7+$0xBDA0]  }
0x96: {  	v30 =	vmul.f32 v32, v6;
	v29 =	vadd.f32 v22, v29;
	v16 =	vmul.f32 v18, v16;
	v33 =	vld [tilespmem:s7+$0xBD80]  }
0x97: {  	v7 =	vsub.f32 $1.500000000e+00, v7;
	v22 =	vmul.f32 v12, v36;
	v36 =	vmul.f32 v21, v1;
	v1 =	vmovc v34  }
0x98: {  	v31 =	vmul.f32 v5, v31;
	v23 =	vadd.f32 v16, v23;
	v16 =	vmul.f32 v28, v20  }
0x99: {  	v7 =	vmul.f32 v7, v27;
	v20 =	vmul.f32 v32, v30;
	v28 =	vadd.f32 v25, v26  }
.Ltmp0:
0x9a: {  	v22 =	vsub.f32 $1.500000000e+00, v22;
	v27 =	vmul.f32 v23, v18;
	v17 =	vmul.f32 v16, v17;
	(pc) =	sbr.rel @p0 .LBB2_2-.Ltmp0, $4  }
0x9b: {  	v24 =	vmul.f32 v7, v24;
	v20 =	vsub.f32 $1.500000000e+00, v20;
	v30 =	vmul.f32 v11, v33  }
0x9c: {  	v25 =	vmul.f32 v36, v21;
	v23 =	vmul.f32 v13, v35;
	v26 =	vadd.f32 v17, v10  }
0x9d: {  	v10 =	vmul.f32 v24, v7;
	v17 =	vsub.f32 $1.500000000e+00, v31;
	v24 =	vadd.f32 v30, v29  }
0x9e: {  	v28 =	vmul.f32 v28, v14;
	v20 =	vmul.f32 v32, v20;
	v27 =	vadd.f32 v27, v0  }
0x9f: {  	v25 =	vsub.f32 $1.500000000e+00, v25  }
0xa0: {  	v55 =	vmul.f32 v26, v16;
	v24 =	vmul.f32 v24, v11;
	v9 =	vadd.f32 v19, v9  }
0xa1: {  	v28 =	vadd.f32 v28, v0;
	v27 =	vmax.f32 v27, $0.0e+00;
	v21 =	vmul.f32 v25, v21  }
0xa2: {  	v12 =	vmul.f32 v12, v22;
	v23 =	vsub.f32 $1.500000000e+00, v23;
	v18 =	vmul.f32 v27, v18  }
0xa3: {  	v57 =	vadd.f32 v24, v0;
	v56 =	vmax.f32 v28, $0.0e+00;
	v15 =	vmul.f32 v21, v15  }
0xa4: {  	v5 =	vmul.f32 v5, v17;
	v58 =	vadd.f32 v55, v0;
	v14 =	vmul.f32 v56, v14  }
0xa5: {  	[tilespmem:s7+$0xBD60] =	vst v18;
	v59 =	vmul.f32 $5.000000000e-01, v18;
	v60 =	vmax.f32 v57, $0.0e+00;
	v9 =	vadd.f32 v15, v9  }
0xa6: {  	v29 =	vmul.f32 v20, v6;
	v61 =	vmax.f32 v58, $0.0e+00;
	v62 =	vmul.f32 v60, v11;
	[tilespmem:s7+$0xBD70] =	vst v14  }
0xa7: {  	v63 =	vmul.f32 v61, v16;
	[tilespmem:s7+$0x10B80] =	vst v59;
	v9 =	vmul.f32 v9, v21  }
0xa8: {  	v13 =	vmul.f32 v13, v23;
	v14 =	vmul.f32 $5.000000000e-01, v14;
	[tilespmem:s7+$0xBD80] =	vst v62  }
0xa9: {  	v24 =	vmul.f32 v12, v8;
	v11 =	vmul.f32 $5.000000000e-01, v62;
	[tilespmem:s7+$0xBDA0] =	vst v63;
	v9 =	vadd.f32 v9, v0  }
0xaa: {  	v34 =	vmul.f32 v5, v1;
	v27 =	vmul.f32 v13, v2;
	[tilespmem:s7+$0x10B90] =	vst v14  }
0xab: {  	v19 =	vmul.f32 v29, v20;
	v25 =	vmul.f32 v24, v12;
	[tilespmem:s7+$0x10BA0] =	vst v11;
	v9 =	vmax.f32 v9, $0.0e+00  }
0xac: {  	v16 =	vmul.f32 v27, v13;
	v26 =	vld [tilespmem:s6+$0x10BA0];
	v9 =	vmul.f32 v9, v21  }
0xad: {  	v38 =	vmul.f32 v34, v5;
	v14 =	vmul.f32 $5.000000000e-01, v63;
	v11 =	vsub.f32 $1.500000000e+00, v25;
	v28 =	vld [tilespmem:s6+$0xBD70]  }
0xae: {  	v33 =	vsub.f32 $1.500000000e+00, v19;
	v32 =	vsub.f32 $1.500000000e+00, v16;
	v30 =	vld [tilespmem:s6+$0xE480];
	[tilespmem:s7+$0xBD90] =	vst v9;
	v9 =	vmul.f32 $5.000000000e-01, v9  }
0xaf: {  	v11 =	vmul.f32 v11, v12;
	v31 =	vld [tilespmem:s6+$0x10B90];
	[tilespmem:s7+$0x10BC0] =	vst v14  }
0xb0: {  	v37 =	vmul.f32 v33, v20;
	v12 =	vmul.f32 v32, v13;
	v13 =	vsub.f32 $1.500000000e+00, v38;
	v35 =	vld [tilespmem:s6+$0xBD90];
	[tilespmem:s7+$0x10BB0] =	vst v9  }
0xb1: {  	v36 =	vmul.f32 v11, v8;
	v39 =	vld [tilespmem:s6+$0x10B80]  }
0xb2: {  	v42 =	vmul.f32 v37, v6;
	v5 =	vmul.f32 v13, v5;
	v41 =	vld [tilespmem:s6+$0xE490]  }
0xb3: {  	v40 =	vmul.f32 v12, v2;
	v8 =	vmul.f32 v36, v11;
	v43 =	vld [tilespmem:s6+$0xBD60]  }
0xb4: {  	v6 =	vmul.f32 v42, v37;
	v49 =	vmul.f32 v5, v1;
	v44 =	vld [tilespmem:s6+$0xE470]  }
0xb5: {  	v2 =	vmul.f32 v40, v12;
	v8 =	vsub.f32 $1.500000000e+00, v8;
	v45 =	vld [tilespmem:s6+$0x10BC0]  }
0xb6: {  	v10 =	vsub.f32 $1.500000000e+00, v10;
	v6 =	vsub.f32 $1.500000000e+00, v6;
	v1 =	vmul.f32 v49, v5;
	v46 =	vld [tilespmem:s6+$0xBDA0]  }
0xb7: {  	v2 =	vsub.f32 $1.500000000e+00, v2;
	v48 =	vld [tilespmem:s6+$0xBD80];
	v8 =	vmul.f32 v8, v11  }
0xb8: {  	v7 =	vmul.f32 v10, v7;
	v6 =	vmul.f32 v6, v37;
	v52 =	vld [tilespmem:s6+$0x10BB0];
	v1 =	vsub.f32 $1.500000000e+00, v1  }
0xb9: {  	v2 =	vmul.f32 v2, v12;
	v47 =	vadd.f32 v31, v30;
	v50 =	vmul.f32 v8, v28  }
0xba: {  	v1 =	vmul.f32 v1, v5;
	v51 =	vmul.f32 v7, v43;
	v14 =	vadd.f32 v39, v44  }
0xbb: {  	v4 =	vadd.f32 v45, v4;
	v11 =	vadd.f32 v50, v47;
	v10 =	vmul.f32 v6, v46  }
0xbc: {  	v54 =	vadd.f32 v26, v41;
	v13 =	vmul.f32 v2, v48;
	v53 =	vadd.f32 v51, v14  }
0xbd: {  	v58 =	vmul.f32 v1, v35;
	v3 =	vadd.f32 v52, v3;
	v11 =	vmul.f32 v11, v8  }
0xbe: {  	v4 =	vadd.f32 v10, v4;
	v55 =	vadd.f32 v13, v54;
	v12 =	vmul.f32 v53, v7  }
0xbf: {  	v3 =	vadd.f32 v58, v3;
	v56 =	vadd.f32 v11, v0  }
0xc0: {  	v5 =	vmul.f32 v55, v2;
	v57 =	vadd.f32 v12, v0  }
0xc1: {  	v4 =	vmul.f32 v4, v6;
	v3 =	vmul.f32 v3, v1;
	v59 =	vmax.f32 v56, $0.0e+00  }
0xc2: {  	v5 =	vadd.f32 v5, v0;
	v8 =	vmul.f32 v59, v8;
	v60 =	vmax.f32 v57, $0.0e+00  }
0xc3: {  	v4 =	vadd.f32 v4, v0;
	v7 =	vmul.f32 v60, v7  }
0xc4: {  	v61 =	vadd.f32 v3, v0;
	v5 =	vmax.f32 v5, $0.0e+00;
	[tilespmem:s6+$0xBD70] =	vst v8;
	v8 =	vmul.f32 $5.000000000e-01, v8  }
0xc5: {  	v4 =	vmax.f32 v4, $0.0e+00;
	v2 =	vmul.f32 v5, v2;
	[tilespmem:s6+$0xBD60] =	vst v7  }
0xc6: {  	v0 =	vmax.f32 v61, $0.0e+00;
	v62 =	vmul.f32 v4, v6;
	[tilespmem:s6+$0x10B90] =	vst v8  }
0xc7: {  	v0 =	vmul.f32 v0, v1;
	[tilespmem:s6+$0xBD80] =	vst v2  }
0xc8: {  	v7 =	vmul.f32 $5.000000000e-01, v7;
	[tilespmem:s6+$0xBDA0] =	vst v62  }
0xc9: {  	v2 =	vmul.f32 $5.000000000e-01, v2;
	[tilespmem:s6+$0xBD90] =	vst v0  }
0xca: {  	v63 =	vmul.f32 $5.000000000e-01, v62;
	[tilespmem:s6+$0x10B80] =	vst v7  }
0xcb: {  	v0 =	vmul.f32 $5.000000000e-01, v0;
	[tilespmem:s6+$0x10BA0] =	vst v2  }
0xcc: {  	[tilespmem:s6+$0x10BC0] =	vst v63  }
0xcd: {  	s9 =	simm.s32 $0xBD60;
	[tilespmem:s6+$0x10BB0] =	vst v0  }
0xce: {  	[spmem:s13] =	stream.linear.scatter [tilespmem:s9], [sflag:$0x9], $0x2710, $0x38;
	[tilespmem:$0x180C0] =	vst v63  }
0xcf: {  	_ =	swait.ge [sflag:s18], $0x2710  }
0xd0: {  	[sflag:s18] =	ssyncset.done $0x0  }
0xd1: {  	s7 =	simm.s32 $0x10B80;
	[sflag:s18] =	ssyncadd.s32 $0xFFFFD8F0  }
0xd2: {  	[spmem:s14] =	stream.linear.scatter [tilespmem:s7], [sflag:$0x9], $0x2710, $0x38;
	[tilespmem:$0x180C0] =	vst v63  }
0xd3: {  	_ =	swait.ge [sflag:s18], $0x2710  }
0xd4: {  	[sflag:s18] =	ssyncset.done $0x0  }
0xd5: {  	[sflag:s18] =	ssyncadd.s32 $0xFFFFD8F0  }
0xd6: {  	s8 =	simm.s32 $0x0;
	[bflag:$0x0] =	sbarrier.arrive $0xFFFF  }
0xd7: {  	[tilespmem:s28], [sflag:$0x1] =	stream.indirect.gather [spmem:s3], $0x10, s8, s26, $0xb8;
	[tilespmem:$0x180C0] =	vst v63  }
0xd8: {  	s9 =	simm.s32 $0x80  }
0xd9: {  	[tilespmem:s30], [sflag:$0x2] =	stream.indirect.gather [spmem:s3], $0x10, s9, s26, $0xb8;
	[tilespmem:$0x180C0] =	vst v63  }
0xda: {  	s7 =	simm.s32 $0x100  }
0xdb: {  	[tilespmem:s2], [sflag:$0x3] =	stream.indirect.gather [spmem:s3], $0x10, s7, s26, $0xb8;
	[tilespmem:$0x180C0] =	vst v63  }
0xdc: {  	s8 =	simm.s32 $0x180  }
0xdd: {  	[tilespmem:s17], [sflag:$0x4] =	stream.indirect.gather [spmem:s3], $0x10, s8, s26, $0xb8;
	[tilespmem:$0x180C0] =	vst v63  }
0xde: {  	_ =	swait.ge [sflag:s19], $0x7D0  }
0xdf: {  	[sflag:s19] =	ssyncset.done $0x0  }
0xe0: {  	s9 =	simm.s32 $0x2800;
	[sflag:s19] =	ssyncadd.s32 $0xFFFFF830  }
0xe1: {  	[spmem:s4] =	stream.indirect.scatter.add.f32 [tilespmem:s28], [sflag:$0x5], $0x10, s9, s26, $0xb8;
	[tilespmem:$0x180C0] =	vst v63  }
0xe2: {  	_ =	swait.ge [sflag:s23], $0x7D0  }
0xe3: {  	[sflag:s23] =	ssyncset.done $0x0  }
0xe4: {  	s7 =	simm.s32 $0x2880;
	[sflag:s23] =	ssyncadd.s32 $0xFFFFF830  }
0xe5: {  	[spmem:s4] =	stream.indirect.scatter.add.f32 [tilespmem:s30], [sflag:$0x6], $0x10, s7, s26, $0xb8;
	[tilespmem:$0x180C0] =	vst v63  }
0xe6: {  	_ =	swait.ge [sflag:s24], $0x7D0  }
0xe7: {  	[sflag:s24] =	ssyncset.done $0x0  }
0xe8: {  	s8 =	simm.s32 $0x2900;
	[sflag:s24] =	ssyncadd.s32 $0xFFFFF830  }
0xe9: {  	[spmem:s4] =	stream.indirect.scatter.add.f32 [tilespmem:s2], [sflag:$0x7], $0x10, s8, s26, $0xb8;
	[tilespmem:$0x180C0] =	vst v63  }
0xea: {  	_ =	swait.ge [sflag:s29], $0x7D0  }
0xeb: {  	[sflag:s29] =	ssyncset.done $0x0  }
0xec: {  	s9 =	simm.s32 $0x2980;
	[sflag:s29] =	ssyncadd.s32 $0xFFFFF830  }
0xed: {  	[spmem:s4] =	stream.indirect.scatter.add.f32 [tilespmem:s17], [sflag:$0x8], $0x10, s9, s26, $0xb8;
	[tilespmem:$0x180C0] =	vst v63  }
0xee: {  	_ =	swait.ge [sflag:s31], $0x7D0  }
0xef: {  	[sflag:s31] =	ssyncset.done $0x0  }
0xf0: {  	s7 =	simm.s32 $0x200;
	[sflag:s31] =	ssyncadd.s32 $0xFFFFF830  }
0xf1: {  	[tilespmem:s28], [sflag:$0x1] =	stream.indirect.gather [spmem:s3], $0x10, s7, s26, $0xb8;
	[tilespmem:$0x180C0] =	vst v63  }
0xf2: {  	_ =	swait.ge [sflag:s1], $0x7D0  }
0xf3: {  	[sflag:s1] =	ssyncset.done $0x0  }
0xf4: {  	s8 =	simm.s32 $0x280;
	[sflag:s1] =	ssyncadd.s32 $0xFFFFF830  }
0xf5: {  	[tilespmem:s30], [sflag:$0x2] =	stream.indirect.gather [spmem:s3], $0x10, s8, s26, $0xb8;
	[tilespmem:$0x180C0] =	vst v63  }
0xf6: {  	_ =	swait.ge [sflag:s0], $0x7D0  }
0xf7: {  	[sflag:s0] =	ssyncset.done $0x0  }
0xf8: {  	s9 =	simm.s32 $0x300;
	[sflag:s0] =	ssyncadd.s32 $0xFFFFF830  }
0xf9: {  	[tilespmem:s2], [sflag:$0x3] =	stream.indirect.gather [spmem:s3], $0x10, s9, s26, $0xb8;
	[tilespmem:$0x180C0] =	vst v63  }
0xfa: {  	_ =	swait.ge [sflag:s20], $0x7D0  }
0xfb: {  	[sflag:s20] =	ssyncset.done $0x0  }
0xfc: {  	s6 =	simm.s32 $0x800;
	s7 =	simm.s32 $0x380;
	[sflag:s20] =	ssyncadd.s32 $0xFFFFF830  }
.LBB2_4:
0xfd: {  	[tilespmem:s17], [sflag:$0x4] =	stream.indirect.gather [spmem:s3], $0x10, s7, s26, $0xb8;
	[tilespmem:$0x180C0] =	vst v63  }
0xfe: {  	s7 =	smov.u32 s6  }
0xff: {  	p0 =	sne.s32 s6, $0x9000;
	s6 =	sadd.s32 $0x800, s6;
	_ =	swait.ge [sflag:s19], $0x7D0  }
0x100: {  	s7 =	sshra.s32 s7, $0x2;
	[sflag:s19] =	ssyncset.done $0x0  }
0x101: {  	s8 =	sadd.s32 $0x2800, s7;
	[sflag:s19] =	ssyncadd.s32 $0xFFFFF830  }
0x102: {  	[spmem:s4] =	stream.indirect.scatter.add.f32 [tilespmem:s28], [sflag:$0x5], $0x10, s8, s26, $0xb8;
	[tilespmem:$0x180C0] =	vst v63  }
0x103: {  	_ =	swait.ge [sflag:s23], $0x7D0  }
0x104: {  	[sflag:s23] =	ssyncset.done $0x0  }
0x105: {  	s8 =	sadd.s32 $0x2880, s7;
	[sflag:s23] =	ssyncadd.s32 $0xFFFFF830  }
0x106: {  	[spmem:s4] =	stream.indirect.scatter.add.f32 [tilespmem:s30], [sflag:$0x6], $0x10, s8, s26, $0xb8;
	[tilespmem:$0x180C0] =	vst v63  }
0x107: {  	_ =	swait.ge [sflag:s24], $0x7D0  }
0x108: {  	[sflag:s24] =	ssyncset.done $0x0  }
0x109: {  	s8 =	sadd.s32 $0x2900, s7;
	[sflag:s24] =	ssyncadd.s32 $0xFFFFF830  }
0x10a: {  	[spmem:s4] =	stream.indirect.scatter.add.f32 [tilespmem:s2], [sflag:$0x7], $0x10, s8, s26, $0xb8;
	[tilespmem:$0x180C0] =	vst v63  }
0x10b: {  	_ =	swait.ge [sflag:s29], $0x7D0  }
0x10c: {  	[sflag:s29] =	ssyncset.done $0x0  }
0x10d: {  	s8 =	sadd.s32 $0x2980, s7;
	[sflag:s29] =	ssyncadd.s32 $0xFFFFF830  }
0x10e: {  	[spmem:s4] =	stream.indirect.scatter.add.f32 [tilespmem:s17], [sflag:$0x8], $0x10, s8, s26, $0xb8;
	[tilespmem:$0x180C0] =	vst v63  }
0x10f: {  	_ =	swait.ge [sflag:s31], $0x7D0  }
0x110: {  	[sflag:s31] =	ssyncset.done $0x0  }
0x111: {  	s8 =	sadd.s32 $0x200, s7;
	[sflag:s31] =	ssyncadd.s32 $0xFFFFF830  }
0x112: {  	[tilespmem:s28], [sflag:$0x1] =	stream.indirect.gather [spmem:s3], $0x10, s8, s26, $0xb8;
	[tilespmem:$0x180C0] =	vst v63  }
0x113: {  	_ =	swait.ge [sflag:s1], $0x7D0  }
0x114: {  	[sflag:s1] =	ssyncset.done $0x0  }
0x115: {  	s8 =	sadd.s32 $0x280, s7;
	[sflag:s1] =	ssyncadd.s32 $0xFFFFF830  }
0x116: {  	[tilespmem:s30], [sflag:$0x2] =	stream.indirect.gather [spmem:s3], $0x10, s8, s26, $0xb8;
	[tilespmem:$0x180C0] =	vst v63  }
0x117: {  	_ =	swait.ge [sflag:s0], $0x7D0  }
0x118: {  	[sflag:s0] =	ssyncset.done $0x0  }
.Ltmp1:
0x119: {  	s8 =	sadd.s32 $0x300, s7;
	[sflag:s0] =	ssyncadd.s32 $0xFFFFF830;
	(pc) =	sbr.rel @p0 .LBB2_4-.Ltmp1, $4  }
0x11a: {  	[tilespmem:s2], [sflag:$0x3] =	stream.indirect.gather [spmem:s3], $0x10, s8, s26, $0xb8;
	[tilespmem:$0x180C0] =	vst v63  }
0x11b: {  	_ =	swait.ge [sflag:s20], $0x7D0  }
0x11c: {  	[sflag:s20] =	ssyncset.done $0x0  }
0x11d: {  	s7 =	sadd.s32 $0x380, s7;
	[sflag:s20] =	ssyncadd.s32 $0xFFFFF830  }
0x11e: {  	[tilespmem:s17], [sflag:$0x4] =	stream.indirect.gather [spmem:s3], $0x10, s7, s26, $0xb8;
	[tilespmem:$0x180C0] =	vst v63  }
0x11f: {  	_ =	swait.ge [sflag:s19], $0x7D0  }
0x120: {  	[sflag:s19] =	ssyncset.done $0x0  }
0x121: {  	s6 =	simm.s32 $0x4E00;
	[sflag:s19] =	ssyncadd.s32 $0xFFFFF830  }
0x122: {  	[spmem:s4] =	stream.indirect.scatter.add.f32 [tilespmem:s28], [sflag:$0x5], $0x10, s6, s26, $0xb8;
	[tilespmem:$0x180C0] =	vst v63  }
0x123: {  	_ =	swait.ge [sflag:s23], $0x7D0  }
0x124: {  	[sflag:s23] =	ssyncset.done $0x0  }
0x125: {  	s7 =	simm.s32 $0x4E80;
	[sflag:s23] =	ssyncadd.s32 $0xFFFFF830  }
0x126: {  	[spmem:s4] =	stream.indirect.scatter.add.f32 [tilespmem:s30], [sflag:$0x6], $0x10, s7, s26, $0xb8;
	[tilespmem:$0x180C0] =	vst v63  }
0x127: {  	_ =	swait.ge [sflag:s24], $0x7D0  }
0x128: {  	[sflag:s24] =	ssyncset.done $0x0  }
0x129: {  	s8 =	simm.s32 $0x4F00;
	[sflag:s24] =	ssyncadd.s32 $0xFFFFF830  }
0x12a: {  	[spmem:s4] =	stream.indirect.scatter.add.f32 [tilespmem:s2], [sflag:$0x7], $0x10, s8, s26, $0xb8;
	[tilespmem:$0x180C0] =	vst v63  }
0x12b: {  	_ =	swait.ge [sflag:s29], $0x7D0  }
0x12c: {  	[sflag:s29] =	ssyncset.done $0x0  }
0x12d: {  	s9 =	simm.s32 $0x4F80;
	[sflag:s29] =	ssyncadd.s32 $0xFFFFF830  }
0x12e: {  	[spmem:s4] =	stream.indirect.scatter.add.f32 [tilespmem:s17], [sflag:$0x8], $0x10, s9, s26, $0xb8;
	[tilespmem:$0x180C0] =	vst v63  }
0x12f: {  	_ =	swait.ge [sflag:s31], $0x7D0  }
0x130: {  	[sflag:s31] =	ssyncset.done $0x0  }
0x131: {  	[sflag:s31] =	ssyncadd.s32 $0xFFFFF830  }
0x132: {  	_ =	swait.ge [sflag:s1], $0x7D0  }
0x133: {  	[sflag:s1] =	ssyncset.done $0x0  }
0x134: {  	[sflag:s1] =	ssyncadd.s32 $0xFFFFF830  }
0x135: {  	_ =	swait.ge [sflag:s0], $0x7D0  }
0x136: {  	[sflag:s0] =	ssyncset.done $0x0  }
0x137: {  	[sflag:s0] =	ssyncadd.s32 $0xFFFFF830  }
0x138: {  	_ =	swait.ge [sflag:s20], $0x7D0  }
0x139: {  	[sflag:s20] =	ssyncset.done $0x0  }
0x13a: {  	[sflag:s20] =	ssyncadd.s32 $0xFFFFF830  }
0x13b: {  	[bflag:$0x0] =	sbarrier.arrive $0xFFFF  }
0x13c: {  	[tilespmem:s21], [sflag:$0x9] =	stream.linear.gather [spmem:s14], $0x2710, $0x38;
	[tilespmem:$0x180C0] =	vst v63  }
0x13d: {  	_ =	swait.ge [sflag:s18], $0x2710  }
0x13e: {  	[sflag:s18] =	ssyncset.done $0x0  }
0x13f: {  	s7 =	simm.s32 $0x0;
	[sflag:s18] =	ssyncadd.s32 $0xFFFFD8F0  }
0x140: {  	v0 =	vld [tilespmem:s7+$0x6F40]  }
0x141: {  	v1 =	vld [tilespmem:s7+$0x9650]  }
0x142: {  	v2 =	vld [tilespmem:s7+$0x6F50]  }
0x143: {  	v3 =	vld [tilespmem:s7+$0x9660]  }
0x144: {  	v4 =	vld [tilespmem:s7+$0x6F60]  }
0x145: {  	v5 =	vld [tilespmem:s7+$0x9670]  }
0x146: {  	v6 =	vld [tilespmem:s7+$0x6F70]  }
0x147: {  	v7 =	vld [tilespmem:s7+$0x9680]  }
0x148: {  	v8 =	vld [tilespmem:s7+$0x6F80]  }
0x149: {  	v9 =	vld [tilespmem:s7+$0x9690];
	_ =	sdelay $0x2  }
0x14a: {  	v0 =	vadd.f32 v1, v0;
	v1 =	vadd.f32 v3, v2  }
0x14b: {  	v2 =	vadd.f32 v5, v4;
	v3 =	vadd.f32 v7, v6  }
0x14c: {  	v4 =	vadd.f32 v9, v8;
	v0 =	vadd.f32 $1.000000000e+00, v0  }
0x14d: {  	v1 =	vadd.f32 $1.000000000e+00, v1;
	v2 =	vadd.f32 $1.000000000e+00, v2  }
0x14e: {  	v3 =	vadd.f32 $1.000000000e+00, v3;
	v4 =	vadd.f32 $1.000000000e+00, v4;
	v5 =	vmul.f32 $5.000000000e-01, v0  }
0x14f: {  	v0 =	vshrl.u32 v0, $0x1;
	v7 =	vmul.f32 $5.000000000e-01, v1;
	v9 =	vmul.f32 $5.000000000e-01, v2  }
0x150: {  	v1 =	vshrl.u32 v1, $0x1;
	v2 =	vshrl.u32 v2, $0x1;
	v8 =	vshrl.u32 v3, $0x1  }
0x151: {  	s6 =	simm.s32 $0x50;
	v10 =	vmul.f32 $5.000000000e-01, v3;
	v11 =	vshrl.u32 v4, $0x1;
	v15 =	vmul.f32 $5.000000000e-01, v4  }
0x152: {  	v12 =	vld [tilespmem:s6+$0x9660];
	v0 =	vsub.s32 $0x5F3759DF, v0;
	v1 =	vsub.s32 $0x5F3759DF, v1;
	v2 =	vsub.s32 $0x5F3759DF, v2  }
0x153: {  	v16 =	vld [tilespmem:s6+$0x6F60];
	v8 =	vsub.s32 $0x5F3759DF, v8;
	v13 =	vmul.f32 v0, v5;
	v14 =	vmul.f32 v1, v7  }
0x154: {  	v6 =	vld [tilespmem:s6+$0x6F40];
	v11 =	vsub.s32 $0x5F3759DF, v11;
	v17 =	vmul.f32 v2, v9;
	v18 =	vmul.f32 v8, v10  }
0x155: {  	v3 =	vld [tilespmem:s6+$0x9650];
	v20 =	vmul.f32 v11, v15;
	v13 =	vmul.f32 v0, v13  }
0x156: {  	v4 =	vld [tilespmem:s6+$0x6F50];
	v14 =	vmul.f32 v1, v14;
	v17 =	vmul.f32 v2, v17  }
0x157: {  	v19 =	vld [tilespmem:s6+$0x9670];
	v18 =	vmul.f32 v8, v18;
	v20 =	vmul.f32 v11, v20;
	v13 =	vsub.f32 $1.500000000e+00, v13  }
0x158: {  	v21 =	vld [tilespmem:s6+$0x6F70];
	v14 =	vsub.f32 $1.500000000e+00, v14;
	v17 =	vsub.f32 $1.500000000e+00, v17  }
0x159: {  	v22 =	vld [tilespmem:s6+$0x9680];
	v13 =	vmul.f32 v0, v13;
	v0 =	vsub.f32 $1.500000000e+00, v18;
	v18 =	vsub.f32 $1.500000000e+00, v20  }
0x15a: {  	v23 =	vld [tilespmem:s6+$0x6F80];
	v3 =	vadd.f32 v3, v6;
	v1 =	vmul.f32 v1, v14;
	v2 =	vmul.f32 v2, v17  }
0x15b: {  	v24 =	vld [tilespmem:s6+$0x9690];
	v4 =	vadd.f32 v12, v4;
	v6 =	vmul.f32 v8, v0;
	v14 =	vmul.f32 v11, v18  }
0x15c: {  	v20 =	vadd.f32 $1.000000000e+00, v3;
	v0 =	vmul.f32 v13, v5;
	v11 =	vmul.f32 v1, v7  }
0x15d: {  	v3 =	vadd.f32 $1.000000000e+00, v4;
	v12 =	vmul.f32 v2, v9;
	v17 =	vmul.f32 v6, v10  }
0x15e: {  	v8 =	vadd.f32 v19, v16;
	v0 =	vmul.f32 v0, v13;
	v19 =	vmul.f32 v14, v15  }
0x15f: {  	v16 =	vadd.f32 v22, v21;
	v11 =	vmul.f32 v11, v1;
	v12 =	vmul.f32 v12, v2  }
0x160: {  	v18 =	vadd.f32 v24, v23;
	v4 =	vsub.f32 $1.500000000e+00, v0;
	v17 =	vmul.f32 v17, v6  }
0x161: {  	v11 =	vsub.f32 $1.500000000e+00, v11;
	v12 =	vsub.f32 $1.500000000e+00, v12;
	v19 =	vmul.f32 v19, v14  }
0x162: {  	v0 =	vmul.f32 $5.000000000e-01, v20;
	v21 =	vmul.f32 v4, v13;
	v4 =	vsub.f32 $1.500000000e+00, v17  }
0x163: {  	v22 =	vmul.f32 v11, v1;
	v11 =	vmul.f32 v12, v2;
	v1 =	vsub.f32 $1.500000000e+00, v19  }
0x164: {  	v8 =	vadd.f32 $1.000000000e+00, v8;
	v2 =	vmul.f32 v21, v5;
	v12 =	vmul.f32 v4, v6  }
0x165: {  	v6 =	vadd.f32 $1.000000000e+00, v16;
	v16 =	vmul.f32 v22, v7;
	v4 =	vmul.f32 v1, v14  }
0x166: {  	v5 =	vadd.f32 $1.000000000e+00, v18;
	v1 =	vmul.f32 v2, v21;
	v2 =	vmul.f32 v11, v9  }
0x167: {  	v13 =	vld [tilespmem:s7+$0xE470];
	v7 =	vshrl.u32 v20, $0x1;
	v9 =	vmul.f32 v16, v22;
	v10 =	vmul.f32 v12, v10  }
0x168: {  	v14 =	vld [tilespmem:s7+$0xE480];
	v19 =	vmul.f32 v4, v15;
	v16 =	vsub.f32 $1.500000000e+00, v1;
	v2 =	vmul.f32 v2, v11  }
0x169: {  	v15 =	vld [tilespmem:s7+$0xE490];
	v1 =	vmul.f32 $5.000000000e-01, v3;
	v20 =	vsub.f32 $1.500000000e+00, v9;
	v10 =	vmul.f32 v10, v12  }
0x16a: {  	v9 =	vld [tilespmem:s7+$0xE4A0];
	v17 =	vmul.f32 v16, v21;
	v18 =	vsub.f32 $1.500000000e+00, v2;
	v16 =	vmul.f32 v19, v4  }
0x16b: {  	s8 =	simm.s32 $0x280;
	v2 =	vmul.f32 $5.000000000e-01, v8;
	v19 =	vmul.f32 v20, v22;
	v20 =	vsub.f32 $1.500000000e+00, v10;
	v10 =	vld [tilespmem:s7+$0xE4B0]  }
.LBB2_6:
0x16c: {  	p0 =	sne.s32 s8, $0x9B00;
	v13 =	vmul.f32 v17, v13;
	v11 =	vmul.f32 v18, v11;
	v16 =	vsub.f32 $1.500000000e+00, v16  }
0x16d: {  	v3 =	vshrl.u32 v3, $0x1;
	v14 =	vmul.f32 v19, v14;
	v12 =	vmul.f32 v20, v12  }
0x16e: {  	s9 =	sshra.s32 s8, $0x2;
	v8 =	vshrl.u32 v8, $0x1;
	[tilespmem:s7+$0xE470] =	vst v13;
	v11 =	vmul.f32 v11, v15;
	v4 =	vmul.f32 v16, v4  }
0x16f: {  	v15 =	vshrl.u32 v6, $0x1;
	v16 =	vmul.f32 $5.000000000e-01, v6;
	v13 =	vld [tilespmem:s9+$0x6F40];
	[tilespmem:s7+$0xE480] =	vst v14;
	v6 =	vmul.f32 v12, v9  }
0x170: {  	v17 =	vmul.f32 $5.000000000e-01, v5;
	v12 =	vshrl.u32 v5, $0x1;
	v9 =	vld [tilespmem:s9+$0x9650];
	[tilespmem:s7+$0xE490] =	vst v11;
	v4 =	vmul.f32 v4, v10  }
0x171: {  	v7 =	vsub.s32 $0x5F3759DF, v7;
	v3 =	vsub.s32 $0x5F3759DF, v3;
	v8 =	vsub.s32 $0x5F3759DF, v8;
	v5 =	vld [tilespmem:s9+$0x6F50];
	[tilespmem:s7+$0xE4A0] =	vst v6  }
0x172: {  	v14 =	vsub.s32 $0x5F3759DF, v15;
	v10 =	vmul.f32 v7, v0;
	v11 =	vmul.f32 v3, v1;
	v6 =	vld [tilespmem:s9+$0x9660];
	[tilespmem:s7+$0xE4B0] =	vst v4;
	s7 =	smov.u32 s6;
	s6 =	smov.u32 s9  }
0x173: {  	v15 =	vmul.f32 v8, v2;
	v18 =	vmul.f32 v14, v16;
	v12 =	vsub.s32 $0x5F3759DF, v12;
	v4 =	vld [tilespmem:s6+$0x6F60]  }
0x174: {  	v20 =	vmul.f32 v12, v17;
	v10 =	vmul.f32 v7, v10;
	v19 =	vld [tilespmem:s6+$0x9670]  }
0x175: {  	v15 =	vmul.f32 v8, v15;
	v11 =	vmul.f32 v3, v11;
	v21 =	vld [tilespmem:s6+$0x6F70]  }
0x176: {  	v18 =	vmul.f32 v14, v18;
	v20 =	vmul.f32 v12, v20;
	v10 =	vsub.f32 $1.500000000e+00, v10;
	v22 =	vld [tilespmem:s6+$0x9680]  }
0x177: {  	v15 =	vsub.f32 $1.500000000e+00, v15;
	v11 =	vsub.f32 $1.500000000e+00, v11;
	v23 =	vld [tilespmem:s6+$0x6F80]  }
0x178: {  	v7 =	vmul.f32 v7, v10;
	v10 =	vsub.f32 $1.500000000e+00, v18;
	v18 =	vsub.f32 $1.500000000e+00, v20;
	v24 =	vld [tilespmem:s6+$0x9690]  }
0x179: {  	v9 =	vadd.f32 v9, v13;
	v8 =	vmul.f32 v8, v15;
	v11 =	vmul.f32 v3, v11  }
0x17a: {  	v3 =	vadd.f32 v6, v5;
	v5 =	vmul.f32 v14, v10;
	v10 =	vmul.f32 v12, v18  }
0x17b: {  	v6 =	vmul.f32 v7, v0;
	v12 =	vmul.f32 v11, v1;
	v4 =	vadd.f32 v19, v4  }
0x17c: {  	v14 =	vmul.f32 v8, v2;
	v15 =	vmul.f32 v5, v16;
	v13 =	vadd.f32 v22, v21  }
0x17d: {  	v6 =	vmul.f32 v6, v7;
	v19 =	vmul.f32 v10, v17;
	v18 =	vadd.f32 v24, v23  }
0x17e: {  	v9 =	vadd.f32 $1.000000000e+00, v9;
	v12 =	vmul.f32 v12, v11;
	v14 =	vmul.f32 v14, v8  }
0x17f: {  	v3 =	vadd.f32 $1.000000000e+00, v3;
	v6 =	vsub.f32 $1.500000000e+00, v6;
	v15 =	vmul.f32 v15, v5  }
0x180: {  	v12 =	vsub.f32 $1.500000000e+00, v12;
	v14 =	vsub.f32 $1.500000000e+00, v14;
	v19 =	vmul.f32 v19, v10  }
0x181: {  	v20 =	vmul.f32 $5.000000000e-01, v9;
	v21 =	vmul.f32 v6, v7;
	v6 =	vsub.f32 $1.500000000e+00, v15  }
0x182: {  	v22 =	vmul.f32 v12, v11;
	v11 =	vmul.f32 v14, v8;
	v7 =	vsub.f32 $1.500000000e+00, v19  }
0x183: {  	v8 =	vadd.f32 $1.000000000e+00, v4;
	v14 =	vmul.f32 v21, v0;
	v12 =	vmul.f32 v6, v5;
	v0 =	vmovc v20  }
0x184: {  	v6 =	vadd.f32 $1.000000000e+00, v13;
	v1 =	vmul.f32 v22, v1;
	v4 =	vmul.f32 v7, v10  }
0x185: {  	v5 =	vadd.f32 $1.000000000e+00, v18;
	v2 =	vmul.f32 v11, v2;
	v10 =	vmul.f32 v14, v21  }
.Ltmp2:
0x186: {  	v7 =	vshrl.u32 v9, $0x1;
	v9 =	vmul.f32 v1, v22;
	v16 =	vmul.f32 v12, v16;
	v13 =	vld [tilespmem:s7+$0xE470];
	(pc) =	sbr.rel @p0 .LBB2_6-.Ltmp2, $4  }
0x187: {  	v2 =	vmul.f32 v2, v11;
	v19 =	vmul.f32 v4, v17;
	v10 =	vsub.f32 $1.500000000e+00, v10;
	v14 =	vld [tilespmem:s7+$0xE480]  }
0x188: {  	v1 =	vmul.f32 $5.000000000e-01, v3;
	v20 =	vsub.f32 $1.500000000e+00, v9;
	v23 =	vmul.f32 v16, v12;
	v15 =	vld [tilespmem:s7+$0xE490]  }
0x189: {  	v18 =	vsub.f32 $1.500000000e+00, v2;
	v16 =	vmul.f32 v19, v4;
	v17 =	vmul.f32 v10, v21;
	v9 =	vld [tilespmem:s7+$0xE4A0]  }
0x18a: {  	s8 =	sadd.s32 $0x140, s8;
	v2 =	vmul.f32 $5.000000000e-01, v8;
	v19 =	vmul.f32 v20, v22;
	v20 =	vsub.f32 $1.500000000e+00, v23;
	v10 =	vld [tilespmem:s7+$0xE4B0]  }
0x18b: {  	v13 =	vmul.f32 v17, v13;
	v11 =	vmul.f32 v18, v11  }
0x18c: {  	v3 =	vshrl.u32 v3, $0x1;
	v8 =	vshrl.u32 v8, $0x1;
	v30 =	vshrl.u32 v6, $0x1  }
0x18d: {  	v31 =	vmul.f32 $5.000000000e-01, v6;
	v32 =	vshrl.u32 v5, $0x1;
	v33 =	vmul.f32 $5.000000000e-01, v5  }
0x18e: {  	v7 =	vsub.s32 $0x5F3759DF, v7;
	v14 =	vmul.f32 v19, v14;
	v12 =	vmul.f32 v20, v12  }
0x18f: {  	v3 =	vsub.s32 $0x5F3759DF, v3;
	v8 =	vsub.s32 $0x5F3759DF, v8;
	v34 =	vmul.f32 v7, v0  }
0x190: {  	v17 =	vsub.s32 $0x5F3759DF, v32;
	v11 =	vmul.f32 v11, v15;
	v35 =	vmul.f32 v3, v1  }
0x191: {  	v15 =	vsub.s32 $0x5F3759DF, v30;
	v36 =	vmul.f32 v8, v2;
	v22 =	vmul.f32 v17, v33  }
0x192: {  	v21 =	vmul.f32 v15, v31;
	v18 =	vmul.f32 v7, v34  }
0x193: {  	v16 =	vsub.f32 $1.500000000e+00, v16;
	v19 =	vmul.f32 v3, v35;
	v20 =	vmul.f32 v8, v36  }
0x194: {  	v22 =	vmul.f32 v17, v22;
	v18 =	vsub.f32 $1.500000000e+00, v18;
	v21 =	vmul.f32 v15, v21  }
0x195: {  	v4 =	vmul.f32 v16, v4;
	v37 =	vsub.f32 $1.500000000e+00, v19;
	v38 =	vsub.f32 $1.500000000e+00, v20  }
0x196: {  	v40 =	vsub.f32 $1.500000000e+00, v22;
	v7 =	vmul.f32 v7, v18;
	v39 =	vsub.f32 $1.500000000e+00, v21  }
0x197: {  	v3 =	vmul.f32 v3, v37;
	v8 =	vmul.f32 v8, v38  }
0x198: {  	v41 =	vmul.f32 v17, v40;
	v15 =	vmul.f32 v15, v39  }
0x199: {  	v42 =	vmul.f32 v7, v0;
	v43 =	vmul.f32 v3, v1  }
0x19a: {  	v19 =	vmul.f32 v8, v2;
	v45 =	vmul.f32 v41, v33  }
0x19b: {  	v44 =	vmul.f32 v15, v31;
	v17 =	vmul.f32 v42, v7  }
0x19c: {  	v18 =	vmul.f32 v43, v3;
	v19 =	vmul.f32 v19, v8  }
0x19d: {  	v9 =	vmul.f32 v12, v9;
	v48 =	vmul.f32 v45, v41;
	v46 =	vsub.f32 $1.500000000e+00, v17  }
0x19e: {  	v47 =	vmul.f32 v44, v15;
	v18 =	vsub.f32 $1.500000000e+00, v18;
	v19 =	vsub.f32 $1.500000000e+00, v19  }
0x19f: {  	[tilespmem:s7+$0xE470] =	vst v13;
	v4 =	vmul.f32 v4, v10;
	v50 =	vsub.f32 $1.500000000e+00, v48;
	v7 =	vmul.f32 v46, v7  }
0x1a0: {  	[tilespmem:s7+$0xE480] =	vst v14;
	v49 =	vsub.f32 $1.500000000e+00, v47;
	v3 =	vmul.f32 v18, v3;
	v8 =	vmul.f32 v19, v8  }
0x1a1: {  	[tilespmem:s7+$0xE490] =	vst v11;
	v53 =	vmul.f32 v50, v41;
	v51 =	vmul.f32 v7, v0  }
0x1a2: {  	[tilespmem:s7+$0xE4A0] =	vst v9;
	v10 =	vmul.f32 v49, v15;
	v52 =	vmul.f32 v3, v1  }
0x1a3: {  	[tilespmem:s7+$0xE4B0] =	vst v4;
	v54 =	vmul.f32 v8, v2;
	v0 =	vmul.f32 v51, v7  }
0x1a4: {  	v4 =	vld [tilespmem:s6+$0xE470];
	v5 =	vmul.f32 v53, v33;
	v1 =	vmul.f32 v52, v3  }
0x1a5: {  	v11 =	vld [tilespmem:s6+$0xE480];
	v6 =	vmul.f32 v10, v31;
	v2 =	vmul.f32 v54, v8;
	v0 =	vsub.f32 $1.500000000e+00, v0  }
0x1a6: {  	v55 =	vld [tilespmem:s6+$0xE490];
	v5 =	vmul.f32 v5, v53;
	v1 =	vsub.f32 $1.500000000e+00, v1  }
0x1a7: {  	v58 =	vld [tilespmem:s6+$0xE4B0];
	v6 =	vmul.f32 v6, v10;
	v2 =	vsub.f32 $1.500000000e+00, v2;
	v0 =	vmul.f32 v0, v7  }
0x1a8: {  	v56 =	vld [tilespmem:s6+$0xE4A0];
	v59 =	vsub.f32 $1.500000000e+00, v5;
	v1 =	vmul.f32 v1, v3  }
0x1a9: {  	v57 =	vsub.f32 $1.500000000e+00, v6;
	v2 =	vmul.f32 v2, v8;
	v0 =	vmul.f32 v0, v4  }
0x1aa: {  	v61 =	vmul.f32 v59, v53;
	v1 =	vmul.f32 v1, v11  }
0x1ab: {  	v3 =	vmul.f32 v57, v10;
	v60 =	vmul.f32 v2, v55;
	[tilespmem:s6+$0xE470] =	vst v0  }
0x1ac: {  	v63 =	vmul.f32 v61, v58;
	[tilespmem:s6+$0xE480] =	vst v1  }
0x1ad: {  	v62 =	vmul.f32 v3, v56;
	[tilespmem:s6+$0xE490] =	vst v60  }
0x1ae: {  	[tilespmem:s6+$0xE4B0] =	vst v63  }
0x1af: {  	[tilespmem:s6+$0xE4A0] =	vst v62  }
0x1b0: {  	[spmem:s14] =	stream.linear.scatter [tilespmem:s21], [sflag:$0x9], $0x2710, $0x38;
	[tilespmem:$0x180C0] =	vst v63  }
0x1b1: {  	_ =	swait.ge [sflag:s18], $0x2710  }
0x1b2: {  	s9 =	stileid.u32;
	s22 =	sadd.s32 $0x1, s22;
	[sflag:s18] =	ssyncset.done $0x0  }
0x1b3: {  	p0 =	sne.s32 s22, s16;
	s6 =	sshll.u32 s9, $0x6;
	[sflag:s18] =	ssyncadd.s32 $0xFFFFD8F0  }
.Ltmp3:
0x1b4: {  	s6 =	sor.u32 $0x1C09, s6;
	[bflag:$0x0] =	sbarrier.arrive $0xFFFF;
	(pc) =	sbr.rel @p0 .LBB2_1-.Ltmp3, $4  }
0x1b5: {  	[hbm:s15], [sflag:s6] =	dma.local [spmem:s25], $0x4F0  }
0x1b6: {  	_ =	swait.ge [sflag:s18], $0x4F0  }
0x1b7: {  	[sflag:s18] =	ssyncset.done $0x0  }
0x1b8: {  	[sflag:s18] =	ssyncadd.s32 $0xFFFFFB10  }
0x1b9: {  	_ =	sfence.sel $0x180000  }
0x1ba: {  	[bflag:$0x0] =	sbarrier.arrive $0xFFFF  }
0x1bb: {  	_ =	strace $0x9000004D  }
0x1bc: {  	s0 =	stileid.u32;
	[bflag:$0x2] =	sbarrier.arrive $0xFFFF  }
0x1bd: {  	p0 =	sne.s32 s0, $0x0;
	s0 =	rddreg [dreg:$0x4]  }
0x1be: {  	s0 =	sadd.s32 @!p0 $0x100000, s0  }
0x1bf: {  	[sflag:s0] =	ssyncadd.tile.s32 @!p0 $0x1;
	_ =	shalt  }
.Lfunc_end2:
_tile_overlayer_lowered:
.L_overlay_start_2:
0x1c0: {  	(tag) =	ssettag $0x2  }
0x1c1: {  	s0 =	rddreg [dreg:$0x0];
	s2 =	stileid.u32  }
0x1c2: {  	s1 =	rddreg [dreg:$0x1];
	p0 =	sne.s32 s2, $0x0  }
0x1c3: {  	s3 =	rddreg [dreg:$0x2];
	[bflag:$0x3] =	sbarrier.arrive $0xFFFF;
	s2 =	simm.s32 @!p0 $0x1C09  }
0x1c4: {  	[timem:s3], [sflag:s2] =	dma.local @!p0 [hbm:s0], s1  }
0x1c5: {  	s0 =	simm.s32 @!p0 $0x9  }
0x1c6: {  	_ =	swait.ge @!p0 [sflag:s0], s1  }
0x1c7: {  	s1 =	ssub.s32 @!p0 $0x0, s1;
	[sflag:s0] =	ssyncset.done @!p0 $0x0  }
0x1c8: {  	[sflag:s0] =	ssyncadd.s32 @!p0 s1  }
0x1c9: {  	[bflag:$0x3] =	sbarrier.arrive $0xFFFF  }
0x1ca: {  	_ =	shalt  }

// kernel: kernel.7.cloned.1.call-start
scs
__scs_entry_jumppad:
0x0: {  	(pc) =	sbr.rel $0x88, $3  }
0x1: {  	(tag) =	ssettag $0x0;
	lr =	simm.s32 $0x1  }
0x2: {  	[smem:$0x3F96] =	sst lr;
	_ =	strace $0xD0000000  }
0x3: {  	_ = 	snop  }
0x4: {  	_ = 	snop  }
0x5: {  	_ = 	snop  }
0x6: {  	_ = 	snop  }
0x7: {  	_ = 	snop  }
__scs_overlays_trampoline_lowered:
0x8: {  	[smem:$0x3FA5] =	sst s0  }
0x9: {  	[smem:$0x3FA6] =	sst s1  }
0xa: {  	[smem:$0x3FA7] =	sst s2  }
0xb: {  	[smem:$0x3FA8] =	sst s3  }
0xc: {  	[smem:$0x3FA9] =	sst s4  }
0xd: {  	[smem:$0x3FAA] =	sst s5  }
0xe: {  	[smem:$0x3FAB] =	sst s6  }
0xf: {  	[smem:$0x3FAC] =	sst s7  }
0x10: {  	[smem:$0x3FAD] =	sst s8  }
0x11: {  	[smem:$0x3FAE] =	sst s9;
	s0 =	simm.s32 @!p0 $0x0  }
0x12: {  	s1 =	sld [smem:$0x3F94];
	s0 =	simm.s32 @p0 $0x1  }
0x13: {  	[smem:$0x3FAF] =	sst s0;
	s0 =	simm.s32 @!p1 $0x0  }
0x14: {  	s2 =	sld [smem:$0x3F93];
	s0 =	simm.s32 @p1 $0x1  }
0x15: {  	[smem:$0x3FB0] =	sst s0;
	s0 =	simm.s32 @!p2 $0x0  }
0x16: {  	s3 =	sld [smem:$0x3FDB];
	s0 =	simm.s32 @p2 $0x1  }
0x17: {  	s4 =	simm.s32 $0x1BF5;
	[smem:$0x3FB2] =	sst s0  }
0x18: {  	s0 =	sld [smem:$0x3F95];
	_ =	swait.ge [sflag:s4], $0x0  }
0x19: {  	s7 =	sld [smem:$0x3F96]  }
0x1a: {  	s8 =	sadd.s32 $0xFFFFE003, lr  }
0x1b: {  	s9 =	sadd.s32 $0xFFFFFEF7, lr;
	s5 =	simm.s32 $0xFFFFFFFF;
	p2 =	slt.u32 s8, $0xFFFFF086  }
0x1c: {  	p1 =	slt.u32 s9, $0xF7A;
	s5 =	simm.s32 @!p2 $0x0  }
0x1d: {  	s5 =	simm.s32 @p1 $0x1;
	p0 =	seq.s32 s7, s2  }
0x1e: {  	s7 =	smul.u32 @!p0 $0xF7A, s2;
	p2 =	seq.s32 @!p0 s5, $0x0  }
0x1f: {  	s9 =	smul.u32 $0xF7A, s1;
	s8 =	simm.s32 @!p0 $0x1BF5;
	p2 =	por !p2, p0  }
0x20: {  	[sflag:s8] =	ssyncset.s32 @!p0 $0xFFFFF086;
	s6 =	sadd.s32 @!p0 s3, s7;
	s7 =	simm.s32 @!p0 $0x108  }
0x21: {  	s3 =	sadd.s32 s3, s9;
	s6 =	sadd.s32 @!p0 $0x88, s6;
	s7 =	simm.s32 @p2 $0x1082  }
0x22: {  	[simem:s7], [sflag:s8] =	dma.local @!p0 [hbm:s6], $0xF7A  }
0x23: {  	s9 =	sor.u32 $0xD0000000, s2;
	s6 =	simm.s32 $0x108;
	_ =	swait.ge @!p0 [sflag:s8], $0x0  }
0x24: {  	s3 =	sadd.s32 $0x88, s3;
	s6 =	simm.s32 @!p1 $0x1082;
	[sflag:s4] =	ssyncset.s32 $0xFFFFF086  }
0x25: {  	[simem:s6], [sflag:s4] =	dma.local [hbm:s3], $0xF7A  }
0x26: {  	[smem:$0x3F96] =	sst s1;
	(tag) =	ssettag s2;
	_ =	strace s9  }
0x27: {  	s1 =	sld [smem:$0x3FA6]  }
0x28: {  	s2 =	sld [smem:$0x3FA7]  }
0x29: {  	s4 =	sld [smem:$0x3FA9]  }
0x2a: {  	p0 =	seq.s32 s5, $0x0;
	s5 =	sld [smem:$0x3FAA]  }
0x2b: {  	s6 =	sld [smem:$0x3FAB]  }
0x2c: {  	s7 =	sld [smem:$0x3FAC]  }
0x2d: {  	s3 =	simm.s32 $0x108;
	s8 =	sld [smem:$0x3FAD]  }
0x2e: {  	s3 =	simm.s32 @!p0 $0x1082;
	s9 =	sld [smem:$0x3FAE]  }
0x2f: {  	lr =	sadd.s32 s0, s3;
	s0 =	sld [smem:$0x3FA5]  }
0x30: {  	s3 =	sld [smem:$0x3FA8]  }
0x31: {  	[smem:$0x3FB1] =	sst s10  }
0x32: {  	s10 =	sld [smem:$0x3FAF];
	_ =	sdelay $0x3  }
0x33: {  	p0 =	seq.s32 s10, $0x1;
	s10 =	sld [smem:$0x3FB1];
	_ =	sdelay $0x3  }
0x34: {  	[smem:$0x3FB1] =	sst s10  }
0x35: {  	s10 =	sld [smem:$0x3FB0];
	_ =	sdelay $0x3  }
0x36: {  	p1 =	seq.s32 s10, $0x1;
	s10 =	sld [smem:$0x3FB1];
	_ =	sdelay $0x3  }
0x37: {  	[smem:$0x3FB1] =	sst s10  }
0x38: {  	s10 =	sld [smem:$0x3FB2]  }
0x39: {  	_ = 	snop;
	(pc) =	sbr.ind lr, $3  }
0x3a: {  	_ = 	snop  }
0x3b: {  	_ = 	snop  }
0x3c: {  	p2 =	seq.s32 s10, $0x1;
	s10 =	sld [smem:$0x3FB1]  }
0x3d: {  	_ =	shalt  }
0x3e: {  	_ =	shalt  }
0x3f: {  	_ =	shalt  }
0x40: {  	_ =	shalt  }
0x41: {  	_ =	shalt  }
0x42: {  	_ =	shalt  }
0x43: {  	_ =	shalt  }
0x44: {  	_ =	shalt  }
0x45: {  	_ =	shalt  }
0x46: {  	_ =	shalt  }
0x47: {  	_ =	shalt  }
0x48: {  	_ =	shalt  }
0x49: {  	_ =	shalt  }
0x4a: {  	_ =	shalt  }
0x4b: {  	_ =	shalt  }
0x4c: {  	_ =	shalt  }
0x4d: {  	_ =	shalt  }
0x4e: {  	_ =	shalt  }
0x4f: {  	_ =	shalt  }
0x50: {  	_ =	shalt  }
0x51: {  	_ =	shalt  }
0x52: {  	_ =	shalt  }
0x53: {  	_ =	shalt  }
0x54: {  	_ =	shalt  }
0x55: {  	_ =	shalt  }
0x56: {  	_ =	shalt  }
0x57: {  	_ =	shalt  }
0x58: {  	_ =	shalt  }
0x59: {  	_ =	shalt  }
0x5a: {  	_ =	shalt  }
0x5b: {  	_ =	shalt  }
0x5c: {  	_ =	shalt  }
0x5d: {  	_ =	shalt  }
0x5e: {  	_ =	shalt  }
0x5f: {  	_ =	shalt  }
0x60: {  	_ =	shalt  }
0x61: {  	_ =	shalt  }
0x62: {  	_ =	shalt  }
0x63: {  	_ =	shalt  }
0x64: {  	_ =	shalt  }
0x65: {  	_ =	shalt  }
0x66: {  	_ =	shalt  }
0x67: {  	_ =	shalt  }
0x68: {  	_ =	shalt  }
0x69: {  	_ =	shalt  }
0x6a: {  	_ =	shalt  }
0x6b: {  	_ =	shalt  }
0x6c: {  	_ =	shalt  }
0x6d: {  	_ =	shalt  }
0x6e: {  	_ =	shalt  }
0x6f: {  	_ =	shalt  }
0x70: {  	_ =	shalt  }
0x71: {  	_ =	shalt  }
0x72: {  	_ =	shalt  }
0x73: {  	_ =	shalt  }
0x74: {  	_ =	shalt  }
0x75: {  	_ =	shalt  }
0x76: {  	_ =	shalt  }
0x77: {  	_ =	shalt  }
0x78: {  	_ =	shalt  }
0x79: {  	_ =	shalt  }
0x7a: {  	_ =	shalt  }
0x7b: {  	_ =	shalt  }
0x7c: {  	_ =	shalt  }
0x7d: {  	_ =	shalt  }
0x7e: {  	_ =	shalt  }
0x7f: {  	_ =	shalt  }
0x80: {  	_ =	shalt  }
0x81: {  	_ =	shalt  }
0x82: {  	_ =	shalt  }
0x83: {  	_ =	shalt  }
0x84: {  	_ =	shalt  }
0x85: {  	_ =	shalt  }
0x86: {  	_ =	shalt  }
0x87: {  	_ =	shalt  }
.Lfunc_end0:
.L_simem_size_0:
called_computation_lowered:
.L_overlay_start_0:
0x88: {  	s2 =	sld [smem:$0x3FD9]  }
0x89: {  	s3 =	sld [smem:$0x3FFE];
	_ =	sdelay $0x1  }
0x8a: {  	s1 =	srdreg.scid  }
0x8b: {  	s0 =	sand.u32 $0x1, s1  }
0x8c: {  	s16 =	sshll.u32 s0, $0xA;
	s2 =	sadd.s32 s3, s2  }
0x8d: {  	s2 =	sadd.s32 s2, s16  }
0x8e: {  	[smem:$0x3FBD] =	sst s2  }
0x8f: {  	_ = 	snop  }
0x90: {  	(tm) =	ssettm $0x1  }
0x91: {  	s17 =	sld [smem:$0x3FFB];
	_ =	sdelay $0x3  }
0x92: {  	_ =	strace s17  }
0x93: {  	s2 =	sld [smem:$0x3FFC];
	_ =	sdelay $0x3  }
0x94: {  	_ =	strace s2  }
0x95: {  	s2 =	sld [smem:$0x3FFD];
	_ =	sdelay $0x3  }
0x96: {  	_ =	strace s2  }
0x97: {  	_ =	strace $0x8FFFFFFF  }
0x98: {  	s18 =	sld [smem:$0x3FDB];
	_ =	sdelay $0x1  }
0x99: {  	s19 =	simm.s32 $_scs_section_size  }
0x9a: {  	s4 =	simm.s32 $_size__tile_overlayer_lowered;
	s5 =	simm.s32 $_tile_overlayer_lowered  }
0x9b: {  	s22 =	simm.s32 $0x1BFF;
	s21 =	sshll.u32 s5, $0x1;
	s2 =	sadd.s32 s19, s18  }
0x9c: {  	s6 =	simm.s32 $0x0;
	s20 =	sshll.u32 s4, $0x1;
	s4 =	sadd.s32 s21, s2  }
0x9d: {  	[timem:s6], [sflag:s22] =	dma.local [hbm:s4], s20  }
0x9e: {  	_ =	swait.ge [sflag:s22], s20  }
0x9f: {  	s3 =	ssub.s32 $0x0, s20;
	[sflag:s22] =	ssyncset.done $0x0  }
0xa0: {  	[sflag:s22] =	ssyncadd.s32 s3;
	_ =	sdelay $0x1  }
0xa1: {  	s23 =	simm.s32 $0x1B8B  }
0xa2: {  	_ =	swait.ge [sflag:s23], $0x1  }
0xa3: {  	[sflag:s23] =	ssyncset.done $0x0  }
0xa4: {  	s25 =	simm.s32 $0x1B8E;
	s24 =	sld [smem:$0x3FFE];
	[sflag:s23] =	ssyncadd.s32 $0xFFFFFFFF  }
0xa5: {  	s26 =	simm.s32 $execute0_lowered;
	[smem:$0x3FD2] =	sst s25  }
0xa6: {  	s4 =	sshll.u32 s26, $0x1;
	_ =	strace $0x80000046;
	[dreg:$0x1] =	wrdreg $0xFFFFFFFF  }
0xa7: {  	s28 =	simm.s32 $_size_execute0_lowered;
	s2 =	sadd.s32 s2, s4;
	[dreg:$0x0] =	wrdreg $0x0  }
0xa8: {  	s4 =	sshll.u32 s28, $0x1;
	[dreg:$0x2] =	wrdreg s2  }
0xa9: {  	[dreg:$0x3] =	wrdreg s4  }
0xaa: {  	[dreg:$0x4] =	wrdreg $0xC0  }
0xab: {  	_ =	task [dreg:s6], $0x5FFFF  }
0xac: {  	[dreg:$0x1] =	wrdreg $0xFFFFFFFF  }
0xad: {  	[dreg:$0x0] =	wrdreg $0x60  }
0xae: {  	[dreg:$0x2] =	wrdreg s24  }
0xaf: {  	[dreg:$0x3] =	wrdreg $0x57D00  }
0xb0: {  	[dreg:$0x4] =	wrdreg $0x9  }
0xb1: {  	_ =	task.clear_ibuf [dreg:s6], $0x5FFFF;
	_ =	strace $0x90000046  }
0xb2: {  	s29 =	simm.s32 $0x9;
	_ =	strace $0x80000048  }
0xb3: {  	_ =	swait.ge [sflag:s29], $0x1  }
0xb4: {  	[sflag:s29] =	ssyncadd.s32 $0xFFFFFFFF  }
0xb5: {  	_ =	strace $0x90000048  }
0xb6: {  	_ =	sfence  }
0xb7: {  	s30 =	sld [smem:$0x0];
	_ =	sdelay $0x2  }
0xb8: {  	s31 =	sshll.u32 s1, $0xD;
	s1 =	sshrl.u32 s1, $0x2  }
0xb9: {  	s3 =	sand.u32 $0x4000, s31;
	s1 =	sadd.s32 s1, s30  }
0xba: {  	s0 =	sor.u32 s3, s0;
	s1 =	sshll.u32 s1, $0x11  }
0xbb: {  	s0 =	sor.u32 s1, s0  }
0xbc: {  	s0 =	sadd.s32 $0x8F2B, s0  }
0xbd: {  	[sflag:s0] =	ssyncadd.remote.s32 $0x1  }
0xbe: {  	_ =	sfence.sel $0xFFFF  }
0xbf: {  	[dreg:$0x0] =	wrdreg $0xFFFFFFFF;
	(pc) =	sbr.abs _section_cstart, $3  }
0xc0: {  	[dreg:$0x1] =	wrdreg $0xFFFFFFFF  }
0xc1: {  	_ =	task.clear_ibuf [dreg:s6], $0x2FFFF;
	_ =	strace $0x9FFFFFFF  }
0xc2: {  	(tm) =	ssettm $0x7FFFFFFF  }
0xc3: {  	_ =	shalt  }
tec
execute0_lowered:
.L_overlay_start_1:
0x0: {  	(tag) =	ssettag $0x1  }
0x1: {  	s1 =	rddreg [dreg:$0x0]  }
0x2: {  	s2 =	rddreg [dreg:$0x1]  }
0x3: {  	s0 =	stileid.u32;
	s3 =	srdreg.scid;
	s15 =	simm.s32 $0x5000  }
0x4: {  	s16 =	simm.s32 $0x2;
	s17 =	simm.s32 $0x2800;
	s18 =	simm.s32 $0x7D  }
0x5: {  	s19 =	simm.s32 $0x2880;
	s20 =	simm.s32 $0x2900;
	s21 =	simm.s32 $0x2980  }
0x6: {  	s22 =	simm.s32 $0x2A00;
	s23 =	simm.s32 $0x2A80;
	s24 =	simm.s32 $0x2B00  }
0x7: {  	s26 =	simm.s32 $0x2B80;
	s28 =	simm.s32 $0x1;
	s4 =	smul.u32 $0x278, s0  }
0x8: {  	s5 =	sand.u32 $0x1, s3;
	s3 =	simm.s32 $0x0;
	s10 =	smul.u32 $0x9C40, s0  }
0x9: {  	s6 =	smul.u32 $0x27100, s5;
	s7 =	sshll.u32 s5, $0x4;
	[smem:$0x7FF] =	sst s3  }
0xa: {  	s5 =	ssub.s32 $0x2, s5;
	s4 =	smin.u32 s4, $0x2498;
	s29 =	sor.u32 s0, s7  }
0xb: {  	_ =	strace $0x80000047;
	s30 =	sshrl.u32 s5, $0x1;
	s31 =	sshrl.u32 s10, $0x2  }
0xc: {  	s9 =	sshll.u32 s4, $0x4;
	s4 =	smul.u32 $0x2800, s29;
	s11 =	ssub.s32 s5, s30  }
0xd: {  	s6 =	sadd.s32 s6, s9;
	s25 =	sadd.s32 s9, s2;
	s9 =	sadd.s32 s31, s2  }
0xe: {  	s10 =	smax.u32 s11, $0x1;
	s6 =	sshrl.u32 s6, $0x3;
	s4 =	sshrl.u32 s4, $0x3  }
0xf: {  	s11 =	sadd.s32 $0x7D0, s9;
	s12 =	sadd.s32 $0xFA0, s9;
	s13 =	sadd.s32 $0x1770, s9  }
0x10: {  	s14 =	sadd.s32 $0x1F40, s9;
	s8 =	sadd.s32 s6, s1;
	s1 =	sadd.s32 s4, s1  }
0x11: {  	s25 =	sshrl.u32 s25, $0x3;
	s4 =	sadd.s32 $0x2800, s1;
	s5 =	sadd.s32 $0xC800, s1  }
0x12: {  	v0 =	vimm.f32 $0.0e+00;
	v1 =	vimm.f32 $1.000000000e+00;
	s6 =	sadd.s32 $0x20600, s1;
	s7 =	sadd.s32 $0x2A600, s1;
	s8 =	sadd.s32 $0x16800, s8  }
.LBB2_1:
0x13: {  	s30 =	simm.s32 $0x140;
	s29 =	simm.s32 $0x0  }
.LBB2_2:
0x14: {  	p0 =	sne.s32 s30, $0x1E00;
	[tilespmem:s29+$0x5040] =	vst v0;
	s1 =	smov.u32 s30;
	s30 =	sadd.s32 $0x140, s30  }
.Ltmp0:
0x15: {  	[tilespmem:s29+$0x5030] =	vst v0;
	(pc) =	sbr.rel @p0 .LBB2_2-.Ltmp0, $4  }
0x16: {  	[tilespmem:s29+$0x5020] =	vst v0  }
0x17: {  	[tilespmem:s29+$0x5000] =	vst v0  }
0x18: {  	[tilespmem:s29+$0x5010] =	vst v0  }
0x19: {  	s29 =	sshra.s32 s1, $0x2  }
0x1a: {  	[tilespmem:s29+$0x5040] =	vst v0  }
0x1b: {  	[tilespmem:s29+$0x5030] =	vst v0  }
0x1c: {  	[tilespmem:s29+$0x5020] =	vst v0  }
0x1d: {  	[tilespmem:s29+$0x5000] =	vst v0  }
0x1e: {  	[tilespmem:s29+$0x5010] =	vst v0  }
0x1f: {  	[spmem:s9] =	stream.linear.scatter [tilespmem:s15], [sflag:$0x2], $0x7D0, $0x38;
	[tilespmem:$0x7EE0] =	vst v63  }
0x20: {  	_ =	swait.ge [sflag:s16], $0x7D0  }
0x21: {  	[sflag:s16] =	ssyncset.done $0x0  }
0x22: {  	[sflag:s16] =	ssyncadd.s32 $0xFFFFF830  }
0x23: {  	[spmem:s11] =	stream.linear.scatter [tilespmem:s15], [sflag:$0x2], $0x7D0, $0x38;
	[tilespmem:$0x7EE0] =	vst v63  }
0x24: {  	_ =	swait.ge [sflag:s16], $0x7D0  }
0x25: {  	[sflag:s16] =	ssyncset.done $0x0  }
0x26: {  	[sflag:s16] =	ssyncadd.s32 $0xFFFFF830  }
0x27: {  	[spmem:s12] =	stream.linear.scatter [tilespmem:s15], [sflag:$0x2], $0x7D0, $0x38;
	[tilespmem:$0x7EE0] =	vst v63  }
0x28: {  	_ =	swait.ge [sflag:s16], $0x7D0  }
0x29: {  	[sflag:s16] =	ssyncset.done $0x0  }
0x2a: {  	[sflag:s16] =	ssyncadd.s32 $0xFFFFF830  }
0x2b: {  	[spmem:s13] =	stream.linear.scatter [tilespmem:s15], [sflag:$0x2], $0x7D0, $0x38;
	[tilespmem:$0x7EE0] =	vst v63  }
0x2c: {  	_ =	swait.ge [sflag:s16], $0x7D0  }
0x2d: {  	[sflag:s16] =	ssyncset.done $0x0  }
0x2e: {  	[sflag:s16] =	ssyncadd.s32 $0xFFFFF830  }
0x2f: {  	[spmem:s14] =	stream.linear.scatter [tilespmem:s15], [sflag:$0x2], $0x7D0, $0x38;
	[tilespmem:$0x7EE0] =	vst v63  }
0x30: {  	_ =	swait.ge [sflag:s16], $0x7D0  }
0x31: {  	[sflag:s16] =	ssyncset.done $0x0  }
0x32: {  	s30 =	simm.s32 $0x140;
	s29 =	simm.s32 $0x0;
	[sflag:s16] =	ssyncadd.s32 $0xFFFFF830  }
.LBB2_4:
0x33: {  	p0 =	sne.s32 s30, $0x1E00;
	[tilespmem:s29+$0x5040] =	vst v1;
	s1 =	smov.u32 s30;
	s30 =	sadd.s32 $0x140, s30  }
.Ltmp1:
0x34: {  	[tilespmem:s29+$0x5030] =	vst v1;
	(pc) =	sbr.rel @p0 .LBB2_4-.Ltmp1, $4  }
0x35: {  	[tilespmem:s29+$0x5020] =	vst v1  }
0x36: {  	[tilespmem:s29+$0x5000] =	vst v1  }
0x37: {  	[tilespmem:s29+$0x5010] =	vst v1  }
0x38: {  	s29 =	sshra.s32 s1, $0x2  }
0x39: {  	[tilespmem:s29+$0x5040] =	vst v1  }
0x3a: {  	[tilespmem:s29+$0x5030] =	vst v1  }
0x3b: {  	[tilespmem:s29+$0x5020] =	vst v1  }
0x3c: {  	[tilespmem:s29+$0x5000] =	vst v1  }
0x3d: {  	[tilespmem:s29+$0x5010] =	vst v1;
	s1 =	simm.s32 $0x0  }
0x3e: {  	[tilespmem:s1], [sflag:$0x2] =	stream.linear.gather [hbm4b:s4+s1], $0x2800, $0x38;
	[tilespmem:$0x7EE0] =	vst v63  }
0x3f: {  	_ =	swait.ge [sflag:s16], $0x2800  }
0x40: {  	[sflag:s16] =	ssyncset.done $0x0  }
0x41: {  	[sflag:s16] =	ssyncadd.s32 $0xFFFFD800  }
0x42: {  	[tilespmem:s17], [sflag:$0x2] =	stream.linear.gather [hbm4b:s5+s1], $0x2800, $0x38;
	[tilespmem:$0x7EE0] =	vst v63  }
0x43: {  	_ =	swait.ge [sflag:s16], $0x2800  }
0x44: {  	[sflag:s16] =	ssyncset.done $0x0  }
0x45: {  	[sflag:s16] =	ssyncadd.s32 $0xFFFFD800  }
0x46: {  	[hbm4b:s6+s1] =	stream.linear.scatter [tilespmem:s1], [sflag:$0x2], $0x2800, $0x38;
	[tilespmem:$0x7EE0] =	vst v63  }
0x47: {  	_ =	swait.ge [sflag:s16], $0x2800  }
0x48: {  	[sflag:s16] =	ssyncset.done $0x0  }
0x49: {  	[sflag:s16] =	ssyncadd.s32 $0xFFFFD800  }
0x4a: {  	[hbm4b:s7+s1] =	stream.linear.scatter [tilespmem:s17], [sflag:$0x2], $0x2800, $0x38;
	[tilespmem:$0x7EE0] =	vst v63  }
0x4b: {  	_ =	swait.ge [sflag:s16], $0x2800  }
0x4c: {  	[sflag:s16] =	ssyncset.done $0x0  }
0x4d: {  	[sflag:s16] =	ssyncadd.s32 $0xFFFFD800  }
0x4e: {  	[bflag:$0x0] =	sbarrier.arrive $0xFFFF  }
0x4f: {  	[spmem:s2] =	stream.indirect.scatter.add.f32 [tilespmem:s15], [sflag:$0x1], $0x10, s17, s18, $0xb8;
	[tilespmem:$0x7EE0] =	vst v63  }
0x50: {  	_ = 	snop  }
0x51: {  	[spmem:s2] =	stream.indirect.scatter.add.f32 [tilespmem:s15], [sflag:$0x1], $0x10, s19, s18, $0xb8;
	[tilespmem:$0x7EE0] =	vst v63  }
0x52: {  	_ = 	snop  }
0x53: {  	[spmem:s2] =	stream.indirect.scatter.add.f32 [tilespmem:s15], [sflag:$0x1], $0x10, s20, s18, $0xb8;
	[tilespmem:$0x7EE0] =	vst v63  }
0x54: {  	_ = 	snop  }
0x55: {  	[spmem:s2] =	stream.indirect.scatter.add.f32 [tilespmem:s15], [sflag:$0x1], $0x10, s21, s18, $0xb8;
	[tilespmem:$0x7EE0] =	vst v63  }
0x56: {  	_ = 	snop  }
0x57: {  	[spmem:s2] =	stream.indirect.scatter.add.f32 [tilespmem:s15], [sflag:$0x1], $0x10, s22, s18, $0xb8;
	[tilespmem:$0x7EE0] =	vst v63  }
0x58: {  	_ = 	snop  }
0x59: {  	[spmem:s2] =	stream.indirect.scatter.add.f32 [tilespmem:s15], [sflag:$0x1], $0x10, s23, s18, $0xb8;
	[tilespmem:$0x7EE0] =	vst v63  }
0x5a: {  	_ = 	snop  }
0x5b: {  	[spmem:s2] =	stream.indirect.scatter.add.f32 [tilespmem:s15], [sflag:$0x1], $0x10, s24, s18, $0xb8;
	[tilespmem:$0x7EE0] =	vst v63  }
0x5c: {  	_ = 	snop  }
0x5d: {  	[spmem:s2] =	stream.indirect.scatter.add.f32 [tilespmem:s15], [sflag:$0x1], $0x10, s26, s18, $0xb8;
	[tilespmem:$0x7EE0] =	vst v63  }
0x5e: {  	s0 =	simm.s32 $0x2C00  }
0x5f: {  	[spmem:s2] =	stream.indirect.scatter.add.f32 [tilespmem:s15], [sflag:$0x1], $0x10, s0, s18, $0xb8;
	[tilespmem:$0x7EE0] =	vst v63  }
0x60: {  	s30 =	simm.s32 $0x2C80  }
0x61: {  	[spmem:s2] =	stream.indirect.scatter.add.f32 [tilespmem:s15], [sflag:$0x1], $0x10, s30, s18, $0xb8;
	[tilespmem:$0x7EE0] =	vst v63  }
0x62: {  	s0 =	simm.s32 $0x2D00  }
0x63: {  	[spmem:s2] =	stream.indirect.scatter.add.f32 [tilespmem:s15], [sflag:$0x1], $0x10, s0, s18, $0xb8;
	[tilespmem:$0x7EE0] =	vst v63  }
0x64: {  	s30 =	simm.s32 $0x2D80  }
0x65: {  	[spmem:s2] =	stream.indirect.scatter.add.f32 [tilespmem:s15], [sflag:$0x1], $0x10, s30, s18, $0xb8;
	[tilespmem:$0x7EE0] =	vst v63  }
0x66: {  	s0 =	simm.s32 $0x2E00  }
0x67: {  	[spmem:s2] =	stream.indirect.scatter.add.f32 [tilespmem:s15], [sflag:$0x1], $0x10, s0, s18, $0xb8;
	[tilespmem:$0x7EE0] =	vst v63  }
0x68: {  	s30 =	simm.s32 $0x2E80  }
0x69: {  	[spmem:s2] =	stream.indirect.scatter.add.f32 [tilespmem:s15], [sflag:$0x1], $0x10, s30, s18, $0xb8;
	[tilespmem:$0x7EE0] =	vst v63  }
0x6a: {  	s0 =	simm.s32 $0x2F00  }
0x6b: {  	[spmem:s2] =	stream.indirect.scatter.add.f32 [tilespmem:s15], [sflag:$0x1], $0x10, s0, s18, $0xb8;
	[tilespmem:$0x7EE0] =	vst v63  }
0x6c: {  	s30 =	simm.s32 $0x2F80  }
0x6d: {  	[spmem:s2] =	stream.indirect.scatter.add.f32 [tilespmem:s15], [sflag:$0x1], $0x10, s30, s18, $0xb8;
	[tilespmem:$0x7EE0] =	vst v63  }
0x6e: {  	_ =	swait.ge [sflag:s28], $0x7D0  }
0x6f: {  	[sflag:s28] =	ssyncset.done $0x0  }
0x70: {  	[sflag:s28] =	ssyncadd.s32 $0xFFFFF830  }
0x71: {  	_ =	swait.ge [sflag:s28], $0x7D0  }
0x72: {  	[sflag:s28] =	ssyncset.done $0x0  }
0x73: {  	[sflag:s28] =	ssyncadd.s32 $0xFFFFF830  }
0x74: {  	_ =	swait.ge [sflag:s28], $0x7D0  }
0x75: {  	[sflag:s28] =	ssyncset.done $0x0  }
0x76: {  	[sflag:s28] =	ssyncadd.s32 $0xFFFFF830  }
0x77: {  	_ =	swait.ge [sflag:s28], $0x7D0  }
0x78: {  	[sflag:s28] =	ssyncset.done $0x0  }
0x79: {  	[sflag:s28] =	ssyncadd.s32 $0xFFFFF830  }
0x7a: {  	_ =	swait.ge [sflag:s28], $0x7D0  }
0x7b: {  	[sflag:s28] =	ssyncset.done $0x0  }
0x7c: {  	[sflag:s28] =	ssyncadd.s32 $0xFFFFF830  }
0x7d: {  	_ =	swait.ge [sflag:s28], $0x7D0  }
0x7e: {  	[sflag:s28] =	ssyncset.done $0x0  }
0x7f: {  	[sflag:s28] =	ssyncadd.s32 $0xFFFFF830  }
0x80: {  	_ =	swait.ge [sflag:s28], $0x7D0  }
0x81: {  	[sflag:s28] =	ssyncset.done $0x0  }
0x82: {  	[sflag:s28] =	ssyncadd.s32 $0xFFFFF830  }
0x83: {  	_ =	swait.ge [sflag:s28], $0x7D0  }
0x84: {  	s29 =	simm.s32 $0x2000;
	s31 =	simm.s32 $0x400;
	[sflag:s28] =	ssyncset.done $0x0  }
.LBB2_6:
0x85: {  	s0 =	sadd.s32 $0x2C00, s31  }
0x86: {  	[sflag:s28] =	ssyncadd.s32 $0xFFFFF830;
	s30 =	smov.u32 s29;
	s1 =	sadd.s32 $0x1000, s29  }
0x87: {  	[spmem:s2] =	stream.indirect.scatter.add.f32 [tilespmem:s15], [sflag:$0x1], $0x10, s0, s18, $0xb8;
	[tilespmem:$0x7EE0] =	vst v63  }
0x88: {  	p0 =	sne.s32 s29, $0x8000;
	s0 =	sadd.s32 $0x2C80, s31  }
0x89: {  	[spmem:s2] =	stream.indirect.scatter.add.f32 [tilespmem:s15], [sflag:$0x1], $0x10, s0, s18, $0xb8;
	[tilespmem:$0x7EE0] =	vst v63  }
0x8a: {  	s0 =	sadd.s32 $0x2D00, s31  }
0x8b: {  	[spmem:s2] =	stream.indirect.scatter.add.f32 [tilespmem:s15], [sflag:$0x1], $0x10, s0, s18, $0xb8;
	[tilespmem:$0x7EE0] =	vst v63  }
0x8c: {  	s0 =	sadd.s32 $0x2D80, s31  }
0x8d: {  	[spmem:s2] =	stream.indirect.scatter.add.f32 [tilespmem:s15], [sflag:$0x1], $0x10, s0, s18, $0xb8;
	[tilespmem:$0x7EE0] =	vst v63  }
0x8e: {  	s0 =	sadd.s32 $0x2E00, s31  }
0x8f: {  	[spmem:s2] =	stream.indirect.scatter.add.f32 [tilespmem:s15], [sflag:$0x1], $0x10, s0, s18, $0xb8;
	[tilespmem:$0x7EE0] =	vst v63  }
0x90: {  	s0 =	sadd.s32 $0x2E80, s31  }
0x91: {  	[spmem:s2] =	stream.indirect.scatter.add.f32 [tilespmem:s15], [sflag:$0x1], $0x10, s0, s18, $0xb8;
	[tilespmem:$0x7EE0] =	vst v63  }
0x92: {  	s0 =	sadd.s32 $0x2F00, s31  }
0x93: {  	[spmem:s2] =	stream.indirect.scatter.add.f32 [tilespmem:s15], [sflag:$0x1], $0x10, s0, s18, $0xb8;
	[tilespmem:$0x7EE0] =	vst v63  }
0x94: {  	s0 =	sadd.s32 $0x2F80, s31  }
0x95: {  	[spmem:s2] =	stream.indirect.scatter.add.f32 [tilespmem:s15], [sflag:$0x1], $0x10, s0, s18, $0xb8;
	[tilespmem:$0x7EE0] =	vst v63  }
0x96: {  	_ =	swait.ge [sflag:s28], $0x7D0  }
0x97: {  	[sflag:s28] =	ssyncset.done $0x0  }
0x98: {  	[sflag:s28] =	ssyncadd.s32 $0xFFFFF830  }
0x99: {  	_ =	swait.ge [sflag:s28], $0x7D0  }
0x9a: {  	[sflag:s28] =	ssyncset.done $0x0  }
0x9b: {  	[sflag:s28] =	ssyncadd.s32 $0xFFFFF830  }
0x9c: {  	_ =	swait.ge [sflag:s28], $0x7D0  }
0x9d: {  	[sflag:s28] =	ssyncset.done $0x0  }
0x9e: {  	[sflag:s28] =	ssyncadd.s32 $0xFFFFF830  }
0x9f: {  	_ =	swait.ge [sflag:s28], $0x7D0  }
0xa0: {  	[sflag:s28] =	ssyncset.done $0x0  }
0xa1: {  	[sflag:s28] =	ssyncadd.s32 $0xFFFFF830  }
0xa2: {  	_ =	swait.ge [sflag:s28], $0x7D0  }
0xa3: {  	[sflag:s28] =	ssyncset.done $0x0  }
0xa4: {  	[sflag:s28] =	ssyncadd.s32 $0xFFFFF830  }
0xa5: {  	_ =	swait.ge [sflag:s28], $0x7D0  }
0xa6: {  	[sflag:s28] =	ssyncset.done $0x0  }
0xa7: {  	[sflag:s28] =	ssyncadd.s32 $0xFFFFF830  }
.Ltmp2:
0xa8: {  	_ =	swait.ge [sflag:s28], $0x7D0;
	(pc) =	sbr.rel @p0 .LBB2_6-.Ltmp2, $4  }
0xa9: {  	[sflag:s28] =	ssyncset.done $0x0  }
0xaa: {  	[sflag:s28] =	ssyncadd.s32 $0xFFFFF830  }
0xab: {  	_ =	swait.ge [sflag:s28], $0x7D0  }
0xac: {  	s29 =	smov.u32 s1;
	s31 =	sshra.s32 s30, $0x2;
	[sflag:s28] =	ssyncset.done $0x0  }
0xad: {  	s0 =	sadd.s32 $0x2C00, s31;
	[sflag:s28] =	ssyncadd.s32 $0xFFFFF830  }
0xae: {  	[spmem:s2] =	stream.indirect.scatter.add.f32 [tilespmem:s15], [sflag:$0x1], $0x10, s0, s18, $0xb8;
	[tilespmem:$0x7EE0] =	vst v63  }
0xaf: {  	s30 =	sadd.s32 $0x2C80, s31  }
0xb0: {  	[spmem:s2] =	stream.indirect.scatter.add.f32 [tilespmem:s15], [sflag:$0x1], $0x10, s30, s18, $0xb8;
	[tilespmem:$0x7EE0] =	vst v63  }
0xb1: {  	s1 =	sadd.s32 $0x2D00, s31  }
0xb2: {  	[spmem:s2] =	stream.indirect.scatter.add.f32 [tilespmem:s15], [sflag:$0x1], $0x10, s1, s18, $0xb8;
	[tilespmem:$0x7EE0] =	vst v63  }
0xb3: {  	s29 =	sadd.s32 $0x2D80, s31  }
0xb4: {  	[spmem:s2] =	stream.indirect.scatter.add.f32 [tilespmem:s15], [sflag:$0x1], $0x10, s29, s18, $0xb8;
	[tilespmem:$0x7EE0] =	vst v63  }
0xb5: {  	s30 =	sadd.s32 $0x2E00, s31  }
0xb6: {  	[spmem:s2] =	stream.indirect.scatter.add.f32 [tilespmem:s15], [sflag:$0x1], $0x10, s30, s18, $0xb8;
	[tilespmem:$0x7EE0] =	vst v63  }
0xb7: {  	s1 =	sadd.s32 $0x2E80, s31  }
0xb8: {  	[spmem:s2] =	stream.indirect.scatter.add.f32 [tilespmem:s15], [sflag:$0x1], $0x10, s1, s18, $0xb8;
	[tilespmem:$0x7EE0] =	vst v63  }
0xb9: {  	s29 =	sadd.s32 $0x2F00, s31  }
0xba: {  	[spmem:s2] =	stream.indirect.scatter.add.f32 [tilespmem:s15], [sflag:$0x1], $0x10, s29, s18, $0xb8;
	[tilespmem:$0x7EE0] =	vst v63  }
0xbb: {  	s30 =	sadd.s32 $0x2F80, s31  }
0xbc: {  	[spmem:s2] =	stream.indirect.scatter.add.f32 [tilespmem:s15], [sflag:$0x1], $0x10, s30, s18, $0xb8;
	[tilespmem:$0x7EE0] =	vst v63  }
0xbd: {  	_ =	swait.ge [sflag:s28], $0x7D0  }
0xbe: {  	[sflag:s28] =	ssyncset.done $0x0  }
0xbf: {  	[sflag:s28] =	ssyncadd.s32 $0xFFFFF830  }
0xc0: {  	_ =	swait.ge [sflag:s28], $0x7D0  }
0xc1: {  	[sflag:s28] =	ssyncset.done $0x0  }
0xc2: {  	[sflag:s28] =	ssyncadd.s32 $0xFFFFF830  }
0xc3: {  	_ =	swait.ge [sflag:s28], $0x7D0  }
0xc4: {  	[sflag:s28] =	ssyncset.done $0x0  }
0xc5: {  	[sflag:s28] =	ssyncadd.s32 $0xFFFFF830  }
0xc6: {  	_ =	swait.ge [sflag:s28], $0x7D0  }
0xc7: {  	[sflag:s28] =	ssyncset.done $0x0  }
0xc8: {  	[sflag:s28] =	ssyncadd.s32 $0xFFFFF830  }
0xc9: {  	_ =	swait.ge [sflag:s28], $0x7D0  }
0xca: {  	[sflag:s28] =	ssyncset.done $0x0  }
0xcb: {  	[sflag:s28] =	ssyncadd.s32 $0xFFFFF830  }
0xcc: {  	_ =	swait.ge [sflag:s28], $0x7D0  }
0xcd: {  	[sflag:s28] =	ssyncset.done $0x0  }
0xce: {  	[sflag:s28] =	ssyncadd.s32 $0xFFFFF830  }
0xcf: {  	_ =	swait.ge [sflag:s28], $0x7D0  }
0xd0: {  	[sflag:s28] =	ssyncset.done $0x0  }
0xd1: {  	[sflag:s28] =	ssyncadd.s32 $0xFFFFF830  }
0xd2: {  	_ =	swait.ge [sflag:s28], $0x7D0  }
0xd3: {  	[sflag:s28] =	ssyncset.done $0x0  }
0xd4: {  	[sflag:s28] =	ssyncadd.s32 $0xFFFFF830  }
0xd5: {  	_ =	swait.ge [sflag:s28], $0x7D0  }
0xd6: {  	[sflag:s28] =	ssyncset.done $0x0  }
0xd7: {  	[sflag:s28] =	ssyncadd.s32 $0xFFFFF830  }
0xd8: {  	_ =	swait.ge [sflag:s28], $0x7D0  }
0xd9: {  	[sflag:s28] =	ssyncset.done $0x0  }
0xda: {  	[sflag:s28] =	ssyncadd.s32 $0xFFFFF830  }
0xdb: {  	_ =	swait.ge [sflag:s28], $0x7D0  }
0xdc: {  	[sflag:s28] =	ssyncset.done $0x0  }
0xdd: {  	[sflag:s28] =	ssyncadd.s32 $0xFFFFF830  }
0xde: {  	_ =	swait.ge [sflag:s28], $0x7D0  }
0xdf: {  	[sflag:s28] =	ssyncset.done $0x0  }
0xe0: {  	[sflag:s28] =	ssyncadd.s32 $0xFFFFF830  }
0xe1: {  	_ =	swait.ge [sflag:s28], $0x7D0  }
0xe2: {  	[sflag:s28] =	ssyncset.done $0x0  }
0xe3: {  	[sflag:s28] =	ssyncadd.s32 $0xFFFFF830  }
0xe4: {  	_ =	swait.ge [sflag:s28], $0x7D0  }
0xe5: {  	[sflag:s28] =	ssyncset.done $0x0  }
0xe6: {  	[sflag:s28] =	ssyncadd.s32 $0xFFFFF830  }
0xe7: {  	_ =	swait.ge [sflag:s28], $0x7D0  }
0xe8: {  	[sflag:s28] =	ssyncset.done $0x0  }
0xe9: {  	[sflag:s28] =	ssyncadd.s32 $0xFFFFF830  }
0xea: {  	_ =	swait.ge [sflag:s28], $0x7D0  }
0xeb: {  	s3 =	sadd.s32 $0x1, s3;
	s31 =	stileid.u32;
	[sflag:s28] =	ssyncset.done $0x0  }
0xec: {  	p0 =	sne.s32 s3, s10;
	s0 =	sshll.u32 s31, $0x6;
	[sflag:s28] =	ssyncadd.s32 $0xFFFFF830  }
.Ltmp3:
0xed: {  	s0 =	sor.u32 $0x1C02, s0;
	[bflag:$0x0] =	sbarrier.arrive $0xFFFF;
	(pc) =	sbr.rel @p0 .LBB2_1-.Ltmp3, $4  }
0xee: {  	[hbm:s8], [sflag:s0] =	dma.local [spmem:s25], $0x4F0  }
0xef: {  	_ =	swait.ge [sflag:s16], $0x4F0  }
0xf0: {  	[sflag:s16] =	ssyncset.done $0x0  }
0xf1: {  	[sflag:s16] =	ssyncadd.s32 $0xFFFFFB10  }
0xf2: {  	_ =	sfence.sel $0x180000  }
0xf3: {  	[bflag:$0x0] =	sbarrier.arrive $0xFFFF  }
0xf4: {  	_ =	strace $0x90000047  }
0xf5: {  	s0 =	stileid.u32;
	[bflag:$0x2] =	sbarrier.arrive $0xFFFF  }
0xf6: {  	p0 =	sne.s32 s0, $0x0;
	s0 =	rddreg [dreg:$0x2]  }
0xf7: {  	s0 =	sadd.s32 @!p0 $0x100000, s0  }
0xf8: {  	[sflag:s0] =	ssyncadd.tile.s32 @!p0 $0x1;
	_ =	shalt  }
.Lfunc_end2:
_tile_overlayer_lowered:
.L_overlay_start_2:
0xf9: {  	(tag) =	ssettag $0x2  }
0xfa: {  	s0 =	rddreg [dreg:$0x0];
	s2 =	stileid.u32  }
0xfb: {  	s1 =	rddreg [dreg:$0x1];
	p0 =	sne.s32 s2, $0x0  }
0xfc: {  	s3 =	rddreg [dreg:$0x2];
	[bflag:$0x3] =	sbarrier.arrive $0xFFFF;
	s2 =	simm.s32 @!p0 $0x1C02  }
0xfd: {  	[timem:s3], [sflag:s2] =	dma.local @!p0 [hbm:s0], s1  }
0xfe: {  	s0 =	simm.s32 @!p0 $0x2  }
0xff: {  	_ =	swait.ge @!p0 [sflag:s0], s1  }
0x100: {  	s1 =	ssub.s32 @!p0 $0x0, s1;
	[sflag:s0] =	ssyncset.done @!p0 $0x0  }
0x101: {  	[sflag:s0] =	ssyncadd.s32 @!p0 s1  }
0x102: {  	[bflag:$0x3] =	sbarrier.arrive $0xFFFF  }
0x103: {  	_ =	shalt  }

</sc_bundles>
